<compile_context>
chip_gen: v7x
topology: tpu7x:2x2x1
jax: 0.10.2.dev20260603
libtpu: 0.0.44.dev20260713+nightly
codegen_flags: <defaults>
</compile_context>

<pallas_src>
import functools

import jax
import jax.numpy as jnp
from jax import lax
from jax.experimental import pallas as pl
from jax.experimental.pallas import tpu as pltpu
from jax.experimental.pallas import tpu_sc as plsc

F32 = jnp.float32




def _tc1_body(x_ref, w_ref, o_ref):
    o_ref[...] = jnp.dot(x_ref[...], w_ref[...], preferred_element_type=F32)


def _layernorm_rows(h, g, b):
    mu = jnp.mean(h, axis=1, keepdims=True)
    var = jnp.mean((h - mu) * (h - mu), axis=1, keepdims=True)
    return (h - mu) / jnp.sqrt(var + 1e-5) * g + b


def _tc2_body(g1_ref, m16_ref, w1b_ref, b1_ref, g_ref, be_ref, w2_ref, b2_ref,
              o_ref):
    h = (g1_ref[...]
         + jnp.dot(m16_ref[...], w1b_ref[...], preferred_element_type=F32)
         + b1_ref[...])
    a = jnp.maximum(_layernorm_rows(h, g_ref[...], be_ref[...]), 0.0)
    msg = jnp.dot(a.astype(jnp.bfloat16), w2_ref[...].astype(jnp.bfloat16),
                  preferred_element_type=F32) + b2_ref[...]
    half = msg.shape[1] // 2
    o_ref[0, ...] = msg[:, :half]
    o_ref[1, ...] = msg[:, half:]


def _tc3_body(agga_ref, aggb_ref, attr_ref, cnt_ref, v1a_ref, v1b_ref,
              b1_ref, g_ref, be_ref, v2_ref, b2_ref, o_ref):
    agg = jnp.concatenate([agga_ref[0, ...] + aggb_ref[0, ...],
                           agga_ref[1, ...] + aggb_ref[1, ...]], axis=1)
    agg = agg / (cnt_ref[...] + 1e-6)
    h = (jnp.dot(attr_ref[...], v1a_ref[...], preferred_element_type=F32)
         + jnp.dot(agg.astype(jnp.bfloat16), v1b_ref[...].astype(jnp.bfloat16),
                   preferred_element_type=F32)
         + b1_ref[...])
    a = jnp.maximum(_layernorm_rows(h, g_ref[...], be_ref[...]), 0.0)
    mh = jnp.maximum(
        jnp.dot(a.astype(jnp.bfloat16), v2_ref[...].astype(jnp.bfloat16),
                preferred_element_type=F32) + b2_ref[...], 0.0)
    half = mh.shape[1] // 2
    o_ref[0, ...] = mh[:, :half]
    o_ref[1, ...] = mh[:, half:]


def _tc4_body(o2_ref, deg_ref, x_ref, g_ref, b_ref, y_ref):
    o = jnp.concatenate([o2_ref[0, ...], o2_ref[1, ...]], axis=1)
    deg = jnp.sum(deg_ref[...], axis=1)[:, None]
    o = o / (deg + 1e-6)
    y_ref[...] = x_ref[...] + _layernorm_rows(o, g_ref[...], b_ref[...])



_MESH = dict(core_axis_name="c", subcore_axis_name="s")


def _sc_gather_body(LO, HI, CPT, xw_hbm, mc0_hbm, mc1_hbm, nidx1d_hbm,
                    hidx1d_hbm, zm_hbm, z1d_hbm, g1_hbm, m16_hbm, deg_hbm,
                    idxn, idxh, xbuf0, xbuf1, mbuf, mark0_v, mark1_v, cnt_v,
                    sem0, sem1):
    c = lax.axis_index("c")
    s = lax.axis_index("s")
    wid = s * 2 + c
    base = LO + wid * CPT
    pltpu.sync_copy(nidx1d_hbm.at[pl.ds(base * 128, CPT * 128)], idxn)
    pltpu.sync_copy(hidx1d_hbm.at[pl.ds(base * 128, CPT * 128)], idxh)
    pltpu.sync_copy(mc0_hbm, mark0_v)
    pltpu.sync_copy(mc1_hbm, mark1_v)
    pltpu.sync_copy(zm_hbm, mbuf)
    pltpu.sync_copy(z1d_hbm, cnt_v)
    iota = lax.iota(jnp.int32, 16)
    col0 = jnp.zeros((16,), jnp.int32)
    col1 = jnp.ones((16,), jnp.int32)
    ones_f = jnp.ones((16,), F32)

    @pl.when(base < HI)
    def _():
        pltpu.async_copy(xw_hbm.at[idxn.at[pl.ds(0, 128)]], xbuf0, sem0)

    def emit(i, tt, xbuf, sem):
        for j in range(8):
            hi = idxh[pl.ds(i * 128 + j * 16, 16)]
            v0 = plsc.load_gather(mark0_v, [hi])
            v1 = plsc.load_gather(mark1_v, [hi])
            rows = iota + (j * 16)
            plsc.store_scatter(mbuf, [rows, col0], v0)
            plsc.store_scatter(mbuf, [rows, col1], v1)
            ni = idxn[pl.ds(i * 128 + j * 16, 16)]
            plsc.addupdate_scatter(cnt_v, [ni], ones_f)
        pltpu.make_async_copy(xw_hbm.at[idxn.at[pl.ds(i * 128, 128)]], xbuf,
                              sem).wait()
        pltpu.sync_copy(xbuf, g1_hbm.at[pl.ds((tt - LO) * 128, 128)])
        pltpu.sync_copy(mbuf, m16_hbm.at[pl.ds((tt - LO) * 128, 128)])

    def body(g, carry):
        i0 = 2 * g
        i1 = i0 + 1
        t0 = base + i0
        t1 = base + i1

        @pl.when(t1 < HI)
        def _():
            pltpu.async_copy(xw_hbm.at[idxn.at[pl.ds(i1 * 128, 128)]], xbuf1,
                             sem1)

        @pl.when(t0 < HI)
        def _():
            emit(i0, t0, xbuf0, sem0)

        @pl.when(((i0 + 2) < CPT) & ((t0 + 2) < HI))
        def _():
            pltpu.async_copy(xw_hbm.at[idxn.at[pl.ds((i0 + 2) * 128, 128)]],
                             xbuf0, sem0)

        @pl.when(t1 < HI)
        def _():
            emit(i1, t1, xbuf1, sem1)

        return carry

    lax.fori_loop(0, CPT // 2, body, 0)
    pltpu.sync_copy(cnt_v, deg_hbm.at[wid])


def _sc_scatter_he_body(LO, HI, CPT, SPR,
                        msg_hbm, hidx2d_hbm, zeros_hbm, agg_hbm,
                        idxh, rowbuf0, rowbuf1, agg_sp, sem0, sem1):
    c = lax.axis_index("c")
    s = lax.axis_index("s")
    base = LO + s * CPT
    pltpu.sync_copy(zeros_hbm.at[pl.ds(s * SPR, SPR)],
                    agg_sp.at[pl.ds(s * SPR, SPR)])
    plsc.subcore_barrier()

    @pl.when(base < HI)
    def _():
        pltpu.async_copy(msg_hbm.at[c].at[pl.ds((base - LO) * 128, 128)],
                         rowbuf0, sem0)

    def emit(i, tt, rowbuf, sem):
        pltpu.make_async_copy(msg_hbm.at[c].at[pl.ds((tt - LO) * 128, 128)],
                              rowbuf, sem).wait()
        pltpu.sync_copy(rowbuf, agg_sp.at[idxh.at[i]], add=True)

    def body(g, carry):
        i0 = 2 * g
        i1 = i0 + 1
        t0 = base + i0
        t1 = base + i1

        @pl.when(t1 < HI)
        def _():
            pltpu.async_copy(msg_hbm.at[c].at[pl.ds((t1 - LO) * 128, 128)],
                             rowbuf1, sem1)

        pltpu.sync_copy(hidx2d_hbm.at[pl.ds(t0, 2)], idxh)

        @pl.when(t0 < HI)
        def _():
            emit(0, t0, rowbuf0, sem0)

        @pl.when(((i0 + 2) < CPT) & ((t0 + 2) < HI))
        def _():
            pltpu.async_copy(msg_hbm.at[c].at[pl.ds((t0 + 2 - LO) * 128, 128)],
                             rowbuf0, sem0)

        @pl.when(t1 < HI)
        def _():
            emit(1, t1, rowbuf1, sem1)

        return carry

    lax.fori_loop(0, CPT // 2, body, 0)
    plsc.subcore_barrier()
    pltpu.sync_copy(agg_sp.at[pl.ds(s * SPR, SPR)],
                    agg_hbm.at[c].at[pl.ds(s * SPR, SPR)])


def _sc_scatter_node_body(NCHUNK, CPT, SPR,
                          mh_hbm, hidx2d_hbm, nidx2d_hbm, zeros_hbm,
                          out_hbm,
                          idxh4, idxn4, rowbuf0, rowbuf1, out_sp,
                          sem0, sem1):
    c = lax.axis_index("c")
    s = lax.axis_index("s")
    base = s * CPT
    pltpu.sync_copy(zeros_hbm.at[pl.ds(s * SPR, SPR)],
                    out_sp.at[pl.ds(s * SPR, SPR)])
    plsc.subcore_barrier()
    pltpu.sync_copy(hidx2d_hbm.at[pl.ds(base, 2)], idxh4.at[pl.ds(0, 2)])
    pltpu.sync_copy(nidx2d_hbm.at[pl.ds(base, 2)], idxn4.at[pl.ds(0, 2)])

    @pl.when(base < NCHUNK)
    def _():
        pltpu.async_copy(mh_hbm.at[c].at[idxh4.at[0]], rowbuf0, sem0)

    def body(g, carry):
        i0 = 2 * g
        t0 = base + i0
        t1 = t0 + 1
        bank = (g % 2) * 2
        nbank = 2 - bank

        @pl.when(t1 < NCHUNK)
        def _():
            pltpu.async_copy(mh_hbm.at[c].at[idxh4.at[bank + 1]], rowbuf1,
                             sem1)

        pltpu.sync_copy(hidx2d_hbm.at[pl.ds(t0 + 2, 2)],
                        idxh4.at[pl.ds(nbank, 2)])
        pltpu.sync_copy(nidx2d_hbm.at[pl.ds(t0 + 2, 2)],
                        idxn4.at[pl.ds(nbank, 2)])

        @pl.when(t0 < NCHUNK)
        def _():
            pltpu.make_async_copy(mh_hbm.at[c].at[idxh4.at[bank]], rowbuf0,
                                  sem0).wait()
            pltpu.sync_copy(rowbuf0, out_sp.at[idxn4.at[bank]], add=True)

        @pl.when(((i0 + 2) < CPT) & ((t0 + 2) < NCHUNK))
        def _():
            pltpu.async_copy(mh_hbm.at[c].at[idxh4.at[nbank]], rowbuf0, sem0)

        @pl.when(t1 < NCHUNK)
        def _():
            pltpu.make_async_copy(mh_hbm.at[c].at[idxh4.at[bank + 1]],
                                  rowbuf1, sem1).wait()
            pltpu.sync_copy(rowbuf1, out_sp.at[idxn4.at[bank + 1]], add=True)

        return carry

    lax.fori_loop(0, CPT // 2, body, 0)
    plsc.subcore_barrier()
    pltpu.sync_copy(out_sp.at[pl.ds(s * SPR, SPR)],
                    out_hbm.at[c].at[pl.ds(s * SPR, SPR)])




def kernel(x, he_index, he_attr, he_mark, he_count,
           n2e_W1, n2e_b1, n2e_g1, n2e_be1, n2e_W2, n2e_b2,
           e2n_W1, e2n_b1, e2n_g1, e2n_be1, e2n_W2, e2n_b2,
           ln_g, ln_b):
    N, D = x.shape
    H, HE = he_attr.shape
    E = he_index.shape[1]
    HID = n2e_W1.shape[1]
    DH = D // 2
    NCHUNK = E // 128
    HP = 10240
    SPR = HP // 16

    node_ids = he_index[0]
    he_ids = he_index[1]
    NCP = 1280
    CPT1 = NCP // 32
    CPT2 = NCP // 16
    hidx2d = jnp.pad(he_ids.reshape(NCHUNK, 128),
                     ((0, NCP + 32 - NCHUNK), (0, 0)))
    nidx2d = jnp.pad(node_ids.reshape(NCHUNK, 128),
                     ((0, NCP + 32 - NCHUNK), (0, 0)))

    mark_c0 = he_mark[:, 0]
    mark_c1 = he_mark[:, 1]
    W1b16 = jnp.pad(n2e_W1[D:], ((0, 16 - (n2e_W1.shape[0] - D)), (0, 0)))
    W1a = n2e_W1[:D]
    V1a = e2n_W1[:HE]
    V1b = e2n_W1[HE:]
    b1 = n2e_b1.reshape(1, HID)
    g1 = n2e_g1.reshape(1, HID)
    be1 = n2e_be1.reshape(1, HID)
    b2 = n2e_b2.reshape(1, HID)
    eb1 = e2n_b1.reshape(1, HID)
    eg1 = e2n_g1.reshape(1, HID)
    ebe1 = e2n_be1.reshape(1, HID)
    eb2 = e2n_b2.reshape(1, D)
    cnt = he_count.reshape(H, 1)
    lng = ln_g.reshape(1, D)
    lnb = ln_b.reshape(1, D)

    zeros_half = jnp.zeros((HP, DH), F32)
    zeros_1d = jnp.zeros((HP,), F32)
    zeros_m = jnp.zeros((128, 16), F32)

    BN = 2000
    xW = pl.pallas_call(
        _tc1_body,
        grid=(N // BN,),
        in_specs=[pl.BlockSpec((BN, D), lambda i: (i, 0)),
                  pl.BlockSpec((D, HID), lambda i: (0, 0))],
        out_specs=pl.BlockSpec((BN, HID), lambda i: (i, 0)),
        out_shape=jax.ShapeDtypeStruct((N, HID), F32),
    )(x, W1a)

    mesh = plsc.VectorSubcoreMesh(**_MESH)
    CH = 624
    EHA = CH * 128
    EHB = (NCHUNK - CH) * 128
    CPT1H = 20
    CPT2H = 640 // 16

    def make_sc1(lo, hi, eh):
        return functools.partial(
            pl.kernel,
            out_type=[jax.ShapeDtypeStruct((eh, HID), F32),
                      jax.ShapeDtypeStruct((eh, 16), F32),
                      jax.ShapeDtypeStruct((32, HP), F32)],
            mesh=mesh,
            compiler_params=pltpu.CompilerParams(needs_layout_passes=False),
            scratch_types=[
                pltpu.VMEM((CPT1H * 128,), jnp.int32),
                pltpu.VMEM((CPT1H * 128,), jnp.int32),
                pltpu.VMEM((128, HID), F32),
                pltpu.VMEM((128, HID), F32),
                pltpu.VMEM((128, 16), F32),
                pltpu.VMEM((H,), F32),
                pltpu.VMEM((H,), F32),
                pltpu.VMEM((HP,), F32),
                pltpu.SemaphoreType.DMA,
                pltpu.SemaphoreType.DMA,
            ],
        )(functools.partial(_sc_gather_body, lo, hi, CPT1H))

    nidx1d = nidx2d.reshape(-1)
    hidx1d = hidx2d.reshape(-1)
    G1a, M16a, deg32a = make_sc1(0, CH, EHA)(xW, mark_c0, mark_c1, nidx1d,
                                             hidx1d, zeros_m, zeros_1d)
    G1b, M16b, deg32b = make_sc1(CH, NCHUNK, EHB)(xW, mark_c0, mark_c1,
                                                  nidx1d, hidx1d, zeros_m,
                                                  zeros_1d)
    deg64 = jnp.concatenate([deg32a, deg32b], axis=0).T

    BE = 3328

    def run_tc2(g1h, m16h):
        eh = g1h.shape[0]
        return pl.pallas_call(
            _tc2_body,
            grid=(pl.cdiv(eh, BE),),
            in_specs=[pl.BlockSpec((BE, HID), lambda i: (i, 0)),
                      pl.BlockSpec((BE, 16), lambda i: (i, 0)),
                      pl.BlockSpec((16, HID), lambda i: (0, 0)),
                      pl.BlockSpec((1, HID), lambda i: (0, 0)),
                      pl.BlockSpec((1, HID), lambda i: (0, 0)),
                      pl.BlockSpec((1, HID), lambda i: (0, 0)),
                      pl.BlockSpec((HID, HID), lambda i: (0, 0)),
                      pl.BlockSpec((1, HID), lambda i: (0, 0))],
            out_specs=pl.BlockSpec((2, BE, DH), lambda i: (0, i, 0)),
            out_shape=jax.ShapeDtypeStruct((2, eh, DH), F32),
        )(g1h, m16h, W1b16, b1, g1, be1, n2e_W2, b2)

    msg2a = run_tc2(G1a, M16a)
    msg2b = run_tc2(G1b, M16b)

    def make_sc2(lo, hi):
        return functools.partial(
            pl.kernel,
            out_type=jax.ShapeDtypeStruct((2, HP, DH), F32),
            mesh=mesh,
            compiler_params=pltpu.CompilerParams(needs_layout_passes=False),
            scratch_types=[
                pltpu.VMEM((2, 128), jnp.int32),
                pltpu.VMEM((128, DH), F32),
                pltpu.VMEM((128, DH), F32),
                pltpu.VMEM_SHARED((HP, DH), F32),
                pltpu.SemaphoreType.DMA,
                pltpu.SemaphoreType.DMA,
            ],
        )(functools.partial(_sc_scatter_he_body, lo, hi, CPT2H, SPR))

    agg2a = make_sc2(0, CH)(msg2a, hidx2d, zeros_half)
    agg2b = make_sc2(CH, NCHUNK)(msg2b, hidx2d, zeros_half)

    BH = 2000
    mh2 = pl.pallas_call(
        _tc3_body,
        grid=(H // BH,),
        in_specs=[pl.BlockSpec((2, BH, DH), lambda i: (0, i, 0)),
                  pl.BlockSpec((2, BH, DH), lambda i: (0, i, 0)),
                  pl.BlockSpec((BH, HE), lambda i: (i, 0)),
                  pl.BlockSpec((BH, 1), lambda i: (i, 0)),
                  pl.BlockSpec((HE, HID), lambda i: (0, 0)),
                  pl.BlockSpec((HID, HID), lambda i: (0, 0)),
                  pl.BlockSpec((1, HID), lambda i: (0, 0)),
                  pl.BlockSpec((1, HID), lambda i: (0, 0)),
                  pl.BlockSpec((1, HID), lambda i: (0, 0)),
                  pl.BlockSpec((HID, D), lambda i: (0, 0)),
                  pl.BlockSpec((1, D), lambda i: (0, 0))],
        out_specs=pl.BlockSpec((2, BH, DH), lambda i: (0, i, 0)),
        out_shape=jax.ShapeDtypeStruct((2, HP, DH), F32),
    )(agg2a, agg2b, he_attr, cnt, V1a, V1b, eb1, eg1, ebe1, e2n_W2, eb2)

    sc3 = functools.partial(
        pl.kernel,
        out_type=jax.ShapeDtypeStruct((2, HP, DH), F32),
        mesh=mesh,
        compiler_params=pltpu.CompilerParams(needs_layout_passes=False),
        scratch_types=[
            pltpu.VMEM((4, 128), jnp.int32),
            pltpu.VMEM((4, 128), jnp.int32),
            pltpu.VMEM((128, DH), F32),
            pltpu.VMEM((128, DH), F32),
            pltpu.VMEM_SHARED((HP, DH), F32),
            pltpu.SemaphoreType.DMA,
            pltpu.SemaphoreType.DMA,
        ],
    )(functools.partial(_sc_scatter_node_body, NCHUNK, CPT2, SPR))
    out2 = sc3(mh2, hidx2d, nidx2d, zeros_half)

    y = pl.pallas_call(
        _tc4_body,
        grid=(N // BN,),
        in_specs=[pl.BlockSpec((2, BN, DH), lambda i: (0, i, 0)),
                  pl.BlockSpec((BN, 64), lambda i: (i, 0)),
                  pl.BlockSpec((BN, D), lambda i: (i, 0)),
                  pl.BlockSpec((1, D), lambda i: (0, 0)),
                  pl.BlockSpec((1, D), lambda i: (0, 0))],
        out_specs=pl.BlockSpec((BN, D), lambda i: (i, 0)),
        out_shape=jax.ShapeDtypeStruct((N, D), F32),
    )(out2, deg64, x, lng, lnb)
    return y

# --- scband reference (transcript-rebuilt; emitter-appended) ---
"""Pipeline reference for scband-hyper-charm-layer-28183575396906 (READ-ONLY COPY).

The authoritative reference and input builder live on the scoring server;
editing this copy changes nothing except your own understanding.
"""

import jax, jax.numpy as jnp
import numpy as np

N = 10000   # num nodes
H = 10000   # num hyperedges
E = 160000  # num incidences
D = 256     # node_dim
HE = 16     # hedge_dim
HID = 256   # hidden_dim


def _layernorm(h, g, b, eps=1e-5):
    mu = jnp.mean(h, axis=-1, keepdims=True)
    var = jnp.var(h, axis=-1, keepdims=True)
    return (h - mu) / jnp.sqrt(var + eps) * g + b


def _mlp(h, W1, b1, g1, be1, W2, b2):
    # Linear -> LayerNorm -> ReLU -> Linear (make_mlp with one hidden layer)
    h = h @ W1 + b1
    h = _layernorm(h, g1, be1)
    h = jax.nn.relu(h)
    return h @ W2 + b2


def setup_inputs(seed: int = 0) -> dict:
    key = jax.random.key(seed)
    ks = jax.random.split(key, 20)
    inp = {}
    inp["x"] = jax.random.normal(ks[0], (N, D), dtype=jnp.float32)
    inp["he_index"] = jax.random.randint(ks[1], (2, E), 0, N, dtype=jnp.int32)
    inp["he_attr"] = jax.random.normal(ks[2], (H, HE), dtype=jnp.float32)
    inp["he_mark"] = jax.random.normal(ks[3], (H, 2), dtype=jnp.float32)
    inp["he_count"] = jnp.ones((H,), dtype=jnp.float32)
    s = 0.02
    # node2edge MLP: Linear(D+2, HID), LayerNorm(HID), ReLU, Linear(HID, HID)
    inp["n2e_W1"] = jax.random.normal(ks[4], (D + 2, HID), dtype=jnp.float32) * s
    inp["n2e_b1"] = jnp.zeros((HID,), dtype=jnp.float32)
    inp["n2e_g1"] = jnp.ones((HID,), dtype=jnp.float32)
    inp["n2e_be1"] = jnp.zeros((HID,), dtype=jnp.float32)
    inp["n2e_W2"] = jax.random.normal(ks[5], (HID, HID), dtype=jnp.float32) * s
    inp["n2e_b2"] = jnp.zeros((HID,), dtype=jnp.float32)
    # edge2node MLP: Linear(HE+HID, HID), LayerNorm(HID), ReLU, Linear(HID, D)
    inp["e2n_W1"] = jax.random.normal(ks[6], (HE + HID, HID), dtype=jnp.float32) * s
    inp["e2n_b1"] = jnp.zeros((HID,), dtype=jnp.float32)
    inp["e2n_g1"] = jnp.ones((HID,), dtype=jnp.float32)
    inp["e2n_be1"] = jnp.zeros((HID,), dtype=jnp.float32)
    inp["e2n_W2"] = jax.random.normal(ks[7], (HID, D), dtype=jnp.float32) * s
    inp["e2n_b2"] = jnp.zeros((D,), dtype=jnp.float32)
    # output LayerNorm
    inp["ln_g"] = jnp.ones((D,), dtype=jnp.float32)
    inp["ln_b"] = jnp.zeros((D,), dtype=jnp.float32)
    return inp


def reference(x, he_index, he_attr, he_mark, he_count,
              n2e_W1, n2e_b1, n2e_g1, n2e_be1, n2e_W2, n2e_b2,
              e2n_W1, e2n_b1, e2n_g1, e2n_be1, e2n_W2, e2n_b2,
              ln_g, ln_b):
    he_ids = he_index[1]
    node_ids = he_index[0]
    # node -> hyperedge messages
    msg_in = jnp.concatenate([x[node_ids], he_mark[he_ids]], axis=-1)
    msg_ne = _mlp(msg_in, n2e_W1, n2e_b1, n2e_g1, n2e_be1, n2e_W2, n2e_b2)
    # aggregate onto hyperedges (scatter-add)
    agg_e = jnp.zeros((he_attr.shape[0], msg_ne.shape[-1]), dtype=x.dtype)
    agg_e = agg_e.at[he_ids].add(msg_ne)
    agg_e = agg_e / (he_count[:, None] + 1e-6)
    # hyperedge -> node messages
    inc_in = jnp.concatenate([he_attr[he_ids], agg_e[he_ids]], axis=-1)
    inc_msg = _mlp(inc_in, e2n_W1, e2n_b1, e2n_g1, e2n_be1, e2n_W2, e2n_b2)
    inc_msg = jax.nn.relu(inc_msg)
    out = jnp.zeros_like(x).at[node_ids].add(inc_msg)
    num_nodes = x.shape[0]
    node_deg = jnp.bincount(node_ids, length=num_nodes).astype(jnp.float32)[:, None]
    out = out / (node_deg + 1e-6)
    out = _layernorm(out, ln_g, ln_b)
    return x + out


if False:  # reference __main__ guard neutralized (emitter)
    inp = setup_inputs()
    y = reference(**inp)
    print(y.shape, y.dtype)

if __name__ == "__main__":
    import jax
    _d = setup_inputs()
    print(jax.jit(kernel)(*tuple(_d.values())))

</pallas_src>

<mosaic_0001>
#map = affine_map<(d0, d1) -> (0, 0, 0)>
#map1 = affine_map<(d0, d1) -> (0, 0)>
module attributes {stable_mosaic.version = 14 : i64} {
  func.func @_sc_scatter_he_body(%arg0: i32, %arg1: i32, %arg2: memref<2x80128x128xf32, #tpu.memory_space<hbm>>, %arg3: memref<1312x128xi32, #tpu.memory_space<hbm>>, %arg4: memref<10240x128xf32, #tpu.memory_space<hbm>>, %arg5: memref<2x10240x128xf32, #tpu.memory_space<hbm>>, %arg6: memref<2x128xi32, #tpu.memory_space<vmem>>, %arg7: memref<128x128xf32, #tpu.memory_space<vmem>>, %arg8: memref<128x128xf32, #tpu.memory_space<vmem>>, %arg9: memref<10240x128xf32, #tpu.memory_space<vmem_shared>>, %arg10: memref<!tpu.dma_semaphore, #tpu.memory_space<semaphore_mem>>, %arg11: memref<!tpu.dma_semaphore, #tpu.memory_space<semaphore_mem>>) attributes {dimension_semantics = [#tpu.dimension_semantics<core_parallel>, #tpu.dimension_semantics<subcore_parallel>], iteration_bounds = array<i64: 2, 16>, scalar_prefetch = 0 : i64, scratch_operands = 6 : i64, tpu.core_type = #tpu.core_type<sc_vector_subcore>, window_params = [{transform_indices = #map}, {transform_indices = #map1}, {transform_indices = #map1}, {transform_indices = #map}]} {
    %mul3A = arith.constant 40 : i32
    %mul3A_0 = arith.muli %arg1, %mul3A : i32
    %add3A = arith.constant 624 : i32
    %add3A_1 = arith.addi %add3A, %mul3A_0 : i32
    %mul3A_2 = arith.constant 640 : i32
    %mul3A_3 = arith.muli %arg1, %mul3A_2 : i32
    %mul3A_4 = arith.constant 640 : i32
    %mul3A_5 = arith.muli %arg1, %mul3A_4 : i32
    "tpu.region"() ({
      %run_scoped3A = tpu.sem_alloc : memref<!tpu.dma_semaphore, #tpu.memory_space<semaphore_mem>>
      %dma_start3A = arith.constant 0 : i32
      %dma_start3A_18 = tpu.memref_slice %arg9[%mul3A_5, %dma_start3A] : memref<10240x128xf32, #tpu.memory_space<vmem_shared>> -> memref<640x128xf32, #tpu.memory_space<vmem_shared>>
      %dma_start3A_19 = arith.constant 0 : i32
      %dma_start3A_20 = tpu.memref_slice %arg4[%mul3A_3, %dma_start3A_19] : memref<10240x128xf32, #tpu.memory_space<hbm>> -> memref<640x128xf32, #tpu.memory_space<hbm>>
      tpu.enqueue_dma source(%dma_start3A_20 : memref<640x128xf32, #tpu.memory_space<hbm>>) target(%dma_start3A_18 : memref<640x128xf32, #tpu.memory_space<vmem_shared>>) target_semaphore(%run_scoped3A : memref<!tpu.dma_semaphore, #tpu.memory_space<semaphore_mem>>)
      %dma_wait3A = arith.constant 0 : i32
      %dma_wait3A_21 = tpu.memref_slice %arg9[%mul3A_5, %dma_wait3A] : memref<10240x128xf32, #tpu.memory_space<vmem_shared>> -> memref<640x128xf32, #tpu.memory_space<vmem_shared>>
      %dma_wait3A_22 = arith.constant 0 : i32
      %dma_wait3A_23 = tpu.memref_slice %arg4[%mul3A_3, %dma_wait3A_22] : memref<10240x128xf32, #tpu.memory_space<hbm>> -> memref<640x128xf32, #tpu.memory_space<hbm>>
      tpu.wait_dma2 semaphore(%run_scoped3A : memref<!tpu.dma_semaphore, #tpu.memory_space<semaphore_mem>>) src(%dma_wait3A_23 : memref<640x128xf32, #tpu.memory_space<hbm>>) dst(%dma_wait3A_21 : memref<640x128xf32, #tpu.memory_space<vmem_shared>>)
      tpu.yield
    }) : () -> ()
    %barrier3A = arith.constant 0 : index
    tpu.barrier barrier_id(%barrier3A)
    %lt3A = arith.constant 1250 : i32
    %lt3A_6 = arith.cmpi slt, %add3A_1, %lt3A : i32
    %convert_element_type3A = arith.extui %lt3A_6 : i1 to i32
    %cond3A = arith.constant 0 : i32
    %cond3A_7 = arith.cmpi ne, %convert_element_type3A, %cond3A : i32
    scf.if %cond3A_7 {
      %sub3A = arith.constant 624 : i32
      %sub3A_18 = arith.subi %add3A_1, %sub3A : i32
      %mul3A_19 = arith.constant 128 : i32
      %mul3A_20 = arith.muli %sub3A_18, %mul3A_19 : i32
      %dma_start3A = arith.constant 0 : i32
      %dma_start3A_21 = arith.constant 0 : i32
      %dma_start3A_22 = tpu.memref_slice %arg2[%arg0, %dma_start3A, %dma_start3A_21] : memref<2x80128x128xf32, #tpu.memory_space<hbm>> -> memref<1x80128x128xf32, #tpu.memory_space<hbm>>
      %dma_start3A_23 = tpu.memref_squeeze %dma_start3A_22 : memref<1x80128x128xf32, #tpu.memory_space<hbm>> -> memref<80128x128xf32, #tpu.memory_space<hbm>>
      %dma_start3A_24 = arith.constant 0 : i32
      %dma_start3A_25 = tpu.memref_slice %dma_start3A_23[%mul3A_20, %dma_start3A_24] : memref<80128x128xf32, #tpu.memory_space<hbm>> -> memref<128x128xf32, #tpu.memory_space<hbm>>
      %dma_start3A_26 = arith.constant 0 : i32
      %dma_start3A_27 = arith.constant 0 : i32
      %dma_start3A_28 = tpu.memref_slice %arg2[%arg0, %dma_start3A_26, %dma_start3A_27] : memref<2x80128x128xf32, #tpu.memory_space<hbm>> -> memref<1x80128x128xf32, #tpu.memory_space<hbm>>
      %dma_start3A_29 = tpu.memref_squeeze %dma_start3A_28 : memref<1x80128x128xf32, #tpu.memory_space<hbm>> -> memref<80128x128xf32, #tpu.memory_space<hbm>>
      %dma_start3A_30 = arith.constant 0 : i32
      %dma_start3A_31 = tpu.memref_slice %dma_start3A_29[%mul3A_20, %dma_start3A_30] : memref<80128x128xf32, #tpu.memory_space<hbm>> -> memref<128x128xf32, #tpu.memory_space<hbm>>
      tpu.enqueue_dma source(%dma_start3A_31 : memref<128x128xf32, #tpu.memory_space<hbm>>) target(%arg7 : memref<128x128xf32, #tpu.memory_space<vmem>>) target_semaphore(%arg10 : memref<!tpu.dma_semaphore, #tpu.memory_space<semaphore_mem>>)
    } else {
    }
    %scan3A = arith.constant 0 : i32
    %scan3A_8 = arith.constant 0 : i32
    %scan3A_9 = arith.constant 20 : i32
    %scan3A_10 = arith.addi %scan3A_8, %scan3A_9 : i32
    %scan3A_11 = arith.constant 1 : i32
    scf.for %scan3A_18 = %scan3A_8 to %scan3A_10 step %scan3A_11  : i32 {
      %mul3A_19 = arith.constant 2 : i32
      %mul3A_20 = arith.muli %mul3A_19, %scan3A_18 : i32
      %add3A_21 = arith.constant 1 : i32
      %add3A_22 = arith.addi %mul3A_20, %add3A_21 : i32
      %add3A_23 = arith.addi %add3A_1, %mul3A_20 : i32
      %add3A_24 = arith.addi %add3A_1, %add3A_22 : i32
      %lt3A_25 = arith.constant 1250 : i32
      %lt3A_26 = arith.cmpi slt, %add3A_24, %lt3A_25 : i32
      %convert_element_type3A_27 = arith.extui %lt3A_26 : i1 to i32
      %cond3A_28 = arith.constant 0 : i32
      %cond3A_29 = arith.cmpi ne, %convert_element_type3A_27, %cond3A_28 : i32
      scf.if %cond3A_29 {
        %sub3A = arith.constant 624 : i32
        %sub3A_51 = arith.subi %add3A_24, %sub3A : i32
        %mul3A_52 = arith.constant 128 : i32
        %mul3A_53 = arith.muli %sub3A_51, %mul3A_52 : i32
        %dma_start3A = arith.constant 0 : i32
        %dma_start3A_54 = arith.constant 0 : i32
        %dma_start3A_55 = tpu.memref_slice %arg2[%arg0, %dma_start3A, %dma_start3A_54] : memref<2x80128x128xf32, #tpu.memory_space<hbm>> -> memref<1x80128x128xf32, #tpu.memory_space<hbm>>
        %dma_start3A_56 = tpu.memref_squeeze %dma_start3A_55 : memref<1x80128x128xf32, #tpu.memory_space<hbm>> -> memref<80128x128xf32, #tpu.memory_space<hbm>>
        %dma_start3A_57 = arith.constant 0 : i32
        %dma_start3A_58 = tpu.memref_slice %dma_start3A_56[%mul3A_53, %dma_start3A_57] : memref<80128x128xf32, #tpu.memory_space<hbm>> -> memref<128x128xf32, #tpu.memory_space<hbm>>
        %dma_start3A_59 = arith.constant 0 : i32
        %dma_start3A_60 = arith.constant 0 : i32
        %dma_start3A_61 = tpu.memref_slice %arg2[%arg0, %dma_start3A_59, %dma_start3A_60] : memref<2x80128x128xf32, #tpu.memory_space<hbm>> -> memref<1x80128x128xf32, #tpu.memory_space<hbm>>
        %dma_start3A_62 = tpu.memref_squeeze %dma_start3A_61 : memref<1x80128x128xf32, #tpu.memory_space<hbm>> -> memref<80128x128xf32, #tpu.memory_space<hbm>>
        %dma_start3A_63 = arith.constant 0 : i32
        %dma_start3A_64 = tpu.memref_slice %dma_start3A_62[%mul3A_53, %dma_start3A_63] : memref<80128x128xf32, #tpu.memory_space<hbm>> -> memref<128x128xf32, #tpu.memory_space<hbm>>
        tpu.enqueue_dma source(%dma_start3A_64 : memref<128x128xf32, #tpu.memory_space<hbm>>) target(%arg8 : memref<128x128xf32, #tpu.memory_space<vmem>>) target_semaphore(%arg11 : memref<!tpu.dma_semaphore, #tpu.memory_space<semaphore_mem>>)
      } else {
      }
      "tpu.region"() ({
        %run_scoped3A = tpu.sem_alloc : memref<!tpu.dma_semaphore, #tpu.memory_space<semaphore_mem>>
        %dma_start3A = arith.constant 0 : i32
        %dma_start3A_51 = tpu.memref_slice %arg3[%add3A_23, %dma_start3A] : memref<1312x128xi32, #tpu.memory_space<hbm>> -> memref<2x128xi32, #tpu.memory_space<hbm>>
        %dma_start3A_52 = arith.constant 0 : i32
        %dma_start3A_53 = tpu.memref_slice %arg3[%add3A_23, %dma_start3A_52] : memref<1312x128xi32, #tpu.memory_space<hbm>> -> memref<2x128xi32, #tpu.memory_space<hbm>>
        tpu.enqueue_dma source(%dma_start3A_53 : memref<2x128xi32, #tpu.memory_space<hbm>>) target(%arg6 : memref<2x128xi32, #tpu.memory_space<vmem>>) target_semaphore(%run_scoped3A : memref<!tpu.dma_semaphore, #tpu.memory_space<semaphore_mem>>)
        %dma_wait3A = arith.constant 0 : i32
        %dma_wait3A_54 = tpu.memref_slice %arg3[%add3A_23, %dma_wait3A] : memref<1312x128xi32, #tpu.memory_space<hbm>> -> memref<2x128xi32, #tpu.memory_space<hbm>>
        %dma_wait3A_55 = arith.constant 0 : i32
        %dma_wait3A_56 = tpu.memref_slice %arg3[%add3A_23, %dma_wait3A_55] : memref<1312x128xi32, #tpu.memory_space<hbm>> -> memref<2x128xi32, #tpu.memory_space<hbm>>
        tpu.wait_dma2 semaphore(%run_scoped3A : memref<!tpu.dma_semaphore, #tpu.memory_space<semaphore_mem>>) src(%dma_wait3A_56 : memref<2x128xi32, #tpu.memory_space<hbm>>) dst(%arg6 : memref<2x128xi32, #tpu.memory_space<vmem>>)
        tpu.yield
      }) : () -> ()
      %lt3A_30 = arith.constant 1250 : i32
      %lt3A_31 = arith.cmpi slt, %add3A_23, %lt3A_30 : i32
      %convert_element_type3A_32 = arith.extui %lt3A_31 : i1 to i32
      %cond3A_33 = arith.constant 0 : i32
      %cond3A_34 = arith.cmpi ne, %convert_element_type3A_32, %cond3A_33 : i32
      scf.if %cond3A_34 {
        %sub3A = arith.constant 624 : i32
        %sub3A_51 = arith.subi %add3A_23, %sub3A : i32
        %mul3A_52 = arith.constant 128 : i32
        %mul3A_53 = arith.muli %sub3A_51, %mul3A_52 : i32
        %dma_wait3A = arith.constant 0 : i32
        %dma_wait3A_54 = arith.constant 0 : i32
        %dma_wait3A_55 = tpu.memref_slice %arg2[%arg0, %dma_wait3A, %dma_wait3A_54] : memref<2x80128x128xf32, #tpu.memory_space<hbm>> -> memref<1x80128x128xf32, #tpu.memory_space<hbm>>
        %dma_wait3A_56 = tpu.memref_squeeze %dma_wait3A_55 : memref<1x80128x128xf32, #tpu.memory_space<hbm>> -> memref<80128x128xf32, #tpu.memory_space<hbm>>
        %dma_wait3A_57 = arith.constant 0 : i32
        %dma_wait3A_58 = tpu.memref_slice %dma_wait3A_56[%mul3A_53, %dma_wait3A_57] : memref<80128x128xf32, #tpu.memory_space<hbm>> -> memref<128x128xf32, #tpu.memory_space<hbm>>
        %dma_wait3A_59 = arith.constant 0 : i32
        %dma_wait3A_60 = arith.constant 0 : i32
        %dma_wait3A_61 = tpu.memref_slice %arg2[%arg0, %dma_wait3A_59, %dma_wait3A_60] : memref<2x80128x128xf32, #tpu.memory_space<hbm>> -> memref<1x80128x128xf32, #tpu.memory_space<hbm>>
        %dma_wait3A_62 = tpu.memref_squeeze %dma_wait3A_61 : memref<1x80128x128xf32, #tpu.memory_space<hbm>> -> memref<80128x128xf32, #tpu.memory_space<hbm>>
        %dma_wait3A_63 = arith.constant 0 : i32
        %dma_wait3A_64 = tpu.memref_slice %dma_wait3A_62[%mul3A_53, %dma_wait3A_63] : memref<80128x128xf32, #tpu.memory_space<hbm>> -> memref<128x128xf32, #tpu.memory_space<hbm>>
        tpu.wait_dma2 semaphore(%arg10 : memref<!tpu.dma_semaphore, #tpu.memory_space<semaphore_mem>>) src(%dma_wait3A_64 : memref<128x128xf32, #tpu.memory_space<hbm>>) dst(%arg7 : memref<128x128xf32, #tpu.memory_space<vmem>>)
        %run_scoped3A = arith.constant 0 : i32
        "tpu.region"() ({
          %run_scoped3A_65 = tpu.sem_alloc : memref<!tpu.dma_semaphore, #tpu.memory_space<semaphore_mem>>
          %dma_start3A = arith.constant 0 : i32
          %dma_start3A_66 = tpu.memref_slice %arg6[%run_scoped3A, %dma_start3A] : memref<2x128xi32, #tpu.memory_space<vmem>> -> memref<1x128xi32, #tpu.memory_space<vmem>>
          %dma_start3A_67 = tpu.memref_squeeze %dma_start3A_66 : memref<1x128xi32, #tpu.memory_space<vmem>> -> memref<128xi32, #tpu.memory_space<vmem>>
          %dma_start3A_68 = arith.constant 0 : i32
          %dma_start3A_69 = arith.constant 0 : i32
          %dma_start3A_70 = tpu.memref_slice %arg9[%dma_start3A_68, %dma_start3A_69] : memref<10240x128xf32, #tpu.memory_space<vmem_shared>> -> memref<10240x128xf32, #tpu.memory_space<vmem_shared>>
          tpu.enqueue_indirect_dma source(%arg7 : memref<128x128xf32, #tpu.memory_space<vmem>>) target(%dma_start3A_70 : memref<10240x128xf32, #tpu.memory_space<vmem_shared>>) offsets(%dma_start3A_67 : memref<128xi32, #tpu.memory_space<vmem>>) semaphore(%run_scoped3A_65 : memref<!tpu.dma_semaphore, #tpu.memory_space<semaphore_mem>>) {add = true}
          %dma_wait3A_71 = arith.constant 0 : i32
          %dma_wait3A_72 = tpu.memref_slice %arg6[%run_scoped3A, %dma_wait3A_71] : memref<2x128xi32, #tpu.memory_space<vmem>> -> memref<1x128xi32, #tpu.memory_space<vmem>>
          %dma_wait3A_73 = tpu.memref_squeeze %dma_wait3A_72 : memref<1x128xi32, #tpu.memory_space<vmem>> -> memref<128xi32, #tpu.memory_space<vmem>>
          %dma_wait3A_74 = arith.constant 0 : i32
          %dma_wait3A_75 = arith.constant 0 : i32
          %dma_wait3A_76 = tpu.memref_slice %arg9[%dma_wait3A_74, %dma_wait3A_75] : memref<10240x128xf32, #tpu.memory_space<vmem_shared>> -> memref<10240x128xf32, #tpu.memory_space<vmem_shared>>
          tpu.wait_indirect_dma semaphore(%run_scoped3A_65 : memref<!tpu.dma_semaphore, #tpu.memory_space<semaphore_mem>>) src(%arg7 : memref<128x128xf32, #tpu.memory_space<vmem>>) dst(%dma_wait3A_76 : memref<10240x128xf32, #tpu.memory_space<vmem_shared>>)
          tpu.yield
        }) : () -> ()
      } else {
      }
      %add3A_35 = arith.constant 2 : i32
      %add3A_36 = arith.addi %mul3A_20, %add3A_35 : i32
      %lt3A_37 = arith.constant 40 : i32
      %lt3A_38 = arith.cmpi slt, %add3A_36, %lt3A_37 : i32
      %add3A_39 = arith.constant 2 : i32
      %add3A_40 = arith.addi %add3A_23, %add3A_39 : i32
      %lt3A_41 = arith.constant 1250 : i32
      %lt3A_42 = arith.cmpi slt, %add3A_40, %lt3A_41 : i32
      %and3A = arith.andi %lt3A_38, %lt3A_42 : i1
      %convert_element_type3A_43 = arith.extui %and3A : i1 to i32
      %cond3A_44 = arith.constant 0 : i32
      %cond3A_45 = arith.cmpi ne, %convert_element_type3A_43, %cond3A_44 : i32
      scf.if %cond3A_45 {
        %add3A_51 = arith.constant 2 : i32
        %add3A_52 = arith.addi %add3A_23, %add3A_51 : i32
        %sub3A = arith.constant 624 : i32
        %sub3A_53 = arith.subi %add3A_52, %sub3A : i32
        %mul3A_54 = arith.constant 128 : i32
        %mul3A_55 = arith.muli %sub3A_53, %mul3A_54 : i32
        %dma_start3A = arith.constant 0 : i32
        %dma_start3A_56 = arith.constant 0 : i32
        %dma_start3A_57 = tpu.memref_slice %arg2[%arg0, %dma_start3A, %dma_start3A_56] : memref<2x80128x128xf32, #tpu.memory_space<hbm>> -> memref<1x80128x128xf32, #tpu.memory_space<hbm>>
        %dma_start3A_58 = tpu.memref_squeeze %dma_start3A_57 : memref<1x80128x128xf32, #tpu.memory_space<hbm>> -> memref<80128x128xf32, #tpu.memory_space<hbm>>
        %dma_start3A_59 = arith.constant 0 : i32
        %dma_start3A_60 = tpu.memref_slice %dma_start3A_58[%mul3A_55, %dma_start3A_59] : memref<80128x128xf32, #tpu.memory_space<hbm>> -> memref<128x128xf32, #tpu.memory_space<hbm>>
        %dma_start3A_61 = arith.constant 0 : i32
        %dma_start3A_62 = arith.constant 0 : i32
        %dma_start3A_63 = tpu.memref_slice %arg2[%arg0, %dma_start3A_61, %dma_start3A_62] : memref<2x80128x128xf32, #tpu.memory_space<hbm>> -> memref<1x80128x128xf32, #tpu.memory_space<hbm>>
        %dma_start3A_64 = tpu.memref_squeeze %dma_start3A_63 : memref<1x80128x128xf32, #tpu.memory_space<hbm>> -> memref<80128x128xf32, #tpu.memory_space<hbm>>
        %dma_start3A_65 = arith.constant 0 : i32
        %dma_start3A_66 = tpu.memref_slice %dma_start3A_64[%mul3A_55, %dma_start3A_65] : memref<80128x128xf32, #tpu.memory_space<hbm>> -> memref<128x128xf32, #tpu.memory_space<hbm>>
        tpu.enqueue_dma source(%dma_start3A_66 : memref<128x128xf32, #tpu.memory_space<hbm>>) target(%arg7 : memref<128x128xf32, #tpu.memory_space<vmem>>) target_semaphore(%arg10 : memref<!tpu.dma_semaphore, #tpu.memory_space<semaphore_mem>>)
      } else {
      }
      %lt3A_46 = arith.constant 1250 : i32
      %lt3A_47 = arith.cmpi slt, %add3A_24, %lt3A_46 : i32
      %convert_element_type3A_48 = arith.extui %lt3A_47 : i1 to i32
      %cond3A_49 = arith.constant 0 : i32
      %cond3A_50 = arith.cmpi ne, %convert_element_type3A_48, %cond3A_49 : i32
      scf.if %cond3A_50 {
        %sub3A = arith.constant 624 : i32
        %sub3A_51 = arith.subi %add3A_24, %sub3A : i32
        %mul3A_52 = arith.constant 128 : i32
        %mul3A_53 = arith.muli %sub3A_51, %mul3A_52 : i32
        %dma_wait3A = arith.constant 0 : i32
        %dma_wait3A_54 = arith.constant 0 : i32
        %dma_wait3A_55 = tpu.memref_slice %arg2[%arg0, %dma_wait3A, %dma_wait3A_54] : memref<2x80128x128xf32, #tpu.memory_space<hbm>> -> memref<1x80128x128xf32, #tpu.memory_space<hbm>>
        %dma_wait3A_56 = tpu.memref_squeeze %dma_wait3A_55 : memref<1x80128x128xf32, #tpu.memory_space<hbm>> -> memref<80128x128xf32, #tpu.memory_space<hbm>>
        %dma_wait3A_57 = arith.constant 0 : i32
        %dma_wait3A_58 = tpu.memref_slice %dma_wait3A_56[%mul3A_53, %dma_wait3A_57] : memref<80128x128xf32, #tpu.memory_space<hbm>> -> memref<128x128xf32, #tpu.memory_space<hbm>>
        %dma_wait3A_59 = arith.constant 0 : i32
        %dma_wait3A_60 = arith.constant 0 : i32
        %dma_wait3A_61 = tpu.memref_slice %arg2[%arg0, %dma_wait3A_59, %dma_wait3A_60] : memref<2x80128x128xf32, #tpu.memory_space<hbm>> -> memref<1x80128x128xf32, #tpu.memory_space<hbm>>
        %dma_wait3A_62 = tpu.memref_squeeze %dma_wait3A_61 : memref<1x80128x128xf32, #tpu.memory_space<hbm>> -> memref<80128x128xf32, #tpu.memory_space<hbm>>
        %dma_wait3A_63 = arith.constant 0 : i32
        %dma_wait3A_64 = tpu.memref_slice %dma_wait3A_62[%mul3A_53, %dma_wait3A_63] : memref<80128x128xf32, #tpu.memory_space<hbm>> -> memref<128x128xf32, #tpu.memory_space<hbm>>
        tpu.wait_dma2 semaphore(%arg11 : memref<!tpu.dma_semaphore, #tpu.memory_space<semaphore_mem>>) src(%dma_wait3A_64 : memref<128x128xf32, #tpu.memory_space<hbm>>) dst(%arg8 : memref<128x128xf32, #tpu.memory_space<vmem>>)
        %run_scoped3A = arith.constant 1 : i32
        "tpu.region"() ({
          %run_scoped3A_65 = tpu.sem_alloc : memref<!tpu.dma_semaphore, #tpu.memory_space<semaphore_mem>>
          %dma_start3A = arith.constant 0 : i32
          %dma_start3A_66 = tpu.memref_slice %arg6[%run_scoped3A, %dma_start3A] : memref<2x128xi32, #tpu.memory_space<vmem>> -> memref<1x128xi32, #tpu.memory_space<vmem>>
          %dma_start3A_67 = tpu.memref_squeeze %dma_start3A_66 : memref<1x128xi32, #tpu.memory_space<vmem>> -> memref<128xi32, #tpu.memory_space<vmem>>
          %dma_start3A_68 = arith.constant 0 : i32
          %dma_start3A_69 = arith.constant 0 : i32
          %dma_start3A_70 = tpu.memref_slice %arg9[%dma_start3A_68, %dma_start3A_69] : memref<10240x128xf32, #tpu.memory_space<vmem_shared>> -> memref<10240x128xf32, #tpu.memory_space<vmem_shared>>
          tpu.enqueue_indirect_dma source(%arg8 : memref<128x128xf32, #tpu.memory_space<vmem>>) target(%dma_start3A_70 : memref<10240x128xf32, #tpu.memory_space<vmem_shared>>) offsets(%dma_start3A_67 : memref<128xi32, #tpu.memory_space<vmem>>) semaphore(%run_scoped3A_65 : memref<!tpu.dma_semaphore, #tpu.memory_space<semaphore_mem>>) {add = true}
          %dma_wait3A_71 = arith.constant 0 : i32
          %dma_wait3A_72 = tpu.memref_slice %arg6[%run_scoped3A, %dma_wait3A_71] : memref<2x128xi32, #tpu.memory_space<vmem>> -> memref<1x128xi32, #tpu.memory_space<vmem>>
          %dma_wait3A_73 = tpu.memref_squeeze %dma_wait3A_72 : memref<1x128xi32, #tpu.memory_space<vmem>> -> memref<128xi32, #tpu.memory_space<vmem>>
          %dma_wait3A_74 = arith.constant 0 : i32
          %dma_wait3A_75 = arith.constant 0 : i32
          %dma_wait3A_76 = tpu.memref_slice %arg9[%dma_wait3A_74, %dma_wait3A_75] : memref<10240x128xf32, #tpu.memory_space<vmem_shared>> -> memref<10240x128xf32, #tpu.memory_space<vmem_shared>>
          tpu.wait_indirect_dma semaphore(%run_scoped3A_65 : memref<!tpu.dma_semaphore, #tpu.memory_space<semaphore_mem>>) src(%arg8 : memref<128x128xf32, #tpu.memory_space<vmem>>) dst(%dma_wait3A_76 : memref<10240x128xf32, #tpu.memory_space<vmem_shared>>)
          tpu.yield
        }) : () -> ()
      } else {
      }
    }
    %scan3A_12 = arith.constant 20 : i32
    %barrier3A_13 = arith.constant 0 : index
    tpu.barrier barrier_id(%barrier3A_13)
    %mul3A_14 = arith.constant 640 : i32
    %mul3A_15 = arith.muli %arg1, %mul3A_14 : i32
    %mul3A_16 = arith.constant 640 : i32
    %mul3A_17 = arith.muli %arg1, %mul3A_16 : i32
    "tpu.region"() ({
      %run_scoped3A = tpu.sem_alloc : memref<!tpu.dma_semaphore, #tpu.memory_space<semaphore_mem>>
      %dma_start3A = arith.constant 0 : i32
      %dma_start3A_18 = arith.constant 0 : i32
      %dma_start3A_19 = tpu.memref_slice %arg5[%arg0, %dma_start3A, %dma_start3A_18] : memref<2x10240x128xf32, #tpu.memory_space<hbm>> -> memref<1x10240x128xf32, #tpu.memory_space<hbm>>
      %dma_start3A_20 = tpu.memref_squeeze %dma_start3A_19 : memref<1x10240x128xf32, #tpu.memory_space<hbm>> -> memref<10240x128xf32, #tpu.memory_space<hbm>>
      %dma_start3A_21 = arith.constant 0 : i32
      %dma_start3A_22 = tpu.memref_slice %dma_start3A_20[%mul3A_17, %dma_start3A_21] : memref<10240x128xf32, #tpu.memory_space<hbm>> -> memref<640x128xf32, #tpu.memory_space<hbm>>
      %dma_start3A_23 = arith.constant 0 : i32
      %dma_start3A_24 = tpu.memref_slice %arg9[%mul3A_15, %dma_start3A_23] : memref<10240x128xf32, #tpu.memory_space<vmem_shared>> -> memref<640x128xf32, #tpu.memory_space<vmem_shared>>
      tpu.enqueue_dma source(%dma_start3A_24 : memref<640x128xf32, #tpu.memory_space<vmem_shared>>) target(%dma_start3A_22 : memref<640x128xf32, #tpu.memory_space<hbm>>) target_semaphore(%run_scoped3A : memref<!tpu.dma_semaphore, #tpu.memory_space<semaphore_mem>>)
      %dma_wait3A = arith.constant 0 : i32
      %dma_wait3A_25 = arith.constant 0 : i32
      %dma_wait3A_26 = tpu.memref_slice %arg5[%arg0, %dma_wait3A, %dma_wait3A_25] : memref<2x10240x128xf32, #tpu.memory_space<hbm>> -> memref<1x10240x128xf32, #tpu.memory_space<hbm>>
      %dma_wait3A_27 = tpu.memref_squeeze %dma_wait3A_26 : memref<1x10240x128xf32, #tpu.memory_space<hbm>> -> memref<10240x128xf32, #tpu.memory_space<hbm>>
      %dma_wait3A_28 = arith.constant 0 : i32
      %dma_wait3A_29 = tpu.memref_slice %dma_wait3A_27[%mul3A_17, %dma_wait3A_28] : memref<10240x128xf32, #tpu.memory_space<hbm>> -> memref<640x128xf32, #tpu.memory_space<hbm>>
      %dma_wait3A_30 = arith.constant 0 : i32
      %dma_wait3A_31 = tpu.memref_slice %arg9[%mul3A_15, %dma_wait3A_30] : memref<10240x128xf32, #tpu.memory_space<vmem_shared>> -> memref<640x128xf32, #tpu.memory_space<vmem_shared>>
      tpu.wait_dma2 semaphore(%run_scoped3A : memref<!tpu.dma_semaphore, #tpu.memory_space<semaphore_mem>>) src(%dma_wait3A_31 : memref<640x128xf32, #tpu.memory_space<vmem_shared>>) dst(%dma_wait3A_29 : memref<640x128xf32, #tpu.memory_space<hbm>>)
      tpu.yield
    }) : () -> ()
    return
  }
}

#map = affine_map<(d0, d1) -> (0, 0)>
#map1 = affine_map<(d0, d1) -> (0)>
module attributes {stable_mosaic.version = 14 : i64} {
  func.func @_sc_gather_body(%arg0: i32, %arg1: i32, %arg2: memref<10000x256xf32, #tpu.memory_space<hbm>>, %arg3: memref<10000xf32, #tpu.memory_space<hbm>>, %arg4: memref<10000xf32, #tpu.memory_space<hbm>>, %arg5: memref<167936xi32, #tpu.memory_space<hbm>>, %arg6: memref<167936xi32, #tpu.memory_space<hbm>>, %arg7: memref<128x16xf32, #tpu.memory_space<hbm>>, %arg8: memref<10240xf32, #tpu.memory_space<hbm>>, %arg9: memref<80128x256xf32, #tpu.memory_space<hbm>>, %arg10: memref<80128x16xf32, #tpu.memory_space<hbm>>, %arg11: memref<32x10240xf32, #tpu.memory_space<hbm>>, %arg12: memref<2560xi32, #tpu.memory_space<vmem>>, %arg13: memref<2560xi32, #tpu.memory_space<vmem>>, %arg14: memref<128x256xf32, #tpu.memory_space<vmem>>, %arg15: memref<128x256xf32, #tpu.memory_space<vmem>>, %arg16: memref<128x16xf32, #tpu.memory_space<vmem>>, %arg17: memref<10000xf32, #tpu.memory_space<vmem>>, %arg18: memref<10000xf32, #tpu.memory_space<vmem>>, %arg19: memref<10240xf32, #tpu.memory_space<vmem>>, %arg20: memref<!tpu.dma_semaphore, #tpu.memory_space<semaphore_mem>>, %arg21: memref<!tpu.dma_semaphore, #tpu.memory_space<semaphore_mem>>) attributes {dimension_semantics = [#tpu.dimension_semantics<core_parallel>, #tpu.dimension_semantics<subcore_parallel>], iteration_bounds = array<i64: 2, 16>, scalar_prefetch = 0 : i64, scratch_operands = 10 : i64, tpu.core_type = #tpu.core_type<sc_vector_subcore>, window_params = [{transform_indices = #map}, {transform_indices = #map1}, {transform_indices = #map1}, {transform_indices = #map1}, {transform_indices = #map1}, {transform_indices = #map}, {transform_indices = #map1}, {transform_indices = #map}, {transform_indices = #map}, {transform_indices = #map}]} {
    %mul3A = arith.constant 2 : i32
    %mul3A_0 = arith.muli %arg1, %mul3A : i32
    %add3A = arith.addi %mul3A_0, %arg0 : i32
    %mul3A_1 = arith.constant 20 : i32
    %mul3A_2 = arith.muli %add3A, %mul3A_1 : i32
    %add3A_3 = arith.constant 624 : i32
    %add3A_4 = arith.addi %add3A_3, %mul3A_2 : i32
    %mul3A_5 = arith.constant 128 : i32
    %mul3A_6 = arith.muli %add3A_4, %mul3A_5 : i32
    "tpu.region"() ({
      %run_scoped3A = tpu.sem_alloc : memref<!tpu.dma_semaphore, #tpu.memory_space<semaphore_mem>>
      %dma_start3A = tpu.memref_slice %arg5[%mul3A_6] : memref<167936xi32, #tpu.memory_space<hbm>> -> memref<2560xi32, #tpu.memory_space<hbm>>
      %dma_start3A_21 = tpu.memref_slice %arg5[%mul3A_6] : memref<167936xi32, #tpu.memory_space<hbm>> -> memref<2560xi32, #tpu.memory_space<hbm>>
      tpu.enqueue_dma source(%dma_start3A_21 : memref<2560xi32, #tpu.memory_space<hbm>>) target(%arg12 : memref<2560xi32, #tpu.memory_space<vmem>>) target_semaphore(%run_scoped3A : memref<!tpu.dma_semaphore, #tpu.memory_space<semaphore_mem>>)
      %dma_wait3A = tpu.memref_slice %arg5[%mul3A_6] : memref<167936xi32, #tpu.memory_space<hbm>> -> memref<2560xi32, #tpu.memory_space<hbm>>
      %dma_wait3A_22 = tpu.memref_slice %arg5[%mul3A_6] : memref<167936xi32, #tpu.memory_space<hbm>> -> memref<2560xi32, #tpu.memory_space<hbm>>
      tpu.wait_dma2 semaphore(%run_scoped3A : memref<!tpu.dma_semaphore, #tpu.memory_space<semaphore_mem>>) src(%dma_wait3A_22 : memref<2560xi32, #tpu.memory_space<hbm>>) dst(%arg12 : memref<2560xi32, #tpu.memory_space<vmem>>)
      tpu.yield
    }) : () -> ()
    %mul3A_7 = arith.constant 128 : i32
    %mul3A_8 = arith.muli %add3A_4, %mul3A_7 : i32
    "tpu.region"() ({
      %run_scoped3A = tpu.sem_alloc : memref<!tpu.dma_semaphore, #tpu.memory_space<semaphore_mem>>
      %dma_start3A = tpu.memref_slice %arg6[%mul3A_8] : memref<167936xi32, #tpu.memory_space<hbm>> -> memref<2560xi32, #tpu.memory_space<hbm>>
      %dma_start3A_21 = tpu.memref_slice %arg6[%mul3A_8] : memref<167936xi32, #tpu.memory_space<hbm>> -> memref<2560xi32, #tpu.memory_space<hbm>>
      tpu.enqueue_dma source(%dma_start3A_21 : memref<2560xi32, #tpu.memory_space<hbm>>) target(%arg13 : memref<2560xi32, #tpu.memory_space<vmem>>) target_semaphore(%run_scoped3A : memref<!tpu.dma_semaphore, #tpu.memory_space<semaphore_mem>>)
      %dma_wait3A = tpu.memref_slice %arg6[%mul3A_8] : memref<167936xi32, #tpu.memory_space<hbm>> -> memref<2560xi32, #tpu.memory_space<hbm>>
      %dma_wait3A_22 = tpu.memref_slice %arg6[%mul3A_8] : memref<167936xi32, #tpu.memory_space<hbm>> -> memref<2560xi32, #tpu.memory_space<hbm>>
      tpu.wait_dma2 semaphore(%run_scoped3A : memref<!tpu.dma_semaphore, #tpu.memory_space<semaphore_mem>>) src(%dma_wait3A_22 : memref<2560xi32, #tpu.memory_space<hbm>>) dst(%arg13 : memref<2560xi32, #tpu.memory_space<vmem>>)
      tpu.yield
    }) : () -> ()
    "tpu.region"() ({
      %run_scoped3A = tpu.sem_alloc : memref<!tpu.dma_semaphore, #tpu.memory_space<semaphore_mem>>
      tpu.enqueue_dma source(%arg3 : memref<10000xf32, #tpu.memory_space<hbm>>) target(%arg17 : memref<10000xf32, #tpu.memory_space<vmem>>) target_semaphore(%run_scoped3A : memref<!tpu.dma_semaphore, #tpu.memory_space<semaphore_mem>>)
      tpu.wait_dma2 semaphore(%run_scoped3A : memref<!tpu.dma_semaphore, #tpu.memory_space<semaphore_mem>>) src(%arg3 : memref<10000xf32, #tpu.memory_space<hbm>>) dst(%arg17 : memref<10000xf32, #tpu.memory_space<vmem>>)
      tpu.yield
    }) : () -> ()
    "tpu.region"() ({
      %run_scoped3A = tpu.sem_alloc : memref<!tpu.dma_semaphore, #tpu.memory_space<semaphore_mem>>
      tpu.enqueue_dma source(%arg4 : memref<10000xf32, #tpu.memory_space<hbm>>) target(%arg18 : memref<10000xf32, #tpu.memory_space<vmem>>) target_semaphore(%run_scoped3A : memref<!tpu.dma_semaphore, #tpu.memory_space<semaphore_mem>>)
      tpu.wait_dma2 semaphore(%run_scoped3A : memref<!tpu.dma_semaphore, #tpu.memory_space<semaphore_mem>>) src(%arg4 : memref<10000xf32, #tpu.memory_space<hbm>>) dst(%arg18 : memref<10000xf32, #tpu.memory_space<vmem>>)
      tpu.yield
    }) : () -> ()
    "tpu.region"() ({
      %run_scoped3A = tpu.sem_alloc : memref<!tpu.dma_semaphore, #tpu.memory_space<semaphore_mem>>
      tpu.enqueue_dma source(%arg7 : memref<128x16xf32, #tpu.memory_space<hbm>>) target(%arg16 : memref<128x16xf32, #tpu.memory_space<vmem>>) target_semaphore(%run_scoped3A : memref<!tpu.dma_semaphore, #tpu.memory_space<semaphore_mem>>)
      tpu.wait_dma2 semaphore(%run_scoped3A : memref<!tpu.dma_semaphore, #tpu.memory_space<semaphore_mem>>) src(%arg7 : memref<128x16xf32, #tpu.memory_space<hbm>>) dst(%arg16 : memref<128x16xf32, #tpu.memory_space<vmem>>)
      tpu.yield
    }) : () -> ()
    "tpu.region"() ({
      %run_scoped3A = tpu.sem_alloc : memref<!tpu.dma_semaphore, #tpu.memory_space<semaphore_mem>>
      tpu.enqueue_dma source(%arg8 : memref<10240xf32, #tpu.memory_space<hbm>>) target(%arg19 : memref<10240xf32, #tpu.memory_space<vmem>>) target_semaphore(%run_scoped3A : memref<!tpu.dma_semaphore, #tpu.memory_space<semaphore_mem>>)
      tpu.wait_dma2 semaphore(%run_scoped3A : memref<!tpu.dma_semaphore, #tpu.memory_space<semaphore_mem>>) src(%arg8 : memref<10240xf32, #tpu.memory_space<hbm>>) dst(%arg19 : memref<10240xf32, #tpu.memory_space<vmem>>)
      tpu.yield
    }) : () -> ()
    %iota3A = tpu.iota {dimensions = array<i32: 0>} : vector<16xi32>
    %broadcast_in_dim3A = arith.constant 0 : i32
    %broadcast_in_dim3A_9 = vector.broadcast %broadcast_in_dim3A : i32 to vector<16xi32>
    %broadcast_in_dim3A_10 = arith.constant 1 : i32
    %broadcast_in_dim3A_11 = vector.broadcast %broadcast_in_dim3A_10 : i32 to vector<16xi32>
    %broadcast_in_dim3A_12 = arith.constant 1.000000e+00 : f32
    %broadcast_in_dim3A_13 = vector.broadcast %broadcast_in_dim3A_12 : f32 to vector<16xf32>
    %lt3A = arith.constant 1250 : i32
    %lt3A_14 = arith.cmpi slt, %add3A_4, %lt3A : i32
    %convert_element_type3A = arith.extui %lt3A_14 : i1 to i32
    %cond3A = arith.constant 0 : i32
    %cond3A_15 = arith.cmpi ne, %convert_element_type3A, %cond3A : i32
    scf.if %cond3A_15 {
      %dma_start3A = arith.constant 0 : i32
      %dma_start3A_21 = tpu.memref_slice %arg12[%dma_start3A] : memref<2560xi32, #tpu.memory_space<vmem>> -> memref<128xi32, #tpu.memory_space<vmem>>
      %dma_start3A_22 = arith.constant 0 : i32
      %dma_start3A_23 = arith.constant 0 : i32
      %dma_start3A_24 = tpu.memref_slice %arg2[%dma_start3A_22, %dma_start3A_23] : memref<10000x256xf32, #tpu.memory_space<hbm>> -> memref<10000x256xf32, #tpu.memory_space<hbm>>
      tpu.enqueue_indirect_dma source(%dma_start3A_24 : memref<10000x256xf32, #tpu.memory_space<hbm>>) target(%arg14 : memref<128x256xf32, #tpu.memory_space<vmem>>) offsets(%dma_start3A_21 : memref<128xi32, #tpu.memory_space<vmem>>) semaphore(%arg20 : memref<!tpu.dma_semaphore, #tpu.memory_space<semaphore_mem>>)
    } else {
    }
    %scan3A = arith.constant 0 : i32
    %scan3A_16 = arith.constant 0 : i32
    %scan3A_17 = arith.constant 10 : i32
    %scan3A_18 = arith.addi %scan3A_16, %scan3A_17 : i32
    %scan3A_19 = arith.constant 1 : i32
    scf.for %scan3A_21 = %scan3A_16 to %scan3A_18 step %scan3A_19  : i32 {
      %mul3A_22 = arith.constant 2 : i32
      %mul3A_23 = arith.muli %mul3A_22, %scan3A_21 : i32
      %add3A_24 = arith.constant 1 : i32
      %add3A_25 = arith.addi %mul3A_23, %add3A_24 : i32
      %add3A_26 = arith.addi %add3A_4, %mul3A_23 : i32
      %add3A_27 = arith.addi %add3A_4, %add3A_25 : i32
      %lt3A_28 = arith.constant 1250 : i32
      %lt3A_29 = arith.cmpi slt, %add3A_27, %lt3A_28 : i32
      %convert_element_type3A_30 = arith.extui %lt3A_29 : i1 to i32
      %cond3A_31 = arith.constant 0 : i32
      %cond3A_32 = arith.cmpi ne, %convert_element_type3A_30, %cond3A_31 : i32
      scf.if %cond3A_32 {
        %mul3A_54 = arith.constant 128 : i32
        %mul3A_55 = arith.muli %add3A_25, %mul3A_54 : i32
        %dma_start3A = tpu.memref_slice %arg12[%mul3A_55] : memref<2560xi32, #tpu.memory_space<vmem>> -> memref<128xi32, #tpu.memory_space<vmem>>
        %dma_start3A_56 = arith.constant 0 : i32
        %dma_start3A_57 = arith.constant 0 : i32
        %dma_start3A_58 = tpu.memref_slice %arg2[%dma_start3A_56, %dma_start3A_57] : memref<10000x256xf32, #tpu.memory_space<hbm>> -> memref<10000x256xf32, #tpu.memory_space<hbm>>
        tpu.enqueue_indirect_dma source(%dma_start3A_58 : memref<10000x256xf32, #tpu.memory_space<hbm>>) target(%arg15 : memref<128x256xf32, #tpu.memory_space<vmem>>) offsets(%dma_start3A : memref<128xi32, #tpu.memory_space<vmem>>) semaphore(%arg21 : memref<!tpu.dma_semaphore, #tpu.memory_space<semaphore_mem>>)
      } else {
      }
      %lt3A_33 = arith.constant 1250 : i32
      %lt3A_34 = arith.cmpi slt, %add3A_26, %lt3A_33 : i32
      %convert_element_type3A_35 = arith.extui %lt3A_34 : i1 to i32
      %cond3A_36 = arith.constant 0 : i32
      %cond3A_37 = arith.cmpi ne, %convert_element_type3A_35, %cond3A_36 : i32
      scf.if %cond3A_37 {
        %mul3A_54 = arith.constant 128 : i32
        %mul3A_55 = arith.muli %mul3A_23, %mul3A_54 : i32
        %add3A_56 = arith.constant 0 : i32
        %add3A_57 = arith.addi %mul3A_55, %add3A_56 : i32
        %get3A = arith.index_cast %add3A_57 : i32 to index
        %get3A_58 = tpu.vector_load %arg13[%get3A] {strides = array<i32>} : memref<2560xi32, #tpu.memory_space<vmem>>, vector<16xi32>,
        %gather3A = tpu.vector_load_idx %arg17[%get3A_58] : memref<10000xf32, #tpu.memory_space<vmem>>[vector<16xi32>], vector<16xf32>,
        %gather3A_59 = tpu.vector_load_idx %arg18[%get3A_58] : memref<10000xf32, #tpu.memory_space<vmem>>[vector<16xi32>], vector<16xf32>,
        %add3A_60 = arith.constant 0 : i32
        %add3A_61 = vector.broadcast %add3A_60 : i32 to vector<16xi32>
        %add3A_62 = arith.addi %iota3A, %add3A_61 : vector<16xi32>
        tpu.vector_store_idx %arg16[%add3A_62, %broadcast_in_dim3A_9], %gather3A : memref<128x16xf32, #tpu.memory_space<vmem>>[vector<16xi32>, vector<16xi32>], vector<16xf32>,
        tpu.vector_store_idx %arg16[%add3A_62, %broadcast_in_dim3A_11], %gather3A_59 : memref<128x16xf32, #tpu.memory_space<vmem>>[vector<16xi32>, vector<16xi32>], vector<16xf32>,
        %mul3A_63 = arith.constant 128 : i32
        %mul3A_64 = arith.muli %mul3A_23, %mul3A_63 : i32
        %add3A_65 = arith.constant 0 : i32
        %add3A_66 = arith.addi %mul3A_64, %add3A_65 : i32
        %get3A_67 = arith.index_cast %add3A_66 : i32 to index
        %get3A_68 = tpu.vector_load %arg12[%get3A_67] {strides = array<i32>} : memref<2560xi32, #tpu.memory_space<vmem>>, vector<16xi32>,
        tpu.vector_store_idx %arg19[%get3A_68], %broadcast_in_dim3A_13 {add = true} : memref<10240xf32, #tpu.memory_space<vmem>>[vector<16xi32>], vector<16xf32>,
        %mul3A_69 = arith.constant 128 : i32
        %mul3A_70 = arith.muli %mul3A_23, %mul3A_69 : i32
        %add3A_71 = arith.constant 16 : i32
        %add3A_72 = arith.addi %mul3A_70, %add3A_71 : i32
        %get3A_73 = arith.index_cast %add3A_72 : i32 to index
        %get3A_74 = tpu.vector_load %arg13[%get3A_73] {strides = array<i32>} : memref<2560xi32, #tpu.memory_space<vmem>>, vector<16xi32>,
        %gather3A_75 = tpu.vector_load_idx %arg17[%get3A_74] : memref<10000xf32, #tpu.memory_space<vmem>>[vector<16xi32>], vector<16xf32>,
        %gather3A_76 = tpu.vector_load_idx %arg18[%get3A_74] : memref<10000xf32, #tpu.memory_space<vmem>>[vector<16xi32>], vector<16xf32>,
        %add3A_77 = arith.constant 16 : i32
        %add3A_78 = vector.broadcast %add3A_77 : i32 to vector<16xi32>
        %add3A_79 = arith.addi %iota3A, %add3A_78 : vector<16xi32>
        tpu.vector_store_idx %arg16[%add3A_79, %broadcast_in_dim3A_9], %gather3A_75 : memref<128x16xf32, #tpu.memory_space<vmem>>[vector<16xi32>, vector<16xi32>], vector<16xf32>,
        tpu.vector_store_idx %arg16[%add3A_79, %broadcast_in_dim3A_11], %gather3A_76 : memref<128x16xf32, #tpu.memory_space<vmem>>[vector<16xi32>, vector<16xi32>], vector<16xf32>,
        %mul3A_80 = arith.constant 128 : i32
        %mul3A_81 = arith.muli %mul3A_23, %mul3A_80 : i32
        %add3A_82 = arith.constant 16 : i32
        %add3A_83 = arith.addi %mul3A_81, %add3A_82 : i32
        %get3A_84 = arith.index_cast %add3A_83 : i32 to index
        %get3A_85 = tpu.vector_load %arg12[%get3A_84] {strides = array<i32>} : memref<2560xi32, #tpu.memory_space<vmem>>, vector<16xi32>,
        tpu.vector_store_idx %arg19[%get3A_85], %broadcast_in_dim3A_13 {add = true} : memref<10240xf32, #tpu.memory_space<vmem>>[vector<16xi32>], vector<16xf32>,
        %mul3A_86 = arith.constant 128 : i32
        %mul3A_87 = arith.muli %mul3A_23, %mul3A_86 : i32
        %add3A_88 = arith.constant 32 : i32
        %add3A_89 = arith.addi %mul3A_87, %add3A_88 : i32
        %get3A_90 = arith.index_cast %add3A_89 : i32 to index
        %get3A_91 = tpu.vector_load %arg13[%get3A_90] {strides = array<i32>} : memref<2560xi32, #tpu.memory_space<vmem>>, vector<16xi32>,
        %gather3A_92 = tpu.vector_load_idx %arg17[%get3A_91] : memref<10000xf32, #tpu.memory_space<vmem>>[vector<16xi32>], vector<16xf32>,
        %gather3A_93 = tpu.vector_load_idx %arg18[%get3A_91] : memref<10000xf32, #tpu.memory_space<vmem>>[vector<16xi32>], vector<16xf32>,
        %add3A_94 = arith.constant 32 : i32
        %add3A_95 = vector.broadcast %add3A_94 : i32 to vector<16xi32>
        %add3A_96 = arith.addi %iota3A, %add3A_95 : vector<16xi32>
        tpu.vector_store_idx %arg16[%add3A_96, %broadcast_in_dim3A_9], %gather3A_92 : memref<128x16xf32, #tpu.memory_space<vmem>>[vector<16xi32>, vector<16xi32>], vector<16xf32>,
        tpu.vector_store_idx %arg16[%add3A_96, %broadcast_in_dim3A_11], %gather3A_93 : memref<128x16xf32, #tpu.memory_space<vmem>>[vector<16xi32>, vector<16xi32>], vector<16xf32>,
        %mul3A_97 = arith.constant 128 : i32
        %mul3A_98 = arith.muli %mul3A_23, %mul3A_97 : i32
        %add3A_99 = arith.constant 32 : i32
        %add3A_100 = arith.addi %mul3A_98, %add3A_99 : i32
        %get3A_101 = arith.index_cast %add3A_100 : i32 to index
        %get3A_102 = tpu.vector_load %arg12[%get3A_101] {strides = array<i32>} : memref<2560xi32, #tpu.memory_space<vmem>>, vector<16xi32>,
        tpu.vector_store_idx %arg19[%get3A_102], %broadcast_in_dim3A_13 {add = true} : memref<10240xf32, #tpu.memory_space<vmem>>[vector<16xi32>], vector<16xf32>,
        %mul3A_103 = arith.constant 128 : i32
        %mul3A_104 = arith.muli %mul3A_23, %mul3A_103 : i32
        %add3A_105 = arith.constant 48 : i32
        %add3A_106 = arith.addi %mul3A_104, %add3A_105 : i32
        %get3A_107 = arith.index_cast %add3A_106 : i32 to index
        %get3A_108 = tpu.vector_load %arg13[%get3A_107] {strides = array<i32>} : memref<2560xi32, #tpu.memory_space<vmem>>, vector<16xi32>,
        %gather3A_109 = tpu.vector_load_idx %arg17[%get3A_108] : memref<10000xf32, #tpu.memory_space<vmem>>[vector<16xi32>], vector<16xf32>,
        %gather3A_110 = tpu.vector_load_idx %arg18[%get3A_108] : memref<10000xf32, #tpu.memory_space<vmem>>[vector<16xi32>], vector<16xf32>,
        %add3A_111 = arith.constant 48 : i32
        %add3A_112 = vector.broadcast %add3A_111 : i32 to vector<16xi32>
        %add3A_113 = arith.addi %iota3A, %add3A_112 : vector<16xi32>
        tpu.vector_store_idx %arg16[%add3A_113, %broadcast_in_dim3A_9], %gather3A_109 : memref<128x16xf32, #tpu.memory_space<vmem>>[vector<16xi32>, vector<16xi32>], vector<16xf32>,
        tpu.vector_store_idx %arg16[%add3A_113, %broadcast_in_dim3A_11], %gather3A_110 : memref<128x16xf32, #tpu.memory_space<vmem>>[vector<16xi32>, vector<16xi32>], vector<16xf32>,
        %mul3A_114 = arith.constant 128 : i32
        %mul3A_115 = arith.muli %mul3A_23, %mul3A_114 : i32
        %add3A_116 = arith.constant 48 : i32
        %add3A_117 = arith.addi %mul3A_115, %add3A_116 : i32
        %get3A_118 = arith.index_cast %add3A_117 : i32 to index
        %get3A_119 = tpu.vector_load %arg12[%get3A_118] {strides = array<i32>} : memref<2560xi32, #tpu.memory_space<vmem>>, vector<16xi32>,
        tpu.vector_store_idx %arg19[%get3A_119], %broadcast_in_dim3A_13 {add = true} : memref<10240xf32, #tpu.memory_space<vmem>>[vector<16xi32>], vector<16xf32>,
        %mul3A_120 = arith.constant 128 : i32
        %mul3A_121 = arith.muli %mul3A_23, %mul3A_120 : i32
        %add3A_122 = arith.constant 64 : i32
        %add3A_123 = arith.addi %mul3A_121, %add3A_122 : i32
        %get3A_124 = arith.index_cast %add3A_123 : i32 to index
        %get3A_125 = tpu.vector_load %arg13[%get3A_124] {strides = array<i32>} : memref<2560xi32, #tpu.memory_space<vmem>>, vector<16xi32>,
        %gather3A_126 = tpu.vector_load_idx %arg17[%get3A_125] : memref<10000xf32, #tpu.memory_space<vmem>>[vector<16xi32>], vector<16xf32>,
        %gather3A_127 = tpu.vector_load_idx %arg18[%get3A_125] : memref<10000xf32, #tpu.memory_space<vmem>>[vector<16xi32>], vector<16xf32>,
        %add3A_128 = arith.constant 64 : i32
        %add3A_129 = vector.broadcast %add3A_128 : i32 to vector<16xi32>
        %add3A_130 = arith.addi %iota3A, %add3A_129 : vector<16xi32>
        tpu.vector_store_idx %arg16[%add3A_130, %broadcast_in_dim3A_9], %gather3A_126 : memref<128x16xf32, #tpu.memory_space<vmem>>[vector<16xi32>, vector<16xi32>], vector<16xf32>,
        tpu.vector_store_idx %arg16[%add3A_130, %broadcast_in_dim3A_11], %gather3A_127 : memref<128x16xf32, #tpu.memory_space<vmem>>[vector<16xi32>, vector<16xi32>], vector<16xf32>,
        %mul3A_131 = arith.constant 128 : i32
        %mul3A_132 = arith.muli %mul3A_23, %mul3A_131 : i32
        %add3A_133 = arith.constant 64 : i32
        %add3A_134 = arith.addi %mul3A_132, %add3A_133 : i32
        %get3A_135 = arith.index_cast %add3A_134 : i32 to index
        %get3A_136 = tpu.vector_load %arg12[%get3A_135] {strides = array<i32>} : memref<2560xi32, #tpu.memory_space<vmem>>, vector<16xi32>,
        tpu.vector_store_idx %arg19[%get3A_136], %broadcast_in_dim3A_13 {add = true} : memref<10240xf32, #tpu.memory_space<vmem>>[vector<16xi32>], vector<16xf32>,
        %mul3A_137 = arith.constant 128 : i32
        %mul3A_138 = arith.muli %mul3A_23, %mul3A_137 : i32
        %add3A_139 = arith.constant 80 : i32
        %add3A_140 = arith.addi %mul3A_138, %add3A_139 : i32
        %get3A_141 = arith.index_cast %add3A_140 : i32 to index
        %get3A_142 = tpu.vector_load %arg13[%get3A_141] {strides = array<i32>} : memref<2560xi32, #tpu.memory_space<vmem>>, vector<16xi32>,
        %gather3A_143 = tpu.vector_load_idx %arg17[%get3A_142] : memref<10000xf32, #tpu.memory_space<vmem>>[vector<16xi32>], vector<16xf32>,
        %gather3A_144 = tpu.vector_load_idx %arg18[%get3A_142] : memref<10000xf32, #tpu.memory_space<vmem>>[vector<16xi32>], vector<16xf32>,
        %add3A_145 = arith.constant 80 : i32
        %add3A_146 = vector.broadcast %add3A_145 : i32 to vector<16xi32>
        %add3A_147 = arith.addi %iota3A, %add3A_146 : vector<16xi32>
        tpu.vector_store_idx %arg16[%add3A_147, %broadcast_in_dim3A_9], %gather3A_143 : memref<128x16xf32, #tpu.memory_space<vmem>>[vector<16xi32>, vector<16xi32>], vector<16xf32>,
        tpu.vector_store_idx %arg16[%add3A_147, %broadcast_in_dim3A_11], %gather3A_144 : memref<128x16xf32, #tpu.memory_space<vmem>>[vector<16xi32>, vector<16xi32>], vector<16xf32>,
        %mul3A_148 = arith.constant 128 : i32
        %mul3A_149 = arith.muli %mul3A_23, %mul3A_148 : i32
        %add3A_150 = arith.constant 80 : i32
        %add3A_151 = arith.addi %mul3A_149, %add3A_150 : i32
        %get3A_152 = arith.index_cast %add3A_151 : i32 to index
        %get3A_153 = tpu.vector_load %arg12[%get3A_152] {strides = array<i32>} : memref<2560xi32, #tpu.memory_space<vmem>>, vector<16xi32>,
        tpu.vector_store_idx %arg19[%get3A_153], %broadcast_in_dim3A_13 {add = true} : memref<10240xf32, #tpu.memory_space<vmem>>[vector<16xi32>], vector<16xf32>,
        %mul3A_154 = arith.constant 128 : i32
        %mul3A_155 = arith.muli %mul3A_23, %mul3A_154 : i32
        %add3A_156 = arith.constant 96 : i32
        %add3A_157 = arith.addi %mul3A_155, %add3A_156 : i32
        %get3A_158 = arith.index_cast %add3A_157 : i32 to index
        %get3A_159 = tpu.vector_load %arg13[%get3A_158] {strides = array<i32>} : memref<2560xi32, #tpu.memory_space<vmem>>, vector<16xi32>,
        %gather3A_160 = tpu.vector_load_idx %arg17[%get3A_159] : memref<10000xf32, #tpu.memory_space<vmem>>[vector<16xi32>], vector<16xf32>,
        %gather3A_161 = tpu.vector_load_idx %arg18[%get3A_159] : memref<10000xf32, #tpu.memory_space<vmem>>[vector<16xi32>], vector<16xf32>,
        %add3A_162 = arith.constant 96 : i32
        %add3A_163 = vector.broadcast %add3A_162 : i32 to vector<16xi32>
        %add3A_164 = arith.addi %iota3A, %add3A_163 : vector<16xi32>
        tpu.vector_store_idx %arg16[%add3A_164, %broadcast_in_dim3A_9], %gather3A_160 : memref<128x16xf32, #tpu.memory_space<vmem>>[vector<16xi32>, vector<16xi32>], vector<16xf32>,
        tpu.vector_store_idx %arg16[%add3A_164, %broadcast_in_dim3A_11], %gather3A_161 : memref<128x16xf32, #tpu.memory_space<vmem>>[vector<16xi32>, vector<16xi32>], vector<16xf32>,
        %mul3A_165 = arith.constant 128 : i32
        %mul3A_166 = arith.muli %mul3A_23, %mul3A_165 : i32
        %add3A_167 = arith.constant 96 : i32
        %add3A_168 = arith.addi %mul3A_166, %add3A_167 : i32
        %get3A_169 = arith.index_cast %add3A_168 : i32 to index
        %get3A_170 = tpu.vector_load %arg12[%get3A_169] {strides = array<i32>} : memref<2560xi32, #tpu.memory_space<vmem>>, vector<16xi32>,
        tpu.vector_store_idx %arg19[%get3A_170], %broadcast_in_dim3A_13 {add = true} : memref<10240xf32, #tpu.memory_space<vmem>>[vector<16xi32>], vector<16xf32>,
        %mul3A_171 = arith.constant 128 : i32
        %mul3A_172 = arith.muli %mul3A_23, %mul3A_171 : i32
        %add3A_173 = arith.constant 112 : i32
        %add3A_174 = arith.addi %mul3A_172, %add3A_173 : i32
        %get3A_175 = arith.index_cast %add3A_174 : i32 to index
        %get3A_176 = tpu.vector_load %arg13[%get3A_175] {strides = array<i32>} : memref<2560xi32, #tpu.memory_space<vmem>>, vector<16xi32>,
        %gather3A_177 = tpu.vector_load_idx %arg17[%get3A_176] : memref<10000xf32, #tpu.memory_space<vmem>>[vector<16xi32>], vector<16xf32>,
        %gather3A_178 = tpu.vector_load_idx %arg18[%get3A_176] : memref<10000xf32, #tpu.memory_space<vmem>>[vector<16xi32>], vector<16xf32>,
        %add3A_179 = arith.constant 112 : i32
        %add3A_180 = vector.broadcast %add3A_179 : i32 to vector<16xi32>
        %add3A_181 = arith.addi %iota3A, %add3A_180 : vector<16xi32>
        tpu.vector_store_idx %arg16[%add3A_181, %broadcast_in_dim3A_9], %gather3A_177 : memref<128x16xf32, #tpu.memory_space<vmem>>[vector<16xi32>, vector<16xi32>], vector<16xf32>,
        tpu.vector_store_idx %arg16[%add3A_181, %broadcast_in_dim3A_11], %gather3A_178 : memref<128x16xf32, #tpu.memory_space<vmem>>[vector<16xi32>, vector<16xi32>], vector<16xf32>,
        %mul3A_182 = arith.constant 128 : i32
        %mul3A_183 = arith.muli %mul3A_23, %mul3A_182 : i32
        %add3A_184 = arith.constant 112 : i32
        %add3A_185 = arith.addi %mul3A_183, %add3A_184 : i32
        %get3A_186 = arith.index_cast %add3A_185 : i32 to index
        %get3A_187 = tpu.vector_load %arg12[%get3A_186] {strides = array<i32>} : memref<2560xi32, #tpu.memory_space<vmem>>, vector<16xi32>,
        tpu.vector_store_idx %arg19[%get3A_187], %broadcast_in_dim3A_13 {add = true} : memref<10240xf32, #tpu.memory_space<vmem>>[vector<16xi32>], vector<16xf32>,
        %mul3A_188 = arith.constant 128 : i32
        %mul3A_189 = arith.muli %mul3A_23, %mul3A_188 : i32
        %dma_wait3A = tpu.memref_slice %arg12[%mul3A_189] : memref<2560xi32, #tpu.memory_space<vmem>> -> memref<128xi32, #tpu.memory_space<vmem>>
        %dma_wait3A_190 = arith.constant 0 : i32
        %dma_wait3A_191 = arith.constant 0 : i32
        %dma_wait3A_192 = tpu.memref_slice %arg2[%dma_wait3A_190, %dma_wait3A_191] : memref<10000x256xf32, #tpu.memory_space<hbm>> -> memref<10000x256xf32, #tpu.memory_space<hbm>>
        tpu.wait_indirect_dma semaphore(%arg20 : memref<!tpu.dma_semaphore, #tpu.memory_space<semaphore_mem>>) src(%dma_wait3A_192 : memref<10000x256xf32, #tpu.memory_space<hbm>>) dst(%arg14 : memref<128x256xf32, #tpu.memory_space<vmem>>)
        %sub3A = arith.constant 624 : i32
        %sub3A_193 = arith.subi %add3A_26, %sub3A : i32
        %mul3A_194 = arith.constant 128 : i32
        %mul3A_195 = arith.muli %sub3A_193, %mul3A_194 : i32
        "tpu.region"() ({
          %run_scoped3A = tpu.sem_alloc : memref<!tpu.dma_semaphore, #tpu.memory_space<semaphore_mem>>
          %dma_start3A = arith.constant 0 : i32
          %dma_start3A_200 = tpu.memref_slice %arg9[%mul3A_195, %dma_start3A] : memref<80128x256xf32, #tpu.memory_space<hbm>> -> memref<128x256xf32, #tpu.memory_space<hbm>>
          %dma_start3A_201 = arith.constant 0 : i32
          %dma_start3A_202 = tpu.memref_slice %arg9[%mul3A_195, %dma_start3A_201] : memref<80128x256xf32, #tpu.memory_space<hbm>> -> memref<128x256xf32, #tpu.memory_space<hbm>>
          tpu.enqueue_dma source(%arg14 : memref<128x256xf32, #tpu.memory_space<vmem>>) target(%dma_start3A_202 : memref<128x256xf32, #tpu.memory_space<hbm>>) target_semaphore(%run_scoped3A : memref<!tpu.dma_semaphore, #tpu.memory_space<semaphore_mem>>)
          %dma_wait3A_203 = arith.constant 0 : i32
          %dma_wait3A_204 = tpu.memref_slice %arg9[%mul3A_195, %dma_wait3A_203] : memref<80128x256xf32, #tpu.memory_space<hbm>> -> memref<128x256xf32, #tpu.memory_space<hbm>>
          %dma_wait3A_205 = arith.constant 0 : i32
          %dma_wait3A_206 = tpu.memref_slice %arg9[%mul3A_195, %dma_wait3A_205] : memref<80128x256xf32, #tpu.memory_space<hbm>> -> memref<128x256xf32, #tpu.memory_space<hbm>>
          tpu.wait_dma2 semaphore(%run_scoped3A : memref<!tpu.dma_semaphore, #tpu.memory_space<semaphore_mem>>) src(%arg14 : memref<128x256xf32, #tpu.memory_space<vmem>>) dst(%dma_wait3A_206 : memref<128x256xf32, #tpu.memory_space<hbm>>)
          tpu.yield
        }) : () -> ()
        %sub3A_196 = arith.constant 624 : i32
        %sub3A_197 = arith.subi %add3A_26, %sub3A_196 : i32
        %mul3A_198 = arith.constant 128 : i32
        %mul3A_199 = arith.muli %sub3A_197, %mul3A_198 : i32
        "tpu.region"() ({
          %run_scoped3A = tpu.sem_alloc : memref<!tpu.dma_semaphore, #tpu.memory_space<semaphore_mem>>
          %dma_start3A = arith.constant 0 : i32
          %dma_start3A_200 = tpu.memref_slice %arg10[%mul3A_199, %dma_start3A] : memref<80128x16xf32, #tpu.memory_space<hbm>> -> memref<128x16xf32, #tpu.memory_space<hbm>>
          %dma_start3A_201 = arith.constant 0 : i32
          %dma_start3A_202 = tpu.memref_slice %arg10[%mul3A_199, %dma_start3A_201] : memref<80128x16xf32, #tpu.memory_space<hbm>> -> memref<128x16xf32, #tpu.memory_space<hbm>>
          tpu.enqueue_dma source(%arg16 : memref<128x16xf32, #tpu.memory_space<vmem>>) target(%dma_start3A_202 : memref<128x16xf32, #tpu.memory_space<hbm>>) target_semaphore(%run_scoped3A : memref<!tpu.dma_semaphore, #tpu.memory_space<semaphore_mem>>)
          %dma_wait3A_203 = arith.constant 0 : i32
          %dma_wait3A_204 = tpu.memref_slice %arg10[%mul3A_199, %dma_wait3A_203] : memref<80128x16xf32, #tpu.memory_space<hbm>> -> memref<128x16xf32, #tpu.memory_space<hbm>>
          %dma_wait3A_205 = arith.constant 0 : i32
          %dma_wait3A_206 = tpu.memref_slice %arg10[%mul3A_199, %dma_wait3A_205] : memref<80128x16xf32, #tpu.memory_space<hbm>> -> memref<128x16xf32, #tpu.memory_space<hbm>>
          tpu.wait_dma2 semaphore(%run_scoped3A : memref<!tpu.dma_semaphore, #tpu.memory_space<semaphore_mem>>) src(%arg16 : memref<128x16xf32, #tpu.memory_space<vmem>>) dst(%dma_wait3A_206 : memref<128x16xf32, #tpu.memory_space<hbm>>)
          tpu.yield
        }) : () -> ()
      } else {
      }
      %add3A_38 = arith.constant 2 : i32
      %add3A_39 = arith.addi %mul3A_23, %add3A_38 : i32
      %lt3A_40 = arith.constant 20 : i32
      %lt3A_41 = arith.cmpi slt, %add3A_39, %lt3A_40 : i32
      %add3A_42 = arith.constant 2 : i32
      %add3A_43 = arith.addi %add3A_26, %add3A_42 : i32
      %lt3A_44 = arith.constant 1250 : i32
      %lt3A_45 = arith.cmpi slt, %add3A_43, %lt3A_44 : i32
      %and3A = arith.andi %lt3A_41, %lt3A_45 : i1
      %convert_element_type3A_46 = arith.extui %and3A : i1 to i32
      %cond3A_47 = arith.constant 0 : i32
      %cond3A_48 = arith.cmpi ne, %convert_element_type3A_46, %cond3A_47 : i32
      scf.if %cond3A_48 {
        %add3A_54 = arith.constant 2 : i32
        %add3A_55 = arith.addi %mul3A_23, %add3A_54 : i32
        %mul3A_56 = arith.constant 128 : i32
        %mul3A_57 = arith.muli %add3A_55, %mul3A_56 : i32
        %dma_start3A = tpu.memref_slice %arg12[%mul3A_57] : memref<2560xi32, #tpu.memory_space<vmem>> -> memref<128xi32, #tpu.memory_space<vmem>>
        %dma_start3A_58 = arith.constant 0 : i32
        %dma_start3A_59 = arith.constant 0 : i32
        %dma_start3A_60 = tpu.memref_slice %arg2[%dma_start3A_58, %dma_start3A_59] : memref<10000x256xf32, #tpu.memory_space<hbm>> -> memref<10000x256xf32, #tpu.memory_space<hbm>>
        tpu.enqueue_indirect_dma source(%dma_start3A_60 : memref<10000x256xf32, #tpu.memory_space<hbm>>) target(%arg14 : memref<128x256xf32, #tpu.memory_space<vmem>>) offsets(%dma_start3A : memref<128xi32, #tpu.memory_space<vmem>>) semaphore(%arg20 : memref<!tpu.dma_semaphore, #tpu.memory_space<semaphore_mem>>)
      } else {
      }
      %lt3A_49 = arith.constant 1250 : i32
      %lt3A_50 = arith.cmpi slt, %add3A_27, %lt3A_49 : i32
      %convert_element_type3A_51 = arith.extui %lt3A_50 : i1 to i32
      %cond3A_52 = arith.constant 0 : i32
      %cond3A_53 = arith.cmpi ne, %convert_element_type3A_51, %cond3A_52 : i32
      scf.if %cond3A_53 {
        %mul3A_54 = arith.constant 128 : i32
        %mul3A_55 = arith.muli %add3A_25, %mul3A_54 : i32
        %add3A_56 = arith.constant 0 : i32
        %add3A_57 = arith.addi %mul3A_55, %add3A_56 : i32
        %get3A = arith.index_cast %add3A_57 : i32 to index
        %get3A_58 = tpu.vector_load %arg13[%get3A] {strides = array<i32>} : memref<2560xi32, #tpu.memory_space<vmem>>, vector<16xi32>,
        %gather3A = tpu.vector_load_idx %arg17[%get3A_58] : memref<10000xf32, #tpu.memory_space<vmem>>[vector<16xi32>], vector<16xf32>,
        %gather3A_59 = tpu.vector_load_idx %arg18[%get3A_58] : memref<10000xf32, #tpu.memory_space<vmem>>[vector<16xi32>], vector<16xf32>,
        %add3A_60 = arith.constant 0 : i32
        %add3A_61 = vector.broadcast %add3A_60 : i32 to vector<16xi32>
        %add3A_62 = arith.addi %iota3A, %add3A_61 : vector<16xi32>
        tpu.vector_store_idx %arg16[%add3A_62, %broadcast_in_dim3A_9], %gather3A : memref<128x16xf32, #tpu.memory_space<vmem>>[vector<16xi32>, vector<16xi32>], vector<16xf32>,
        tpu.vector_store_idx %arg16[%add3A_62, %broadcast_in_dim3A_11], %gather3A_59 : memref<128x16xf32, #tpu.memory_space<vmem>>[vector<16xi32>, vector<16xi32>], vector<16xf32>,
        %mul3A_63 = arith.constant 128 : i32
        %mul3A_64 = arith.muli %add3A_25, %mul3A_63 : i32
        %add3A_65 = arith.constant 0 : i32
        %add3A_66 = arith.addi %mul3A_64, %add3A_65 : i32
        %get3A_67 = arith.index_cast %add3A_66 : i32 to index
        %get3A_68 = tpu.vector_load %arg12[%get3A_67] {strides = array<i32>} : memref<2560xi32, #tpu.memory_space<vmem>>, vector<16xi32>,
        tpu.vector_store_idx %arg19[%get3A_68], %broadcast_in_dim3A_13 {add = true} : memref<10240xf32, #tpu.memory_space<vmem>>[vector<16xi32>], vector<16xf32>,
        %mul3A_69 = arith.constant 128 : i32
        %mul3A_70 = arith.muli %add3A_25, %mul3A_69 : i32
        %add3A_71 = arith.constant 16 : i32
        %add3A_72 = arith.addi %mul3A_70, %add3A_71 : i32
        %get3A_73 = arith.index_cast %add3A_72 : i32 to index
        %get3A_74 = tpu.vector_load %arg13[%get3A_73] {strides = array<i32>} : memref<2560xi32, #tpu.memory_space<vmem>>, vector<16xi32>,
        %gather3A_75 = tpu.vector_load_idx %arg17[%get3A_74] : memref<10000xf32, #tpu.memory_space<vmem>>[vector<16xi32>], vector<16xf32>,
        %gather3A_76 = tpu.vector_load_idx %arg18[%get3A_74] : memref<10000xf32, #tpu.memory_space<vmem>>[vector<16xi32>], vector<16xf32>,
        %add3A_77 = arith.constant 16 : i32
        %add3A_78 = vector.broadcast %add3A_77 : i32 to vector<16xi32>
        %add3A_79 = arith.addi %iota3A, %add3A_78 : vector<16xi32>
        tpu.vector_store_idx %arg16[%add3A_79, %broadcast_in_dim3A_9], %gather3A_75 : memref<128x16xf32, #tpu.memory_space<vmem>>[vector<16xi32>, vector<16xi32>], vector<16xf32>,
        tpu.vector_store_idx %arg16[%add3A_79, %broadcast_in_dim3A_11], %gather3A_76 : memref<128x16xf32, #tpu.memory_space<vmem>>[vector<16xi32>, vector<16xi32>], vector<16xf32>,
        %mul3A_80 = arith.constant 128 : i32
        %mul3A_81 = arith.muli %add3A_25, %mul3A_80 : i32
        %add3A_82 = arith.constant 16 : i32
        %add3A_83 = arith.addi %mul3A_81, %add3A_82 : i32
        %get3A_84 = arith.index_cast %add3A_83 : i32 to index
        %get3A_85 = tpu.vector_load %arg12[%get3A_84] {strides = array<i32>} : memref<2560xi32, #tpu.memory_space<vmem>>, vector<16xi32>,
        tpu.vector_store_idx %arg19[%get3A_85], %broadcast_in_dim3A_13 {add = true} : memref<10240xf32, #tpu.memory_space<vmem>>[vector<16xi32>], vector<16xf32>,
        %mul3A_86 = arith.constant 128 : i32
        %mul3A_87 = arith.muli %add3A_25, %mul3A_86 : i32
        %add3A_88 = arith.constant 32 : i32
        %add3A_89 = arith.addi %mul3A_87, %add3A_88 : i32
        %get3A_90 = arith.index_cast %add3A_89 : i32 to index
        %get3A_91 = tpu.vector_load %arg13[%get3A_90] {strides = array<i32>} : memref<2560xi32, #tpu.memory_space<vmem>>, vector<16xi32>,
        %gather3A_92 = tpu.vector_load_idx %arg17[%get3A_91] : memref<10000xf32, #tpu.memory_space<vmem>>[vector<16xi32>], vector<16xf32>,
        %gather3A_93 = tpu.vector_load_idx %arg18[%get3A_91] : memref<10000xf32, #tpu.memory_space<vmem>>[vector<16xi32>], vector<16xf32>,
        %add3A_94 = arith.constant 32 : i32
        %add3A_95 = vector.broadcast %add3A_94 : i32 to vector<16xi32>
        %add3A_96 = arith.addi %iota3A, %add3A_95 : vector<16xi32>
        tpu.vector_store_idx %arg16[%add3A_96, %broadcast_in_dim3A_9], %gather3A_92 : memref<128x16xf32, #tpu.memory_space<vmem>>[vector<16xi32>, vector<16xi32>], vector<16xf32>,
        tpu.vector_store_idx %arg16[%add3A_96, %broadcast_in_dim3A_11], %gather3A_93 : memref<128x16xf32, #tpu.memory_space<vmem>>[vector<16xi32>, vector<16xi32>], vector<16xf32>,
        %mul3A_97 = arith.constant 128 : i32
        %mul3A_98 = arith.muli %add3A_25, %mul3A_97 : i32
        %add3A_99 = arith.constant 32 : i32
        %add3A_100 = arith.addi %mul3A_98, %add3A_99 : i32
        %get3A_101 = arith.index_cast %add3A_100 : i32 to index
        %get3A_102 = tpu.vector_load %arg12[%get3A_101] {strides = array<i32>} : memref<2560xi32, #tpu.memory_space<vmem>>, vector<16xi32>,
        tpu.vector_store_idx %arg19[%get3A_102], %broadcast_in_dim3A_13 {add = true} : memref<10240xf32, #tpu.memory_space<vmem>>[vector<16xi32>], vector<16xf32>,
        %mul3A_103 = arith.constant 128 : i32
        %mul3A_104 = arith.muli %add3A_25, %mul3A_103 : i32
        %add3A_105 = arith.constant 48 : i32
        %add3A_106 = arith.addi %mul3A_104, %add3A_105 : i32
        %get3A_107 = arith.index_cast %add3A_106 : i32 to index
        %get3A_108 = tpu.vector_load %arg13[%get3A_107] {strides = array<i32>} : memref<2560xi32, #tpu.memory_space<vmem>>, vector<16xi32>,
        %gather3A_109 = tpu.vector_load_idx %arg17[%get3A_108] : memref<10000xf32, #tpu.memory_space<vmem>>[vector<16xi32>], vector<16xf32>,
        %gather3A_110 = tpu.vector_load_idx %arg18[%get3A_108] : memref<10000xf32, #tpu.memory_space<vmem>>[vector<16xi32>], vector<16xf32>,
        %add3A_111 = arith.constant 48 : i32
        %add3A_112 = vector.broadcast %add3A_111 : i32 to vector<16xi32>
        %add3A_113 = arith.addi %iota3A, %add3A_112 : vector<16xi32>
        tpu.vector_store_idx %arg16[%add3A_113, %broadcast_in_dim3A_9], %gather3A_109 : memref<128x16xf32, #tpu.memory_space<vmem>>[vector<16xi32>, vector<16xi32>], vector<16xf32>,
        tpu.vector_store_idx %arg16[%add3A_113, %broadcast_in_dim3A_11], %gather3A_110 : memref<128x16xf32, #tpu.memory_space<vmem>>[vector<16xi32>, vector<16xi32>], vector<16xf32>,
        %mul3A_114 = arith.constant 128 : i32
        %mul3A_115 = arith.muli %add3A_25, %mul3A_114 : i32
        %add3A_116 = arith.constant 48 : i32
        %add3A_117 = arith.addi %mul3A_115, %add3A_116 : i32
        %get3A_118 = arith.index_cast %add3A_117 : i32 to index
        %get3A_119 = tpu.vector_load %arg12[%get3A_118] {strides = array<i32>} : memref<2560xi32, #tpu.memory_space<vmem>>, vector<16xi32>,
        tpu.vector_store_idx %arg19[%get3A_119], %broadcast_in_dim3A_13 {add = true} : memref<10240xf32, #tpu.memory_space<vmem>>[vector<16xi32>], vector<16xf32>,
        %mul3A_120 = arith.constant 128 : i32
        %mul3A_121 = arith.muli %add3A_25, %mul3A_120 : i32
        %add3A_122 = arith.constant 64 : i32
        %add3A_123 = arith.addi %mul3A_121, %add3A_122 : i32
        %get3A_124 = arith.index_cast %add3A_123 : i32 to index
        %get3A_125 = tpu.vector_load %arg13[%get3A_124] {strides = array<i32>} : memref<2560xi32, #tpu.memory_space<vmem>>, vector<16xi32>,
        %gather3A_126 = tpu.vector_load_idx %arg17[%get3A_125] : memref<10000xf32, #tpu.memory_space<vmem>>[vector<16xi32>], vector<16xf32>,
        %gather3A_127 = tpu.vector_load_idx %arg18[%get3A_125] : memref<10000xf32, #tpu.memory_space<vmem>>[vector<16xi32>], vector<16xf32>,
        %add3A_128 = arith.constant 64 : i32
        %add3A_129 = vector.broadcast %add3A_128 : i32 to vector<16xi32>
        %add3A_130 = arith.addi %iota3A, %add3A_129 : vector<16xi32>
        tpu.vector_store_idx %arg16[%add3A_130, %broadcast_in_dim3A_9], %gather3A_126 : memref<128x16xf32, #tpu.memory_space<vmem>>[vector<16xi32>, vector<16xi32>], vector<16xf32>,
        tpu.vector_store_idx %arg16[%add3A_130, %broadcast_in_dim3A_11], %gather3A_127 : memref<128x16xf32, #tpu.memory_space<vmem>>[vector<16xi32>, vector<16xi32>], vector<16xf32>,
        %mul3A_131 = arith.constant 128 : i32
        %mul3A_132 = arith.muli %add3A_25, %mul3A_131 : i32
        %add3A_133 = arith.constant 64 : i32
        %add3A_134 = arith.addi %mul3A_132, %add3A_133 : i32
        %get3A_135 = arith.index_cast %add3A_134 : i32 to index
        %get3A_136 = tpu.vector_load %arg12[%get3A_135] {strides = array<i32>} : memref<2560xi32, #tpu.memory_space<vmem>>, vector<16xi32>,
        tpu.vector_store_idx %arg19[%get3A_136], %broadcast_in_dim3A_13 {add = true} : memref<10240xf32, #tpu.memory_space<vmem>>[vector<16xi32>], vector<16xf32>,
        %mul3A_137 = arith.constant 128 : i32
        %mul3A_138 = arith.muli %add3A_25, %mul3A_137 : i32
        %add3A_139 = arith.constant 80 : i32
        %add3A_140 = arith.addi %mul3A_138, %add3A_139 : i32
        %get3A_141 = arith.index_cast %add3A_140 : i32 to index
        %get3A_142 = tpu.vector_load %arg13[%get3A_141] {strides = array<i32>} : memref<2560xi32, #tpu.memory_space<vmem>>, vector<16xi32>,
        %gather3A_143 = tpu.vector_load_idx %arg17[%get3A_142] : memref<10000xf32, #tpu.memory_space<vmem>>[vector<16xi32>], vector<16xf32>,
        %gather3A_144 = tpu.vector_load_idx %arg18[%get3A_142] : memref<10000xf32, #tpu.memory_space<vmem>>[vector<16xi32>], vector<16xf32>,
        %add3A_145 = arith.constant 80 : i32
        %add3A_146 = vector.broadcast %add3A_145 : i32 to vector<16xi32>
        %add3A_147 = arith.addi %iota3A, %add3A_146 : vector<16xi32>
        tpu.vector_store_idx %arg16[%add3A_147, %broadcast_in_dim3A_9], %gather3A_143 : memref<128x16xf32, #tpu.memory_space<vmem>>[vector<16xi32>, vector<16xi32>], vector<16xf32>,
        tpu.vector_store_idx %arg16[%add3A_147, %broadcast_in_dim3A_11], %gather3A_144 : memref<128x16xf32, #tpu.memory_space<vmem>>[vector<16xi32>, vector<16xi32>], vector<16xf32>,
        %mul3A_148 = arith.constant 128 : i32
        %mul3A_149 = arith.muli %add3A_25, %mul3A_148 : i32
        %add3A_150 = arith.constant 80 : i32
        %add3A_151 = arith.addi %mul3A_149, %add3A_150 : i32
        %get3A_152 = arith.index_cast %add3A_151 : i32 to index
        %get3A_153 = tpu.vector_load %arg12[%get3A_152] {strides = array<i32>} : memref<2560xi32, #tpu.memory_space<vmem>>, vector<16xi32>,
        tpu.vector_store_idx %arg19[%get3A_153], %broadcast_in_dim3A_13 {add = true} : memref<10240xf32, #tpu.memory_space<vmem>>[vector<16xi32>], vector<16xf32>,
        %mul3A_154 = arith.constant 128 : i32
        %mul3A_155 = arith.muli %add3A_25, %mul3A_154 : i32
        %add3A_156 = arith.constant 96 : i32
        %add3A_157 = arith.addi %mul3A_155, %add3A_156 : i32
        %get3A_158 = arith.index_cast %add3A_157 : i32 to index
        %get3A_159 = tpu.vector_load %arg13[%get3A_158] {strides = array<i32>} : memref<2560xi32, #tpu.memory_space<vmem>>, vector<16xi32>,
        %gather3A_160 = tpu.vector_load_idx %arg17[%get3A_159] : memref<10000xf32, #tpu.memory_space<vmem>>[vector<16xi32>], vector<16xf32>,
        %gather3A_161 = tpu.vector_load_idx %arg18[%get3A_159] : memref<10000xf32, #tpu.memory_space<vmem>>[vector<16xi32>], vector<16xf32>,
        %add3A_162 = arith.constant 96 : i32
        %add3A_163 = vector.broadcast %add3A_162 : i32 to vector<16xi32>
        %add3A_164 = arith.addi %iota3A, %add3A_163 : vector<16xi32>
        tpu.vector_store_idx %arg16[%add3A_164, %broadcast_in_dim3A_9], %gather3A_160 : memref<128x16xf32, #tpu.memory_space<vmem>>[vector<16xi32>, vector<16xi32>], vector<16xf32>,
        tpu.vector_store_idx %arg16[%add3A_164, %broadcast_in_dim3A_11], %gather3A_161 : memref<128x16xf32, #tpu.memory_space<vmem>>[vector<16xi32>, vector<16xi32>], vector<16xf32>,
        %mul3A_165 = arith.constant 128 : i32
        %mul3A_166 = arith.muli %add3A_25, %mul3A_165 : i32
        %add3A_167 = arith.constant 96 : i32
        %add3A_168 = arith.addi %mul3A_166, %add3A_167 : i32
        %get3A_169 = arith.index_cast %add3A_168 : i32 to index
        %get3A_170 = tpu.vector_load %arg12[%get3A_169] {strides = array<i32>} : memref<2560xi32, #tpu.memory_space<vmem>>, vector<16xi32>,
        tpu.vector_store_idx %arg19[%get3A_170], %broadcast_in_dim3A_13 {add = true} : memref<10240xf32, #tpu.memory_space<vmem>>[vector<16xi32>], vector<16xf32>,
        %mul3A_171 = arith.constant 128 : i32
        %mul3A_172 = arith.muli %add3A_25, %mul3A_171 : i32
        %add3A_173 = arith.constant 112 : i32
        %add3A_174 = arith.addi %mul3A_172, %add3A_173 : i32
        %get3A_175 = arith.index_cast %add3A_174 : i32 to index
        %get3A_176 = tpu.vector_load %arg13[%get3A_175] {strides = array<i32>} : memref<2560xi32, #tpu.memory_space<vmem>>, vector<16xi32>,
        %gather3A_177 = tpu.vector_load_idx %arg17[%get3A_176] : memref<10000xf32, #tpu.memory_space<vmem>>[vector<16xi32>], vector<16xf32>,
        %gather3A_178 = tpu.vector_load_idx %arg18[%get3A_176] : memref<10000xf32, #tpu.memory_space<vmem>>[vector<16xi32>], vector<16xf32>,
        %add3A_179 = arith.constant 112 : i32
        %add3A_180 = vector.broadcast %add3A_179 : i32 to vector<16xi32>
        %add3A_181 = arith.addi %iota3A, %add3A_180 : vector<16xi32>
        tpu.vector_store_idx %arg16[%add3A_181, %broadcast_in_dim3A_9], %gather3A_177 : memref<128x16xf32, #tpu.memory_space<vmem>>[vector<16xi32>, vector<16xi32>], vector<16xf32>,
        tpu.vector_store_idx %arg16[%add3A_181, %broadcast_in_dim3A_11], %gather3A_178 : memref<128x16xf32, #tpu.memory_space<vmem>>[vector<16xi32>, vector<16xi32>], vector<16xf32>,
        %mul3A_182 = arith.constant 128 : i32
        %mul3A_183 = arith.muli %add3A_25, %mul3A_182 : i32
        %add3A_184 = arith.constant 112 : i32
        %add3A_185 = arith.addi %mul3A_183, %add3A_184 : i32
        %get3A_186 = arith.index_cast %add3A_185 : i32 to index
        %get3A_187 = tpu.vector_load %arg12[%get3A_186] {strides = array<i32>} : memref<2560xi32, #tpu.memory_space<vmem>>, vector<16xi32>,
        tpu.vector_store_idx %arg19[%get3A_187], %broadcast_in_dim3A_13 {add = true} : memref<10240xf32, #tpu.memory_space<vmem>>[vector<16xi32>], vector<16xf32>,
        %mul3A_188 = arith.constant 128 : i32
        %mul3A_189 = arith.muli %add3A_25, %mul3A_188 : i32
        %dma_wait3A = tpu.memref_slice %arg12[%mul3A_189] : memref<2560xi32, #tpu.memory_space<vmem>> -> memref<128xi32, #tpu.memory_space<vmem>>
        %dma_wait3A_190 = arith.constant 0 : i32
        %dma_wait3A_191 = arith.constant 0 : i32
        %dma_wait3A_192 = tpu.memref_slice %arg2[%dma_wait3A_190, %dma_wait3A_191] : memref<10000x256xf32, #tpu.memory_space<hbm>> -> memref<10000x256xf32, #tpu.memory_space<hbm>>
        tpu.wait_indirect_dma semaphore(%arg21 : memref<!tpu.dma_semaphore, #tpu.memory_space<semaphore_mem>>) src(%dma_wait3A_192 : memref<10000x256xf32, #tpu.memory_space<hbm>>) dst(%arg15 : memref<128x256xf32, #tpu.memory_space<vmem>>)
        %sub3A = arith.constant 624 : i32
        %sub3A_193 = arith.subi %add3A_27, %sub3A : i32
        %mul3A_194 = arith.constant 128 : i32
        %mul3A_195 = arith.muli %sub3A_193, %mul3A_194 : i32
        "tpu.region"() ({
          %run_scoped3A = tpu.sem_alloc : memref<!tpu.dma_semaphore, #tpu.memory_space<semaphore_mem>>
          %dma_start3A = arith.constant 0 : i32
          %dma_start3A_200 = tpu.memref_slice %arg9[%mul3A_195, %dma_start3A] : memref<80128x256xf32, #tpu.memory_space<hbm>> -> memref<128x256xf32, #tpu.memory_space<hbm>>
          %dma_start3A_201 = arith.constant 0 : i32
          %dma_start3A_202 = tpu.memref_slice %arg9[%mul3A_195, %dma_start3A_201] : memref<80128x256xf32, #tpu.memory_space<hbm>> -> memref<128x256xf32, #tpu.memory_space<hbm>>
          tpu.enqueue_dma source(%arg15 : memref<128x256xf32, #tpu.memory_space<vmem>>) target(%dma_start3A_202 : memref<128x256xf32, #tpu.memory_space<hbm>>) target_semaphore(%run_scoped3A : memref<!tpu.dma_semaphore, #tpu.memory_space<semaphore_mem>>)
          %dma_wait3A_203 = arith.constant 0 : i32
          %dma_wait3A_204 = tpu.memref_slice %arg9[%mul3A_195, %dma_wait3A_203] : memref<80128x256xf32, #tpu.memory_space<hbm>> -> memref<128x256xf32, #tpu.memory_space<hbm>>
          %dma_wait3A_205 = arith.constant 0 : i32
          %dma_wait3A_206 = tpu.memref_slice %arg9[%mul3A_195, %dma_wait3A_205] : memref<80128x256xf32, #tpu.memory_space<hbm>> -> memref<128x256xf32, #tpu.memory_space<hbm>>
          tpu.wait_dma2 semaphore(%run_scoped3A : memref<!tpu.dma_semaphore, #tpu.memory_space<semaphore_mem>>) src(%arg15 : memref<128x256xf32, #tpu.memory_space<vmem>>) dst(%dma_wait3A_206 : memref<128x256xf32, #tpu.memory_space<hbm>>)
          tpu.yield
        }) : () -> ()
        %sub3A_196 = arith.constant 624 : i32
        %sub3A_197 = arith.subi %add3A_27, %sub3A_196 : i32
        %mul3A_198 = arith.constant 128 : i32
        %mul3A_199 = arith.muli %sub3A_197, %mul3A_198 : i32
        "tpu.region"() ({
          %run_scoped3A = tpu.sem_alloc : memref<!tpu.dma_semaphore, #tpu.memory_space<semaphore_mem>>
          %dma_start3A = arith.constant 0 : i32
          %dma_start3A_200 = tpu.memref_slice %arg10[%mul3A_199, %dma_start3A] : memref<80128x16xf32, #tpu.memory_space<hbm>> -> memref<128x16xf32, #tpu.memory_space<hbm>>
          %dma_start3A_201 = arith.constant 0 : i32
          %dma_start3A_202 = tpu.memref_slice %arg10[%mul3A_199, %dma_start3A_201] : memref<80128x16xf32, #tpu.memory_space<hbm>> -> memref<128x16xf32, #tpu.memory_space<hbm>>
          tpu.enqueue_dma source(%arg16 : memref<128x16xf32, #tpu.memory_space<vmem>>) target(%dma_start3A_202 : memref<128x16xf32, #tpu.memory_space<hbm>>) target_semaphore(%run_scoped3A : memref<!tpu.dma_semaphore, #tpu.memory_space<semaphore_mem>>)
          %dma_wait3A_203 = arith.constant 0 : i32
          %dma_wait3A_204 = tpu.memref_slice %arg10[%mul3A_199, %dma_wait3A_203] : memref<80128x16xf32, #tpu.memory_space<hbm>> -> memref<128x16xf32, #tpu.memory_space<hbm>>
          %dma_wait3A_205 = arith.constant 0 : i32
          %dma_wait3A_206 = tpu.memref_slice %arg10[%mul3A_199, %dma_wait3A_205] : memref<80128x16xf32, #tpu.memory_space<hbm>> -> memref<128x16xf32, #tpu.memory_space<hbm>>
          tpu.wait_dma2 semaphore(%run_scoped3A : memref<!tpu.dma_semaphore, #tpu.memory_space<semaphore_mem>>) src(%arg16 : memref<128x16xf32, #tpu.memory_space<vmem>>) dst(%dma_wait3A_206 : memref<128x16xf32, #tpu.memory_space<hbm>>)
          tpu.yield
        }) : () -> ()
      } else {
      }
    }
    %scan3A_20 = arith.constant 10 : i32
    "tpu.region"() ({
      %run_scoped3A = tpu.sem_alloc : memref<!tpu.dma_semaphore, #tpu.memory_space<semaphore_mem>>
      %dma_start3A = arith.constant 0 : i32
      %dma_start3A_21 = tpu.memref_slice %arg11[%add3A, %dma_start3A] : memref<32x10240xf32, #tpu.memory_space<hbm>> -> memref<1x10240xf32, #tpu.memory_space<hbm>>
      %dma_start3A_22 = tpu.memref_squeeze %dma_start3A_21 : memref<1x10240xf32, #tpu.memory_space<hbm>> -> memref<10240xf32, #tpu.memory_space<hbm>>
      %dma_start3A_23 = arith.constant 0 : i32
      %dma_start3A_24 = tpu.memref_slice %arg11[%add3A, %dma_start3A_23] : memref<32x10240xf32, #tpu.memory_space<hbm>> -> memref<1x10240xf32, #tpu.memory_space<hbm>>
      %dma_start3A_25 = tpu.memref_squeeze %dma_start3A_24 : memref<1x10240xf32, #tpu.memory_space<hbm>> -> memref<10240xf32, #tpu.memory_space<hbm>>
      tpu.enqueue_dma source(%arg19 : memref<10240xf32, #tpu.memory_space<vmem>>) target(%dma_start3A_25 : memref<10240xf32, #tpu.memory_space<hbm>>) target_semaphore(%run_scoped3A : memref<!tpu.dma_semaphore, #tpu.memory_space<semaphore_mem>>)
      %dma_wait3A = arith.constant 0 : i32
      %dma_wait3A_26 = tpu.memref_slice %arg11[%add3A, %dma_wait3A] : memref<32x10240xf32, #tpu.memory_space<hbm>> -> memref<1x10240xf32, #tpu.memory_space<hbm>>
      %dma_wait3A_27 = tpu.memref_squeeze %dma_wait3A_26 : memref<1x10240xf32, #tpu.memory_space<hbm>> -> memref<10240xf32, #tpu.memory_space<hbm>>
      %dma_wait3A_28 = arith.constant 0 : i32
      %dma_wait3A_29 = tpu.memref_slice %arg11[%add3A, %dma_wait3A_28] : memref<32x10240xf32, #tpu.memory_space<hbm>> -> memref<1x10240xf32, #tpu.memory_space<hbm>>
      %dma_wait3A_30 = tpu.memref_squeeze %dma_wait3A_29 : memref<1x10240xf32, #tpu.memory_space<hbm>> -> memref<10240xf32, #tpu.memory_space<hbm>>
      tpu.wait_dma2 semaphore(%run_scoped3A : memref<!tpu.dma_semaphore, #tpu.memory_space<semaphore_mem>>) src(%arg19 : memref<10240xf32, #tpu.memory_space<vmem>>) dst(%dma_wait3A_30 : memref<10240xf32, #tpu.memory_space<hbm>>)
      tpu.yield
    }) : () -> ()
    return
  }
}

#map = affine_map<(d0, d1) -> (0, 0, 0)>
#map1 = affine_map<(d0, d1) -> (0, 0)>
module attributes {stable_mosaic.version = 14 : i64} {
  func.func @_sc_scatter_he_body(%arg0: i32, %arg1: i32, %arg2: memref<2x79872x128xf32, #tpu.memory_space<hbm>>, %arg3: memref<1312x128xi32, #tpu.memory_space<hbm>>, %arg4: memref<10240x128xf32, #tpu.memory_space<hbm>>, %arg5: memref<2x10240x128xf32, #tpu.memory_space<hbm>>, %arg6: memref<2x128xi32, #tpu.memory_space<vmem>>, %arg7: memref<128x128xf32, #tpu.memory_space<vmem>>, %arg8: memref<128x128xf32, #tpu.memory_space<vmem>>, %arg9: memref<10240x128xf32, #tpu.memory_space<vmem_shared>>, %arg10: memref<!tpu.dma_semaphore, #tpu.memory_space<semaphore_mem>>, %arg11: memref<!tpu.dma_semaphore, #tpu.memory_space<semaphore_mem>>) attributes {dimension_semantics = [#tpu.dimension_semantics<core_parallel>, #tpu.dimension_semantics<subcore_parallel>], iteration_bounds = array<i64: 2, 16>, scalar_prefetch = 0 : i64, scratch_operands = 6 : i64, tpu.core_type = #tpu.core_type<sc_vector_subcore>, window_params = [{transform_indices = #map}, {transform_indices = #map1}, {transform_indices = #map1}, {transform_indices = #map}]} {
    %mul3A = arith.constant 40 : i32
    %mul3A_0 = arith.muli %arg1, %mul3A : i32
    %add3A = arith.constant 0 : i32
    %add3A_1 = arith.addi %add3A, %mul3A_0 : i32
    %mul3A_2 = arith.constant 640 : i32
    %mul3A_3 = arith.muli %arg1, %mul3A_2 : i32
    %mul3A_4 = arith.constant 640 : i32
    %mul3A_5 = arith.muli %arg1, %mul3A_4 : i32
    "tpu.region"() ({
      %run_scoped3A = tpu.sem_alloc : memref<!tpu.dma_semaphore, #tpu.memory_space<semaphore_mem>>
      %dma_start3A = arith.constant 0 : i32
      %dma_start3A_18 = tpu.memref_slice %arg9[%mul3A_5, %dma_start3A] : memref<10240x128xf32, #tpu.memory_space<vmem_shared>> -> memref<640x128xf32, #tpu.memory_space<vmem_shared>>
      %dma_start3A_19 = arith.constant 0 : i32
      %dma_start3A_20 = tpu.memref_slice %arg4[%mul3A_3, %dma_start3A_19] : memref<10240x128xf32, #tpu.memory_space<hbm>> -> memref<640x128xf32, #tpu.memory_space<hbm>>
      tpu.enqueue_dma source(%dma_start3A_20 : memref<640x128xf32, #tpu.memory_space<hbm>>) target(%dma_start3A_18 : memref<640x128xf32, #tpu.memory_space<vmem_shared>>) target_semaphore(%run_scoped3A : memref<!tpu.dma_semaphore, #tpu.memory_space<semaphore_mem>>)
      %dma_wait3A = arith.constant 0 : i32
      %dma_wait3A_21 = tpu.memref_slice %arg9[%mul3A_5, %dma_wait3A] : memref<10240x128xf32, #tpu.memory_space<vmem_shared>> -> memref<640x128xf32, #tpu.memory_space<vmem_shared>>
      %dma_wait3A_22 = arith.constant 0 : i32
      %dma_wait3A_23 = tpu.memref_slice %arg4[%mul3A_3, %dma_wait3A_22] : memref<10240x128xf32, #tpu.memory_space<hbm>> -> memref<640x128xf32, #tpu.memory_space<hbm>>
      tpu.wait_dma2 semaphore(%run_scoped3A : memref<!tpu.dma_semaphore, #tpu.memory_space<semaphore_mem>>) src(%dma_wait3A_23 : memref<640x128xf32, #tpu.memory_space<hbm>>) dst(%dma_wait3A_21 : memref<640x128xf32, #tpu.memory_space<vmem_shared>>)
      tpu.yield
    }) : () -> ()
    %barrier3A = arith.constant 0 : index
    tpu.barrier barrier_id(%barrier3A)
    %lt3A = arith.constant 624 : i32
    %lt3A_6 = arith.cmpi slt, %add3A_1, %lt3A : i32
    %convert_element_type3A = arith.extui %lt3A_6 : i1 to i32
    %cond3A = arith.constant 0 : i32
    %cond3A_7 = arith.cmpi ne, %convert_element_type3A, %cond3A : i32
    scf.if %cond3A_7 {
      %sub3A = arith.constant 0 : i32
      %sub3A_18 = arith.subi %add3A_1, %sub3A : i32
      %mul3A_19 = arith.constant 128 : i32
      %mul3A_20 = arith.muli %sub3A_18, %mul3A_19 : i32
      %dma_start3A = arith.constant 0 : i32
      %dma_start3A_21 = arith.constant 0 : i32
      %dma_start3A_22 = tpu.memref_slice %arg2[%arg0, %dma_start3A, %dma_start3A_21] : memref<2x79872x128xf32, #tpu.memory_space<hbm>> -> memref<1x79872x128xf32, #tpu.memory_space<hbm>>
      %dma_start3A_23 = tpu.memref_squeeze %dma_start3A_22 : memref<1x79872x128xf32, #tpu.memory_space<hbm>> -> memref<79872x128xf32, #tpu.memory_space<hbm>>
      %dma_start3A_24 = arith.constant 0 : i32
      %dma_start3A_25 = tpu.memref_slice %dma_start3A_23[%mul3A_20, %dma_start3A_24] : memref<79872x128xf32, #tpu.memory_space<hbm>> -> memref<128x128xf32, #tpu.memory_space<hbm>>
      %dma_start3A_26 = arith.constant 0 : i32
      %dma_start3A_27 = arith.constant 0 : i32
      %dma_start3A_28 = tpu.memref_slice %arg2[%arg0, %dma_start3A_26, %dma_start3A_27] : memref<2x79872x128xf32, #tpu.memory_space<hbm>> -> memref<1x79872x128xf32, #tpu.memory_space<hbm>>
      %dma_start3A_29 = tpu.memref_squeeze %dma_start3A_28 : memref<1x79872x128xf32, #tpu.memory_space<hbm>> -> memref<79872x128xf32, #tpu.memory_space<hbm>>
      %dma_start3A_30 = arith.constant 0 : i32
      %dma_start3A_31 = tpu.memref_slice %dma_start3A_29[%mul3A_20, %dma_start3A_30] : memref<79872x128xf32, #tpu.memory_space<hbm>> -> memref<128x128xf32, #tpu.memory_space<hbm>>
      tpu.enqueue_dma source(%dma_start3A_31 : memref<128x128xf32, #tpu.memory_space<hbm>>) target(%arg7 : memref<128x128xf32, #tpu.memory_space<vmem>>) target_semaphore(%arg10 : memref<!tpu.dma_semaphore, #tpu.memory_space<semaphore_mem>>)
    } else {
    }
    %scan3A = arith.constant 0 : i32
    %scan3A_8 = arith.constant 0 : i32
    %scan3A_9 = arith.constant 20 : i32
    %scan3A_10 = arith.addi %scan3A_8, %scan3A_9 : i32
    %scan3A_11 = arith.constant 1 : i32
    scf.for %scan3A_18 = %scan3A_8 to %scan3A_10 step %scan3A_11  : i32 {
      %mul3A_19 = arith.constant 2 : i32
      %mul3A_20 = arith.muli %mul3A_19, %scan3A_18 : i32
      %add3A_21 = arith.constant 1 : i32
      %add3A_22 = arith.addi %mul3A_20, %add3A_21 : i32
      %add3A_23 = arith.addi %add3A_1, %mul3A_20 : i32
      %add3A_24 = arith.addi %add3A_1, %add3A_22 : i32
      %lt3A_25 = arith.constant 624 : i32
      %lt3A_26 = arith.cmpi slt, %add3A_24, %lt3A_25 : i32
      %convert_element_type3A_27 = arith.extui %lt3A_26 : i1 to i32
      %cond3A_28 = arith.constant 0 : i32
      %cond3A_29 = arith.cmpi ne, %convert_element_type3A_27, %cond3A_28 : i32
      scf.if %cond3A_29 {
        %sub3A = arith.constant 0 : i32
        %sub3A_51 = arith.subi %add3A_24, %sub3A : i32
        %mul3A_52 = arith.constant 128 : i32
        %mul3A_53 = arith.muli %sub3A_51, %mul3A_52 : i32
        %dma_start3A = arith.constant 0 : i32
        %dma_start3A_54 = arith.constant 0 : i32
        %dma_start3A_55 = tpu.memref_slice %arg2[%arg0, %dma_start3A, %dma_start3A_54] : memref<2x79872x128xf32, #tpu.memory_space<hbm>> -> memref<1x79872x128xf32, #tpu.memory_space<hbm>>
        %dma_start3A_56 = tpu.memref_squeeze %dma_start3A_55 : memref<1x79872x128xf32, #tpu.memory_space<hbm>> -> memref<79872x128xf32, #tpu.memory_space<hbm>>
        %dma_start3A_57 = arith.constant 0 : i32
        %dma_start3A_58 = tpu.memref_slice %dma_start3A_56[%mul3A_53, %dma_start3A_57] : memref<79872x128xf32, #tpu.memory_space<hbm>> -> memref<128x128xf32, #tpu.memory_space<hbm>>
        %dma_start3A_59 = arith.constant 0 : i32
        %dma_start3A_60 = arith.constant 0 : i32
        %dma_start3A_61 = tpu.memref_slice %arg2[%arg0, %dma_start3A_59, %dma_start3A_60] : memref<2x79872x128xf32, #tpu.memory_space<hbm>> -> memref<1x79872x128xf32, #tpu.memory_space<hbm>>
        %dma_start3A_62 = tpu.memref_squeeze %dma_start3A_61 : memref<1x79872x128xf32, #tpu.memory_space<hbm>> -> memref<79872x128xf32, #tpu.memory_space<hbm>>
        %dma_start3A_63 = arith.constant 0 : i32
        %dma_start3A_64 = tpu.memref_slice %dma_start3A_62[%mul3A_53, %dma_start3A_63] : memref<79872x128xf32, #tpu.memory_space<hbm>> -> memref<128x128xf32, #tpu.memory_space<hbm>>
        tpu.enqueue_dma source(%dma_start3A_64 : memref<128x128xf32, #tpu.memory_space<hbm>>) target(%arg8 : memref<128x128xf32, #tpu.memory_space<vmem>>) target_semaphore(%arg11 : memref<!tpu.dma_semaphore, #tpu.memory_space<semaphore_mem>>)
      } else {
      }
      "tpu.region"() ({
        %run_scoped3A = tpu.sem_alloc : memref<!tpu.dma_semaphore, #tpu.memory_space<semaphore_mem>>
        %dma_start3A = arith.constant 0 : i32
        %dma_start3A_51 = tpu.memref_slice %arg3[%add3A_23, %dma_start3A] : memref<1312x128xi32, #tpu.memory_space<hbm>> -> memref<2x128xi32, #tpu.memory_space<hbm>>
        %dma_start3A_52 = arith.constant 0 : i32
        %dma_start3A_53 = tpu.memref_slice %arg3[%add3A_23, %dma_start3A_52] : memref<1312x128xi32, #tpu.memory_space<hbm>> -> memref<2x128xi32, #tpu.memory_space<hbm>>
        tpu.enqueue_dma source(%dma_start3A_53 : memref<2x128xi32, #tpu.memory_space<hbm>>) target(%arg6 : memref<2x128xi32, #tpu.memory_space<vmem>>) target_semaphore(%run_scoped3A : memref<!tpu.dma_semaphore, #tpu.memory_space<semaphore_mem>>)
        %dma_wait3A = arith.constant 0 : i32
        %dma_wait3A_54 = tpu.memref_slice %arg3[%add3A_23, %dma_wait3A] : memref<1312x128xi32, #tpu.memory_space<hbm>> -> memref<2x128xi32, #tpu.memory_space<hbm>>
        %dma_wait3A_55 = arith.constant 0 : i32
        %dma_wait3A_56 = tpu.memref_slice %arg3[%add3A_23, %dma_wait3A_55] : memref<1312x128xi32, #tpu.memory_space<hbm>> -> memref<2x128xi32, #tpu.memory_space<hbm>>
        tpu.wait_dma2 semaphore(%run_scoped3A : memref<!tpu.dma_semaphore, #tpu.memory_space<semaphore_mem>>) src(%dma_wait3A_56 : memref<2x128xi32, #tpu.memory_space<hbm>>) dst(%arg6 : memref<2x128xi32, #tpu.memory_space<vmem>>)
        tpu.yield
      }) : () -> ()
      %lt3A_30 = arith.constant 624 : i32
      %lt3A_31 = arith.cmpi slt, %add3A_23, %lt3A_30 : i32
      %convert_element_type3A_32 = arith.extui %lt3A_31 : i1 to i32
      %cond3A_33 = arith.constant 0 : i32
      %cond3A_34 = arith.cmpi ne, %convert_element_type3A_32, %cond3A_33 : i32
      scf.if %cond3A_34 {
        %sub3A = arith.constant 0 : i32
        %sub3A_51 = arith.subi %add3A_23, %sub3A : i32
        %mul3A_52 = arith.constant 128 : i32
        %mul3A_53 = arith.muli %sub3A_51, %mul3A_52 : i32
        %dma_wait3A = arith.constant 0 : i32
        %dma_wait3A_54 = arith.constant 0 : i32
        %dma_wait3A_55 = tpu.memref_slice %arg2[%arg0, %dma_wait3A, %dma_wait3A_54] : memref<2x79872x128xf32, #tpu.memory_space<hbm>> -> memref<1x79872x128xf32, #tpu.memory_space<hbm>>
        %dma_wait3A_56 = tpu.memref_squeeze %dma_wait3A_55 : memref<1x79872x128xf32, #tpu.memory_space<hbm>> -> memref<79872x128xf32, #tpu.memory_space<hbm>>
        %dma_wait3A_57 = arith.constant 0 : i32
        %dma_wait3A_58 = tpu.memref_slice %dma_wait3A_56[%mul3A_53, %dma_wait3A_57] : memref<79872x128xf32, #tpu.memory_space<hbm>> -> memref<128x128xf32, #tpu.memory_space<hbm>>
        %dma_wait3A_59 = arith.constant 0 : i32
        %dma_wait3A_60 = arith.constant 0 : i32
        %dma_wait3A_61 = tpu.memref_slice %arg2[%arg0, %dma_wait3A_59, %dma_wait3A_60] : memref<2x79872x128xf32, #tpu.memory_space<hbm>> -> memref<1x79872x128xf32, #tpu.memory_space<hbm>>
        %dma_wait3A_62 = tpu.memref_squeeze %dma_wait3A_61 : memref<1x79872x128xf32, #tpu.memory_space<hbm>> -> memref<79872x128xf32, #tpu.memory_space<hbm>>
        %dma_wait3A_63 = arith.constant 0 : i32
        %dma_wait3A_64 = tpu.memref_slice %dma_wait3A_62[%mul3A_53, %dma_wait3A_63] : memref<79872x128xf32, #tpu.memory_space<hbm>> -> memref<128x128xf32, #tpu.memory_space<hbm>>
        tpu.wait_dma2 semaphore(%arg10 : memref<!tpu.dma_semaphore, #tpu.memory_space<semaphore_mem>>) src(%dma_wait3A_64 : memref<128x128xf32, #tpu.memory_space<hbm>>) dst(%arg7 : memref<128x128xf32, #tpu.memory_space<vmem>>)
        %run_scoped3A = arith.constant 0 : i32
        "tpu.region"() ({
          %run_scoped3A_65 = tpu.sem_alloc : memref<!tpu.dma_semaphore, #tpu.memory_space<semaphore_mem>>
          %dma_start3A = arith.constant 0 : i32
          %dma_start3A_66 = tpu.memref_slice %arg6[%run_scoped3A, %dma_start3A] : memref<2x128xi32, #tpu.memory_space<vmem>> -> memref<1x128xi32, #tpu.memory_space<vmem>>
          %dma_start3A_67 = tpu.memref_squeeze %dma_start3A_66 : memref<1x128xi32, #tpu.memory_space<vmem>> -> memref<128xi32, #tpu.memory_space<vmem>>
          %dma_start3A_68 = arith.constant 0 : i32
          %dma_start3A_69 = arith.constant 0 : i32
          %dma_start3A_70 = tpu.memref_slice %arg9[%dma_start3A_68, %dma_start3A_69] : memref<10240x128xf32, #tpu.memory_space<vmem_shared>> -> memref<10240x128xf32, #tpu.memory_space<vmem_shared>>
          tpu.enqueue_indirect_dma source(%arg7 : memref<128x128xf32, #tpu.memory_space<vmem>>) target(%dma_start3A_70 : memref<10240x128xf32, #tpu.memory_space<vmem_shared>>) offsets(%dma_start3A_67 : memref<128xi32, #tpu.memory_space<vmem>>) semaphore(%run_scoped3A_65 : memref<!tpu.dma_semaphore, #tpu.memory_space<semaphore_mem>>) {add = true}
          %dma_wait3A_71 = arith.constant 0 : i32
          %dma_wait3A_72 = tpu.memref_slice %arg6[%run_scoped3A, %dma_wait3A_71] : memref<2x128xi32, #tpu.memory_space<vmem>> -> memref<1x128xi32, #tpu.memory_space<vmem>>
          %dma_wait3A_73 = tpu.memref_squeeze %dma_wait3A_72 : memref<1x128xi32, #tpu.memory_space<vmem>> -> memref<128xi32, #tpu.memory_space<vmem>>
          %dma_wait3A_74 = arith.constant 0 : i32
          %dma_wait3A_75 = arith.constant 0 : i32
          %dma_wait3A_76 = tpu.memref_slice %arg9[%dma_wait3A_74, %dma_wait3A_75] : memref<10240x128xf32, #tpu.memory_space<vmem_shared>> -> memref<10240x128xf32, #tpu.memory_space<vmem_shared>>
          tpu.wait_indirect_dma semaphore(%run_scoped3A_65 : memref<!tpu.dma_semaphore, #tpu.memory_space<semaphore_mem>>) src(%arg7 : memref<128x128xf32, #tpu.memory_space<vmem>>) dst(%dma_wait3A_76 : memref<10240x128xf32, #tpu.memory_space<vmem_shared>>)
          tpu.yield
        }) : () -> ()
      } else {
      }
      %add3A_35 = arith.constant 2 : i32
      %add3A_36 = arith.addi %mul3A_20, %add3A_35 : i32
      %lt3A_37 = arith.constant 40 : i32
      %lt3A_38 = arith.cmpi slt, %add3A_36, %lt3A_37 : i32
      %add3A_39 = arith.constant 2 : i32
      %add3A_40 = arith.addi %add3A_23, %add3A_39 : i32
      %lt3A_41 = arith.constant 624 : i32
      %lt3A_42 = arith.cmpi slt, %add3A_40, %lt3A_41 : i32
      %and3A = arith.andi %lt3A_38, %lt3A_42 : i1
      %convert_element_type3A_43 = arith.extui %and3A : i1 to i32
      %cond3A_44 = arith.constant 0 : i32
      %cond3A_45 = arith.cmpi ne, %convert_element_type3A_43, %cond3A_44 : i32
      scf.if %cond3A_45 {
        %add3A_51 = arith.constant 2 : i32
        %add3A_52 = arith.addi %add3A_23, %add3A_51 : i32
        %sub3A = arith.constant 0 : i32
        %sub3A_53 = arith.subi %add3A_52, %sub3A : i32
        %mul3A_54 = arith.constant 128 : i32
        %mul3A_55 = arith.muli %sub3A_53, %mul3A_54 : i32
        %dma_start3A = arith.constant 0 : i32
        %dma_start3A_56 = arith.constant 0 : i32
        %dma_start3A_57 = tpu.memref_slice %arg2[%arg0, %dma_start3A, %dma_start3A_56] : memref<2x79872x128xf32, #tpu.memory_space<hbm>> -> memref<1x79872x128xf32, #tpu.memory_space<hbm>>
        %dma_start3A_58 = tpu.memref_squeeze %dma_start3A_57 : memref<1x79872x128xf32, #tpu.memory_space<hbm>> -> memref<79872x128xf32, #tpu.memory_space<hbm>>
        %dma_start3A_59 = arith.constant 0 : i32
        %dma_start3A_60 = tpu.memref_slice %dma_start3A_58[%mul3A_55, %dma_start3A_59] : memref<79872x128xf32, #tpu.memory_space<hbm>> -> memref<128x128xf32, #tpu.memory_space<hbm>>
        %dma_start3A_61 = arith.constant 0 : i32
        %dma_start3A_62 = arith.constant 0 : i32
        %dma_start3A_63 = tpu.memref_slice %arg2[%arg0, %dma_start3A_61, %dma_start3A_62] : memref<2x79872x128xf32, #tpu.memory_space<hbm>> -> memref<1x79872x128xf32, #tpu.memory_space<hbm>>
        %dma_start3A_64 = tpu.memref_squeeze %dma_start3A_63 : memref<1x79872x128xf32, #tpu.memory_space<hbm>> -> memref<79872x128xf32, #tpu.memory_space<hbm>>
        %dma_start3A_65 = arith.constant 0 : i32
        %dma_start3A_66 = tpu.memref_slice %dma_start3A_64[%mul3A_55, %dma_start3A_65] : memref<79872x128xf32, #tpu.memory_space<hbm>> -> memref<128x128xf32, #tpu.memory_space<hbm>>
        tpu.enqueue_dma source(%dma_start3A_66 : memref<128x128xf32, #tpu.memory_space<hbm>>) target(%arg7 : memref<128x128xf32, #tpu.memory_space<vmem>>) target_semaphore(%arg10 : memref<!tpu.dma_semaphore, #tpu.memory_space<semaphore_mem>>)
      } else {
      }
      %lt3A_46 = arith.constant 624 : i32
      %lt3A_47 = arith.cmpi slt, %add3A_24, %lt3A_46 : i32
      %convert_element_type3A_48 = arith.extui %lt3A_47 : i1 to i32
      %cond3A_49 = arith.constant 0 : i32
      %cond3A_50 = arith.cmpi ne, %convert_element_type3A_48, %cond3A_49 : i32
      scf.if %cond3A_50 {
        %sub3A = arith.constant 0 : i32
        %sub3A_51 = arith.subi %add3A_24, %sub3A : i32
        %mul3A_52 = arith.constant 128 : i32
        %mul3A_53 = arith.muli %sub3A_51, %mul3A_52 : i32
        %dma_wait3A = arith.constant 0 : i32
        %dma_wait3A_54 = arith.constant 0 : i32
        %dma_wait3A_55 = tpu.memref_slice %arg2[%arg0, %dma_wait3A, %dma_wait3A_54] : memref<2x79872x128xf32, #tpu.memory_space<hbm>> -> memref<1x79872x128xf32, #tpu.memory_space<hbm>>
        %dma_wait3A_56 = tpu.memref_squeeze %dma_wait3A_55 : memref<1x79872x128xf32, #tpu.memory_space<hbm>> -> memref<79872x128xf32, #tpu.memory_space<hbm>>
        %dma_wait3A_57 = arith.constant 0 : i32
        %dma_wait3A_58 = tpu.memref_slice %dma_wait3A_56[%mul3A_53, %dma_wait3A_57] : memref<79872x128xf32, #tpu.memory_space<hbm>> -> memref<128x128xf32, #tpu.memory_space<hbm>>
        %dma_wait3A_59 = arith.constant 0 : i32
        %dma_wait3A_60 = arith.constant 0 : i32
        %dma_wait3A_61 = tpu.memref_slice %arg2[%arg0, %dma_wait3A_59, %dma_wait3A_60] : memref<2x79872x128xf32, #tpu.memory_space<hbm>> -> memref<1x79872x128xf32, #tpu.memory_space<hbm>>
        %dma_wait3A_62 = tpu.memref_squeeze %dma_wait3A_61 : memref<1x79872x128xf32, #tpu.memory_space<hbm>> -> memref<79872x128xf32, #tpu.memory_space<hbm>>
        %dma_wait3A_63 = arith.constant 0 : i32
        %dma_wait3A_64 = tpu.memref_slice %dma_wait3A_62[%mul3A_53, %dma_wait3A_63] : memref<79872x128xf32, #tpu.memory_space<hbm>> -> memref<128x128xf32, #tpu.memory_space<hbm>>
        tpu.wait_dma2 semaphore(%arg11 : memref<!tpu.dma_semaphore, #tpu.memory_space<semaphore_mem>>) src(%dma_wait3A_64 : memref<128x128xf32, #tpu.memory_space<hbm>>) dst(%arg8 : memref<128x128xf32, #tpu.memory_space<vmem>>)
        %run_scoped3A = arith.constant 1 : i32
        "tpu.region"() ({
          %run_scoped3A_65 = tpu.sem_alloc : memref<!tpu.dma_semaphore, #tpu.memory_space<semaphore_mem>>
          %dma_start3A = arith.constant 0 : i32
          %dma_start3A_66 = tpu.memref_slice %arg6[%run_scoped3A, %dma_start3A] : memref<2x128xi32, #tpu.memory_space<vmem>> -> memref<1x128xi32, #tpu.memory_space<vmem>>
          %dma_start3A_67 = tpu.memref_squeeze %dma_start3A_66 : memref<1x128xi32, #tpu.memory_space<vmem>> -> memref<128xi32, #tpu.memory_space<vmem>>
          %dma_start3A_68 = arith.constant 0 : i32
          %dma_start3A_69 = arith.constant 0 : i32
          %dma_start3A_70 = tpu.memref_slice %arg9[%dma_start3A_68, %dma_start3A_69] : memref<10240x128xf32, #tpu.memory_space<vmem_shared>> -> memref<10240x128xf32, #tpu.memory_space<vmem_shared>>
          tpu.enqueue_indirect_dma source(%arg8 : memref<128x128xf32, #tpu.memory_space<vmem>>) target(%dma_start3A_70 : memref<10240x128xf32, #tpu.memory_space<vmem_shared>>) offsets(%dma_start3A_67 : memref<128xi32, #tpu.memory_space<vmem>>) semaphore(%run_scoped3A_65 : memref<!tpu.dma_semaphore, #tpu.memory_space<semaphore_mem>>) {add = true}
          %dma_wait3A_71 = arith.constant 0 : i32
          %dma_wait3A_72 = tpu.memref_slice %arg6[%run_scoped3A, %dma_wait3A_71] : memref<2x128xi32, #tpu.memory_space<vmem>> -> memref<1x128xi32, #tpu.memory_space<vmem>>
          %dma_wait3A_73 = tpu.memref_squeeze %dma_wait3A_72 : memref<1x128xi32, #tpu.memory_space<vmem>> -> memref<128xi32, #tpu.memory_space<vmem>>
          %dma_wait3A_74 = arith.constant 0 : i32
          %dma_wait3A_75 = arith.constant 0 : i32
          %dma_wait3A_76 = tpu.memref_slice %arg9[%dma_wait3A_74, %dma_wait3A_75] : memref<10240x128xf32, #tpu.memory_space<vmem_shared>> -> memref<10240x128xf32, #tpu.memory_space<vmem_shared>>
          tpu.wait_indirect_dma semaphore(%run_scoped3A_65 : memref<!tpu.dma_semaphore, #tpu.memory_space<semaphore_mem>>) src(%arg8 : memref<128x128xf32, #tpu.memory_space<vmem>>) dst(%dma_wait3A_76 : memref<10240x128xf32, #tpu.memory_space<vmem_shared>>)
          tpu.yield
        }) : () -> ()
      } else {
      }
    }
    %scan3A_12 = arith.constant 20 : i32
    %barrier3A_13 = arith.constant 0 : index
    tpu.barrier barrier_id(%barrier3A_13)
    %mul3A_14 = arith.constant 640 : i32
    %mul3A_15 = arith.muli %arg1, %mul3A_14 : i32
    %mul3A_16 = arith.constant 640 : i32
    %mul3A_17 = arith.muli %arg1, %mul3A_16 : i32
    "tpu.region"() ({
      %run_scoped3A = tpu.sem_alloc : memref<!tpu.dma_semaphore, #tpu.memory_space<semaphore_mem>>
      %dma_start3A = arith.constant 0 : i32
      %dma_start3A_18 = arith.constant 0 : i32
      %dma_start3A_19 = tpu.memref_slice %arg5[%arg0, %dma_start3A, %dma_start3A_18] : memref<2x10240x128xf32, #tpu.memory_space<hbm>> -> memref<1x10240x128xf32, #tpu.memory_space<hbm>>
      %dma_start3A_20 = tpu.memref_squeeze %dma_start3A_19 : memref<1x10240x128xf32, #tpu.memory_space<hbm>> -> memref<10240x128xf32, #tpu.memory_space<hbm>>
      %dma_start3A_21 = arith.constant 0 : i32
      %dma_start3A_22 = tpu.memref_slice %dma_start3A_20[%mul3A_17, %dma_start3A_21] : memref<10240x128xf32, #tpu.memory_space<hbm>> -> memref<640x128xf32, #tpu.memory_space<hbm>>
      %dma_start3A_23 = arith.constant 0 : i32
      %dma_start3A_24 = tpu.memref_slice %arg9[%mul3A_15, %dma_start3A_23] : memref<10240x128xf32, #tpu.memory_space<vmem_shared>> -> memref<640x128xf32, #tpu.memory_space<vmem_shared>>
      tpu.enqueue_dma source(%dma_start3A_24 : memref<640x128xf32, #tpu.memory_space<vmem_shared>>) target(%dma_start3A_22 : memref<640x128xf32, #tpu.memory_space<hbm>>) target_semaphore(%run_scoped3A : memref<!tpu.dma_semaphore, #tpu.memory_space<semaphore_mem>>)
      %dma_wait3A = arith.constant 0 : i32
      %dma_wait3A_25 = arith.constant 0 : i32
      %dma_wait3A_26 = tpu.memref_slice %arg5[%arg0, %dma_wait3A, %dma_wait3A_25] : memref<2x10240x128xf32, #tpu.memory_space<hbm>> -> memref<1x10240x128xf32, #tpu.memory_space<hbm>>
      %dma_wait3A_27 = tpu.memref_squeeze %dma_wait3A_26 : memref<1x10240x128xf32, #tpu.memory_space<hbm>> -> memref<10240x128xf32, #tpu.memory_space<hbm>>
      %dma_wait3A_28 = arith.constant 0 : i32
      %dma_wait3A_29 = tpu.memref_slice %dma_wait3A_27[%mul3A_17, %dma_wait3A_28] : memref<10240x128xf32, #tpu.memory_space<hbm>> -> memref<640x128xf32, #tpu.memory_space<hbm>>
      %dma_wait3A_30 = arith.constant 0 : i32
      %dma_wait3A_31 = tpu.memref_slice %arg9[%mul3A_15, %dma_wait3A_30] : memref<10240x128xf32, #tpu.memory_space<vmem_shared>> -> memref<640x128xf32, #tpu.memory_space<vmem_shared>>
      tpu.wait_dma2 semaphore(%run_scoped3A : memref<!tpu.dma_semaphore, #tpu.memory_space<semaphore_mem>>) src(%dma_wait3A_31 : memref<640x128xf32, #tpu.memory_space<vmem_shared>>) dst(%dma_wait3A_29 : memref<640x128xf32, #tpu.memory_space<hbm>>)
      tpu.yield
    }) : () -> ()
    return
  }
}

#map = affine_map<(d0, d1) -> (0, 0)>
#map1 = affine_map<(d0, d1) -> (0)>
module attributes {stable_mosaic.version = 14 : i64} {
  func.func @_sc_gather_body(%arg0: i32, %arg1: i32, %arg2: memref<10000x256xf32, #tpu.memory_space<hbm>>, %arg3: memref<10000xf32, #tpu.memory_space<hbm>>, %arg4: memref<10000xf32, #tpu.memory_space<hbm>>, %arg5: memref<167936xi32, #tpu.memory_space<hbm>>, %arg6: memref<167936xi32, #tpu.memory_space<hbm>>, %arg7: memref<128x16xf32, #tpu.memory_space<hbm>>, %arg8: memref<10240xf32, #tpu.memory_space<hbm>>, %arg9: memref<79872x256xf32, #tpu.memory_space<hbm>>, %arg10: memref<79872x16xf32, #tpu.memory_space<hbm>>, %arg11: memref<32x10240xf32, #tpu.memory_space<hbm>>, %arg12: memref<2560xi32, #tpu.memory_space<vmem>>, %arg13: memref<2560xi32, #tpu.memory_space<vmem>>, %arg14: memref<128x256xf32, #tpu.memory_space<vmem>>, %arg15: memref<128x256xf32, #tpu.memory_space<vmem>>, %arg16: memref<128x16xf32, #tpu.memory_space<vmem>>, %arg17: memref<10000xf32, #tpu.memory_space<vmem>>, %arg18: memref<10000xf32, #tpu.memory_space<vmem>>, %arg19: memref<10240xf32, #tpu.memory_space<vmem>>, %arg20: memref<!tpu.dma_semaphore, #tpu.memory_space<semaphore_mem>>, %arg21: memref<!tpu.dma_semaphore, #tpu.memory_space<semaphore_mem>>) attributes {dimension_semantics = [#tpu.dimension_semantics<core_parallel>, #tpu.dimension_semantics<subcore_parallel>], iteration_bounds = array<i64: 2, 16>, scalar_prefetch = 0 : i64, scratch_operands = 10 : i64, tpu.core_type = #tpu.core_type<sc_vector_subcore>, window_params = [{transform_indices = #map}, {transform_indices = #map1}, {transform_indices = #map1}, {transform_indices = #map1}, {transform_indices = #map1}, {transform_indices = #map}, {transform_indices = #map1}, {transform_indices = #map}, {transform_indices = #map}, {transform_indices = #map}]} {
    %mul3A = arith.constant 2 : i32
    %mul3A_0 = arith.muli %arg1, %mul3A : i32
    %add3A = arith.addi %mul3A_0, %arg0 : i32
    %mul3A_1 = arith.constant 20 : i32
    %mul3A_2 = arith.muli %add3A, %mul3A_1 : i32
    %add3A_3 = arith.constant 0 : i32
    %add3A_4 = arith.addi %add3A_3, %mul3A_2 : i32
    %mul3A_5 = arith.constant 128 : i32
    %mul3A_6 = arith.muli %add3A_4, %mul3A_5 : i32
    "tpu.region"() ({
      %run_scoped3A = tpu.sem_alloc : memref<!tpu.dma_semaphore, #tpu.memory_space<semaphore_mem>>
      %dma_start3A = tpu.memref_slice %arg5[%mul3A_6] : memref<167936xi32, #tpu.memory_space<hbm>> -> memref<2560xi32, #tpu.memory_space<hbm>>
      %dma_start3A_21 = tpu.memref_slice %arg5[%mul3A_6] : memref<167936xi32, #tpu.memory_space<hbm>> -> memref<2560xi32, #tpu.memory_space<hbm>>
      tpu.enqueue_dma source(%dma_start3A_21 : memref<2560xi32, #tpu.memory_space<hbm>>) target(%arg12 : memref<2560xi32, #tpu.memory_space<vmem>>) target_semaphore(%run_scoped3A : memref<!tpu.dma_semaphore, #tpu.memory_space<semaphore_mem>>)
      %dma_wait3A = tpu.memref_slice %arg5[%mul3A_6] : memref<167936xi32, #tpu.memory_space<hbm>> -> memref<2560xi32, #tpu.memory_space<hbm>>
      %dma_wait3A_22 = tpu.memref_slice %arg5[%mul3A_6] : memref<167936xi32, #tpu.memory_space<hbm>> -> memref<2560xi32, #tpu.memory_space<hbm>>
      tpu.wait_dma2 semaphore(%run_scoped3A : memref<!tpu.dma_semaphore, #tpu.memory_space<semaphore_mem>>) src(%dma_wait3A_22 : memref<2560xi32, #tpu.memory_space<hbm>>) dst(%arg12 : memref<2560xi32, #tpu.memory_space<vmem>>)
      tpu.yield
    }) : () -> ()
    %mul3A_7 = arith.constant 128 : i32
    %mul3A_8 = arith.muli %add3A_4, %mul3A_7 : i32
    "tpu.region"() ({
      %run_scoped3A = tpu.sem_alloc : memref<!tpu.dma_semaphore, #tpu.memory_space<semaphore_mem>>
      %dma_start3A = tpu.memref_slice %arg6[%mul3A_8] : memref<167936xi32, #tpu.memory_space<hbm>> -> memref<2560xi32, #tpu.memory_space<hbm>>
      %dma_start3A_21 = tpu.memref_slice %arg6[%mul3A_8] : memref<167936xi32, #tpu.memory_space<hbm>> -> memref<2560xi32, #tpu.memory_space<hbm>>
      tpu.enqueue_dma source(%dma_start3A_21 : memref<2560xi32, #tpu.memory_space<hbm>>) target(%arg13 : memref<2560xi32, #tpu.memory_space<vmem>>) target_semaphore(%run_scoped3A : memref<!tpu.dma_semaphore, #tpu.memory_space<semaphore_mem>>)
      %dma_wait3A = tpu.memref_slice %arg6[%mul3A_8] : memref<167936xi32, #tpu.memory_space<hbm>> -> memref<2560xi32, #tpu.memory_space<hbm>>
      %dma_wait3A_22 = tpu.memref_slice %arg6[%mul3A_8] : memref<167936xi32, #tpu.memory_space<hbm>> -> memref<2560xi32, #tpu.memory_space<hbm>>
      tpu.wait_dma2 semaphore(%run_scoped3A : memref<!tpu.dma_semaphore, #tpu.memory_space<semaphore_mem>>) src(%dma_wait3A_22 : memref<2560xi32, #tpu.memory_space<hbm>>) dst(%arg13 : memref<2560xi32, #tpu.memory_space<vmem>>)
      tpu.yield
    }) : () -> ()
    "tpu.region"() ({
      %run_scoped3A = tpu.sem_alloc : memref<!tpu.dma_semaphore, #tpu.memory_space<semaphore_mem>>
      tpu.enqueue_dma source(%arg3 : memref<10000xf32, #tpu.memory_space<hbm>>) target(%arg17 : memref<10000xf32, #tpu.memory_space<vmem>>) target_semaphore(%run_scoped3A : memref<!tpu.dma_semaphore, #tpu.memory_space<semaphore_mem>>)
      tpu.wait_dma2 semaphore(%run_scoped3A : memref<!tpu.dma_semaphore, #tpu.memory_space<semaphore_mem>>) src(%arg3 : memref<10000xf32, #tpu.memory_space<hbm>>) dst(%arg17 : memref<10000xf32, #tpu.memory_space<vmem>>)
      tpu.yield
    }) : () -> ()
    "tpu.region"() ({
      %run_scoped3A = tpu.sem_alloc : memref<!tpu.dma_semaphore, #tpu.memory_space<semaphore_mem>>
      tpu.enqueue_dma source(%arg4 : memref<10000xf32, #tpu.memory_space<hbm>>) target(%arg18 : memref<10000xf32, #tpu.memory_space<vmem>>) target_semaphore(%run_scoped3A : memref<!tpu.dma_semaphore, #tpu.memory_space<semaphore_mem>>)
      tpu.wait_dma2 semaphore(%run_scoped3A : memref<!tpu.dma_semaphore, #tpu.memory_space<semaphore_mem>>) src(%arg4 : memref<10000xf32, #tpu.memory_space<hbm>>) dst(%arg18 : memref<10000xf32, #tpu.memory_space<vmem>>)
      tpu.yield
    }) : () -> ()
    "tpu.region"() ({
      %run_scoped3A = tpu.sem_alloc : memref<!tpu.dma_semaphore, #tpu.memory_space<semaphore_mem>>
      tpu.enqueue_dma source(%arg7 : memref<128x16xf32, #tpu.memory_space<hbm>>) target(%arg16 : memref<128x16xf32, #tpu.memory_space<vmem>>) target_semaphore(%run_scoped3A : memref<!tpu.dma_semaphore, #tpu.memory_space<semaphore_mem>>)
      tpu.wait_dma2 semaphore(%run_scoped3A : memref<!tpu.dma_semaphore, #tpu.memory_space<semaphore_mem>>) src(%arg7 : memref<128x16xf32, #tpu.memory_space<hbm>>) dst(%arg16 : memref<128x16xf32, #tpu.memory_space<vmem>>)
      tpu.yield
    }) : () -> ()
    "tpu.region"() ({
      %run_scoped3A = tpu.sem_alloc : memref<!tpu.dma_semaphore, #tpu.memory_space<semaphore_mem>>
      tpu.enqueue_dma source(%arg8 : memref<10240xf32, #tpu.memory_space<hbm>>) target(%arg19 : memref<10240xf32, #tpu.memory_space<vmem>>) target_semaphore(%run_scoped3A : memref<!tpu.dma_semaphore, #tpu.memory_space<semaphore_mem>>)
      tpu.wait_dma2 semaphore(%run_scoped3A : memref<!tpu.dma_semaphore, #tpu.memory_space<semaphore_mem>>) src(%arg8 : memref<10240xf32, #tpu.memory_space<hbm>>) dst(%arg19 : memref<10240xf32, #tpu.memory_space<vmem>>)
      tpu.yield
    }) : () -> ()
    %iota3A = tpu.iota {dimensions = array<i32: 0>} : vector<16xi32>
    %broadcast_in_dim3A = arith.constant 0 : i32
    %broadcast_in_dim3A_9 = vector.broadcast %broadcast_in_dim3A : i32 to vector<16xi32>
    %broadcast_in_dim3A_10 = arith.constant 1 : i32
    %broadcast_in_dim3A_11 = vector.broadcast %broadcast_in_dim3A_10 : i32 to vector<16xi32>
    %broadcast_in_dim3A_12 = arith.constant 1.000000e+00 : f32
    %broadcast_in_dim3A_13 = vector.broadcast %broadcast_in_dim3A_12 : f32 to vector<16xf32>
    %lt3A = arith.constant 624 : i32
    %lt3A_14 = arith.cmpi slt, %add3A_4, %lt3A : i32
    %convert_element_type3A = arith.extui %lt3A_14 : i1 to i32
    %cond3A = arith.constant 0 : i32
    %cond3A_15 = arith.cmpi ne, %convert_element_type3A, %cond3A : i32
    scf.if %cond3A_15 {
      %dma_start3A = arith.constant 0 : i32
      %dma_start3A_21 = tpu.memref_slice %arg12[%dma_start3A] : memref<2560xi32, #tpu.memory_space<vmem>> -> memref<128xi32, #tpu.memory_space<vmem>>
      %dma_start3A_22 = arith.constant 0 : i32
      %dma_start3A_23 = arith.constant 0 : i32
      %dma_start3A_24 = tpu.memref_slice %arg2[%dma_start3A_22, %dma_start3A_23] : memref<10000x256xf32, #tpu.memory_space<hbm>> -> memref<10000x256xf32, #tpu.memory_space<hbm>>
      tpu.enqueue_indirect_dma source(%dma_start3A_24 : memref<10000x256xf32, #tpu.memory_space<hbm>>) target(%arg14 : memref<128x256xf32, #tpu.memory_space<vmem>>) offsets(%dma_start3A_21 : memref<128xi32, #tpu.memory_space<vmem>>) semaphore(%arg20 : memref<!tpu.dma_semaphore, #tpu.memory_space<semaphore_mem>>)
    } else {
    }
    %scan3A = arith.constant 0 : i32
    %scan3A_16 = arith.constant 0 : i32
    %scan3A_17 = arith.constant 10 : i32
    %scan3A_18 = arith.addi %scan3A_16, %scan3A_17 : i32
    %scan3A_19 = arith.constant 1 : i32
    scf.for %scan3A_21 = %scan3A_16 to %scan3A_18 step %scan3A_19  : i32 {
      %mul3A_22 = arith.constant 2 : i32
      %mul3A_23 = arith.muli %mul3A_22, %scan3A_21 : i32
      %add3A_24 = arith.constant 1 : i32
      %add3A_25 = arith.addi %mul3A_23, %add3A_24 : i32
      %add3A_26 = arith.addi %add3A_4, %mul3A_23 : i32
      %add3A_27 = arith.addi %add3A_4, %add3A_25 : i32
      %lt3A_28 = arith.constant 624 : i32
      %lt3A_29 = arith.cmpi slt, %add3A_27, %lt3A_28 : i32
      %convert_element_type3A_30 = arith.extui %lt3A_29 : i1 to i32
      %cond3A_31 = arith.constant 0 : i32
      %cond3A_32 = arith.cmpi ne, %convert_element_type3A_30, %cond3A_31 : i32
      scf.if %cond3A_32 {
        %mul3A_54 = arith.constant 128 : i32
        %mul3A_55 = arith.muli %add3A_25, %mul3A_54 : i32
        %dma_start3A = tpu.memref_slice %arg12[%mul3A_55] : memref<2560xi32, #tpu.memory_space<vmem>> -> memref<128xi32, #tpu.memory_space<vmem>>
        %dma_start3A_56 = arith.constant 0 : i32
        %dma_start3A_57 = arith.constant 0 : i32
        %dma_start3A_58 = tpu.memref_slice %arg2[%dma_start3A_56, %dma_start3A_57] : memref<10000x256xf32, #tpu.memory_space<hbm>> -> memref<10000x256xf32, #tpu.memory_space<hbm>>
        tpu.enqueue_indirect_dma source(%dma_start3A_58 : memref<10000x256xf32, #tpu.memory_space<hbm>>) target(%arg15 : memref<128x256xf32, #tpu.memory_space<vmem>>) offsets(%dma_start3A : memref<128xi32, #tpu.memory_space<vmem>>) semaphore(%arg21 : memref<!tpu.dma_semaphore, #tpu.memory_space<semaphore_mem>>)
      } else {
      }
      %lt3A_33 = arith.constant 624 : i32
      %lt3A_34 = arith.cmpi slt, %add3A_26, %lt3A_33 : i32
      %convert_element_type3A_35 = arith.extui %lt3A_34 : i1 to i32
      %cond3A_36 = arith.constant 0 : i32
      %cond3A_37 = arith.cmpi ne, %convert_element_type3A_35, %cond3A_36 : i32
      scf.if %cond3A_37 {
        %mul3A_54 = arith.constant 128 : i32
        %mul3A_55 = arith.muli %mul3A_23, %mul3A_54 : i32
        %add3A_56 = arith.constant 0 : i32
        %add3A_57 = arith.addi %mul3A_55, %add3A_56 : i32
        %get3A = arith.index_cast %add3A_57 : i32 to index
        %get3A_58 = tpu.vector_load %arg13[%get3A] {strides = array<i32>} : memref<2560xi32, #tpu.memory_space<vmem>>, vector<16xi32>,
        %gather3A = tpu.vector_load_idx %arg17[%get3A_58] : memref<10000xf32, #tpu.memory_space<vmem>>[vector<16xi32>], vector<16xf32>,
        %gather3A_59 = tpu.vector_load_idx %arg18[%get3A_58] : memref<10000xf32, #tpu.memory_space<vmem>>[vector<16xi32>], vector<16xf32>,
        %add3A_60 = arith.constant 0 : i32
        %add3A_61 = vector.broadcast %add3A_60 : i32 to vector<16xi32>
        %add3A_62 = arith.addi %iota3A, %add3A_61 : vector<16xi32>
        tpu.vector_store_idx %arg16[%add3A_62, %broadcast_in_dim3A_9], %gather3A : memref<128x16xf32, #tpu.memory_space<vmem>>[vector<16xi32>, vector<16xi32>], vector<16xf32>,
        tpu.vector_store_idx %arg16[%add3A_62, %broadcast_in_dim3A_11], %gather3A_59 : memref<128x16xf32, #tpu.memory_space<vmem>>[vector<16xi32>, vector<16xi32>], vector<16xf32>,
        %mul3A_63 = arith.constant 128 : i32
        %mul3A_64 = arith.muli %mul3A_23, %mul3A_63 : i32
        %add3A_65 = arith.constant 0 : i32
        %add3A_66 = arith.addi %mul3A_64, %add3A_65 : i32
        %get3A_67 = arith.index_cast %add3A_66 : i32 to index
        %get3A_68 = tpu.vector_load %arg12[%get3A_67] {strides = array<i32>} : memref<2560xi32, #tpu.memory_space<vmem>>, vector<16xi32>,
        tpu.vector_store_idx %arg19[%get3A_68], %broadcast_in_dim3A_13 {add = true} : memref<10240xf32, #tpu.memory_space<vmem>>[vector<16xi32>], vector<16xf32>,
        %mul3A_69 = arith.constant 128 : i32
        %mul3A_70 = arith.muli %mul3A_23, %mul3A_69 : i32
        %add3A_71 = arith.constant 16 : i32
        %add3A_72 = arith.addi %mul3A_70, %add3A_71 : i32
        %get3A_73 = arith.index_cast %add3A_72 : i32 to index
        %get3A_74 = tpu.vector_load %arg13[%get3A_73] {strides = array<i32>} : memref<2560xi32, #tpu.memory_space<vmem>>, vector<16xi32>,
        %gather3A_75 = tpu.vector_load_idx %arg17[%get3A_74] : memref<10000xf32, #tpu.memory_space<vmem>>[vector<16xi32>], vector<16xf32>,
        %gather3A_76 = tpu.vector_load_idx %arg18[%get3A_74] : memref<10000xf32, #tpu.memory_space<vmem>>[vector<16xi32>], vector<16xf32>,
        %add3A_77 = arith.constant 16 : i32
        %add3A_78 = vector.broadcast %add3A_77 : i32 to vector<16xi32>
        %add3A_79 = arith.addi %iota3A, %add3A_78 : vector<16xi32>
        tpu.vector_store_idx %arg16[%add3A_79, %broadcast_in_dim3A_9], %gather3A_75 : memref<128x16xf32, #tpu.memory_space<vmem>>[vector<16xi32>, vector<16xi32>], vector<16xf32>,
        tpu.vector_store_idx %arg16[%add3A_79, %broadcast_in_dim3A_11], %gather3A_76 : memref<128x16xf32, #tpu.memory_space<vmem>>[vector<16xi32>, vector<16xi32>], vector<16xf32>,
        %mul3A_80 = arith.constant 128 : i32
        %mul3A_81 = arith.muli %mul3A_23, %mul3A_80 : i32
        %add3A_82 = arith.constant 16 : i32
        %add3A_83 = arith.addi %mul3A_81, %add3A_82 : i32
        %get3A_84 = arith.index_cast %add3A_83 : i32 to index
        %get3A_85 = tpu.vector_load %arg12[%get3A_84] {strides = array<i32>} : memref<2560xi32, #tpu.memory_space<vmem>>, vector<16xi32>,
        tpu.vector_store_idx %arg19[%get3A_85], %broadcast_in_dim3A_13 {add = true} : memref<10240xf32, #tpu.memory_space<vmem>>[vector<16xi32>], vector<16xf32>,
        %mul3A_86 = arith.constant 128 : i32
        %mul3A_87 = arith.muli %mul3A_23, %mul3A_86 : i32
        %add3A_88 = arith.constant 32 : i32
        %add3A_89 = arith.addi %mul3A_87, %add3A_88 : i32
        %get3A_90 = arith.index_cast %add3A_89 : i32 to index
        %get3A_91 = tpu.vector_load %arg13[%get3A_90] {strides = array<i32>} : memref<2560xi32, #tpu.memory_space<vmem>>, vector<16xi32>,
        %gather3A_92 = tpu.vector_load_idx %arg17[%get3A_91] : memref<10000xf32, #tpu.memory_space<vmem>>[vector<16xi32>], vector<16xf32>,
        %gather3A_93 = tpu.vector_load_idx %arg18[%get3A_91] : memref<10000xf32, #tpu.memory_space<vmem>>[vector<16xi32>], vector<16xf32>,
        %add3A_94 = arith.constant 32 : i32
        %add3A_95 = vector.broadcast %add3A_94 : i32 to vector<16xi32>
        %add3A_96 = arith.addi %iota3A, %add3A_95 : vector<16xi32>
        tpu.vector_store_idx %arg16[%add3A_96, %broadcast_in_dim3A_9], %gather3A_92 : memref<128x16xf32, #tpu.memory_space<vmem>>[vector<16xi32>, vector<16xi32>], vector<16xf32>,
        tpu.vector_store_idx %arg16[%add3A_96, %broadcast_in_dim3A_11], %gather3A_93 : memref<128x16xf32, #tpu.memory_space<vmem>>[vector<16xi32>, vector<16xi32>], vector<16xf32>,
        %mul3A_97 = arith.constant 128 : i32
        %mul3A_98 = arith.muli %mul3A_23, %mul3A_97 : i32
        %add3A_99 = arith.constant 32 : i32
        %add3A_100 = arith.addi %mul3A_98, %add3A_99 : i32
        %get3A_101 = arith.index_cast %add3A_100 : i32 to index
        %get3A_102 = tpu.vector_load %arg12[%get3A_101] {strides = array<i32>} : memref<2560xi32, #tpu.memory_space<vmem>>, vector<16xi32>,
        tpu.vector_store_idx %arg19[%get3A_102], %broadcast_in_dim3A_13 {add = true} : memref<10240xf32, #tpu.memory_space<vmem>>[vector<16xi32>], vector<16xf32>,
        %mul3A_103 = arith.constant 128 : i32
        %mul3A_104 = arith.muli %mul3A_23, %mul3A_103 : i32
        %add3A_105 = arith.constant 48 : i32
        %add3A_106 = arith.addi %mul3A_104, %add3A_105 : i32
        %get3A_107 = arith.index_cast %add3A_106 : i32 to index
        %get3A_108 = tpu.vector_load %arg13[%get3A_107] {strides = array<i32>} : memref<2560xi32, #tpu.memory_space<vmem>>, vector<16xi32>,
        %gather3A_109 = tpu.vector_load_idx %arg17[%get3A_108] : memref<10000xf32, #tpu.memory_space<vmem>>[vector<16xi32>], vector<16xf32>,
        %gather3A_110 = tpu.vector_load_idx %arg18[%get3A_108] : memref<10000xf32, #tpu.memory_space<vmem>>[vector<16xi32>], vector<16xf32>,
        %add3A_111 = arith.constant 48 : i32
        %add3A_112 = vector.broadcast %add3A_111 : i32 to vector<16xi32>
        %add3A_113 = arith.addi %iota3A, %add3A_112 : vector<16xi32>
        tpu.vector_store_idx %arg16[%add3A_113, %broadcast_in_dim3A_9], %gather3A_109 : memref<128x16xf32, #tpu.memory_space<vmem>>[vector<16xi32>, vector<16xi32>], vector<16xf32>,
        tpu.vector_store_idx %arg16[%add3A_113, %broadcast_in_dim3A_11], %gather3A_110 : memref<128x16xf32, #tpu.memory_space<vmem>>[vector<16xi32>, vector<16xi32>], vector<16xf32>,
        %mul3A_114 = arith.constant 128 : i32
        %mul3A_115 = arith.muli %mul3A_23, %mul3A_114 : i32
        %add3A_116 = arith.constant 48 : i32
        %add3A_117 = arith.addi %mul3A_115, %add3A_116 : i32
        %get3A_118 = arith.index_cast %add3A_117 : i32 to index
        %get3A_119 = tpu.vector_load %arg12[%get3A_118] {strides = array<i32>} : memref<2560xi32, #tpu.memory_space<vmem>>, vector<16xi32>,
        tpu.vector_store_idx %arg19[%get3A_119], %broadcast_in_dim3A_13 {add = true} : memref<10240xf32, #tpu.memory_space<vmem>>[vector<16xi32>], vector<16xf32>,
        %mul3A_120 = arith.constant 128 : i32
        %mul3A_121 = arith.muli %mul3A_23, %mul3A_120 : i32
        %add3A_122 = arith.constant 64 : i32
        %add3A_123 = arith.addi %mul3A_121, %add3A_122 : i32
        %get3A_124 = arith.index_cast %add3A_123 : i32 to index
        %get3A_125 = tpu.vector_load %arg13[%get3A_124] {strides = array<i32>} : memref<2560xi32, #tpu.memory_space<vmem>>, vector<16xi32>,
        %gather3A_126 = tpu.vector_load_idx %arg17[%get3A_125] : memref<10000xf32, #tpu.memory_space<vmem>>[vector<16xi32>], vector<16xf32>,
        %gather3A_127 = tpu.vector_load_idx %arg18[%get3A_125] : memref<10000xf32, #tpu.memory_space<vmem>>[vector<16xi32>], vector<16xf32>,
        %add3A_128 = arith.constant 64 : i32
        %add3A_129 = vector.broadcast %add3A_128 : i32 to vector<16xi32>
        %add3A_130 = arith.addi %iota3A, %add3A_129 : vector<16xi32>
        tpu.vector_store_idx %arg16[%add3A_130, %broadcast_in_dim3A_9], %gather3A_126 : memref<128x16xf32, #tpu.memory_space<vmem>>[vector<16xi32>, vector<16xi32>], vector<16xf32>,
        tpu.vector_store_idx %arg16[%add3A_130, %broadcast_in_dim3A_11], %gather3A_127 : memref<128x16xf32, #tpu.memory_space<vmem>>[vector<16xi32>, vector<16xi32>], vector<16xf32>,
        %mul3A_131 = arith.constant 128 : i32
        %mul3A_132 = arith.muli %mul3A_23, %mul3A_131 : i32
        %add3A_133 = arith.constant 64 : i32
        %add3A_134 = arith.addi %mul3A_132, %add3A_133 : i32
        %get3A_135 = arith.index_cast %add3A_134 : i32 to index
        %get3A_136 = tpu.vector_load %arg12[%get3A_135] {strides = array<i32>} : memref<2560xi32, #tpu.memory_space<vmem>>, vector<16xi32>,
        tpu.vector_store_idx %arg19[%get3A_136], %broadcast_in_dim3A_13 {add = true} : memref<10240xf32, #tpu.memory_space<vmem>>[vector<16xi32>], vector<16xf32>,
        %mul3A_137 = arith.constant 128 : i32
        %mul3A_138 = arith.muli %mul3A_23, %mul3A_137 : i32
        %add3A_139 = arith.constant 80 : i32
        %add3A_140 = arith.addi %mul3A_138, %add3A_139 : i32
        %get3A_141 = arith.index_cast %add3A_140 : i32 to index
        %get3A_142 = tpu.vector_load %arg13[%get3A_141] {strides = array<i32>} : memref<2560xi32, #tpu.memory_space<vmem>>, vector<16xi32>,
        %gather3A_143 = tpu.vector_load_idx %arg17[%get3A_142] : memref<10000xf32, #tpu.memory_space<vmem>>[vector<16xi32>], vector<16xf32>,
        %gather3A_144 = tpu.vector_load_idx %arg18[%get3A_142] : memref<10000xf32, #tpu.memory_space<vmem>>[vector<16xi32>], vector<16xf32>,
        %add3A_145 = arith.constant 80 : i32
        %add3A_146 = vector.broadcast %add3A_145 : i32 to vector<16xi32>
        %add3A_147 = arith.addi %iota3A, %add3A_146 : vector<16xi32>
        tpu.vector_store_idx %arg16[%add3A_147, %broadcast_in_dim3A_9], %gather3A_143 : memref<128x16xf32, #tpu.memory_space<vmem>>[vector<16xi32>, vector<16xi32>], vector<16xf32>,
        tpu.vector_store_idx %arg16[%add3A_147, %broadcast_in_dim3A_11], %gather3A_144 : memref<128x16xf32, #tpu.memory_space<vmem>>[vector<16xi32>, vector<16xi32>], vector<16xf32>,
        %mul3A_148 = arith.constant 128 : i32
        %mul3A_149 = arith.muli %mul3A_23, %mul3A_148 : i32
        %add3A_150 = arith.constant 80 : i32
        %add3A_151 = arith.addi %mul3A_149, %add3A_150 : i32
        %get3A_152 = arith.index_cast %add3A_151 : i32 to index
        %get3A_153 = tpu.vector_load %arg12[%get3A_152] {strides = array<i32>} : memref<2560xi32, #tpu.memory_space<vmem>>, vector<16xi32>,
        tpu.vector_store_idx %arg19[%get3A_153], %broadcast_in_dim3A_13 {add = true} : memref<10240xf32, #tpu.memory_space<vmem>>[vector<16xi32>], vector<16xf32>,
        %mul3A_154 = arith.constant 128 : i32
        %mul3A_155 = arith.muli %mul3A_23, %mul3A_154 : i32
        %add3A_156 = arith.constant 96 : i32
        %add3A_157 = arith.addi %mul3A_155, %add3A_156 : i32
        %get3A_158 = arith.index_cast %add3A_157 : i32 to index
        %get3A_159 = tpu.vector_load %arg13[%get3A_158] {strides = array<i32>} : memref<2560xi32, #tpu.memory_space<vmem>>, vector<16xi32>,
        %gather3A_160 = tpu.vector_load_idx %arg17[%get3A_159] : memref<10000xf32, #tpu.memory_space<vmem>>[vector<16xi32>], vector<16xf32>,
        %gather3A_161 = tpu.vector_load_idx %arg18[%get3A_159] : memref<10000xf32, #tpu.memory_space<vmem>>[vector<16xi32>], vector<16xf32>,
        %add3A_162 = arith.constant 96 : i32
        %add3A_163 = vector.broadcast %add3A_162 : i32 to vector<16xi32>
        %add3A_164 = arith.addi %iota3A, %add3A_163 : vector<16xi32>
        tpu.vector_store_idx %arg16[%add3A_164, %broadcast_in_dim3A_9], %gather3A_160 : memref<128x16xf32, #tpu.memory_space<vmem>>[vector<16xi32>, vector<16xi32>], vector<16xf32>,
        tpu.vector_store_idx %arg16[%add3A_164, %broadcast_in_dim3A_11], %gather3A_161 : memref<128x16xf32, #tpu.memory_space<vmem>>[vector<16xi32>, vector<16xi32>], vector<16xf32>,
        %mul3A_165 = arith.constant 128 : i32
        %mul3A_166 = arith.muli %mul3A_23, %mul3A_165 : i32
        %add3A_167 = arith.constant 96 : i32
        %add3A_168 = arith.addi %mul3A_166, %add3A_167 : i32
        %get3A_169 = arith.index_cast %add3A_168 : i32 to index
        %get3A_170 = tpu.vector_load %arg12[%get3A_169] {strides = array<i32>} : memref<2560xi32, #tpu.memory_space<vmem>>, vector<16xi32>,
        tpu.vector_store_idx %arg19[%get3A_170], %broadcast_in_dim3A_13 {add = true} : memref<10240xf32, #tpu.memory_space<vmem>>[vector<16xi32>], vector<16xf32>,
        %mul3A_171 = arith.constant 128 : i32
        %mul3A_172 = arith.muli %mul3A_23, %mul3A_171 : i32
        %add3A_173 = arith.constant 112 : i32
        %add3A_174 = arith.addi %mul3A_172, %add3A_173 : i32
        %get3A_175 = arith.index_cast %add3A_174 : i32 to index
        %get3A_176 = tpu.vector_load %arg13[%get3A_175] {strides = array<i32>} : memref<2560xi32, #tpu.memory_space<vmem>>, vector<16xi32>,
        %gather3A_177 = tpu.vector_load_idx %arg17[%get3A_176] : memref<10000xf32, #tpu.memory_space<vmem>>[vector<16xi32>], vector<16xf32>,
        %gather3A_178 = tpu.vector_load_idx %arg18[%get3A_176] : memref<10000xf32, #tpu.memory_space<vmem>>[vector<16xi32>], vector<16xf32>,
        %add3A_179 = arith.constant 112 : i32
        %add3A_180 = vector.broadcast %add3A_179 : i32 to vector<16xi32>
        %add3A_181 = arith.addi %iota3A, %add3A_180 : vector<16xi32>
        tpu.vector_store_idx %arg16[%add3A_181, %broadcast_in_dim3A_9], %gather3A_177 : memref<128x16xf32, #tpu.memory_space<vmem>>[vector<16xi32>, vector<16xi32>], vector<16xf32>,
        tpu.vector_store_idx %arg16[%add3A_181, %broadcast_in_dim3A_11], %gather3A_178 : memref<128x16xf32, #tpu.memory_space<vmem>>[vector<16xi32>, vector<16xi32>], vector<16xf32>,
        %mul3A_182 = arith.constant 128 : i32
        %mul3A_183 = arith.muli %mul3A_23, %mul3A_182 : i32
        %add3A_184 = arith.constant 112 : i32
        %add3A_185 = arith.addi %mul3A_183, %add3A_184 : i32
        %get3A_186 = arith.index_cast %add3A_185 : i32 to index
        %get3A_187 = tpu.vector_load %arg12[%get3A_186] {strides = array<i32>} : memref<2560xi32, #tpu.memory_space<vmem>>, vector<16xi32>,
        tpu.vector_store_idx %arg19[%get3A_187], %broadcast_in_dim3A_13 {add = true} : memref<10240xf32, #tpu.memory_space<vmem>>[vector<16xi32>], vector<16xf32>,
        %mul3A_188 = arith.constant 128 : i32
        %mul3A_189 = arith.muli %mul3A_23, %mul3A_188 : i32
        %dma_wait3A = tpu.memref_slice %arg12[%mul3A_189] : memref<2560xi32, #tpu.memory_space<vmem>> -> memref<128xi32, #tpu.memory_space<vmem>>
        %dma_wait3A_190 = arith.constant 0 : i32
        %dma_wait3A_191 = arith.constant 0 : i32
        %dma_wait3A_192 = tpu.memref_slice %arg2[%dma_wait3A_190, %dma_wait3A_191] : memref<10000x256xf32, #tpu.memory_space<hbm>> -> memref<10000x256xf32, #tpu.memory_space<hbm>>
        tpu.wait_indirect_dma semaphore(%arg20 : memref<!tpu.dma_semaphore, #tpu.memory_space<semaphore_mem>>) src(%dma_wait3A_192 : memref<10000x256xf32, #tpu.memory_space<hbm>>) dst(%arg14 : memref<128x256xf32, #tpu.memory_space<vmem>>)
        %sub3A = arith.constant 0 : i32
        %sub3A_193 = arith.subi %add3A_26, %sub3A : i32
        %mul3A_194 = arith.constant 128 : i32
        %mul3A_195 = arith.muli %sub3A_193, %mul3A_194 : i32
        "tpu.region"() ({
          %run_scoped3A = tpu.sem_alloc : memref<!tpu.dma_semaphore, #tpu.memory_space<semaphore_mem>>
          %dma_start3A = arith.constant 0 : i32
          %dma_start3A_200 = tpu.memref_slice %arg9[%mul3A_195, %dma_start3A] : memref<79872x256xf32, #tpu.memory_space<hbm>> -> memref<128x256xf32, #tpu.memory_space<hbm>>
          %dma_start3A_201 = arith.constant 0 : i32
          %dma_start3A_202 = tpu.memref_slice %arg9[%mul3A_195, %dma_start3A_201] : memref<79872x256xf32, #tpu.memory_space<hbm>> -> memref<128x256xf32, #tpu.memory_space<hbm>>
          tpu.enqueue_dma source(%arg14 : memref<128x256xf32, #tpu.memory_space<vmem>>) target(%dma_start3A_202 : memref<128x256xf32, #tpu.memory_space<hbm>>) target_semaphore(%run_scoped3A : memref<!tpu.dma_semaphore, #tpu.memory_space<semaphore_mem>>)
          %dma_wait3A_203 = arith.constant 0 : i32
          %dma_wait3A_204 = tpu.memref_slice %arg9[%mul3A_195, %dma_wait3A_203] : memref<79872x256xf32, #tpu.memory_space<hbm>> -> memref<128x256xf32, #tpu.memory_space<hbm>>
          %dma_wait3A_205 = arith.constant 0 : i32
          %dma_wait3A_206 = tpu.memref_slice %arg9[%mul3A_195, %dma_wait3A_205] : memref<79872x256xf32, #tpu.memory_space<hbm>> -> memref<128x256xf32, #tpu.memory_space<hbm>>
          tpu.wait_dma2 semaphore(%run_scoped3A : memref<!tpu.dma_semaphore, #tpu.memory_space<semaphore_mem>>) src(%arg14 : memref<128x256xf32, #tpu.memory_space<vmem>>) dst(%dma_wait3A_206 : memref<128x256xf32, #tpu.memory_space<hbm>>)
          tpu.yield
        }) : () -> ()
        %sub3A_196 = arith.constant 0 : i32
        %sub3A_197 = arith.subi %add3A_26, %sub3A_196 : i32
        %mul3A_198 = arith.constant 128 : i32
        %mul3A_199 = arith.muli %sub3A_197, %mul3A_198 : i32
        "tpu.region"() ({
          %run_scoped3A = tpu.sem_alloc : memref<!tpu.dma_semaphore, #tpu.memory_space<semaphore_mem>>
          %dma_start3A = arith.constant 0 : i32
          %dma_start3A_200 = tpu.memref_slice %arg10[%mul3A_199, %dma_start3A] : memref<79872x16xf32, #tpu.memory_space<hbm>> -> memref<128x16xf32, #tpu.memory_space<hbm>>
          %dma_start3A_201 = arith.constant 0 : i32
          %dma_start3A_202 = tpu.memref_slice %arg10[%mul3A_199, %dma_start3A_201] : memref<79872x16xf32, #tpu.memory_space<hbm>> -> memref<128x16xf32, #tpu.memory_space<hbm>>
          tpu.enqueue_dma source(%arg16 : memref<128x16xf32, #tpu.memory_space<vmem>>) target(%dma_start3A_202 : memref<128x16xf32, #tpu.memory_space<hbm>>) target_semaphore(%run_scoped3A : memref<!tpu.dma_semaphore, #tpu.memory_space<semaphore_mem>>)
          %dma_wait3A_203 = arith.constant 0 : i32
          %dma_wait3A_204 = tpu.memref_slice %arg10[%mul3A_199, %dma_wait3A_203] : memref<79872x16xf32, #tpu.memory_space<hbm>> -> memref<128x16xf32, #tpu.memory_space<hbm>>
          %dma_wait3A_205 = arith.constant 0 : i32
          %dma_wait3A_206 = tpu.memref_slice %arg10[%mul3A_199, %dma_wait3A_205] : memref<79872x16xf32, #tpu.memory_space<hbm>> -> memref<128x16xf32, #tpu.memory_space<hbm>>
          tpu.wait_dma2 semaphore(%run_scoped3A : memref<!tpu.dma_semaphore, #tpu.memory_space<semaphore_mem>>) src(%arg16 : memref<128x16xf32, #tpu.memory_space<vmem>>) dst(%dma_wait3A_206 : memref<128x16xf32, #tpu.memory_space<hbm>>)
          tpu.yield
        }) : () -> ()
      } else {
      }
      %add3A_38 = arith.constant 2 : i32
      %add3A_39 = arith.addi %mul3A_23, %add3A_38 : i32
      %lt3A_40 = arith.constant 20 : i32
      %lt3A_41 = arith.cmpi slt, %add3A_39, %lt3A_40 : i32
      %add3A_42 = arith.constant 2 : i32
      %add3A_43 = arith.addi %add3A_26, %add3A_42 : i32
      %lt3A_44 = arith.constant 624 : i32
      %lt3A_45 = arith.cmpi slt, %add3A_43, %lt3A_44 : i32
      %and3A = arith.andi %lt3A_41, %lt3A_45 : i1
      %convert_element_type3A_46 = arith.extui %and3A : i1 to i32
      %cond3A_47 = arith.constant 0 : i32
      %cond3A_48 = arith.cmpi ne, %convert_element_type3A_46, %cond3A_47 : i32
      scf.if %cond3A_48 {
        %add3A_54 = arith.constant 2 : i32
        %add3A_55 = arith.addi %mul3A_23, %add3A_54 : i32
        %mul3A_56 = arith.constant 128 : i32
        %mul3A_57 = arith.muli %add3A_55, %mul3A_56 : i32
        %dma_start3A = tpu.memref_slice %arg12[%mul3A_57] : memref<2560xi32, #tpu.memory_space<vmem>> -> memref<128xi32, #tpu.memory_space<vmem>>
        %dma_start3A_58 = arith.constant 0 : i32
        %dma_start3A_59 = arith.constant 0 : i32
        %dma_start3A_60 = tpu.memref_slice %arg2[%dma_start3A_58, %dma_start3A_59] : memref<10000x256xf32, #tpu.memory_space<hbm>> -> memref<10000x256xf32, #tpu.memory_space<hbm>>
        tpu.enqueue_indirect_dma source(%dma_start3A_60 : memref<10000x256xf32, #tpu.memory_space<hbm>>) target(%arg14 : memref<128x256xf32, #tpu.memory_space<vmem>>) offsets(%dma_start3A : memref<128xi32, #tpu.memory_space<vmem>>) semaphore(%arg20 : memref<!tpu.dma_semaphore, #tpu.memory_space<semaphore_mem>>)
      } else {
      }
      %lt3A_49 = arith.constant 624 : i32
      %lt3A_50 = arith.cmpi slt, %add3A_27, %lt3A_49 : i32
      %convert_element_type3A_51 = arith.extui %lt3A_50 : i1 to i32
      %cond3A_52 = arith.constant 0 : i32
      %cond3A_53 = arith.cmpi ne, %convert_element_type3A_51, %cond3A_52 : i32
      scf.if %cond3A_53 {
        %mul3A_54 = arith.constant 128 : i32
        %mul3A_55 = arith.muli %add3A_25, %mul3A_54 : i32
        %add3A_56 = arith.constant 0 : i32
        %add3A_57 = arith.addi %mul3A_55, %add3A_56 : i32
        %get3A = arith.index_cast %add3A_57 : i32 to index
        %get3A_58 = tpu.vector_load %arg13[%get3A] {strides = array<i32>} : memref<2560xi32, #tpu.memory_space<vmem>>, vector<16xi32>,
        %gather3A = tpu.vector_load_idx %arg17[%get3A_58] : memref<10000xf32, #tpu.memory_space<vmem>>[vector<16xi32>], vector<16xf32>,
        %gather3A_59 = tpu.vector_load_idx %arg18[%get3A_58] : memref<10000xf32, #tpu.memory_space<vmem>>[vector<16xi32>], vector<16xf32>,
        %add3A_60 = arith.constant 0 : i32
        %add3A_61 = vector.broadcast %add3A_60 : i32 to vector<16xi32>
        %add3A_62 = arith.addi %iota3A, %add3A_61 : vector<16xi32>
        tpu.vector_store_idx %arg16[%add3A_62, %broadcast_in_dim3A_9], %gather3A : memref<128x16xf32, #tpu.memory_space<vmem>>[vector<16xi32>, vector<16xi32>], vector<16xf32>,
        tpu.vector_store_idx %arg16[%add3A_62, %broadcast_in_dim3A_11], %gather3A_59 : memref<128x16xf32, #tpu.memory_space<vmem>>[vector<16xi32>, vector<16xi32>], vector<16xf32>,
        %mul3A_63 = arith.constant 128 : i32
        %mul3A_64 = arith.muli %add3A_25, %mul3A_63 : i32
        %add3A_65 = arith.constant 0 : i32
        %add3A_66 = arith.addi %mul3A_64, %add3A_65 : i32
        %get3A_67 = arith.index_cast %add3A_66 : i32 to index
        %get3A_68 = tpu.vector_load %arg12[%get3A_67] {strides = array<i32>} : memref<2560xi32, #tpu.memory_space<vmem>>, vector<16xi32>,
        tpu.vector_store_idx %arg19[%get3A_68], %broadcast_in_dim3A_13 {add = true} : memref<10240xf32, #tpu.memory_space<vmem>>[vector<16xi32>], vector<16xf32>,
        %mul3A_69 = arith.constant 128 : i32
        %mul3A_70 = arith.muli %add3A_25, %mul3A_69 : i32
        %add3A_71 = arith.constant 16 : i32
        %add3A_72 = arith.addi %mul3A_70, %add3A_71 : i32
        %get3A_73 = arith.index_cast %add3A_72 : i32 to index
        %get3A_74 = tpu.vector_load %arg13[%get3A_73] {strides = array<i32>} : memref<2560xi32, #tpu.memory_space<vmem>>, vector<16xi32>,
        %gather3A_75 = tpu.vector_load_idx %arg17[%get3A_74] : memref<10000xf32, #tpu.memory_space<vmem>>[vector<16xi32>], vector<16xf32>,
        %gather3A_76 = tpu.vector_load_idx %arg18[%get3A_74] : memref<10000xf32, #tpu.memory_space<vmem>>[vector<16xi32>], vector<16xf32>,
        %add3A_77 = arith.constant 16 : i32
        %add3A_78 = vector.broadcast %add3A_77 : i32 to vector<16xi32>
        %add3A_79 = arith.addi %iota3A, %add3A_78 : vector<16xi32>
        tpu.vector_store_idx %arg16[%add3A_79, %broadcast_in_dim3A_9], %gather3A_75 : memref<128x16xf32, #tpu.memory_space<vmem>>[vector<16xi32>, vector<16xi32>], vector<16xf32>,
        tpu.vector_store_idx %arg16[%add3A_79, %broadcast_in_dim3A_11], %gather3A_76 : memref<128x16xf32, #tpu.memory_space<vmem>>[vector<16xi32>, vector<16xi32>], vector<16xf32>,
        %mul3A_80 = arith.constant 128 : i32
        %mul3A_81 = arith.muli %add3A_25, %mul3A_80 : i32
        %add3A_82 = arith.constant 16 : i32
        %add3A_83 = arith.addi %mul3A_81, %add3A_82 : i32
        %get3A_84 = arith.index_cast %add3A_83 : i32 to index
        %get3A_85 = tpu.vector_load %arg12[%get3A_84] {strides = array<i32>} : memref<2560xi32, #tpu.memory_space<vmem>>, vector<16xi32>,
        tpu.vector_store_idx %arg19[%get3A_85], %broadcast_in_dim3A_13 {add = true} : memref<10240xf32, #tpu.memory_space<vmem>>[vector<16xi32>], vector<16xf32>,
        %mul3A_86 = arith.constant 128 : i32
        %mul3A_87 = arith.muli %add3A_25, %mul3A_86 : i32
        %add3A_88 = arith.constant 32 : i32
        %add3A_89 = arith.addi %mul3A_87, %add3A_88 : i32
        %get3A_90 = arith.index_cast %add3A_89 : i32 to index
        %get3A_91 = tpu.vector_load %arg13[%get3A_90] {strides = array<i32>} : memref<2560xi32, #tpu.memory_space<vmem>>, vector<16xi32>,
        %gather3A_92 = tpu.vector_load_idx %arg17[%get3A_91] : memref<10000xf32, #tpu.memory_space<vmem>>[vector<16xi32>], vector<16xf32>,
        %gather3A_93 = tpu.vector_load_idx %arg18[%get3A_91] : memref<10000xf32, #tpu.memory_space<vmem>>[vector<16xi32>], vector<16xf32>,
        %add3A_94 = arith.constant 32 : i32
        %add3A_95 = vector.broadcast %add3A_94 : i32 to vector<16xi32>
        %add3A_96 = arith.addi %iota3A, %add3A_95 : vector<16xi32>
        tpu.vector_store_idx %arg16[%add3A_96, %broadcast_in_dim3A_9], %gather3A_92 : memref<128x16xf32, #tpu.memory_space<vmem>>[vector<16xi32>, vector<16xi32>], vector<16xf32>,
        tpu.vector_store_idx %arg16[%add3A_96, %broadcast_in_dim3A_11], %gather3A_93 : memref<128x16xf32, #tpu.memory_space<vmem>>[vector<16xi32>, vector<16xi32>], vector<16xf32>,
        %mul3A_97 = arith.constant 128 : i32
        %mul3A_98 = arith.muli %add3A_25, %mul3A_97 : i32
        %add3A_99 = arith.constant 32 : i32
        %add3A_100 = arith.addi %mul3A_98, %add3A_99 : i32
        %get3A_101 = arith.index_cast %add3A_100 : i32 to index
        %get3A_102 = tpu.vector_load %arg12[%get3A_101] {strides = array<i32>} : memref<2560xi32, #tpu.memory_space<vmem>>, vector<16xi32>,
        tpu.vector_store_idx %arg19[%get3A_102], %broadcast_in_dim3A_13 {add = true} : memref<10240xf32, #tpu.memory_space<vmem>>[vector<16xi32>], vector<16xf32>,
        %mul3A_103 = arith.constant 128 : i32
        %mul3A_104 = arith.muli %add3A_25, %mul3A_103 : i32
        %add3A_105 = arith.constant 48 : i32
        %add3A_106 = arith.addi %mul3A_104, %add3A_105 : i32
        %get3A_107 = arith.index_cast %add3A_106 : i32 to index
        %get3A_108 = tpu.vector_load %arg13[%get3A_107] {strides = array<i32>} : memref<2560xi32, #tpu.memory_space<vmem>>, vector<16xi32>,
        %gather3A_109 = tpu.vector_load_idx %arg17[%get3A_108] : memref<10000xf32, #tpu.memory_space<vmem>>[vector<16xi32>], vector<16xf32>,
        %gather3A_110 = tpu.vector_load_idx %arg18[%get3A_108] : memref<10000xf32, #tpu.memory_space<vmem>>[vector<16xi32>], vector<16xf32>,
        %add3A_111 = arith.constant 48 : i32
        %add3A_112 = vector.broadcast %add3A_111 : i32 to vector<16xi32>
        %add3A_113 = arith.addi %iota3A, %add3A_112 : vector<16xi32>
        tpu.vector_store_idx %arg16[%add3A_113, %broadcast_in_dim3A_9], %gather3A_109 : memref<128x16xf32, #tpu.memory_space<vmem>>[vector<16xi32>, vector<16xi32>], vector<16xf32>,
        tpu.vector_store_idx %arg16[%add3A_113, %broadcast_in_dim3A_11], %gather3A_110 : memref<128x16xf32, #tpu.memory_space<vmem>>[vector<16xi32>, vector<16xi32>], vector<16xf32>,
        %mul3A_114 = arith.constant 128 : i32
        %mul3A_115 = arith.muli %add3A_25, %mul3A_114 : i32
        %add3A_116 = arith.constant 48 : i32
        %add3A_117 = arith.addi %mul3A_115, %add3A_116 : i32
        %get3A_118 = arith.index_cast %add3A_117 : i32 to index
        %get3A_119 = tpu.vector_load %arg12[%get3A_118] {strides = array<i32>} : memref<2560xi32, #tpu.memory_space<vmem>>, vector<16xi32>,
        tpu.vector_store_idx %arg19[%get3A_119], %broadcast_in_dim3A_13 {add = true} : memref<10240xf32, #tpu.memory_space<vmem>>[vector<16xi32>], vector<16xf32>,
        %mul3A_120 = arith.constant 128 : i32
        %mul3A_121 = arith.muli %add3A_25, %mul3A_120 : i32
        %add3A_122 = arith.constant 64 : i32
        %add3A_123 = arith.addi %mul3A_121, %add3A_122 : i32
        %get3A_124 = arith.index_cast %add3A_123 : i32 to index
        %get3A_125 = tpu.vector_load %arg13[%get3A_124] {strides = array<i32>} : memref<2560xi32, #tpu.memory_space<vmem>>, vector<16xi32>,
        %gather3A_126 = tpu.vector_load_idx %arg17[%get3A_125] : memref<10000xf32, #tpu.memory_space<vmem>>[vector<16xi32>], vector<16xf32>,
        %gather3A_127 = tpu.vector_load_idx %arg18[%get3A_125] : memref<10000xf32, #tpu.memory_space<vmem>>[vector<16xi32>], vector<16xf32>,
        %add3A_128 = arith.constant 64 : i32
        %add3A_129 = vector.broadcast %add3A_128 : i32 to vector<16xi32>
        %add3A_130 = arith.addi %iota3A, %add3A_129 : vector<16xi32>
        tpu.vector_store_idx %arg16[%add3A_130, %broadcast_in_dim3A_9], %gather3A_126 : memref<128x16xf32, #tpu.memory_space<vmem>>[vector<16xi32>, vector<16xi32>], vector<16xf32>,
        tpu.vector_store_idx %arg16[%add3A_130, %broadcast_in_dim3A_11], %gather3A_127 : memref<128x16xf32, #tpu.memory_space<vmem>>[vector<16xi32>, vector<16xi32>], vector<16xf32>,
        %mul3A_131 = arith.constant 128 : i32
        %mul3A_132 = arith.muli %add3A_25, %mul3A_131 : i32
        %add3A_133 = arith.constant 64 : i32
        %add3A_134 = arith.addi %mul3A_132, %add3A_133 : i32
        %get3A_135 = arith.index_cast %add3A_134 : i32 to index
        %get3A_136 = tpu.vector_load %arg12[%get3A_135] {strides = array<i32>} : memref<2560xi32, #tpu.memory_space<vmem>>, vector<16xi32>,
        tpu.vector_store_idx %arg19[%get3A_136], %broadcast_in_dim3A_13 {add = true} : memref<10240xf32, #tpu.memory_space<vmem>>[vector<16xi32>], vector<16xf32>,
        %mul3A_137 = arith.constant 128 : i32
        %mul3A_138 = arith.muli %add3A_25, %mul3A_137 : i32
        %add3A_139 = arith.constant 80 : i32
        %add3A_140 = arith.addi %mul3A_138, %add3A_139 : i32
        %get3A_141 = arith.index_cast %add3A_140 : i32 to index
        %get3A_142 = tpu.vector_load %arg13[%get3A_141] {strides = array<i32>} : memref<2560xi32, #tpu.memory_space<vmem>>, vector<16xi32>,
        %gather3A_143 = tpu.vector_load_idx %arg17[%get3A_142] : memref<10000xf32, #tpu.memory_space<vmem>>[vector<16xi32>], vector<16xf32>,
        %gather3A_144 = tpu.vector_load_idx %arg18[%get3A_142] : memref<10000xf32, #tpu.memory_space<vmem>>[vector<16xi32>], vector<16xf32>,
        %add3A_145 = arith.constant 80 : i32
        %add3A_146 = vector.broadcast %add3A_145 : i32 to vector<16xi32>
        %add3A_147 = arith.addi %iota3A, %add3A_146 : vector<16xi32>
        tpu.vector_store_idx %arg16[%add3A_147, %broadcast_in_dim3A_9], %gather3A_143 : memref<128x16xf32, #tpu.memory_space<vmem>>[vector<16xi32>, vector<16xi32>], vector<16xf32>,
        tpu.vector_store_idx %arg16[%add3A_147, %broadcast_in_dim3A_11], %gather3A_144 : memref<128x16xf32, #tpu.memory_space<vmem>>[vector<16xi32>, vector<16xi32>], vector<16xf32>,
        %mul3A_148 = arith.constant 128 : i32
        %mul3A_149 = arith.muli %add3A_25, %mul3A_148 : i32
        %add3A_150 = arith.constant 80 : i32
        %add3A_151 = arith.addi %mul3A_149, %add3A_150 : i32
        %get3A_152 = arith.index_cast %add3A_151 : i32 to index
        %get3A_153 = tpu.vector_load %arg12[%get3A_152] {strides = array<i32>} : memref<2560xi32, #tpu.memory_space<vmem>>, vector<16xi32>,
        tpu.vector_store_idx %arg19[%get3A_153], %broadcast_in_dim3A_13 {add = true} : memref<10240xf32, #tpu.memory_space<vmem>>[vector<16xi32>], vector<16xf32>,
        %mul3A_154 = arith.constant 128 : i32
        %mul3A_155 = arith.muli %add3A_25, %mul3A_154 : i32
        %add3A_156 = arith.constant 96 : i32
        %add3A_157 = arith.addi %mul3A_155, %add3A_156 : i32
        %get3A_158 = arith.index_cast %add3A_157 : i32 to index
        %get3A_159 = tpu.vector_load %arg13[%get3A_158] {strides = array<i32>} : memref<2560xi32, #tpu.memory_space<vmem>>, vector<16xi32>,
        %gather3A_160 = tpu.vector_load_idx %arg17[%get3A_159] : memref<10000xf32, #tpu.memory_space<vmem>>[vector<16xi32>], vector<16xf32>,
        %gather3A_161 = tpu.vector_load_idx %arg18[%get3A_159] : memref<10000xf32, #tpu.memory_space<vmem>>[vector<16xi32>], vector<16xf32>,
        %add3A_162 = arith.constant 96 : i32
        %add3A_163 = vector.broadcast %add3A_162 : i32 to vector<16xi32>
        %add3A_164 = arith.addi %iota3A, %add3A_163 : vector<16xi32>
        tpu.vector_store_idx %arg16[%add3A_164, %broadcast_in_dim3A_9], %gather3A_160 : memref<128x16xf32, #tpu.memory_space<vmem>>[vector<16xi32>, vector<16xi32>], vector<16xf32>,
        tpu.vector_store_idx %arg16[%add3A_164, %broadcast_in_dim3A_11], %gather3A_161 : memref<128x16xf32, #tpu.memory_space<vmem>>[vector<16xi32>, vector<16xi32>], vector<16xf32>,
        %mul3A_165 = arith.constant 128 : i32
        %mul3A_166 = arith.muli %add3A_25, %mul3A_165 : i32
        %add3A_167 = arith.constant 96 : i32
        %add3A_168 = arith.addi %mul3A_166, %add3A_167 : i32
        %get3A_169 = arith.index_cast %add3A_168 : i32 to index
        %get3A_170 = tpu.vector_load %arg12[%get3A_169] {strides = array<i32>} : memref<2560xi32, #tpu.memory_space<vmem>>, vector<16xi32>,
        tpu.vector_store_idx %arg19[%get3A_170], %broadcast_in_dim3A_13 {add = true} : memref<10240xf32, #tpu.memory_space<vmem>>[vector<16xi32>], vector<16xf32>,
        %mul3A_171 = arith.constant 128 : i32
        %mul3A_172 = arith.muli %add3A_25, %mul3A_171 : i32
        %add3A_173 = arith.constant 112 : i32
        %add3A_174 = arith.addi %mul3A_172, %add3A_173 : i32
        %get3A_175 = arith.index_cast %add3A_174 : i32 to index
        %get3A_176 = tpu.vector_load %arg13[%get3A_175] {strides = array<i32>} : memref<2560xi32, #tpu.memory_space<vmem>>, vector<16xi32>,
        %gather3A_177 = tpu.vector_load_idx %arg17[%get3A_176] : memref<10000xf32, #tpu.memory_space<vmem>>[vector<16xi32>], vector<16xf32>,
        %gather3A_178 = tpu.vector_load_idx %arg18[%get3A_176] : memref<10000xf32, #tpu.memory_space<vmem>>[vector<16xi32>], vector<16xf32>,
        %add3A_179 = arith.constant 112 : i32
        %add3A_180 = vector.broadcast %add3A_179 : i32 to vector<16xi32>
        %add3A_181 = arith.addi %iota3A, %add3A_180 : vector<16xi32>
        tpu.vector_store_idx %arg16[%add3A_181, %broadcast_in_dim3A_9], %gather3A_177 : memref<128x16xf32, #tpu.memory_space<vmem>>[vector<16xi32>, vector<16xi32>], vector<16xf32>,
        tpu.vector_store_idx %arg16[%add3A_181, %broadcast_in_dim3A_11], %gather3A_178 : memref<128x16xf32, #tpu.memory_space<vmem>>[vector<16xi32>, vector<16xi32>], vector<16xf32>,
        %mul3A_182 = arith.constant 128 : i32
        %mul3A_183 = arith.muli %add3A_25, %mul3A_182 : i32
        %add3A_184 = arith.constant 112 : i32
        %add3A_185 = arith.addi %mul3A_183, %add3A_184 : i32
        %get3A_186 = arith.index_cast %add3A_185 : i32 to index
        %get3A_187 = tpu.vector_load %arg12[%get3A_186] {strides = array<i32>} : memref<2560xi32, #tpu.memory_space<vmem>>, vector<16xi32>,
        tpu.vector_store_idx %arg19[%get3A_187], %broadcast_in_dim3A_13 {add = true} : memref<10240xf32, #tpu.memory_space<vmem>>[vector<16xi32>], vector<16xf32>,
        %mul3A_188 = arith.constant 128 : i32
        %mul3A_189 = arith.muli %add3A_25, %mul3A_188 : i32
        %dma_wait3A = tpu.memref_slice %arg12[%mul3A_189] : memref<2560xi32, #tpu.memory_space<vmem>> -> memref<128xi32, #tpu.memory_space<vmem>>
        %dma_wait3A_190 = arith.constant 0 : i32
        %dma_wait3A_191 = arith.constant 0 : i32
        %dma_wait3A_192 = tpu.memref_slice %arg2[%dma_wait3A_190, %dma_wait3A_191] : memref<10000x256xf32, #tpu.memory_space<hbm>> -> memref<10000x256xf32, #tpu.memory_space<hbm>>
        tpu.wait_indirect_dma semaphore(%arg21 : memref<!tpu.dma_semaphore, #tpu.memory_space<semaphore_mem>>) src(%dma_wait3A_192 : memref<10000x256xf32, #tpu.memory_space<hbm>>) dst(%arg15 : memref<128x256xf32, #tpu.memory_space<vmem>>)
        %sub3A = arith.constant 0 : i32
        %sub3A_193 = arith.subi %add3A_27, %sub3A : i32
        %mul3A_194 = arith.constant 128 : i32
        %mul3A_195 = arith.muli %sub3A_193, %mul3A_194 : i32
        "tpu.region"() ({
          %run_scoped3A = tpu.sem_alloc : memref<!tpu.dma_semaphore, #tpu.memory_space<semaphore_mem>>
          %dma_start3A = arith.constant 0 : i32
          %dma_start3A_200 = tpu.memref_slice %arg9[%mul3A_195, %dma_start3A] : memref<79872x256xf32, #tpu.memory_space<hbm>> -> memref<128x256xf32, #tpu.memory_space<hbm>>
          %dma_start3A_201 = arith.constant 0 : i32
          %dma_start3A_202 = tpu.memref_slice %arg9[%mul3A_195, %dma_start3A_201] : memref<79872x256xf32, #tpu.memory_space<hbm>> -> memref<128x256xf32, #tpu.memory_space<hbm>>
          tpu.enqueue_dma source(%arg15 : memref<128x256xf32, #tpu.memory_space<vmem>>) target(%dma_start3A_202 : memref<128x256xf32, #tpu.memory_space<hbm>>) target_semaphore(%run_scoped3A : memref<!tpu.dma_semaphore, #tpu.memory_space<semaphore_mem>>)
          %dma_wait3A_203 = arith.constant 0 : i32
          %dma_wait3A_204 = tpu.memref_slice %arg9[%mul3A_195, %dma_wait3A_203] : memref<79872x256xf32, #tpu.memory_space<hbm>> -> memref<128x256xf32, #tpu.memory_space<hbm>>
          %dma_wait3A_205 = arith.constant 0 : i32
          %dma_wait3A_206 = tpu.memref_slice %arg9[%mul3A_195, %dma_wait3A_205] : memref<79872x256xf32, #tpu.memory_space<hbm>> -> memref<128x256xf32, #tpu.memory_space<hbm>>
          tpu.wait_dma2 semaphore(%run_scoped3A : memref<!tpu.dma_semaphore, #tpu.memory_space<semaphore_mem>>) src(%arg15 : memref<128x256xf32, #tpu.memory_space<vmem>>) dst(%dma_wait3A_206 : memref<128x256xf32, #tpu.memory_space<hbm>>)
          tpu.yield
        }) : () -> ()
        %sub3A_196 = arith.constant 0 : i32
        %sub3A_197 = arith.subi %add3A_27, %sub3A_196 : i32
        %mul3A_198 = arith.constant 128 : i32
        %mul3A_199 = arith.muli %sub3A_197, %mul3A_198 : i32
        "tpu.region"() ({
          %run_scoped3A = tpu.sem_alloc : memref<!tpu.dma_semaphore, #tpu.memory_space<semaphore_mem>>
          %dma_start3A = arith.constant 0 : i32
          %dma_start3A_200 = tpu.memref_slice %arg10[%mul3A_199, %dma_start3A] : memref<79872x16xf32, #tpu.memory_space<hbm>> -> memref<128x16xf32, #tpu.memory_space<hbm>>
          %dma_start3A_201 = arith.constant 0 : i32
          %dma_start3A_202 = tpu.memref_slice %arg10[%mul3A_199, %dma_start3A_201] : memref<79872x16xf32, #tpu.memory_space<hbm>> -> memref<128x16xf32, #tpu.memory_space<hbm>>
          tpu.enqueue_dma source(%arg16 : memref<128x16xf32, #tpu.memory_space<vmem>>) target(%dma_start3A_202 : memref<128x16xf32, #tpu.memory_space<hbm>>) target_semaphore(%run_scoped3A : memref<!tpu.dma_semaphore, #tpu.memory_space<semaphore_mem>>)
          %dma_wait3A_203 = arith.constant 0 : i32
          %dma_wait3A_204 = tpu.memref_slice %arg10[%mul3A_199, %dma_wait3A_203] : memref<79872x16xf32, #tpu.memory_space<hbm>> -> memref<128x16xf32, #tpu.memory_space<hbm>>
          %dma_wait3A_205 = arith.constant 0 : i32
          %dma_wait3A_206 = tpu.memref_slice %arg10[%mul3A_199, %dma_wait3A_205] : memref<79872x16xf32, #tpu.memory_space<hbm>> -> memref<128x16xf32, #tpu.memory_space<hbm>>
          tpu.wait_dma2 semaphore(%run_scoped3A : memref<!tpu.dma_semaphore, #tpu.memory_space<semaphore_mem>>) src(%arg16 : memref<128x16xf32, #tpu.memory_space<vmem>>) dst(%dma_wait3A_206 : memref<128x16xf32, #tpu.memory_space<hbm>>)
          tpu.yield
        }) : () -> ()
      } else {
      }
    }
    %scan3A_20 = arith.constant 10 : i32
    "tpu.region"() ({
      %run_scoped3A = tpu.sem_alloc : memref<!tpu.dma_semaphore, #tpu.memory_space<semaphore_mem>>
      %dma_start3A = arith.constant 0 : i32
      %dma_start3A_21 = tpu.memref_slice %arg11[%add3A, %dma_start3A] : memref<32x10240xf32, #tpu.memory_space<hbm>> -> memref<1x10240xf32, #tpu.memory_space<hbm>>
      %dma_start3A_22 = tpu.memref_squeeze %dma_start3A_21 : memref<1x10240xf32, #tpu.memory_space<hbm>> -> memref<10240xf32, #tpu.memory_space<hbm>>
      %dma_start3A_23 = arith.constant 0 : i32
      %dma_start3A_24 = tpu.memref_slice %arg11[%add3A, %dma_start3A_23] : memref<32x10240xf32, #tpu.memory_space<hbm>> -> memref<1x10240xf32, #tpu.memory_space<hbm>>
      %dma_start3A_25 = tpu.memref_squeeze %dma_start3A_24 : memref<1x10240xf32, #tpu.memory_space<hbm>> -> memref<10240xf32, #tpu.memory_space<hbm>>
      tpu.enqueue_dma source(%arg19 : memref<10240xf32, #tpu.memory_space<vmem>>) target(%dma_start3A_25 : memref<10240xf32, #tpu.memory_space<hbm>>) target_semaphore(%run_scoped3A : memref<!tpu.dma_semaphore, #tpu.memory_space<semaphore_mem>>)
      %dma_wait3A = arith.constant 0 : i32
      %dma_wait3A_26 = tpu.memref_slice %arg11[%add3A, %dma_wait3A] : memref<32x10240xf32, #tpu.memory_space<hbm>> -> memref<1x10240xf32, #tpu.memory_space<hbm>>
      %dma_wait3A_27 = tpu.memref_squeeze %dma_wait3A_26 : memref<1x10240xf32, #tpu.memory_space<hbm>> -> memref<10240xf32, #tpu.memory_space<hbm>>
      %dma_wait3A_28 = arith.constant 0 : i32
      %dma_wait3A_29 = tpu.memref_slice %arg11[%add3A, %dma_wait3A_28] : memref<32x10240xf32, #tpu.memory_space<hbm>> -> memref<1x10240xf32, #tpu.memory_space<hbm>>
      %dma_wait3A_30 = tpu.memref_squeeze %dma_wait3A_29 : memref<1x10240xf32, #tpu.memory_space<hbm>> -> memref<10240xf32, #tpu.memory_space<hbm>>
      tpu.wait_dma2 semaphore(%run_scoped3A : memref<!tpu.dma_semaphore, #tpu.memory_space<semaphore_mem>>) src(%arg19 : memref<10240xf32, #tpu.memory_space<vmem>>) dst(%dma_wait3A_30 : memref<10240xf32, #tpu.memory_space<hbm>>)
      tpu.yield
    }) : () -> ()
    return
  }
}

#map = affine_map<(d0, d1) -> (0, 0, 0)>
#map1 = affine_map<(d0, d1) -> (0, 0)>
module attributes {stable_mosaic.version = 14 : i64} {
  func.func @_sc_scatter_node_body(%arg0: i32, %arg1: i32, %arg2: memref<2x10240x128xf32, #tpu.memory_space<hbm>>, %arg3: memref<1312x128xi32, #tpu.memory_space<hbm>>, %arg4: memref<1312x128xi32, #tpu.memory_space<hbm>>, %arg5: memref<10240x128xf32, #tpu.memory_space<hbm>>, %arg6: memref<2x10240x128xf32, #tpu.memory_space<hbm>>, %arg7: memref<4x128xi32, #tpu.memory_space<vmem>>, %arg8: memref<4x128xi32, #tpu.memory_space<vmem>>, %arg9: memref<128x128xf32, #tpu.memory_space<vmem>>, %arg10: memref<128x128xf32, #tpu.memory_space<vmem>>, %arg11: memref<10240x128xf32, #tpu.memory_space<vmem_shared>>, %arg12: memref<!tpu.dma_semaphore, #tpu.memory_space<semaphore_mem>>, %arg13: memref<!tpu.dma_semaphore, #tpu.memory_space<semaphore_mem>>) attributes {dimension_semantics = [#tpu.dimension_semantics<core_parallel>, #tpu.dimension_semantics<subcore_parallel>], iteration_bounds = array<i64: 2, 16>, scalar_prefetch = 0 : i64, scratch_operands = 7 : i64, tpu.core_type = #tpu.core_type<sc_vector_subcore>, window_params = [{transform_indices = #map}, {transform_indices = #map1}, {transform_indices = #map1}, {transform_indices = #map1}, {transform_indices = #map}]} {
    %mul3A = arith.constant 80 : i32
    %mul3A_0 = arith.muli %arg1, %mul3A : i32
    %mul3A_1 = arith.constant 640 : i32
    %mul3A_2 = arith.muli %arg1, %mul3A_1 : i32
    %mul3A_3 = arith.constant 640 : i32
    %mul3A_4 = arith.muli %arg1, %mul3A_3 : i32
    "tpu.region"() ({
      %run_scoped3A = tpu.sem_alloc : memref<!tpu.dma_semaphore, #tpu.memory_space<semaphore_mem>>
      %dma_start3A = arith.constant 0 : i32
      %dma_start3A_17 = tpu.memref_slice %arg11[%mul3A_4, %dma_start3A] : memref<10240x128xf32, #tpu.memory_space<vmem_shared>> -> memref<640x128xf32, #tpu.memory_space<vmem_shared>>
      %dma_start3A_18 = arith.constant 0 : i32
      %dma_start3A_19 = tpu.memref_slice %arg5[%mul3A_2, %dma_start3A_18] : memref<10240x128xf32, #tpu.memory_space<hbm>> -> memref<640x128xf32, #tpu.memory_space<hbm>>
      tpu.enqueue_dma source(%dma_start3A_19 : memref<640x128xf32, #tpu.memory_space<hbm>>) target(%dma_start3A_17 : memref<640x128xf32, #tpu.memory_space<vmem_shared>>) target_semaphore(%run_scoped3A : memref<!tpu.dma_semaphore, #tpu.memory_space<semaphore_mem>>)
      %dma_wait3A = arith.constant 0 : i32
      %dma_wait3A_20 = tpu.memref_slice %arg11[%mul3A_4, %dma_wait3A] : memref<10240x128xf32, #tpu.memory_space<vmem_shared>> -> memref<640x128xf32, #tpu.memory_space<vmem_shared>>
      %dma_wait3A_21 = arith.constant 0 : i32
      %dma_wait3A_22 = tpu.memref_slice %arg5[%mul3A_2, %dma_wait3A_21] : memref<10240x128xf32, #tpu.memory_space<hbm>> -> memref<640x128xf32, #tpu.memory_space<hbm>>
      tpu.wait_dma2 semaphore(%run_scoped3A : memref<!tpu.dma_semaphore, #tpu.memory_space<semaphore_mem>>) src(%dma_wait3A_22 : memref<640x128xf32, #tpu.memory_space<hbm>>) dst(%dma_wait3A_20 : memref<640x128xf32, #tpu.memory_space<vmem_shared>>)
      tpu.yield
    }) : () -> ()
    %barrier3A = arith.constant 0 : index
    tpu.barrier barrier_id(%barrier3A)
    "tpu.region"() ({
      %run_scoped3A = tpu.sem_alloc : memref<!tpu.dma_semaphore, #tpu.memory_space<semaphore_mem>>
      %dma_start3A = arith.constant 0 : i32
      %dma_start3A_17 = arith.constant 0 : i32
      %dma_start3A_18 = tpu.memref_slice %arg7[%dma_start3A, %dma_start3A_17] : memref<4x128xi32, #tpu.memory_space<vmem>> -> memref<2x128xi32, #tpu.memory_space<vmem>>
      %dma_start3A_19 = arith.constant 0 : i32
      %dma_start3A_20 = tpu.memref_slice %arg3[%mul3A_0, %dma_start3A_19] : memref<1312x128xi32, #tpu.memory_space<hbm>> -> memref<2x128xi32, #tpu.memory_space<hbm>>
      %dma_start3A_21 = arith.constant 0 : i32
      %dma_start3A_22 = arith.constant 0 : i32
      %dma_start3A_23 = tpu.memref_slice %arg7[%dma_start3A_21, %dma_start3A_22] : memref<4x128xi32, #tpu.memory_space<vmem>> -> memref<2x128xi32, #tpu.memory_space<vmem>>
      %dma_start3A_24 = arith.constant 0 : i32
      %dma_start3A_25 = tpu.memref_slice %arg3[%mul3A_0, %dma_start3A_24] : memref<1312x128xi32, #tpu.memory_space<hbm>> -> memref<2x128xi32, #tpu.memory_space<hbm>>
      tpu.enqueue_dma source(%dma_start3A_25 : memref<2x128xi32, #tpu.memory_space<hbm>>) target(%dma_start3A_23 : memref<2x128xi32, #tpu.memory_space<vmem>>) target_semaphore(%run_scoped3A : memref<!tpu.dma_semaphore, #tpu.memory_space<semaphore_mem>>)
      %dma_wait3A = arith.constant 0 : i32
      %dma_wait3A_26 = arith.constant 0 : i32
      %dma_wait3A_27 = tpu.memref_slice %arg7[%dma_wait3A, %dma_wait3A_26] : memref<4x128xi32, #tpu.memory_space<vmem>> -> memref<2x128xi32, #tpu.memory_space<vmem>>
      %dma_wait3A_28 = arith.constant 0 : i32
      %dma_wait3A_29 = tpu.memref_slice %arg3[%mul3A_0, %dma_wait3A_28] : memref<1312x128xi32, #tpu.memory_space<hbm>> -> memref<2x128xi32, #tpu.memory_space<hbm>>
      %dma_wait3A_30 = arith.constant 0 : i32
      %dma_wait3A_31 = arith.constant 0 : i32
      %dma_wait3A_32 = tpu.memref_slice %arg7[%dma_wait3A_30, %dma_wait3A_31] : memref<4x128xi32, #tpu.memory_space<vmem>> -> memref<2x128xi32, #tpu.memory_space<vmem>>
      %dma_wait3A_33 = arith.constant 0 : i32
      %dma_wait3A_34 = tpu.memref_slice %arg3[%mul3A_0, %dma_wait3A_33] : memref<1312x128xi32, #tpu.memory_space<hbm>> -> memref<2x128xi32, #tpu.memory_space<hbm>>
      tpu.wait_dma2 semaphore(%run_scoped3A : memref<!tpu.dma_semaphore, #tpu.memory_space<semaphore_mem>>) src(%dma_wait3A_34 : memref<2x128xi32, #tpu.memory_space<hbm>>) dst(%dma_wait3A_32 : memref<2x128xi32, #tpu.memory_space<vmem>>)
      tpu.yield
    }) : () -> ()
    "tpu.region"() ({
      %run_scoped3A = tpu.sem_alloc : memref<!tpu.dma_semaphore, #tpu.memory_space<semaphore_mem>>
      %dma_start3A = arith.constant 0 : i32
      %dma_start3A_17 = arith.constant 0 : i32
      %dma_start3A_18 = tpu.memref_slice %arg8[%dma_start3A, %dma_start3A_17] : memref<4x128xi32, #tpu.memory_space<vmem>> -> memref<2x128xi32, #tpu.memory_space<vmem>>
      %dma_start3A_19 = arith.constant 0 : i32
      %dma_start3A_20 = tpu.memref_slice %arg4[%mul3A_0, %dma_start3A_19] : memref<1312x128xi32, #tpu.memory_space<hbm>> -> memref<2x128xi32, #tpu.memory_space<hbm>>
      %dma_start3A_21 = arith.constant 0 : i32
      %dma_start3A_22 = arith.constant 0 : i32
      %dma_start3A_23 = tpu.memref_slice %arg8[%dma_start3A_21, %dma_start3A_22] : memref<4x128xi32, #tpu.memory_space<vmem>> -> memref<2x128xi32, #tpu.memory_space<vmem>>
      %dma_start3A_24 = arith.constant 0 : i32
      %dma_start3A_25 = tpu.memref_slice %arg4[%mul3A_0, %dma_start3A_24] : memref<1312x128xi32, #tpu.memory_space<hbm>> -> memref<2x128xi32, #tpu.memory_space<hbm>>
      tpu.enqueue_dma source(%dma_start3A_25 : memref<2x128xi32, #tpu.memory_space<hbm>>) target(%dma_start3A_23 : memref<2x128xi32, #tpu.memory_space<vmem>>) target_semaphore(%run_scoped3A : memref<!tpu.dma_semaphore, #tpu.memory_space<semaphore_mem>>)
      %dma_wait3A = arith.constant 0 : i32
      %dma_wait3A_26 = arith.constant 0 : i32
      %dma_wait3A_27 = tpu.memref_slice %arg8[%dma_wait3A, %dma_wait3A_26] : memref<4x128xi32, #tpu.memory_space<vmem>> -> memref<2x128xi32, #tpu.memory_space<vmem>>
      %dma_wait3A_28 = arith.constant 0 : i32
      %dma_wait3A_29 = tpu.memref_slice %arg4[%mul3A_0, %dma_wait3A_28] : memref<1312x128xi32, #tpu.memory_space<hbm>> -> memref<2x128xi32, #tpu.memory_space<hbm>>
      %dma_wait3A_30 = arith.constant 0 : i32
      %dma_wait3A_31 = arith.constant 0 : i32
      %dma_wait3A_32 = tpu.memref_slice %arg8[%dma_wait3A_30, %dma_wait3A_31] : memref<4x128xi32, #tpu.memory_space<vmem>> -> memref<2x128xi32, #tpu.memory_space<vmem>>
      %dma_wait3A_33 = arith.constant 0 : i32
      %dma_wait3A_34 = tpu.memref_slice %arg4[%mul3A_0, %dma_wait3A_33] : memref<1312x128xi32, #tpu.memory_space<hbm>> -> memref<2x128xi32, #tpu.memory_space<hbm>>
      tpu.wait_dma2 semaphore(%run_scoped3A : memref<!tpu.dma_semaphore, #tpu.memory_space<semaphore_mem>>) src(%dma_wait3A_34 : memref<2x128xi32, #tpu.memory_space<hbm>>) dst(%dma_wait3A_32 : memref<2x128xi32, #tpu.memory_space<vmem>>)
      tpu.yield
    }) : () -> ()
    %lt3A = arith.constant 1250 : i32
    %lt3A_5 = arith.cmpi slt, %mul3A_0, %lt3A : i32
    %convert_element_type3A = arith.extui %lt3A_5 : i1 to i32
    %cond3A = arith.constant 0 : i32
    %cond3A_6 = arith.cmpi ne, %convert_element_type3A, %cond3A : i32
    scf.if %cond3A_6 {
      %dma_start3A = arith.constant 0 : i32
      %dma_start3A_17 = arith.constant 0 : i32
      %dma_start3A_18 = tpu.memref_slice %arg7[%dma_start3A, %dma_start3A_17] : memref<4x128xi32, #tpu.memory_space<vmem>> -> memref<1x128xi32, #tpu.memory_space<vmem>>
      %dma_start3A_19 = tpu.memref_squeeze %dma_start3A_18 : memref<1x128xi32, #tpu.memory_space<vmem>> -> memref<128xi32, #tpu.memory_space<vmem>>
      %dma_start3A_20 = arith.constant 0 : i32
      %dma_start3A_21 = arith.constant 0 : i32
      %dma_start3A_22 = tpu.memref_slice %arg2[%arg0, %dma_start3A_20, %dma_start3A_21] : memref<2x10240x128xf32, #tpu.memory_space<hbm>> -> memref<1x10240x128xf32, #tpu.memory_space<hbm>>
      %dma_start3A_23 = tpu.memref_squeeze %dma_start3A_22 : memref<1x10240x128xf32, #tpu.memory_space<hbm>> -> memref<10240x128xf32, #tpu.memory_space<hbm>>
      %dma_start3A_24 = arith.constant 0 : i32
      %dma_start3A_25 = arith.constant 0 : i32
      %dma_start3A_26 = tpu.memref_slice %dma_start3A_23[%dma_start3A_24, %dma_start3A_25] : memref<10240x128xf32, #tpu.memory_space<hbm>> -> memref<10240x128xf32, #tpu.memory_space<hbm>>
      tpu.enqueue_indirect_dma source(%dma_start3A_26 : memref<10240x128xf32, #tpu.memory_space<hbm>>) target(%arg9 : memref<128x128xf32, #tpu.memory_space<vmem>>) offsets(%dma_start3A_19 : memref<128xi32, #tpu.memory_space<vmem>>) semaphore(%arg12 : memref<!tpu.dma_semaphore, #tpu.memory_space<semaphore_mem>>)
    } else {
    }
    %scan3A = arith.constant 0 : i32
    %scan3A_7 = arith.constant 0 : i32
    %scan3A_8 = arith.constant 40 : i32
    %scan3A_9 = arith.addi %scan3A_7, %scan3A_8 : i32
    %scan3A_10 = arith.constant 1 : i32
    scf.for %scan3A_17 = %scan3A_7 to %scan3A_9 step %scan3A_10  : i32 {
      %mul3A_18 = arith.constant 2 : i32
      %mul3A_19 = arith.muli %mul3A_18, %scan3A_17 : i32
      %add3A = arith.addi %mul3A_0, %mul3A_19 : i32
      %add3A_20 = arith.constant 1 : i32
      %add3A_21 = arith.addi %add3A, %add3A_20 : i32
      %jit3A = arith.constant 2 : i32
      %eq3A = arith.constant 0 : i32
      %eq3A_22 = arith.cmpi eq, %jit3A, %eq3A : i32
      %jit3A_23 = arith.constant 1 : i32
      %select_n3A = arith.select %eq3A_22, %jit3A_23, %jit3A : i32
      %rem3A = arith.remsi %scan3A_17, %select_n3A : i32
      %ne3A = arith.constant 0 : i32
      %ne3A_24 = arith.cmpi ne, %rem3A, %ne3A : i32
      %lt3A_25 = arith.constant 0 : i32
      %lt3A_26 = arith.cmpi slt, %rem3A, %lt3A_25 : i32
      %lt3A_27 = arith.constant 0 : i32
      %lt3A_28 = arith.cmpi slt, %select_n3A, %lt3A_27 : i32
      %ne3A_29 = arith.xori %lt3A_26, %lt3A_28 : i1
      %and3A = arith.andi %ne3A_29, %ne3A_24 : i1
      %add3A_30 = arith.addi %rem3A, %select_n3A : i32
      %select_n3A_31 = arith.select %and3A, %add3A_30, %rem3A : i32
      %mul3A_32 = arith.constant 2 : i32
      %mul3A_33 = arith.muli %select_n3A_31, %mul3A_32 : i32
      %sub3A = arith.constant 2 : i32
      %sub3A_34 = arith.subi %sub3A, %mul3A_33 : i32
      %lt3A_35 = arith.constant 1250 : i32
      %lt3A_36 = arith.cmpi slt, %add3A_21, %lt3A_35 : i32
      %convert_element_type3A_37 = arith.extui %lt3A_36 : i1 to i32
      %cond3A_38 = arith.constant 0 : i32
      %cond3A_39 = arith.cmpi ne, %convert_element_type3A_37, %cond3A_38 : i32
      scf.if %cond3A_39 {
        %add3A_66 = arith.constant 1 : i32
        %add3A_67 = arith.addi %mul3A_33, %add3A_66 : i32
        %dma_start3A = arith.constant 0 : i32
        %dma_start3A_68 = tpu.memref_slice %arg7[%add3A_67, %dma_start3A] : memref<4x128xi32, #tpu.memory_space<vmem>> -> memref<1x128xi32, #tpu.memory_space<vmem>>
        %dma_start3A_69 = tpu.memref_squeeze %dma_start3A_68 : memref<1x128xi32, #tpu.memory_space<vmem>> -> memref<128xi32, #tpu.memory_space<vmem>>
        %dma_start3A_70 = arith.constant 0 : i32
        %dma_start3A_71 = arith.constant 0 : i32
        %dma_start3A_72 = tpu.memref_slice %arg2[%arg0, %dma_start3A_70, %dma_start3A_71] : memref<2x10240x128xf32, #tpu.memory_space<hbm>> -> memref<1x10240x128xf32, #tpu.memory_space<hbm>>
        %dma_start3A_73 = tpu.memref_squeeze %dma_start3A_72 : memref<1x10240x128xf32, #tpu.memory_space<hbm>> -> memref<10240x128xf32, #tpu.memory_space<hbm>>
        %dma_start3A_74 = arith.constant 0 : i32
        %dma_start3A_75 = arith.constant 0 : i32
        %dma_start3A_76 = tpu.memref_slice %dma_start3A_73[%dma_start3A_74, %dma_start3A_75] : memref<10240x128xf32, #tpu.memory_space<hbm>> -> memref<10240x128xf32, #tpu.memory_space<hbm>>
        tpu.enqueue_indirect_dma source(%dma_start3A_76 : memref<10240x128xf32, #tpu.memory_space<hbm>>) target(%arg10 : memref<128x128xf32, #tpu.memory_space<vmem>>) offsets(%dma_start3A_69 : memref<128xi32, #tpu.memory_space<vmem>>) semaphore(%arg13 : memref<!tpu.dma_semaphore, #tpu.memory_space<semaphore_mem>>)
      } else {
      }
      %add3A_40 = arith.constant 2 : i32
      %add3A_41 = arith.addi %add3A, %add3A_40 : i32
      "tpu.region"() ({
        %run_scoped3A = tpu.sem_alloc : memref<!tpu.dma_semaphore, #tpu.memory_space<semaphore_mem>>
        %dma_start3A = arith.constant 0 : i32
        %dma_start3A_66 = tpu.memref_slice %arg7[%sub3A_34, %dma_start3A] : memref<4x128xi32, #tpu.memory_space<vmem>> -> memref<2x128xi32, #tpu.memory_space<vmem>>
        %dma_start3A_67 = arith.constant 0 : i32
        %dma_start3A_68 = tpu.memref_slice %arg3[%add3A_41, %dma_start3A_67] : memref<1312x128xi32, #tpu.memory_space<hbm>> -> memref<2x128xi32, #tpu.memory_space<hbm>>
        %dma_start3A_69 = arith.constant 0 : i32
        %dma_start3A_70 = tpu.memref_slice %arg7[%sub3A_34, %dma_start3A_69] : memref<4x128xi32, #tpu.memory_space<vmem>> -> memref<2x128xi32, #tpu.memory_space<vmem>>
        %dma_start3A_71 = arith.constant 0 : i32
        %dma_start3A_72 = tpu.memref_slice %arg3[%add3A_41, %dma_start3A_71] : memref<1312x128xi32, #tpu.memory_space<hbm>> -> memref<2x128xi32, #tpu.memory_space<hbm>>
        tpu.enqueue_dma source(%dma_start3A_72 : memref<2x128xi32, #tpu.memory_space<hbm>>) target(%dma_start3A_70 : memref<2x128xi32, #tpu.memory_space<vmem>>) target_semaphore(%run_scoped3A : memref<!tpu.dma_semaphore, #tpu.memory_space<semaphore_mem>>)
        %dma_wait3A = arith.constant 0 : i32
        %dma_wait3A_73 = tpu.memref_slice %arg7[%sub3A_34, %dma_wait3A] : memref<4x128xi32, #tpu.memory_space<vmem>> -> memref<2x128xi32, #tpu.memory_space<vmem>>
        %dma_wait3A_74 = arith.constant 0 : i32
        %dma_wait3A_75 = tpu.memref_slice %arg3[%add3A_41, %dma_wait3A_74] : memref<1312x128xi32, #tpu.memory_space<hbm>> -> memref<2x128xi32, #tpu.memory_space<hbm>>
        %dma_wait3A_76 = arith.constant 0 : i32
        %dma_wait3A_77 = tpu.memref_slice %arg7[%sub3A_34, %dma_wait3A_76] : memref<4x128xi32, #tpu.memory_space<vmem>> -> memref<2x128xi32, #tpu.memory_space<vmem>>
        %dma_wait3A_78 = arith.constant 0 : i32
        %dma_wait3A_79 = tpu.memref_slice %arg3[%add3A_41, %dma_wait3A_78] : memref<1312x128xi32, #tpu.memory_space<hbm>> -> memref<2x128xi32, #tpu.memory_space<hbm>>
        tpu.wait_dma2 semaphore(%run_scoped3A : memref<!tpu.dma_semaphore, #tpu.memory_space<semaphore_mem>>) src(%dma_wait3A_79 : memref<2x128xi32, #tpu.memory_space<hbm>>) dst(%dma_wait3A_77 : memref<2x128xi32, #tpu.memory_space<vmem>>)
        tpu.yield
      }) : () -> ()
      %add3A_42 = arith.constant 2 : i32
      %add3A_43 = arith.addi %add3A, %add3A_42 : i32
      "tpu.region"() ({
        %run_scoped3A = tpu.sem_alloc : memref<!tpu.dma_semaphore, #tpu.memory_space<semaphore_mem>>
        %dma_start3A = arith.constant 0 : i32
        %dma_start3A_66 = tpu.memref_slice %arg8[%sub3A_34, %dma_start3A] : memref<4x128xi32, #tpu.memory_space<vmem>> -> memref<2x128xi32, #tpu.memory_space<vmem>>
        %dma_start3A_67 = arith.constant 0 : i32
        %dma_start3A_68 = tpu.memref_slice %arg4[%add3A_43, %dma_start3A_67] : memref<1312x128xi32, #tpu.memory_space<hbm>> -> memref<2x128xi32, #tpu.memory_space<hbm>>
        %dma_start3A_69 = arith.constant 0 : i32
        %dma_start3A_70 = tpu.memref_slice %arg8[%sub3A_34, %dma_start3A_69] : memref<4x128xi32, #tpu.memory_space<vmem>> -> memref<2x128xi32, #tpu.memory_space<vmem>>
        %dma_start3A_71 = arith.constant 0 : i32
        %dma_start3A_72 = tpu.memref_slice %arg4[%add3A_43, %dma_start3A_71] : memref<1312x128xi32, #tpu.memory_space<hbm>> -> memref<2x128xi32, #tpu.memory_space<hbm>>
        tpu.enqueue_dma source(%dma_start3A_72 : memref<2x128xi32, #tpu.memory_space<hbm>>) target(%dma_start3A_70 : memref<2x128xi32, #tpu.memory_space<vmem>>) target_semaphore(%run_scoped3A : memref<!tpu.dma_semaphore, #tpu.memory_space<semaphore_mem>>)
        %dma_wait3A = arith.constant 0 : i32
        %dma_wait3A_73 = tpu.memref_slice %arg8[%sub3A_34, %dma_wait3A] : memref<4x128xi32, #tpu.memory_space<vmem>> -> memref<2x128xi32, #tpu.memory_space<vmem>>
        %dma_wait3A_74 = arith.constant 0 : i32
        %dma_wait3A_75 = tpu.memref_slice %arg4[%add3A_43, %dma_wait3A_74] : memref<1312x128xi32, #tpu.memory_space<hbm>> -> memref<2x128xi32, #tpu.memory_space<hbm>>
        %dma_wait3A_76 = arith.constant 0 : i32
        %dma_wait3A_77 = tpu.memref_slice %arg8[%sub3A_34, %dma_wait3A_76] : memref<4x128xi32, #tpu.memory_space<vmem>> -> memref<2x128xi32, #tpu.memory_space<vmem>>
        %dma_wait3A_78 = arith.constant 0 : i32
        %dma_wait3A_79 = tpu.memref_slice %arg4[%add3A_43, %dma_wait3A_78] : memref<1312x128xi32, #tpu.memory_space<hbm>> -> memref<2x128xi32, #tpu.memory_space<hbm>>
        tpu.wait_dma2 semaphore(%run_scoped3A : memref<!tpu.dma_semaphore, #tpu.memory_space<semaphore_mem>>) src(%dma_wait3A_79 : memref<2x128xi32, #tpu.memory_space<hbm>>) dst(%dma_wait3A_77 : memref<2x128xi32, #tpu.memory_space<vmem>>)
        tpu.yield
      }) : () -> ()
      %lt3A_44 = arith.constant 1250 : i32
      %lt3A_45 = arith.cmpi slt, %add3A, %lt3A_44 : i32
      %convert_element_type3A_46 = arith.extui %lt3A_45 : i1 to i32
      %cond3A_47 = arith.constant 0 : i32
      %cond3A_48 = arith.cmpi ne, %convert_element_type3A_46, %cond3A_47 : i32
      scf.if %cond3A_48 {
        %dma_wait3A = arith.constant 0 : i32
        %dma_wait3A_66 = tpu.memref_slice %arg7[%mul3A_33, %dma_wait3A] : memref<4x128xi32, #tpu.memory_space<vmem>> -> memref<1x128xi32, #tpu.memory_space<vmem>>
        %dma_wait3A_67 = tpu.memref_squeeze %dma_wait3A_66 : memref<1x128xi32, #tpu.memory_space<vmem>> -> memref<128xi32, #tpu.memory_space<vmem>>
        %dma_wait3A_68 = arith.constant 0 : i32
        %dma_wait3A_69 = arith.constant 0 : i32
        %dma_wait3A_70 = tpu.memref_slice %arg2[%arg0, %dma_wait3A_68, %dma_wait3A_69] : memref<2x10240x128xf32, #tpu.memory_space<hbm>> -> memref<1x10240x128xf32, #tpu.memory_space<hbm>>
        %dma_wait3A_71 = tpu.memref_squeeze %dma_wait3A_70 : memref<1x10240x128xf32, #tpu.memory_space<hbm>> -> memref<10240x128xf32, #tpu.memory_space<hbm>>
        %dma_wait3A_72 = arith.constant 0 : i32
        %dma_wait3A_73 = arith.constant 0 : i32
        %dma_wait3A_74 = tpu.memref_slice %dma_wait3A_71[%dma_wait3A_72, %dma_wait3A_73] : memref<10240x128xf32, #tpu.memory_space<hbm>> -> memref<10240x128xf32, #tpu.memory_space<hbm>>
        tpu.wait_indirect_dma semaphore(%arg12 : memref<!tpu.dma_semaphore, #tpu.memory_space<semaphore_mem>>) src(%dma_wait3A_74 : memref<10240x128xf32, #tpu.memory_space<hbm>>) dst(%arg9 : memref<128x128xf32, #tpu.memory_space<vmem>>)
        "tpu.region"() ({
          %run_scoped3A = tpu.sem_alloc : memref<!tpu.dma_semaphore, #tpu.memory_space<semaphore_mem>>
          %dma_start3A = arith.constant 0 : i32
          %dma_start3A_75 = tpu.memref_slice %arg8[%mul3A_33, %dma_start3A] : memref<4x128xi32, #tpu.memory_space<vmem>> -> memref<1x128xi32, #tpu.memory_space<vmem>>
          %dma_start3A_76 = tpu.memref_squeeze %dma_start3A_75 : memref<1x128xi32, #tpu.memory_space<vmem>> -> memref<128xi32, #tpu.memory_space<vmem>>
          %dma_start3A_77 = arith.constant 0 : i32
          %dma_start3A_78 = arith.constant 0 : i32
          %dma_start3A_79 = tpu.memref_slice %arg11[%dma_start3A_77, %dma_start3A_78] : memref<10240x128xf32, #tpu.memory_space<vmem_shared>> -> memref<10240x128xf32, #tpu.memory_space<vmem_shared>>
          tpu.enqueue_indirect_dma source(%arg9 : memref<128x128xf32, #tpu.memory_space<vmem>>) target(%dma_start3A_79 : memref<10240x128xf32, #tpu.memory_space<vmem_shared>>) offsets(%dma_start3A_76 : memref<128xi32, #tpu.memory_space<vmem>>) semaphore(%run_scoped3A : memref<!tpu.dma_semaphore, #tpu.memory_space<semaphore_mem>>) {add = true}
          %dma_wait3A_80 = arith.constant 0 : i32
          %dma_wait3A_81 = tpu.memref_slice %arg8[%mul3A_33, %dma_wait3A_80] : memref<4x128xi32, #tpu.memory_space<vmem>> -> memref<1x128xi32, #tpu.memory_space<vmem>>
          %dma_wait3A_82 = tpu.memref_squeeze %dma_wait3A_81 : memref<1x128xi32, #tpu.memory_space<vmem>> -> memref<128xi32, #tpu.memory_space<vmem>>
          %dma_wait3A_83 = arith.constant 0 : i32
          %dma_wait3A_84 = arith.constant 0 : i32
          %dma_wait3A_85 = tpu.memref_slice %arg11[%dma_wait3A_83, %dma_wait3A_84] : memref<10240x128xf32, #tpu.memory_space<vmem_shared>> -> memref<10240x128xf32, #tpu.memory_space<vmem_shared>>
          tpu.wait_indirect_dma semaphore(%run_scoped3A : memref<!tpu.dma_semaphore, #tpu.memory_space<semaphore_mem>>) src(%arg9 : memref<128x128xf32, #tpu.memory_space<vmem>>) dst(%dma_wait3A_85 : memref<10240x128xf32, #tpu.memory_space<vmem_shared>>)
          tpu.yield
        }) : () -> ()
      } else {
      }
      %add3A_49 = arith.constant 2 : i32
      %add3A_50 = arith.addi %mul3A_19, %add3A_49 : i32
      %lt3A_51 = arith.constant 80 : i32
      %lt3A_52 = arith.cmpi slt, %add3A_50, %lt3A_51 : i32
      %add3A_53 = arith.constant 2 : i32
      %add3A_54 = arith.addi %add3A, %add3A_53 : i32
      %lt3A_55 = arith.constant 1250 : i32
      %lt3A_56 = arith.cmpi slt, %add3A_54, %lt3A_55 : i32
      %and3A_57 = arith.andi %lt3A_52, %lt3A_56 : i1
      %convert_element_type3A_58 = arith.extui %and3A_57 : i1 to i32
      %cond3A_59 = arith.constant 0 : i32
      %cond3A_60 = arith.cmpi ne, %convert_element_type3A_58, %cond3A_59 : i32
      scf.if %cond3A_60 {
        %dma_start3A = arith.constant 0 : i32
        %dma_start3A_66 = tpu.memref_slice %arg7[%sub3A_34, %dma_start3A] : memref<4x128xi32, #tpu.memory_space<vmem>> -> memref<1x128xi32, #tpu.memory_space<vmem>>
        %dma_start3A_67 = tpu.memref_squeeze %dma_start3A_66 : memref<1x128xi32, #tpu.memory_space<vmem>> -> memref<128xi32, #tpu.memory_space<vmem>>
        %dma_start3A_68 = arith.constant 0 : i32
        %dma_start3A_69 = arith.constant 0 : i32
        %dma_start3A_70 = tpu.memref_slice %arg2[%arg0, %dma_start3A_68, %dma_start3A_69] : memref<2x10240x128xf32, #tpu.memory_space<hbm>> -> memref<1x10240x128xf32, #tpu.memory_space<hbm>>
        %dma_start3A_71 = tpu.memref_squeeze %dma_start3A_70 : memref<1x10240x128xf32, #tpu.memory_space<hbm>> -> memref<10240x128xf32, #tpu.memory_space<hbm>>
        %dma_start3A_72 = arith.constant 0 : i32
        %dma_start3A_73 = arith.constant 0 : i32
        %dma_start3A_74 = tpu.memref_slice %dma_start3A_71[%dma_start3A_72, %dma_start3A_73] : memref<10240x128xf32, #tpu.memory_space<hbm>> -> memref<10240x128xf32, #tpu.memory_space<hbm>>
        tpu.enqueue_indirect_dma source(%dma_start3A_74 : memref<10240x128xf32, #tpu.memory_space<hbm>>) target(%arg9 : memref<128x128xf32, #tpu.memory_space<vmem>>) offsets(%dma_start3A_67 : memref<128xi32, #tpu.memory_space<vmem>>) semaphore(%arg12 : memref<!tpu.dma_semaphore, #tpu.memory_space<semaphore_mem>>)
      } else {
      }
      %lt3A_61 = arith.constant 1250 : i32
      %lt3A_62 = arith.cmpi slt, %add3A_21, %lt3A_61 : i32
      %convert_element_type3A_63 = arith.extui %lt3A_62 : i1 to i32
      %cond3A_64 = arith.constant 0 : i32
      %cond3A_65 = arith.cmpi ne, %convert_element_type3A_63, %cond3A_64 : i32
      scf.if %cond3A_65 {
        %add3A_66 = arith.constant 1 : i32
        %add3A_67 = arith.addi %mul3A_33, %add3A_66 : i32
        %dma_wait3A = arith.constant 0 : i32
        %dma_wait3A_68 = tpu.memref_slice %arg7[%add3A_67, %dma_wait3A] : memref<4x128xi32, #tpu.memory_space<vmem>> -> memref<1x128xi32, #tpu.memory_space<vmem>>
        %dma_wait3A_69 = tpu.memref_squeeze %dma_wait3A_68 : memref<1x128xi32, #tpu.memory_space<vmem>> -> memref<128xi32, #tpu.memory_space<vmem>>
        %dma_wait3A_70 = arith.constant 0 : i32
        %dma_wait3A_71 = arith.constant 0 : i32
        %dma_wait3A_72 = tpu.memref_slice %arg2[%arg0, %dma_wait3A_70, %dma_wait3A_71] : memref<2x10240x128xf32, #tpu.memory_space<hbm>> -> memref<1x10240x128xf32, #tpu.memory_space<hbm>>
        %dma_wait3A_73 = tpu.memref_squeeze %dma_wait3A_72 : memref<1x10240x128xf32, #tpu.memory_space<hbm>> -> memref<10240x128xf32, #tpu.memory_space<hbm>>
        %dma_wait3A_74 = arith.constant 0 : i32
        %dma_wait3A_75 = arith.constant 0 : i32
        %dma_wait3A_76 = tpu.memref_slice %dma_wait3A_73[%dma_wait3A_74, %dma_wait3A_75] : memref<10240x128xf32, #tpu.memory_space<hbm>> -> memref<10240x128xf32, #tpu.memory_space<hbm>>
        tpu.wait_indirect_dma semaphore(%arg13 : memref<!tpu.dma_semaphore, #tpu.memory_space<semaphore_mem>>) src(%dma_wait3A_76 : memref<10240x128xf32, #tpu.memory_space<hbm>>) dst(%arg10 : memref<128x128xf32, #tpu.memory_space<vmem>>)
        %add3A_77 = arith.constant 1 : i32
        %add3A_78 = arith.addi %mul3A_33, %add3A_77 : i32
        "tpu.region"() ({
          %run_scoped3A = tpu.sem_alloc : memref<!tpu.dma_semaphore, #tpu.memory_space<semaphore_mem>>
          %dma_start3A = arith.constant 0 : i32
          %dma_start3A_79 = tpu.memref_slice %arg8[%add3A_78, %dma_start3A] : memref<4x128xi32, #tpu.memory_space<vmem>> -> memref<1x128xi32, #tpu.memory_space<vmem>>
          %dma_start3A_80 = tpu.memref_squeeze %dma_start3A_79 : memref<1x128xi32, #tpu.memory_space<vmem>> -> memref<128xi32, #tpu.memory_space<vmem>>
          %dma_start3A_81 = arith.constant 0 : i32
          %dma_start3A_82 = arith.constant 0 : i32
          %dma_start3A_83 = tpu.memref_slice %arg11[%dma_start3A_81, %dma_start3A_82] : memref<10240x128xf32, #tpu.memory_space<vmem_shared>> -> memref<10240x128xf32, #tpu.memory_space<vmem_shared>>
          tpu.enqueue_indirect_dma source(%arg10 : memref<128x128xf32, #tpu.memory_space<vmem>>) target(%dma_start3A_83 : memref<10240x128xf32, #tpu.memory_space<vmem_shared>>) offsets(%dma_start3A_80 : memref<128xi32, #tpu.memory_space<vmem>>) semaphore(%run_scoped3A : memref<!tpu.dma_semaphore, #tpu.memory_space<semaphore_mem>>) {add = true}
          %dma_wait3A_84 = arith.constant 0 : i32
          %dma_wait3A_85 = tpu.memref_slice %arg8[%add3A_78, %dma_wait3A_84] : memref<4x128xi32, #tpu.memory_space<vmem>> -> memref<1x128xi32, #tpu.memory_space<vmem>>
          %dma_wait3A_86 = tpu.memref_squeeze %dma_wait3A_85 : memref<1x128xi32, #tpu.memory_space<vmem>> -> memref<128xi32, #tpu.memory_space<vmem>>
          %dma_wait3A_87 = arith.constant 0 : i32
          %dma_wait3A_88 = arith.constant 0 : i32
          %dma_wait3A_89 = tpu.memref_slice %arg11[%dma_wait3A_87, %dma_wait3A_88] : memref<10240x128xf32, #tpu.memory_space<vmem_shared>> -> memref<10240x128xf32, #tpu.memory_space<vmem_shared>>
          tpu.wait_indirect_dma semaphore(%run_scoped3A : memref<!tpu.dma_semaphore, #tpu.memory_space<semaphore_mem>>) src(%arg10 : memref<128x128xf32, #tpu.memory_space<vmem>>) dst(%dma_wait3A_89 : memref<10240x128xf32, #tpu.memory_space<vmem_shared>>)
          tpu.yield
        }) : () -> ()
      } else {
      }
    }
    %scan3A_11 = arith.constant 40 : i32
    %barrier3A_12 = arith.constant 0 : index
    tpu.barrier barrier_id(%barrier3A_12)
    %mul3A_13 = arith.constant 640 : i32
    %mul3A_14 = arith.muli %arg1, %mul3A_13 : i32
    %mul3A_15 = arith.constant 640 : i32
    %mul3A_16 = arith.muli %arg1, %mul3A_15 : i32
    "tpu.region"() ({
      %run_scoped3A = tpu.sem_alloc : memref<!tpu.dma_semaphore, #tpu.memory_space<semaphore_mem>>
      %dma_start3A = arith.constant 0 : i32
      %dma_start3A_17 = arith.constant 0 : i32
      %dma_start3A_18 = tpu.memref_slice %arg6[%arg0, %dma_start3A, %dma_start3A_17] : memref<2x10240x128xf32, #tpu.memory_space<hbm>> -> memref<1x10240x128xf32, #tpu.memory_space<hbm>>
      %dma_start3A_19 = tpu.memref_squeeze %dma_start3A_18 : memref<1x10240x128xf32, #tpu.memory_space<hbm>> -> memref<10240x128xf32, #tpu.memory_space<hbm>>
      %dma_start3A_20 = arith.constant 0 : i32
      %dma_start3A_21 = tpu.memref_slice %dma_start3A_19[%mul3A_16, %dma_start3A_20] : memref<10240x128xf32, #tpu.memory_space<hbm>> -> memref<640x128xf32, #tpu.memory_space<hbm>>
      %dma_start3A_22 = arith.constant 0 : i32
      %dma_start3A_23 = tpu.memref_slice %arg11[%mul3A_14, %dma_start3A_22] : memref<10240x128xf32, #tpu.memory_space<vmem_shared>> -> memref<640x128xf32, #tpu.memory_space<vmem_shared>>
      tpu.enqueue_dma source(%dma_start3A_23 : memref<640x128xf32, #tpu.memory_space<vmem_shared>>) target(%dma_start3A_21 : memref<640x128xf32, #tpu.memory_space<hbm>>) target_semaphore(%run_scoped3A : memref<!tpu.dma_semaphore, #tpu.memory_space<semaphore_mem>>)
      %dma_wait3A = arith.constant 0 : i32
      %dma_wait3A_24 = arith.constant 0 : i32
      %dma_wait3A_25 = tpu.memref_slice %arg6[%arg0, %dma_wait3A, %dma_wait3A_24] : memref<2x10240x128xf32, #tpu.memory_space<hbm>> -> memref<1x10240x128xf32, #tpu.memory_space<hbm>>
      %dma_wait3A_26 = tpu.memref_squeeze %dma_wait3A_25 : memref<1x10240x128xf32, #tpu.memory_space<hbm>> -> memref<10240x128xf32, #tpu.memory_space<hbm>>
      %dma_wait3A_27 = arith.constant 0 : i32
      %dma_wait3A_28 = tpu.memref_slice %dma_wait3A_26[%mul3A_16, %dma_wait3A_27] : memref<10240x128xf32, #tpu.memory_space<hbm>> -> memref<640x128xf32, #tpu.memory_space<hbm>>
      %dma_wait3A_29 = arith.constant 0 : i32
      %dma_wait3A_30 = tpu.memref_slice %arg11[%mul3A_14, %dma_wait3A_29] : memref<10240x128xf32, #tpu.memory_space<vmem_shared>> -> memref<640x128xf32, #tpu.memory_space<vmem_shared>>
      tpu.wait_dma2 semaphore(%run_scoped3A : memref<!tpu.dma_semaphore, #tpu.memory_space<semaphore_mem>>) src(%dma_wait3A_30 : memref<640x128xf32, #tpu.memory_space<vmem_shared>>) dst(%dma_wait3A_28 : memref<640x128xf32, #tpu.memory_space<hbm>>)
      tpu.yield
    }) : () -> ()
    return
  }
}

module attributes {stable_mosaic.version = 14 : i64} {
  func.func @_tc1_body(%arg0: i32, %arg1: memref<2000x256xf32, #tpu.memory_space<vmem>>, %arg2: memref<256x256xf32, #tpu.memory_space<vmem>>, %arg3: memref<2000x256xf32, #tpu.memory_space<vmem>>) attributes {dimension_semantics = [#tpu.dimension_semantics<arbitrary>], iteration_bounds = array<i64: 5>, scalar_prefetch = 0 : i64, scratch_operands = 0 : i64, tpu.core_type = #tpu.core_type<tc>, window_params = [{transform_indices = @transform_0, window_bounds = array<i64: 2000, 256>}, {pipeline_mode = #tpu.pipeline_mode<synchronous>, transform_indices = @transform_1, window_bounds = array<i64: 256, 256>}, {transform_indices = @transform_2, window_bounds = array<i64: 2000, 256>}]} {
    %get3A = arith.constant 0 : index
    %get3A_0 = arith.constant 0 : index
    %get3A_1 = vector.load %arg1[%get3A, %get3A_0] : memref<2000x256xf32, #tpu.memory_space<vmem>>, vector<2000x256xf32>
    %get3A_2 = arith.constant 0 : index
    %get3A_3 = arith.constant 0 : index
    %get3A_4 = vector.load %arg2[%get3A_2, %get3A_3] : memref<256x256xf32, #tpu.memory_space<vmem>>, vector<256x256xf32>
    %dot_general3A = arith.constant dense<0.000000e+00> : vector<2000x256xf32>
    %dot_general3A_5 = tpu.matmul %get3A_1, %get3A_4, %dot_general3A {dimension_numbers = #tpu.dot_dimension_numbers<[1], [0], [0], [1], [0, 0, 1, 1], [], []>, transpose_lhs_hint = false} : vector<2000x256xf32>, vector<256x256xf32>, vector<2000x256xf32> -> vector<2000x256xf32>
    %swap3A = arith.constant 0 : index
    %swap3A_6 = arith.constant 0 : index
    %swap3A_7 = vector.load %arg3[%swap3A, %swap3A_6] : memref<2000x256xf32, #tpu.memory_space<vmem>>, vector<2000x256xf32>
    tpu.vector_store %arg3[%swap3A, %swap3A_6], %dot_general3A_5 {strides = array<i32>} : memref<2000x256xf32, #tpu.memory_space<vmem>>, vector<2000x256xf32>,
    return
  }
  func.func @transform_0(%arg0: i32) -> (i32, i32) {
    %c0_i32 = arith.constant 0 : i32
    %c0_i32_0 = arith.constant 0 : i32
    return %arg0, %c0_i32 : i32, i32
  }
  func.func @transform_1(%arg0: i32) -> (i32, i32) {
    %c0_i32 = arith.constant 0 : i32
    %c0_i32_0 = arith.constant 0 : i32
    %c0_i32_1 = arith.constant 0 : i32
    return %c0_i32, %c0_i32_0 : i32, i32
  }
  func.func @transform_2(%arg0: i32) -> (i32, i32) {
    %c0_i32 = arith.constant 0 : i32
    %c0_i32_0 = arith.constant 0 : i32
    return %arg0, %c0_i32 : i32, i32
  }
}

module attributes {stable_mosaic.version = 14 : i64} {
  func.func @_tc2_body(%arg0: i32, %arg1: memref<3328x256xf32, #tpu.memory_space<vmem>>, %arg2: memref<3328x16xf32, #tpu.memory_space<vmem>>, %arg3: memref<16x256xf32, #tpu.memory_space<vmem>>, %arg4: memref<1x256xf32, #tpu.memory_space<vmem>>, %arg5: memref<1x256xf32, #tpu.memory_space<vmem>>, %arg6: memref<1x256xf32, #tpu.memory_space<vmem>>, %arg7: memref<256x256xf32, #tpu.memory_space<vmem>>, %arg8: memref<1x256xf32, #tpu.memory_space<vmem>>, %arg9: memref<2x3328x128xf32, #tpu.memory_space<vmem>>) attributes {dimension_semantics = [#tpu.dimension_semantics<arbitrary>], iteration_bounds = array<i64: 25>, scalar_prefetch = 0 : i64, scratch_operands = 0 : i64, tpu.core_type = #tpu.core_type<tc>, window_params = [{transform_indices = @transform_0, window_bounds = array<i64: 3328, 256>}, {transform_indices = @transform_1, window_bounds = array<i64: 3328, 16>}, {pipeline_mode = #tpu.pipeline_mode<synchronous>, transform_indices = @transform_2, window_bounds = array<i64: 16, 256>}, {pipeline_mode = #tpu.pipeline_mode<synchronous>, transform_indices = @transform_3, window_bounds = array<i64: 1, 256>}, {pipeline_mode = #tpu.pipeline_mode<synchronous>, transform_indices = @transform_4, window_bounds = array<i64: 1, 256>}, {pipeline_mode = #tpu.pipeline_mode<synchronous>, transform_indices = @transform_5, window_bounds = array<i64: 1, 256>}, {pipeline_mode = #tpu.pipeline_mode<synchronous>, transform_indices = @transform_6, window_bounds = array<i64: 256, 256>}, {pipeline_mode = #tpu.pipeline_mode<synchronous>, transform_indices = @transform_7, window_bounds = array<i64: 1, 256>}, {transform_indices = @transform_8, window_bounds = array<i64: 2, 3328, 128>}]} {
    %get3A = arith.constant 0 : index
    %get3A_0 = arith.constant 0 : index
    %get3A_1 = vector.load %arg1[%get3A, %get3A_0] : memref<3328x256xf32, #tpu.memory_space<vmem>>, vector<3328x256xf32>
    %get3A_2 = arith.constant 0 : index
    %get3A_3 = arith.constant 0 : index
    %get3A_4 = vector.load %arg2[%get3A_2, %get3A_3] : memref<3328x16xf32, #tpu.memory_space<vmem>>, vector<3328x16xf32>
    %get3A_5 = arith.constant 0 : index
    %get3A_6 = arith.constant 0 : index
    %get3A_7 = vector.load %arg3[%get3A_5, %get3A_6] : memref<16x256xf32, #tpu.memory_space<vmem>>, vector<16x256xf32>
    %dot_general3A = arith.constant dense<0.000000e+00> : vector<3328x256xf32>
    %dot_general3A_8 = tpu.matmul %get3A_4, %get3A_7, %dot_general3A {dimension_numbers = #tpu.dot_dimension_numbers<[1], [0], [0], [1], [0, 0, 1, 1], [], []>, transpose_lhs_hint = false} : vector<3328x16xf32>, vector<16x256xf32>, vector<3328x256xf32> -> vector<3328x256xf32>
    %add3A = arith.addf %get3A_1, %dot_general3A_8 : vector<3328x256xf32>
    %get3A_9 = arith.constant 0 : index
    %get3A_10 = arith.constant 0 : index
    %get3A_11 = vector.load %arg4[%get3A_9, %get3A_10] : memref<1x256xf32, #tpu.memory_space<vmem>>, vector<1x256xf32>
    %add3A_12 = vector.broadcast %get3A_11 : vector<1x256xf32> to vector<3328x256xf32>
    %add3A_13 = arith.addf %add3A, %add3A_12 : vector<3328x256xf32>
    %get3A_14 = arith.constant 0 : index
    %get3A_15 = arith.constant 0 : index
    %get3A_16 = vector.load %arg5[%get3A_14, %get3A_15] : memref<1x256xf32, #tpu.memory_space<vmem>>, vector<1x256xf32>
    %get3A_17 = arith.constant 0 : index
    %get3A_18 = arith.constant 0 : index
    %get3A_19 = vector.load %arg6[%get3A_17, %get3A_18] : memref<1x256xf32, #tpu.memory_space<vmem>>, vector<1x256xf32>
    %reduce_sum3A = arith.constant dense<0.000000e+00> : vector<3328xf32>
    %reduce_sum3A_20 = vector.multi_reduction <add>, %add3A_13, %reduce_sum3A [1] : vector<3328x256xf32> to vector<3328xf32>
    %broadcast_in_dim3A = vector.shape_cast %reduce_sum3A_20 : vector<3328xf32> to vector<3328x1xf32>
    %div3A = arith.constant 2.560000e+02 : f32
    %div3A_21 = vector.broadcast %div3A : f32 to vector<3328x1xf32>
    %div3A_22 = arith.divf %broadcast_in_dim3A, %div3A_21 : vector<3328x1xf32>
    %sub3A = vector.broadcast %div3A_22 : vector<3328x1xf32> to vector<3328x256xf32>
    %sub3A_23 = arith.subf %add3A_13, %sub3A : vector<3328x256xf32>
    %sub3A_24 = vector.broadcast %div3A_22 : vector<3328x1xf32> to vector<3328x256xf32>
    %sub3A_25 = arith.subf %add3A_13, %sub3A_24 : vector<3328x256xf32>
    %mul3A = arith.mulf %sub3A_23, %sub3A_25 : vector<3328x256xf32>
    %reduce_sum3A_26 = arith.constant dense<0.000000e+00> : vector<3328xf32>
    %reduce_sum3A_27 = vector.multi_reduction <add>, %mul3A, %reduce_sum3A_26 [1] : vector<3328x256xf32> to vector<3328xf32>
    %broadcast_in_dim3A_28 = vector.shape_cast %reduce_sum3A_27 : vector<3328xf32> to vector<3328x1xf32>
    %div3A_29 = arith.constant 2.560000e+02 : f32
    %div3A_30 = vector.broadcast %div3A_29 : f32 to vector<3328x1xf32>
    %div3A_31 = arith.divf %broadcast_in_dim3A_28, %div3A_30 : vector<3328x1xf32>
    %sub3A_32 = vector.broadcast %div3A_22 : vector<3328x1xf32> to vector<3328x256xf32>
    %sub3A_33 = arith.subf %add3A_13, %sub3A_32 : vector<3328x256xf32>
    %add3A_34 = arith.constant 9.99999974E-6 : f32
    %add3A_35 = vector.broadcast %add3A_34 : f32 to vector<3328x1xf32>
    %add3A_36 = arith.addf %div3A_31, %add3A_35 : vector<3328x1xf32>
    %sqrt3A = math.sqrt %add3A_36 : vector<3328x1xf32>
    %div3A_37 = vector.broadcast %sqrt3A : vector<3328x1xf32> to vector<3328x256xf32>
    %div3A_38 = arith.divf %sub3A_33, %div3A_37 : vector<3328x256xf32>
    %mul3A_39 = vector.broadcast %get3A_16 : vector<1x256xf32> to vector<3328x256xf32>
    %mul3A_40 = arith.mulf %div3A_38, %mul3A_39 : vector<3328x256xf32>
    %add3A_41 = vector.broadcast %get3A_19 : vector<1x256xf32> to vector<3328x256xf32>
    %add3A_42 = arith.addf %mul3A_40, %add3A_41 : vector<3328x256xf32>
    %max3A = arith.constant 0.000000e+00 : f32
    %max3A_43 = vector.broadcast %max3A : f32 to vector<3328x256xf32>
    %max3A_44 = arith.maximumf %add3A_42, %max3A_43 : vector<3328x256xf32>
    %convert_element_type3A = arith.truncf %max3A_44 : vector<3328x256xf32> to vector<3328x256xbf16>
    %get3A_45 = arith.constant 0 : index
    %get3A_46 = arith.constant 0 : index
    %get3A_47 = vector.load %arg7[%get3A_45, %get3A_46] : memref<256x256xf32, #tpu.memory_space<vmem>>, vector<256x256xf32>
    %convert_element_type3A_48 = arith.truncf %get3A_47 : vector<256x256xf32> to vector<256x256xbf16>
    %dot_general3A_49 = arith.constant dense<0.000000e+00> : vector<3328x256xf32>
    %dot_general3A_50 = tpu.matmul %convert_element_type3A, %convert_element_type3A_48, %dot_general3A_49 {dimension_numbers = #tpu.dot_dimension_numbers<[1], [0], [0], [1], [0, 0, 1, 1], [], []>, transpose_lhs_hint = false} : vector<3328x256xbf16>, vector<256x256xbf16>, vector<3328x256xf32> -> vector<3328x256xf32>
    %get3A_51 = arith.constant 0 : index
    %get3A_52 = arith.constant 0 : index
    %get3A_53 = vector.load %arg8[%get3A_51, %get3A_52] : memref<1x256xf32, #tpu.memory_space<vmem>>, vector<1x256xf32>
    %add3A_54 = vector.broadcast %get3A_53 : vector<1x256xf32> to vector<3328x256xf32>
    %add3A_55 = arith.addf %dot_general3A_50, %add3A_54 : vector<3328x256xf32>
    %slice3A = vector.extract_strided_slice %add3A_55 {offsets = [0, 0], sizes = [3328, 128], strides = [1, 1]} : vector<3328x256xf32> to vector<3328x128xf32>
    %swap3A = arith.constant 0 : index
    %swap3A_56 = arith.constant 0 : index
    %swap3A_57 = arith.constant 0 : index
    %swap3A_58 = vector.load %arg9[%swap3A, %swap3A_56, %swap3A_57] : memref<2x3328x128xf32, #tpu.memory_space<vmem>>, vector<1x3328x128xf32>
    %swap3A_59 = vector.shape_cast %swap3A_58 : vector<1x3328x128xf32> to vector<3328x128xf32>
    %swap3A_60 = vector.shape_cast %slice3A : vector<3328x128xf32> to vector<1x3328x128xf32>
    tpu.vector_store %arg9[%swap3A, %swap3A_56, %swap3A_57], %swap3A_60 {strides = array<i32>} : memref<2x3328x128xf32, #tpu.memory_space<vmem>>, vector<1x3328x128xf32>,
    %slice3A_61 = vector.extract_strided_slice %add3A_55 {offsets = [0, 128], sizes = [3328, 128], strides = [1, 1]} : vector<3328x256xf32> to vector<3328x128xf32>
    %swap3A_62 = arith.constant 1 : index
    %swap3A_63 = arith.constant 0 : index
    %swap3A_64 = arith.constant 0 : index
    %swap3A_65 = vector.load %arg9[%swap3A_62, %swap3A_63, %swap3A_64] : memref<2x3328x128xf32, #tpu.memory_space<vmem>>, vector<1x3328x128xf32>
    %swap3A_66 = vector.shape_cast %swap3A_65 : vector<1x3328x128xf32> to vector<3328x128xf32>
    %swap3A_67 = vector.shape_cast %slice3A_61 : vector<3328x128xf32> to vector<1x3328x128xf32>
    tpu.vector_store %arg9[%swap3A_62, %swap3A_63, %swap3A_64], %swap3A_67 {strides = array<i32>} : memref<2x3328x128xf32, #tpu.memory_space<vmem>>, vector<1x3328x128xf32>,
    return
  }
  func.func @transform_0(%arg0: i32) -> (i32, i32) {
    %c0_i32 = arith.constant 0 : i32
    %c0_i32_0 = arith.constant 0 : i32
    return %arg0, %c0_i32 : i32, i32
  }
  func.func @transform_1(%arg0: i32) -> (i32, i32) {
    %c0_i32 = arith.constant 0 : i32
    %c0_i32_0 = arith.constant 0 : i32
    return %arg0, %c0_i32 : i32, i32
  }
  func.func @transform_2(%arg0: i32) -> (i32, i32) {
    %c0_i32 = arith.constant 0 : i32
    %c0_i32_0 = arith.constant 0 : i32
    %c0_i32_1 = arith.constant 0 : i32
    return %c0_i32, %c0_i32_0 : i32, i32
  }
  func.func @transform_3(%arg0: i32) -> (i32, i32) {
    %c0_i32 = arith.constant 0 : i32
    %c0_i32_0 = arith.constant 0 : i32
    %c0_i32_1 = arith.constant 0 : i32
    return %c0_i32, %c0_i32_0 : i32, i32
  }
  func.func @transform_4(%arg0: i32) -> (i32, i32) {
    %c0_i32 = arith.constant 0 : i32
    %c0_i32_0 = arith.constant 0 : i32
    %c0_i32_1 = arith.constant 0 : i32
    return %c0_i32, %c0_i32_0 : i32, i32
  }
  func.func @transform_5(%arg0: i32) -> (i32, i32) {
    %c0_i32 = arith.constant 0 : i32
    %c0_i32_0 = arith.constant 0 : i32
    %c0_i32_1 = arith.constant 0 : i32
    return %c0_i32, %c0_i32_0 : i32, i32
  }
  func.func @transform_6(%arg0: i32) -> (i32, i32) {
    %c0_i32 = arith.constant 0 : i32
    %c0_i32_0 = arith.constant 0 : i32
    %c0_i32_1 = arith.constant 0 : i32
    return %c0_i32, %c0_i32_0 : i32, i32
  }
  func.func @transform_7(%arg0: i32) -> (i32, i32) {
    %c0_i32 = arith.constant 0 : i32
    %c0_i32_0 = arith.constant 0 : i32
    %c0_i32_1 = arith.constant 0 : i32
    return %c0_i32, %c0_i32_0 : i32, i32
  }
  func.func @transform_8(%arg0: i32) -> (i32, i32, i32) {
    %c0_i32 = arith.constant 0 : i32
    %c0_i32_0 = arith.constant 0 : i32
    %c0_i32_1 = arith.constant 0 : i32
    return %c0_i32, %arg0, %c0_i32_0 : i32, i32, i32
  }
}

module attributes {stable_mosaic.version = 14 : i64} {
  func.func @_tc2_body(%arg0: i32, %arg1: memref<3328x256xf32, #tpu.memory_space<vmem>>, %arg2: memref<3328x16xf32, #tpu.memory_space<vmem>>, %arg3: memref<16x256xf32, #tpu.memory_space<vmem>>, %arg4: memref<1x256xf32, #tpu.memory_space<vmem>>, %arg5: memref<1x256xf32, #tpu.memory_space<vmem>>, %arg6: memref<1x256xf32, #tpu.memory_space<vmem>>, %arg7: memref<256x256xf32, #tpu.memory_space<vmem>>, %arg8: memref<1x256xf32, #tpu.memory_space<vmem>>, %arg9: memref<2x3328x128xf32, #tpu.memory_space<vmem>>) attributes {dimension_semantics = [#tpu.dimension_semantics<arbitrary>], iteration_bounds = array<i64: 24>, scalar_prefetch = 0 : i64, scratch_operands = 0 : i64, tpu.core_type = #tpu.core_type<tc>, window_params = [{transform_indices = @transform_0, window_bounds = array<i64: 3328, 256>}, {transform_indices = @transform_1, window_bounds = array<i64: 3328, 16>}, {pipeline_mode = #tpu.pipeline_mode<synchronous>, transform_indices = @transform_2, window_bounds = array<i64: 16, 256>}, {pipeline_mode = #tpu.pipeline_mode<synchronous>, transform_indices = @transform_3, window_bounds = array<i64: 1, 256>}, {pipeline_mode = #tpu.pipeline_mode<synchronous>, transform_indices = @transform_4, window_bounds = array<i64: 1, 256>}, {pipeline_mode = #tpu.pipeline_mode<synchronous>, transform_indices = @transform_5, window_bounds = array<i64: 1, 256>}, {pipeline_mode = #tpu.pipeline_mode<synchronous>, transform_indices = @transform_6, window_bounds = array<i64: 256, 256>}, {pipeline_mode = #tpu.pipeline_mode<synchronous>, transform_indices = @transform_7, window_bounds = array<i64: 1, 256>}, {transform_indices = @transform_8, window_bounds = array<i64: 2, 3328, 128>}]} {
    %get3A = arith.constant 0 : index
    %get3A_0 = arith.constant 0 : index
    %get3A_1 = vector.load %arg1[%get3A, %get3A_0] : memref<3328x256xf32, #tpu.memory_space<vmem>>, vector<3328x256xf32>
    %get3A_2 = arith.constant 0 : index
    %get3A_3 = arith.constant 0 : index
    %get3A_4 = vector.load %arg2[%get3A_2, %get3A_3] : memref<3328x16xf32, #tpu.memory_space<vmem>>, vector<3328x16xf32>
    %get3A_5 = arith.constant 0 : index
    %get3A_6 = arith.constant 0 : index
    %get3A_7 = vector.load %arg3[%get3A_5, %get3A_6] : memref<16x256xf32, #tpu.memory_space<vmem>>, vector<16x256xf32>
    %dot_general3A = arith.constant dense<0.000000e+00> : vector<3328x256xf32>
    %dot_general3A_8 = tpu.matmul %get3A_4, %get3A_7, %dot_general3A {dimension_numbers = #tpu.dot_dimension_numbers<[1], [0], [0], [1], [0, 0, 1, 1], [], []>, transpose_lhs_hint = false} : vector<3328x16xf32>, vector<16x256xf32>, vector<3328x256xf32> -> vector<3328x256xf32>
    %add3A = arith.addf %get3A_1, %dot_general3A_8 : vector<3328x256xf32>
    %get3A_9 = arith.constant 0 : index
    %get3A_10 = arith.constant 0 : index
    %get3A_11 = vector.load %arg4[%get3A_9, %get3A_10] : memref<1x256xf32, #tpu.memory_space<vmem>>, vector<1x256xf32>
    %add3A_12 = vector.broadcast %get3A_11 : vector<1x256xf32> to vector<3328x256xf32>
    %add3A_13 = arith.addf %add3A, %add3A_12 : vector<3328x256xf32>
    %get3A_14 = arith.constant 0 : index
    %get3A_15 = arith.constant 0 : index
    %get3A_16 = vector.load %arg5[%get3A_14, %get3A_15] : memref<1x256xf32, #tpu.memory_space<vmem>>, vector<1x256xf32>
    %get3A_17 = arith.constant 0 : index
    %get3A_18 = arith.constant 0 : index
    %get3A_19 = vector.load %arg6[%get3A_17, %get3A_18] : memref<1x256xf32, #tpu.memory_space<vmem>>, vector<1x256xf32>
    %reduce_sum3A = arith.constant dense<0.000000e+00> : vector<3328xf32>
    %reduce_sum3A_20 = vector.multi_reduction <add>, %add3A_13, %reduce_sum3A [1] : vector<3328x256xf32> to vector<3328xf32>
    %broadcast_in_dim3A = vector.shape_cast %reduce_sum3A_20 : vector<3328xf32> to vector<3328x1xf32>
    %div3A = arith.constant 2.560000e+02 : f32
    %div3A_21 = vector.broadcast %div3A : f32 to vector<3328x1xf32>
    %div3A_22 = arith.divf %broadcast_in_dim3A, %div3A_21 : vector<3328x1xf32>
    %sub3A = vector.broadcast %div3A_22 : vector<3328x1xf32> to vector<3328x256xf32>
    %sub3A_23 = arith.subf %add3A_13, %sub3A : vector<3328x256xf32>
    %sub3A_24 = vector.broadcast %div3A_22 : vector<3328x1xf32> to vector<3328x256xf32>
    %sub3A_25 = arith.subf %add3A_13, %sub3A_24 : vector<3328x256xf32>
    %mul3A = arith.mulf %sub3A_23, %sub3A_25 : vector<3328x256xf32>
    %reduce_sum3A_26 = arith.constant dense<0.000000e+00> : vector<3328xf32>
    %reduce_sum3A_27 = vector.multi_reduction <add>, %mul3A, %reduce_sum3A_26 [1] : vector<3328x256xf32> to vector<3328xf32>
    %broadcast_in_dim3A_28 = vector.shape_cast %reduce_sum3A_27 : vector<3328xf32> to vector<3328x1xf32>
    %div3A_29 = arith.constant 2.560000e+02 : f32
    %div3A_30 = vector.broadcast %div3A_29 : f32 to vector<3328x1xf32>
    %div3A_31 = arith.divf %broadcast_in_dim3A_28, %div3A_30 : vector<3328x1xf32>
    %sub3A_32 = vector.broadcast %div3A_22 : vector<3328x1xf32> to vector<3328x256xf32>
    %sub3A_33 = arith.subf %add3A_13, %sub3A_32 : vector<3328x256xf32>
    %add3A_34 = arith.constant 9.99999974E-6 : f32
    %add3A_35 = vector.broadcast %add3A_34 : f32 to vector<3328x1xf32>
    %add3A_36 = arith.addf %div3A_31, %add3A_35 : vector<3328x1xf32>
    %sqrt3A = math.sqrt %add3A_36 : vector<3328x1xf32>
    %div3A_37 = vector.broadcast %sqrt3A : vector<3328x1xf32> to vector<3328x256xf32>
    %div3A_38 = arith.divf %sub3A_33, %div3A_37 : vector<3328x256xf32>
    %mul3A_39 = vector.broadcast %get3A_16 : vector<1x256xf32> to vector<3328x256xf32>
    %mul3A_40 = arith.mulf %div3A_38, %mul3A_39 : vector<3328x256xf32>
    %add3A_41 = vector.broadcast %get3A_19 : vector<1x256xf32> to vector<3328x256xf32>
    %add3A_42 = arith.addf %mul3A_40, %add3A_41 : vector<3328x256xf32>
    %max3A = arith.constant 0.000000e+00 : f32
    %max3A_43 = vector.broadcast %max3A : f32 to vector<3328x256xf32>
    %max3A_44 = arith.maximumf %add3A_42, %max3A_43 : vector<3328x256xf32>
    %convert_element_type3A = arith.truncf %max3A_44 : vector<3328x256xf32> to vector<3328x256xbf16>
    %get3A_45 = arith.constant 0 : index
    %get3A_46 = arith.constant 0 : index
    %get3A_47 = vector.load %arg7[%get3A_45, %get3A_46] : memref<256x256xf32, #tpu.memory_space<vmem>>, vector<256x256xf32>
    %convert_element_type3A_48 = arith.truncf %get3A_47 : vector<256x256xf32> to vector<256x256xbf16>
    %dot_general3A_49 = arith.constant dense<0.000000e+00> : vector<3328x256xf32>
    %dot_general3A_50 = tpu.matmul %convert_element_type3A, %convert_element_type3A_48, %dot_general3A_49 {dimension_numbers = #tpu.dot_dimension_numbers<[1], [0], [0], [1], [0, 0, 1, 1], [], []>, transpose_lhs_hint = false} : vector<3328x256xbf16>, vector<256x256xbf16>, vector<3328x256xf32> -> vector<3328x256xf32>
    %get3A_51 = arith.constant 0 : index
    %get3A_52 = arith.constant 0 : index
    %get3A_53 = vector.load %arg8[%get3A_51, %get3A_52] : memref<1x256xf32, #tpu.memory_space<vmem>>, vector<1x256xf32>
    %add3A_54 = vector.broadcast %get3A_53 : vector<1x256xf32> to vector<3328x256xf32>
    %add3A_55 = arith.addf %dot_general3A_50, %add3A_54 : vector<3328x256xf32>
    %slice3A = vector.extract_strided_slice %add3A_55 {offsets = [0, 0], sizes = [3328, 128], strides = [1, 1]} : vector<3328x256xf32> to vector<3328x128xf32>
    %swap3A = arith.constant 0 : index
    %swap3A_56 = arith.constant 0 : index
    %swap3A_57 = arith.constant 0 : index
    %swap3A_58 = vector.load %arg9[%swap3A, %swap3A_56, %swap3A_57] : memref<2x3328x128xf32, #tpu.memory_space<vmem>>, vector<1x3328x128xf32>
    %swap3A_59 = vector.shape_cast %swap3A_58 : vector<1x3328x128xf32> to vector<3328x128xf32>
    %swap3A_60 = vector.shape_cast %slice3A : vector<3328x128xf32> to vector<1x3328x128xf32>
    tpu.vector_store %arg9[%swap3A, %swap3A_56, %swap3A_57], %swap3A_60 {strides = array<i32>} : memref<2x3328x128xf32, #tpu.memory_space<vmem>>, vector<1x3328x128xf32>,
    %slice3A_61 = vector.extract_strided_slice %add3A_55 {offsets = [0, 128], sizes = [3328, 128], strides = [1, 1]} : vector<3328x256xf32> to vector<3328x128xf32>
    %swap3A_62 = arith.constant 1 : index
    %swap3A_63 = arith.constant 0 : index
    %swap3A_64 = arith.constant 0 : index
    %swap3A_65 = vector.load %arg9[%swap3A_62, %swap3A_63, %swap3A_64] : memref<2x3328x128xf32, #tpu.memory_space<vmem>>, vector<1x3328x128xf32>
    %swap3A_66 = vector.shape_cast %swap3A_65 : vector<1x3328x128xf32> to vector<3328x128xf32>
    %swap3A_67 = vector.shape_cast %slice3A_61 : vector<3328x128xf32> to vector<1x3328x128xf32>
    tpu.vector_store %arg9[%swap3A_62, %swap3A_63, %swap3A_64], %swap3A_67 {strides = array<i32>} : memref<2x3328x128xf32, #tpu.memory_space<vmem>>, vector<1x3328x128xf32>,
    return
  }
  func.func @transform_0(%arg0: i32) -> (i32, i32) {
    %c0_i32 = arith.constant 0 : i32
    %c0_i32_0 = arith.constant 0 : i32
    return %arg0, %c0_i32 : i32, i32
  }
  func.func @transform_1(%arg0: i32) -> (i32, i32) {
    %c0_i32 = arith.constant 0 : i32
    %c0_i32_0 = arith.constant 0 : i32
    return %arg0, %c0_i32 : i32, i32
  }
  func.func @transform_2(%arg0: i32) -> (i32, i32) {
    %c0_i32 = arith.constant 0 : i32
    %c0_i32_0 = arith.constant 0 : i32
    %c0_i32_1 = arith.constant 0 : i32
    return %c0_i32, %c0_i32_0 : i32, i32
  }
  func.func @transform_3(%arg0: i32) -> (i32, i32) {
    %c0_i32 = arith.constant 0 : i32
    %c0_i32_0 = arith.constant 0 : i32
    %c0_i32_1 = arith.constant 0 : i32
    return %c0_i32, %c0_i32_0 : i32, i32
  }
  func.func @transform_4(%arg0: i32) -> (i32, i32) {
    %c0_i32 = arith.constant 0 : i32
    %c0_i32_0 = arith.constant 0 : i32
    %c0_i32_1 = arith.constant 0 : i32
    return %c0_i32, %c0_i32_0 : i32, i32
  }
  func.func @transform_5(%arg0: i32) -> (i32, i32) {
    %c0_i32 = arith.constant 0 : i32
    %c0_i32_0 = arith.constant 0 : i32
    %c0_i32_1 = arith.constant 0 : i32
    return %c0_i32, %c0_i32_0 : i32, i32
  }
  func.func @transform_6(%arg0: i32) -> (i32, i32) {
    %c0_i32 = arith.constant 0 : i32
    %c0_i32_0 = arith.constant 0 : i32
    %c0_i32_1 = arith.constant 0 : i32
    return %c0_i32, %c0_i32_0 : i32, i32
  }
  func.func @transform_7(%arg0: i32) -> (i32, i32) {
    %c0_i32 = arith.constant 0 : i32
    %c0_i32_0 = arith.constant 0 : i32
    %c0_i32_1 = arith.constant 0 : i32
    return %c0_i32, %c0_i32_0 : i32, i32
  }
  func.func @transform_8(%arg0: i32) -> (i32, i32, i32) {
    %c0_i32 = arith.constant 0 : i32
    %c0_i32_0 = arith.constant 0 : i32
    %c0_i32_1 = arith.constant 0 : i32
    return %c0_i32, %arg0, %c0_i32_0 : i32, i32, i32
  }
}

module attributes {stable_mosaic.version = 14 : i64} {
  func.func @_tc3_body(%arg0: i32, %arg1: memref<2x2000x128xf32, #tpu.memory_space<vmem>>, %arg2: memref<2x2000x128xf32, #tpu.memory_space<vmem>>, %arg3: memref<2000x16xf32, #tpu.memory_space<vmem>>, %arg4: memref<2000x1xf32, #tpu.memory_space<vmem>>, %arg5: memref<16x256xf32, #tpu.memory_space<vmem>>, %arg6: memref<256x256xf32, #tpu.memory_space<vmem>>, %arg7: memref<1x256xf32, #tpu.memory_space<vmem>>, %arg8: memref<1x256xf32, #tpu.memory_space<vmem>>, %arg9: memref<1x256xf32, #tpu.memory_space<vmem>>, %arg10: memref<256x256xf32, #tpu.memory_space<vmem>>, %arg11: memref<1x256xf32, #tpu.memory_space<vmem>>, %arg12: memref<2x2000x128xf32, #tpu.memory_space<vmem>>) attributes {dimension_semantics = [#tpu.dimension_semantics<arbitrary>], iteration_bounds = array<i64: 5>, scalar_prefetch = 0 : i64, scratch_operands = 0 : i64, tpu.core_type = #tpu.core_type<tc>, window_params = [{transform_indices = @transform_0, window_bounds = array<i64: 2, 2000, 128>}, {transform_indices = @transform_1, window_bounds = array<i64: 2, 2000, 128>}, {transform_indices = @transform_2, window_bounds = array<i64: 2000, 16>}, {transform_indices = @transform_3, window_bounds = array<i64: 2000, 1>}, {pipeline_mode = #tpu.pipeline_mode<synchronous>, transform_indices = @transform_4, window_bounds = array<i64: 16, 256>}, {pipeline_mode = #tpu.pipeline_mode<synchronous>, transform_indices = @transform_5, window_bounds = array<i64: 256, 256>}, {pipeline_mode = #tpu.pipeline_mode<synchronous>, transform_indices = @transform_6, window_bounds = array<i64: 1, 256>}, {pipeline_mode = #tpu.pipeline_mode<synchronous>, transform_indices = @transform_7, window_bounds = array<i64: 1, 256>}, {pipeline_mode = #tpu.pipeline_mode<synchronous>, transform_indices = @transform_8, window_bounds = array<i64: 1, 256>}, {pipeline_mode = #tpu.pipeline_mode<synchronous>, transform_indices = @transform_9, window_bounds = array<i64: 256, 256>}, {pipeline_mode = #tpu.pipeline_mode<synchronous>, transform_indices = @transform_10, window_bounds = array<i64: 1, 256>}, {transform_indices = @transform_11, window_bounds = array<i64: 2, 2000, 128>}]} {
    %get3A = arith.constant 0 : index
    %get3A_0 = arith.constant 0 : index
    %get3A_1 = arith.constant 0 : index
    %get3A_2 = vector.load %arg1[%get3A, %get3A_0, %get3A_1] : memref<2x2000x128xf32, #tpu.memory_space<vmem>>, vector<1x2000x128xf32>
    %get3A_3 = vector.shape_cast %get3A_2 : vector<1x2000x128xf32> to vector<2000x128xf32>
    %get3A_4 = arith.constant 0 : index
    %get3A_5 = arith.constant 0 : index
    %get3A_6 = arith.constant 0 : index
    %get3A_7 = vector.load %arg2[%get3A_4, %get3A_5, %get3A_6] : memref<2x2000x128xf32, #tpu.memory_space<vmem>>, vector<1x2000x128xf32>
    %get3A_8 = vector.shape_cast %get3A_7 : vector<1x2000x128xf32> to vector<2000x128xf32>
    %add3A = arith.addf %get3A_3, %get3A_8 : vector<2000x128xf32>
    %get3A_9 = arith.constant 1 : index
    %get3A_10 = arith.constant 0 : index
    %get3A_11 = arith.constant 0 : index
    %get3A_12 = vector.load %arg1[%get3A_9, %get3A_10, %get3A_11] : memref<2x2000x128xf32, #tpu.memory_space<vmem>>, vector<1x2000x128xf32>
    %get3A_13 = vector.shape_cast %get3A_12 : vector<1x2000x128xf32> to vector<2000x128xf32>
    %get3A_14 = arith.constant 1 : index
    %get3A_15 = arith.constant 0 : index
    %get3A_16 = arith.constant 0 : index
    %get3A_17 = vector.load %arg2[%get3A_14, %get3A_15, %get3A_16] : memref<2x2000x128xf32, #tpu.memory_space<vmem>>, vector<1x2000x128xf32>
    %get3A_18 = vector.shape_cast %get3A_17 : vector<1x2000x128xf32> to vector<2000x128xf32>
    %add3A_19 = arith.addf %get3A_13, %get3A_18 : vector<2000x128xf32>
    %concatenate3A = tpu.concatenate %add3A, %add3A_19 in 1 : vector<2000x128xf32>, vector<2000x128xf32> -> vector<2000x256xf32>
    %get3A_20 = arith.constant 0 : index
    %get3A_21 = arith.constant 0 : index
    %get3A_22 = vector.load %arg4[%get3A_20, %get3A_21] : memref<2000x1xf32, #tpu.memory_space<vmem>>, vector<2000x1xf32>
    %add3A_23 = arith.constant 9.99999997E-7 : f32
    %add3A_24 = vector.broadcast %add3A_23 : f32 to vector<2000x1xf32>
    %add3A_25 = arith.addf %get3A_22, %add3A_24 : vector<2000x1xf32>
    %div3A = vector.broadcast %add3A_25 : vector<2000x1xf32> to vector<2000x256xf32>
    %div3A_26 = arith.divf %concatenate3A, %div3A : vector<2000x256xf32>
    %get3A_27 = arith.constant 0 : index
    %get3A_28 = arith.constant 0 : index
    %get3A_29 = vector.load %arg3[%get3A_27, %get3A_28] : memref<2000x16xf32, #tpu.memory_space<vmem>>, vector<2000x16xf32>
    %get3A_30 = arith.constant 0 : index
    %get3A_31 = arith.constant 0 : index
    %get3A_32 = vector.load %arg5[%get3A_30, %get3A_31] : memref<16x256xf32, #tpu.memory_space<vmem>>, vector<16x256xf32>
    %dot_general3A = arith.constant dense<0.000000e+00> : vector<2000x256xf32>
    %dot_general3A_33 = tpu.matmul %get3A_29, %get3A_32, %dot_general3A {dimension_numbers = #tpu.dot_dimension_numbers<[1], [0], [0], [1], [0, 0, 1, 1], [], []>, transpose_lhs_hint = false} : vector<2000x16xf32>, vector<16x256xf32>, vector<2000x256xf32> -> vector<2000x256xf32>
    %convert_element_type3A = arith.truncf %div3A_26 : vector<2000x256xf32> to vector<2000x256xbf16>
    %get3A_34 = arith.constant 0 : index
    %get3A_35 = arith.constant 0 : index
    %get3A_36 = vector.load %arg6[%get3A_34, %get3A_35] : memref<256x256xf32, #tpu.memory_space<vmem>>, vector<256x256xf32>
    %convert_element_type3A_37 = arith.truncf %get3A_36 : vector<256x256xf32> to vector<256x256xbf16>
    %dot_general3A_38 = arith.constant dense<0.000000e+00> : vector<2000x256xf32>
    %dot_general3A_39 = tpu.matmul %convert_element_type3A, %convert_element_type3A_37, %dot_general3A_38 {dimension_numbers = #tpu.dot_dimension_numbers<[1], [0], [0], [1], [0, 0, 1, 1], [], []>, transpose_lhs_hint = false} : vector<2000x256xbf16>, vector<256x256xbf16>, vector<2000x256xf32> -> vector<2000x256xf32>
    %add3A_40 = arith.addf %dot_general3A_33, %dot_general3A_39 : vector<2000x256xf32>
    %get3A_41 = arith.constant 0 : index
    %get3A_42 = arith.constant 0 : index
    %get3A_43 = vector.load %arg7[%get3A_41, %get3A_42] : memref<1x256xf32, #tpu.memory_space<vmem>>, vector<1x256xf32>
    %add3A_44 = vector.broadcast %get3A_43 : vector<1x256xf32> to vector<2000x256xf32>
    %add3A_45 = arith.addf %add3A_40, %add3A_44 : vector<2000x256xf32>
    %get3A_46 = arith.constant 0 : index
    %get3A_47 = arith.constant 0 : index
    %get3A_48 = vector.load %arg8[%get3A_46, %get3A_47] : memref<1x256xf32, #tpu.memory_space<vmem>>, vector<1x256xf32>
    %get3A_49 = arith.constant 0 : index
    %get3A_50 = arith.constant 0 : index
    %get3A_51 = vector.load %arg9[%get3A_49, %get3A_50] : memref<1x256xf32, #tpu.memory_space<vmem>>, vector<1x256xf32>
    %reduce_sum3A = arith.constant dense<0.000000e+00> : vector<2000xf32>
    %reduce_sum3A_52 = vector.multi_reduction <add>, %add3A_45, %reduce_sum3A [1] : vector<2000x256xf32> to vector<2000xf32>
    %broadcast_in_dim3A = vector.shape_cast %reduce_sum3A_52 : vector<2000xf32> to vector<2000x1xf32>
    %div3A_53 = arith.constant 2.560000e+02 : f32
    %div3A_54 = vector.broadcast %div3A_53 : f32 to vector<2000x1xf32>
    %div3A_55 = arith.divf %broadcast_in_dim3A, %div3A_54 : vector<2000x1xf32>
    %sub3A = vector.broadcast %div3A_55 : vector<2000x1xf32> to vector<2000x256xf32>
    %sub3A_56 = arith.subf %add3A_45, %sub3A : vector<2000x256xf32>
    %sub3A_57 = vector.broadcast %div3A_55 : vector<2000x1xf32> to vector<2000x256xf32>
    %sub3A_58 = arith.subf %add3A_45, %sub3A_57 : vector<2000x256xf32>
    %mul3A = arith.mulf %sub3A_56, %sub3A_58 : vector<2000x256xf32>
    %reduce_sum3A_59 = arith.constant dense<0.000000e+00> : vector<2000xf32>
    %reduce_sum3A_60 = vector.multi_reduction <add>, %mul3A, %reduce_sum3A_59 [1] : vector<2000x256xf32> to vector<2000xf32>
    %broadcast_in_dim3A_61 = vector.shape_cast %reduce_sum3A_60 : vector<2000xf32> to vector<2000x1xf32>
    %div3A_62 = arith.constant 2.560000e+02 : f32
    %div3A_63 = vector.broadcast %div3A_62 : f32 to vector<2000x1xf32>
    %div3A_64 = arith.divf %broadcast_in_dim3A_61, %div3A_63 : vector<2000x1xf32>
    %sub3A_65 = vector.broadcast %div3A_55 : vector<2000x1xf32> to vector<2000x256xf32>
    %sub3A_66 = arith.subf %add3A_45, %sub3A_65 : vector<2000x256xf32>
    %add3A_67 = arith.constant 9.99999974E-6 : f32
    %add3A_68 = vector.broadcast %add3A_67 : f32 to vector<2000x1xf32>
    %add3A_69 = arith.addf %div3A_64, %add3A_68 : vector<2000x1xf32>
    %sqrt3A = math.sqrt %add3A_69 : vector<2000x1xf32>
    %div3A_70 = vector.broadcast %sqrt3A : vector<2000x1xf32> to vector<2000x256xf32>
    %div3A_71 = arith.divf %sub3A_66, %div3A_70 : vector<2000x256xf32>
    %mul3A_72 = vector.broadcast %get3A_48 : vector<1x256xf32> to vector<2000x256xf32>
    %mul3A_73 = arith.mulf %div3A_71, %mul3A_72 : vector<2000x256xf32>
    %add3A_74 = vector.broadcast %get3A_51 : vector<1x256xf32> to vector<2000x256xf32>
    %add3A_75 = arith.addf %mul3A_73, %add3A_74 : vector<2000x256xf32>
    %max3A = arith.constant 0.000000e+00 : f32
    %max3A_76 = vector.broadcast %max3A : f32 to vector<2000x256xf32>
    %max3A_77 = arith.maximumf %add3A_75, %max3A_76 : vector<2000x256xf32>
    %convert_element_type3A_78 = arith.truncf %max3A_77 : vector<2000x256xf32> to vector<2000x256xbf16>
    %get3A_79 = arith.constant 0 : index
    %get3A_80 = arith.constant 0 : index
    %get3A_81 = vector.load %arg10[%get3A_79, %get3A_80] : memref<256x256xf32, #tpu.memory_space<vmem>>, vector<256x256xf32>
    %convert_element_type3A_82 = arith.truncf %get3A_81 : vector<256x256xf32> to vector<256x256xbf16>
    %dot_general3A_83 = arith.constant dense<0.000000e+00> : vector<2000x256xf32>
    %dot_general3A_84 = tpu.matmul %convert_element_type3A_78, %convert_element_type3A_82, %dot_general3A_83 {dimension_numbers = #tpu.dot_dimension_numbers<[1], [0], [0], [1], [0, 0, 1, 1], [], []>, transpose_lhs_hint = false} : vector<2000x256xbf16>, vector<256x256xbf16>, vector<2000x256xf32> -> vector<2000x256xf32>
    %get3A_85 = arith.constant 0 : index
    %get3A_86 = arith.constant 0 : index
    %get3A_87 = vector.load %arg11[%get3A_85, %get3A_86] : memref<1x256xf32, #tpu.memory_space<vmem>>, vector<1x256xf32>
    %add3A_88 = vector.broadcast %get3A_87 : vector<1x256xf32> to vector<2000x256xf32>
    %add3A_89 = arith.addf %dot_general3A_84, %add3A_88 : vector<2000x256xf32>
    %max3A_90 = arith.constant 0.000000e+00 : f32
    %max3A_91 = vector.broadcast %max3A_90 : f32 to vector<2000x256xf32>
    %max3A_92 = arith.maximumf %add3A_89, %max3A_91 : vector<2000x256xf32>
    %slice3A = vector.extract_strided_slice %max3A_92 {offsets = [0, 0], sizes = [2000, 128], strides = [1, 1]} : vector<2000x256xf32> to vector<2000x128xf32>
    %swap3A = arith.constant 0 : index
    %swap3A_93 = arith.constant 0 : index
    %swap3A_94 = arith.constant 0 : index
    %swap3A_95 = vector.load %arg12[%swap3A, %swap3A_93, %swap3A_94] : memref<2x2000x128xf32, #tpu.memory_space<vmem>>, vector<1x2000x128xf32>
    %swap3A_96 = vector.shape_cast %swap3A_95 : vector<1x2000x128xf32> to vector<2000x128xf32>
    %swap3A_97 = vector.shape_cast %slice3A : vector<2000x128xf32> to vector<1x2000x128xf32>
    tpu.vector_store %arg12[%swap3A, %swap3A_93, %swap3A_94], %swap3A_97 {strides = array<i32>} : memref<2x2000x128xf32, #tpu.memory_space<vmem>>, vector<1x2000x128xf32>,
    %slice3A_98 = vector.extract_strided_slice %max3A_92 {offsets = [0, 128], sizes = [2000, 128], strides = [1, 1]} : vector<2000x256xf32> to vector<2000x128xf32>
    %swap3A_99 = arith.constant 1 : index
    %swap3A_100 = arith.constant 0 : index
    %swap3A_101 = arith.constant 0 : index
    %swap3A_102 = vector.load %arg12[%swap3A_99, %swap3A_100, %swap3A_101] : memref<2x2000x128xf32, #tpu.memory_space<vmem>>, vector<1x2000x128xf32>
    %swap3A_103 = vector.shape_cast %swap3A_102 : vector<1x2000x128xf32> to vector<2000x128xf32>
    %swap3A_104 = vector.shape_cast %slice3A_98 : vector<2000x128xf32> to vector<1x2000x128xf32>
    tpu.vector_store %arg12[%swap3A_99, %swap3A_100, %swap3A_101], %swap3A_104 {strides = array<i32>} : memref<2x2000x128xf32, #tpu.memory_space<vmem>>, vector<1x2000x128xf32>,
    return
  }
  func.func @transform_0(%arg0: i32) -> (i32, i32, i32) {
    %c0_i32 = arith.constant 0 : i32
    %c0_i32_0 = arith.constant 0 : i32
    %c0_i32_1 = arith.constant 0 : i32
    return %c0_i32, %arg0, %c0_i32_0 : i32, i32, i32
  }
  func.func @transform_1(%arg0: i32) -> (i32, i32, i32) {
    %c0_i32 = arith.constant 0 : i32
    %c0_i32_0 = arith.constant 0 : i32
    %c0_i32_1 = arith.constant 0 : i32
    return %c0_i32, %arg0, %c0_i32_0 : i32, i32, i32
  }
  func.func @transform_2(%arg0: i32) -> (i32, i32) {
    %c0_i32 = arith.constant 0 : i32
    %c0_i32_0 = arith.constant 0 : i32
    return %arg0, %c0_i32 : i32, i32
  }
  func.func @transform_3(%arg0: i32) -> (i32, i32) {
    %c0_i32 = arith.constant 0 : i32
    %c0_i32_0 = arith.constant 0 : i32
    return %arg0, %c0_i32 : i32, i32
  }
  func.func @transform_4(%arg0: i32) -> (i32, i32) {
    %c0_i32 = arith.constant 0 : i32
    %c0_i32_0 = arith.constant 0 : i32
    %c0_i32_1 = arith.constant 0 : i32
    return %c0_i32, %c0_i32_0 : i32, i32
  }
  func.func @transform_5(%arg0: i32) -> (i32, i32) {
    %c0_i32 = arith.constant 0 : i32
    %c0_i32_0 = arith.constant 0 : i32
    %c0_i32_1 = arith.constant 0 : i32
    return %c0_i32, %c0_i32_0 : i32, i32
  }
  func.func @transform_6(%arg0: i32) -> (i32, i32) {
    %c0_i32 = arith.constant 0 : i32
    %c0_i32_0 = arith.constant 0 : i32
    %c0_i32_1 = arith.constant 0 : i32
    return %c0_i32, %c0_i32_0 : i32, i32
  }
  func.func @transform_7(%arg0: i32) -> (i32, i32) {
    %c0_i32 = arith.constant 0 : i32
    %c0_i32_0 = arith.constant 0 : i32
    %c0_i32_1 = arith.constant 0 : i32
    return %c0_i32, %c0_i32_0 : i32, i32
  }
  func.func @transform_8(%arg0: i32) -> (i32, i32) {
    %c0_i32 = arith.constant 0 : i32
    %c0_i32_0 = arith.constant 0 : i32
    %c0_i32_1 = arith.constant 0 : i32
    return %c0_i32, %c0_i32_0 : i32, i32
  }
  func.func @transform_9(%arg0: i32) -> (i32, i32) {
    %c0_i32 = arith.constant 0 : i32
    %c0_i32_0 = arith.constant 0 : i32
    %c0_i32_1 = arith.constant 0 : i32
    return %c0_i32, %c0_i32_0 : i32, i32
  }
  func.func @transform_10(%arg0: i32) -> (i32, i32) {
    %c0_i32 = arith.constant 0 : i32
    %c0_i32_0 = arith.constant 0 : i32
    %c0_i32_1 = arith.constant 0 : i32
    return %c0_i32, %c0_i32_0 : i32, i32
  }
  func.func @transform_11(%arg0: i32) -> (i32, i32, i32) {
    %c0_i32 = arith.constant 0 : i32
    %c0_i32_0 = arith.constant 0 : i32
    %c0_i32_1 = arith.constant 0 : i32
    return %c0_i32, %arg0, %c0_i32_0 : i32, i32, i32
  }
}

module attributes {stable_mosaic.version = 14 : i64} {
  func.func @_tc4_body(%arg0: i32, %arg1: memref<2x2000x128xf32, #tpu.memory_space<vmem>>, %arg2: memref<2000x64xf32, #tpu.memory_space<vmem>>, %arg3: memref<2000x256xf32, #tpu.memory_space<vmem>>, %arg4: memref<1x256xf32, #tpu.memory_space<vmem>>, %arg5: memref<1x256xf32, #tpu.memory_space<vmem>>, %arg6: memref<2000x256xf32, #tpu.memory_space<vmem>>) attributes {dimension_semantics = [#tpu.dimension_semantics<arbitrary>], iteration_bounds = array<i64: 5>, scalar_prefetch = 0 : i64, scratch_operands = 0 : i64, tpu.core_type = #tpu.core_type<tc>, window_params = [{transform_indices = @transform_0, window_bounds = array<i64: 2, 2000, 128>}, {transform_indices = @transform_1, window_bounds = array<i64: 2000, 64>}, {transform_indices = @transform_2, window_bounds = array<i64: 2000, 256>}, {pipeline_mode = #tpu.pipeline_mode<synchronous>, transform_indices = @transform_3, window_bounds = array<i64: 1, 256>}, {pipeline_mode = #tpu.pipeline_mode<synchronous>, transform_indices = @transform_4, window_bounds = array<i64: 1, 256>}, {transform_indices = @transform_5, window_bounds = array<i64: 2000, 256>}]} {
    %get3A = arith.constant 0 : index
    %get3A_0 = arith.constant 0 : index
    %get3A_1 = arith.constant 0 : index
    %get3A_2 = vector.load %arg1[%get3A, %get3A_0, %get3A_1] : memref<2x2000x128xf32, #tpu.memory_space<vmem>>, vector<1x2000x128xf32>
    %get3A_3 = vector.shape_cast %get3A_2 : vector<1x2000x128xf32> to vector<2000x128xf32>
    %get3A_4 = arith.constant 1 : index
    %get3A_5 = arith.constant 0 : index
    %get3A_6 = arith.constant 0 : index
    %get3A_7 = vector.load %arg1[%get3A_4, %get3A_5, %get3A_6] : memref<2x2000x128xf32, #tpu.memory_space<vmem>>, vector<1x2000x128xf32>
    %get3A_8 = vector.shape_cast %get3A_7 : vector<1x2000x128xf32> to vector<2000x128xf32>
    %concatenate3A = tpu.concatenate %get3A_3, %get3A_8 in 1 : vector<2000x128xf32>, vector<2000x128xf32> -> vector<2000x256xf32>
    %get3A_9 = arith.constant 0 : index
    %get3A_10 = arith.constant 0 : index
    %get3A_11 = vector.load %arg2[%get3A_9, %get3A_10] : memref<2000x64xf32, #tpu.memory_space<vmem>>, vector<2000x64xf32>
    %reduce_sum3A = arith.constant dense<0.000000e+00> : vector<2000xf32>
    %reduce_sum3A_12 = vector.multi_reduction <add>, %get3A_11, %reduce_sum3A [1] : vector<2000x64xf32> to vector<2000xf32>
    %broadcast_in_dim3A = vector.shape_cast %reduce_sum3A_12 : vector<2000xf32> to vector<2000x1xf32>
    %add3A = arith.constant 9.99999997E-7 : f32
    %add3A_13 = vector.broadcast %add3A : f32 to vector<2000x1xf32>
    %add3A_14 = arith.addf %broadcast_in_dim3A, %add3A_13 : vector<2000x1xf32>
    %div3A = vector.broadcast %add3A_14 : vector<2000x1xf32> to vector<2000x256xf32>
    %div3A_15 = arith.divf %concatenate3A, %div3A : vector<2000x256xf32>
    %get3A_16 = arith.constant 0 : index
    %get3A_17 = arith.constant 0 : index
    %get3A_18 = vector.load %arg3[%get3A_16, %get3A_17] : memref<2000x256xf32, #tpu.memory_space<vmem>>, vector<2000x256xf32>
    %get3A_19 = arith.constant 0 : index
    %get3A_20 = arith.constant 0 : index
    %get3A_21 = vector.load %arg4[%get3A_19, %get3A_20] : memref<1x256xf32, #tpu.memory_space<vmem>>, vector<1x256xf32>
    %get3A_22 = arith.constant 0 : index
    %get3A_23 = arith.constant 0 : index
    %get3A_24 = vector.load %arg5[%get3A_22, %get3A_23] : memref<1x256xf32, #tpu.memory_space<vmem>>, vector<1x256xf32>
    %reduce_sum3A_25 = arith.constant dense<0.000000e+00> : vector<2000xf32>
    %reduce_sum3A_26 = vector.multi_reduction <add>, %div3A_15, %reduce_sum3A_25 [1] : vector<2000x256xf32> to vector<2000xf32>
    %broadcast_in_dim3A_27 = vector.shape_cast %reduce_sum3A_26 : vector<2000xf32> to vector<2000x1xf32>
    %div3A_28 = arith.constant 2.560000e+02 : f32
    %div3A_29 = vector.broadcast %div3A_28 : f32 to vector<2000x1xf32>
    %div3A_30 = arith.divf %broadcast_in_dim3A_27, %div3A_29 : vector<2000x1xf32>
    %sub3A = vector.broadcast %div3A_30 : vector<2000x1xf32> to vector<2000x256xf32>
    %sub3A_31 = arith.subf %div3A_15, %sub3A : vector<2000x256xf32>
    %sub3A_32 = vector.broadcast %div3A_30 : vector<2000x1xf32> to vector<2000x256xf32>
    %sub3A_33 = arith.subf %div3A_15, %sub3A_32 : vector<2000x256xf32>
    %mul3A = arith.mulf %sub3A_31, %sub3A_33 : vector<2000x256xf32>
    %reduce_sum3A_34 = arith.constant dense<0.000000e+00> : vector<2000xf32>
    %reduce_sum3A_35 = vector.multi_reduction <add>, %mul3A, %reduce_sum3A_34 [1] : vector<2000x256xf32> to vector<2000xf32>
    %broadcast_in_dim3A_36 = vector.shape_cast %reduce_sum3A_35 : vector<2000xf32> to vector<2000x1xf32>
    %div3A_37 = arith.constant 2.560000e+02 : f32
    %div3A_38 = vector.broadcast %div3A_37 : f32 to vector<2000x1xf32>
    %div3A_39 = arith.divf %broadcast_in_dim3A_36, %div3A_38 : vector<2000x1xf32>
    %sub3A_40 = vector.broadcast %div3A_30 : vector<2000x1xf32> to vector<2000x256xf32>
    %sub3A_41 = arith.subf %div3A_15, %sub3A_40 : vector<2000x256xf32>
    %add3A_42 = arith.constant 9.99999974E-6 : f32
    %add3A_43 = vector.broadcast %add3A_42 : f32 to vector<2000x1xf32>
    %add3A_44 = arith.addf %div3A_39, %add3A_43 : vector<2000x1xf32>
    %sqrt3A = math.sqrt %add3A_44 : vector<2000x1xf32>
    %div3A_45 = vector.broadcast %sqrt3A : vector<2000x1xf32> to vector<2000x256xf32>
    %div3A_46 = arith.divf %sub3A_41, %div3A_45 : vector<2000x256xf32>
    %mul3A_47 = vector.broadcast %get3A_21 : vector<1x256xf32> to vector<2000x256xf32>
    %mul3A_48 = arith.mulf %div3A_46, %mul3A_47 : vector<2000x256xf32>
    %add3A_49 = vector.broadcast %get3A_24 : vector<1x256xf32> to vector<2000x256xf32>
    %add3A_50 = arith.addf %mul3A_48, %add3A_49 : vector<2000x256xf32>
    %add3A_51 = arith.addf %get3A_18, %add3A_50 : vector<2000x256xf32>
    %swap3A = arith.constant 0 : index
    %swap3A_52 = arith.constant 0 : index
    %swap3A_53 = vector.load %arg6[%swap3A, %swap3A_52] : memref<2000x256xf32, #tpu.memory_space<vmem>>, vector<2000x256xf32>
    tpu.vector_store %arg6[%swap3A, %swap3A_52], %add3A_51 {strides = array<i32>} : memref<2000x256xf32, #tpu.memory_space<vmem>>, vector<2000x256xf32>,
    return
  }
  func.func @transform_0(%arg0: i32) -> (i32, i32, i32) {
    %c0_i32 = arith.constant 0 : i32
    %c0_i32_0 = arith.constant 0 : i32
    %c0_i32_1 = arith.constant 0 : i32
    return %c0_i32, %arg0, %c0_i32_0 : i32, i32, i32
  }
  func.func @transform_1(%arg0: i32) -> (i32, i32) {
    %c0_i32 = arith.constant 0 : i32
    %c0_i32_0 = arith.constant 0 : i32
    return %arg0, %c0_i32 : i32, i32
  }
  func.func @transform_2(%arg0: i32) -> (i32, i32) {
    %c0_i32 = arith.constant 0 : i32
    %c0_i32_0 = arith.constant 0 : i32
    return %arg0, %c0_i32 : i32, i32
  }
  func.func @transform_3(%arg0: i32) -> (i32, i32) {
    %c0_i32 = arith.constant 0 : i32
    %c0_i32_0 = arith.constant 0 : i32
    %c0_i32_1 = arith.constant 0 : i32
    return %c0_i32, %c0_i32_0 : i32, i32
  }
  func.func @transform_4(%arg0: i32) -> (i32, i32) {
    %c0_i32 = arith.constant 0 : i32
    %c0_i32_0 = arith.constant 0 : i32
    %c0_i32_1 = arith.constant 0 : i32
    return %c0_i32, %c0_i32_0 : i32, i32
  }
  func.func @transform_5(%arg0: i32) -> (i32, i32) {
    %c0_i32 = arith.constant 0 : i32
    %c0_i32_0 = arith.constant 0 : i32
    return %arg0, %c0_i32 : i32, i32
  }
}

</mosaic_0001>

<sc_bundles>
// kernel: kernel.12.cloned.1.call-start
scs
__scs_entry_jumppad:
0x0: {  	(pc) =	sbr.rel $0x88, $3  }
0x1: {  	(tag) =	ssettag $0x0;
	lr =	simm.s32 $0x1  }
0x2: {  	[smem:$0x3F8E] =	sst lr;
	_ =	strace $0xD0000000  }
0x3: {  	_ = 	snop  }
0x4: {  	_ = 	snop  }
0x5: {  	_ = 	snop  }
0x6: {  	_ = 	snop  }
0x7: {  	_ = 	snop  }
__scs_overlays_trampoline_lowered:
0x8: {  	[smem:$0x3F9D] =	sst s0  }
0x9: {  	[smem:$0x3F9E] =	sst s1  }
0xa: {  	[smem:$0x3F9F] =	sst s2  }
0xb: {  	[smem:$0x3FA0] =	sst s3  }
0xc: {  	[smem:$0x3FA1] =	sst s4  }
0xd: {  	[smem:$0x3FA2] =	sst s5  }
0xe: {  	[smem:$0x3FA3] =	sst s6  }
0xf: {  	[smem:$0x3FA4] =	sst s7  }
0x10: {  	[smem:$0x3FA5] =	sst s8  }
0x11: {  	[smem:$0x3FA6] =	sst s9;
	s0 =	simm.s32 @!p0 $0x0  }
0x12: {  	s1 =	sld [smem:$0x3F8C];
	s0 =	simm.s32 @p0 $0x1  }
0x13: {  	[smem:$0x3FA7] =	sst s0;
	s0 =	simm.s32 @!p1 $0x0  }
0x14: {  	s2 =	sld [smem:$0x3F8B];
	s0 =	simm.s32 @p1 $0x1  }
0x15: {  	[smem:$0x3FA8] =	sst s0;
	s0 =	simm.s32 @!p2 $0x0  }
0x16: {  	s3 =	sld [smem:$0x3FDB];
	s0 =	simm.s32 @p2 $0x1  }
0x17: {  	s4 =	simm.s32 $0x1BF5;
	[smem:$0x3FAA] =	sst s0  }
0x18: {  	s0 =	sld [smem:$0x3F8D];
	_ =	swait.ge [sflag:s4], $0x0  }
0x19: {  	s7 =	sld [smem:$0x3F8E]  }
0x1a: {  	s8 =	sadd.s32 $0xFFFFE003, lr  }
0x1b: {  	s9 =	sadd.s32 $0xFFFFFEF7, lr;
	s5 =	simm.s32 $0xFFFFFFFF;
	p2 =	slt.u32 s8, $0xFFFFF086  }
0x1c: {  	p1 =	slt.u32 s9, $0xF7A;
	s5 =	simm.s32 @!p2 $0x0  }
0x1d: {  	s5 =	simm.s32 @p1 $0x1;
	p0 =	seq.s32 s7, s2  }
0x1e: {  	s7 =	smul.u32 @!p0 $0xF7A, s2;
	p2 =	seq.s32 @!p0 s5, $0x0  }
0x1f: {  	s9 =	smul.u32 $0xF7A, s1;
	s8 =	simm.s32 @!p0 $0x1BF5;
	p2 =	por !p2, p0  }
0x20: {  	[sflag:s8] =	ssyncset.s32 @!p0 $0xFFFFF086;
	s6 =	sadd.s32 @!p0 s3, s7;
	s7 =	simm.s32 @!p0 $0x108  }
0x21: {  	s3 =	sadd.s32 s3, s9;
	s6 =	sadd.s32 @!p0 $0x88, s6;
	s7 =	simm.s32 @p2 $0x1082  }
0x22: {  	[simem:s7], [sflag:s8] =	dma.local @!p0 [hbm:s6], $0xF7A  }
0x23: {  	s9 =	sor.u32 $0xD0000000, s2;
	s6 =	simm.s32 $0x108;
	_ =	swait.ge @!p0 [sflag:s8], $0x0  }
0x24: {  	s3 =	sadd.s32 $0x88, s3;
	s6 =	simm.s32 @!p1 $0x1082;
	[sflag:s4] =	ssyncset.s32 $0xFFFFF086  }
0x25: {  	[simem:s6], [sflag:s4] =	dma.local [hbm:s3], $0xF7A  }
0x26: {  	[smem:$0x3F8E] =	sst s1;
	(tag) =	ssettag s2;
	_ =	strace s9  }
0x27: {  	s1 =	sld [smem:$0x3F9E]  }
0x28: {  	s2 =	sld [smem:$0x3F9F]  }
0x29: {  	s4 =	sld [smem:$0x3FA1]  }
0x2a: {  	p0 =	seq.s32 s5, $0x0;
	s5 =	sld [smem:$0x3FA2]  }
0x2b: {  	s6 =	sld [smem:$0x3FA3]  }
0x2c: {  	s7 =	sld [smem:$0x3FA4]  }
0x2d: {  	s3 =	simm.s32 $0x108;
	s8 =	sld [smem:$0x3FA5]  }
0x2e: {  	s3 =	simm.s32 @!p0 $0x1082;
	s9 =	sld [smem:$0x3FA6]  }
0x2f: {  	lr =	sadd.s32 s0, s3;
	s0 =	sld [smem:$0x3F9D]  }
0x30: {  	s3 =	sld [smem:$0x3FA0]  }
0x31: {  	[smem:$0x3FA9] =	sst s10  }
0x32: {  	s10 =	sld [smem:$0x3FA7];
	_ =	sdelay $0x3  }
0x33: {  	p0 =	seq.s32 s10, $0x1;
	s10 =	sld [smem:$0x3FA9];
	_ =	sdelay $0x3  }
0x34: {  	[smem:$0x3FA9] =	sst s10  }
0x35: {  	s10 =	sld [smem:$0x3FA8];
	_ =	sdelay $0x3  }
0x36: {  	p1 =	seq.s32 s10, $0x1;
	s10 =	sld [smem:$0x3FA9];
	_ =	sdelay $0x3  }
0x37: {  	[smem:$0x3FA9] =	sst s10  }
0x38: {  	s10 =	sld [smem:$0x3FAA]  }
0x39: {  	_ = 	snop;
	(pc) =	sbr.ind lr, $3  }
0x3a: {  	_ = 	snop  }
0x3b: {  	_ = 	snop  }
0x3c: {  	p2 =	seq.s32 s10, $0x1;
	s10 =	sld [smem:$0x3FA9]  }
0x3d: {  	_ =	shalt  }
0x3e: {  	_ =	shalt  }
0x3f: {  	_ =	shalt  }
0x40: {  	_ =	shalt  }
0x41: {  	_ =	shalt  }
0x42: {  	_ =	shalt  }
0x43: {  	_ =	shalt  }
0x44: {  	_ =	shalt  }
0x45: {  	_ =	shalt  }
0x46: {  	_ =	shalt  }
0x47: {  	_ =	shalt  }
0x48: {  	_ =	shalt  }
0x49: {  	_ =	shalt  }
0x4a: {  	_ =	shalt  }
0x4b: {  	_ =	shalt  }
0x4c: {  	_ =	shalt  }
0x4d: {  	_ =	shalt  }
0x4e: {  	_ =	shalt  }
0x4f: {  	_ =	shalt  }
0x50: {  	_ =	shalt  }
0x51: {  	_ =	shalt  }
0x52: {  	_ =	shalt  }
0x53: {  	_ =	shalt  }
0x54: {  	_ =	shalt  }
0x55: {  	_ =	shalt  }
0x56: {  	_ =	shalt  }
0x57: {  	_ =	shalt  }
0x58: {  	_ =	shalt  }
0x59: {  	_ =	shalt  }
0x5a: {  	_ =	shalt  }
0x5b: {  	_ =	shalt  }
0x5c: {  	_ =	shalt  }
0x5d: {  	_ =	shalt  }
0x5e: {  	_ =	shalt  }
0x5f: {  	_ =	shalt  }
0x60: {  	_ =	shalt  }
0x61: {  	_ =	shalt  }
0x62: {  	_ =	shalt  }
0x63: {  	_ =	shalt  }
0x64: {  	_ =	shalt  }
0x65: {  	_ =	shalt  }
0x66: {  	_ =	shalt  }
0x67: {  	_ =	shalt  }
0x68: {  	_ =	shalt  }
0x69: {  	_ =	shalt  }
0x6a: {  	_ =	shalt  }
0x6b: {  	_ =	shalt  }
0x6c: {  	_ =	shalt  }
0x6d: {  	_ =	shalt  }
0x6e: {  	_ =	shalt  }
0x6f: {  	_ =	shalt  }
0x70: {  	_ =	shalt  }
0x71: {  	_ =	shalt  }
0x72: {  	_ =	shalt  }
0x73: {  	_ =	shalt  }
0x74: {  	_ =	shalt  }
0x75: {  	_ =	shalt  }
0x76: {  	_ =	shalt  }
0x77: {  	_ =	shalt  }
0x78: {  	_ =	shalt  }
0x79: {  	_ =	shalt  }
0x7a: {  	_ =	shalt  }
0x7b: {  	_ =	shalt  }
0x7c: {  	_ =	shalt  }
0x7d: {  	_ =	shalt  }
0x7e: {  	_ =	shalt  }
0x7f: {  	_ =	shalt  }
0x80: {  	_ =	shalt  }
0x81: {  	_ =	shalt  }
0x82: {  	_ =	shalt  }
0x83: {  	_ =	shalt  }
0x84: {  	_ =	shalt  }
0x85: {  	_ =	shalt  }
0x86: {  	_ =	shalt  }
0x87: {  	_ =	shalt  }
.Lfunc_end0:
.L_simem_size_0:
called_computation_lowered:
.L_overlay_start_0:
0x88: {  	s2 =	sld [smem:$0x3FD9]  }
0x89: {  	s3 =	sld [smem:$0x3FFE];
	_ =	sdelay $0x1  }
0x8a: {  	s1 =	srdreg.scid  }
0x8b: {  	s0 =	sand.u32 $0x1, s1  }
0x8c: {  	s17 =	sshll.u32 s0, $0xA;
	s2 =	sadd.s32 s3, s2  }
0x8d: {  	s2 =	sadd.s32 s2, s17  }
0x8e: {  	[smem:$0x3FB5] =	sst s2  }
0x8f: {  	_ = 	snop  }
0x90: {  	s18 =	sld [smem:$0x3FD0];
	(tm) =	ssettm $0x1  }
0x91: {  	s19 =	sld [smem:$0x3FFB];
	_ =	sdelay $0x3  }
0x92: {  	_ =	strace s19  }
0x93: {  	s2 =	sld [smem:$0x3FFC];
	_ =	sdelay $0x3  }
0x94: {  	_ =	strace s2  }
0x95: {  	s2 =	sld [smem:$0x3FFD];
	_ =	sdelay $0x3  }
0x96: {  	_ =	strace s2  }
0x97: {  	_ =	strace $0x8FFFFFFF  }
0x98: {  	s20 =	sld [smem:$0x3FDB];
	_ =	sdelay $0x1  }
0x99: {  	s4 =	simm.s32 $_scs_section_size  }
0x9a: {  	s5 =	simm.s32 $_size__tile_overlayer_lowered;
	s6 =	simm.s32 $_tile_overlayer_lowered  }
0x9b: {  	s7 =	simm.s32 $0x1BFF;
	s21 =	sshll.u32 s6, $0x1;
	s4 =	sadd.s32 s4, s20  }
0x9c: {  	s22 =	simm.s32 $0x0;
	s5 =	sshll.u32 s5, $0x1;
	s6 =	sadd.s32 s21, s4  }
0x9d: {  	[timem:s22], [sflag:s7] =	dma.local [hbm:s6], s5  }
0x9e: {  	_ =	swait.ge [sflag:s7], s5  }
0x9f: {  	s5 =	ssub.s32 $0x0, s5;
	[sflag:s7] =	ssyncset.done $0x0  }
0xa0: {  	[sflag:s7] =	ssyncadd.s32 s5;
	_ =	sdelay $0x1  }
0xa1: {  	s23 =	simm.s32 $0x1B8B  }
0xa2: {  	_ =	swait.ge [sflag:s23], $0x1  }
0xa3: {  	[sflag:s23] =	ssyncset.done $0x0  }
0xa4: {  	[sflag:s23] =	ssyncadd.s32 $0xFFFFFFFF  }
0xa5: {  	s5 =	sld [smem:$0x0]  }
0xa6: {  	s6 =	sand.u32 $0xFFFFFFFE, s1  }
0xa7: {  	p0 =	sne.s32 s1, s6  }
0xa8: {  	s6 =	sshll.u32 @p0 s6, $0xE  }
0xa9: {  	s6 =	sadd.s32 @p0 $0x11B8D, s6;
	s7 =	sshll.u32 @p0 s5, $0x11  }
0xaa: {  	s6 =	sor.u32 @p0 s7, s6  }
0xab: {  	[sflag:s6] =	ssyncadd.remote.s32 @p0 $0x1;
	_ =	sdelay $0x1  }
0xac: {  	s6 =	simm.s32 @p0 $0x1B8D  }
0xad: {  	_ =	swait.eq @p0 [sflag:s6], $0x1  }
0xae: {  	[sflag:s6] =	ssyncadd.s32 @p0 $0xFFFFFFFF  }
0xaf: {  	s7 =	sshll.u32 @!p0 s1, $0xE  }
0xb0: {  	s7 =	sor.u32 @!p0 $0x4000, s7;
	s6 =	simm.s32 @!p0 $0x1B8D  }
0xb1: {  	s5 =	sshll.u32 @!p0 s5, $0x11;
	s7 =	sadd.s32 @!p0 $0x11B8D, s7;
	_ =	swait.eq @!p0 [sflag:s6], $0x1  }
0xb2: {  	s5 =	sor.u32 @!p0 s5, s7;
	[sflag:s6] =	ssyncadd.s32 @!p0 $0xFFFFFFFF  }
0xb3: {  	s25 =	simm.s32 $0x1B8E;
	s24 =	sld [smem:$0x3FFE];
	[sflag:s5] =	ssyncadd.remote.s32 @!p0 $0x1  }
0xb4: {  	s26 =	simm.s32 $execute0_lowered;
	[smem:$0x3FD2] =	sst s25  }
0xb5: {  	s6 =	sshll.u32 s26, $0x1;
	_ =	strace $0x80000049;
	[dreg:$0x1] =	wrdreg $0xFFFFFFFF  }
0xb6: {  	s28 =	simm.s32 $_size_execute0_lowered;
	s4 =	sadd.s32 s4, s6;
	[dreg:$0x0] =	wrdreg $0x0  }
0xb7: {  	s6 =	sshll.u32 s28, $0x1;
	[dreg:$0x2] =	wrdreg s4  }
0xb8: {  	[dreg:$0x3] =	wrdreg s6  }
0xb9: {  	[dreg:$0x4] =	wrdreg $0xC0  }
0xba: {  	_ =	task [dreg:s22], $0x5FFFF  }
0xbb: {  	[dreg:$0x1] =	wrdreg $0xFFFFFFFF  }
0xbc: {  	[dreg:$0x0] =	wrdreg $0x60  }
0xbd: {  	[dreg:$0x2] =	wrdreg s18  }
0xbe: {  	[dreg:$0x3] =	wrdreg s24  }
0xbf: {  	[dreg:$0x4] =	wrdreg $0x9  }
0xc0: {  	_ =	task.clear_ibuf [dreg:s22], $0x5FFFF;
	_ =	strace $0x90000049  }
0xc1: {  	s29 =	simm.s32 $0x9;
	_ =	strace $0x8000004B  }
0xc2: {  	_ =	swait.ge [sflag:s29], $0x1  }
0xc3: {  	[sflag:s29] =	ssyncadd.s32 $0xFFFFFFFF  }
0xc4: {  	_ =	strace $0x9000004B  }
0xc5: {  	_ =	sfence  }
0xc6: {  	s30 =	sld [smem:$0x0];
	_ =	sdelay $0x2  }
0xc7: {  	s31 =	sshll.u32 s1, $0xD;
	s1 =	sshrl.u32 s1, $0x2  }
0xc8: {  	s4 =	sand.u32 $0x4000, s31;
	s1 =	sadd.s32 s1, s30  }
0xc9: {  	s0 =	sor.u32 s4, s0;
	s1 =	sshll.u32 s1, $0x11  }
0xca: {  	s0 =	sor.u32 s1, s0  }
0xcb: {  	s0 =	sadd.s32 $0x8F2B, s0  }
0xcc: {  	[sflag:s0] =	ssyncadd.remote.s32 $0x1  }
0xcd: {  	_ =	sfence.sel $0xFFFF  }
0xce: {  	[dreg:$0x0] =	wrdreg $0xFFFFFFFF;
	(pc) =	sbr.abs _section_cstart, $3  }
0xcf: {  	[dreg:$0x1] =	wrdreg $0xFFFFFFFF  }
0xd0: {  	_ =	task.clear_ibuf [dreg:s22], $0x2FFFF;
	_ =	strace $0x9FFFFFFF  }
0xd1: {  	(tm) =	ssettm $0x7FFFFFFF  }
tec
execute0_lowered:
.L_overlay_start_1:
0x0: {  	(tag) =	ssettag $0x1  }
0x1: {  	s2 =	rddreg [dreg:$0x0]  }
0x2: {  	s0 =	rddreg [dreg:$0x1];
	s1 =	srdreg.scid  }
0x3: {  	s9 =	stileid.u32;
	s3 =	simm.s32 $0x0;
	s28 =	simm.s32 $0x4400  }
0x4: {  	s29 =	simm.s32 $0x4C00;
	s30 =	simm.s32 $0x5400;
	s31 =	simm.s32 $0x5C00  }
0x5: {  	s1 =	sand.u32 $0x1, s1;
	s4 =	sshll.u32 s9, $0x1;
	[smem:$0x7FF] =	sst s3  }
0x6: {  	s6 =	sadd.s32 $0x4A00, s0;
	s15 =	sadd.s32 $0x4400, s0;
	s16 =	smul.u32 $0x28000, s9  }
0x7: {  	s7 =	smul.u32 $0x14000, s9;
	s8 =	sshrl.u32 s9, $0x2;
	s10 =	sadd.s32 $0x19800, s0  }
0x8: {  	s18 =	smul.u32 $0x28, s9;
	_ =	strace $0x8000004A;
	[dreg:$0x3] =	wrdreg s6  }
0x9: {  	s17 =	sadd.s32 $0x1A000, s0;
	[dreg:$0x4] =	wrdreg s15;
	s8 =	smul.u32 $0x14000, s8  }
0xa: {  	s9 =	simm.s32 $0x2;
	[dreg:$0x5] =	wrdreg s10;
	s20 =	smul.u32 $0x14, s1  }
0xb: {  	s4 =	sor.u32 s1, s4;
	[dreg:$0x6] =	wrdreg s17;
	s11 =	smul.u32 $0xA000, s1  }
0xc: {  	s19 =	ssub.s32 $0x2, s1;
	s1 =	smul.u32 $0x14000, s1;
	s15 =	simm.s32 $0x3  }
0xd: {  	s17 =	simm.s32 $0x15400;
	s10 =	simm.s32 $0x4;
	s5 =	smul.u32 $0x140, s4  }
0xe: {  	s4 =	sshll.u32 s4, $0x7;
	s6 =	sadd.s32 s16, s0;
	s7 =	sadd.s32 s7, s0  }
0xf: {  	s21 =	sshrl.u32 s19, $0x1;
	s16 =	simm.s32 $0x7400;
	s4 =	sand.u32 $0x380, s4  }
0x10: {  	s24 =	sadd.s32 s20, s18;
	s25 =	sadd.s32 s11, s7;
	s1 =	sadd.s32 s1, s6  }
0x11: {  	s18 =	simm.s32 $0x17B80;
	s20 =	simm.s32 $0x1A300;
	s6 =	simm.s32 $0x8C00  }
0x12: {  	s7 =	simm.s32 $0x9400;
	s11 =	simm.s32 $0x0;
	s5 =	sadd.s32 s5, s0  }
0x13: {  	s4 =	sor.u32 s8, s4;
	[dreg:$0xb] =	wrdreg s24;
	s26 =	sadd.s32 $0x3D0600, s1  }
0x14: {  	s1 =	simm.s32 $0x6C00;
	s4 =	sshrl.u32 s4, $0x3;
	s22 =	sadd.s32 $0x5000, s5  }
0x15: {  	s5 =	sadd.s32 $0xA200, s5;
	[dreg:$0xd] =	wrdreg s26;
	s26 =	simm.s32 $0x3C00  }
.Ltmp0:
0x16: {  	s0 =	sadd.s32 s4, s0;
	[dreg:$0x7] =	wrdreg s22;
	(pc) =	sbr.rel .LBB2_1-.Ltmp0, $4  }
0x17: {  	v3 =	vlaneseq.u32;
	s4 =	ssub.s32 s19, s21;
	[dreg:$0x8] =	wrdreg s5;
	s0 =	sadd.s32 $0x777600, s0  }
0x18: {  	vm0 =	vmmov $0xffff;
	v0 =	vmul.u32 $0x80, v3;
	s19 =	simm.s32 $0x11400;
	s23 =	smax.u32 s4, $0x1;
	[dreg:$0x9] =	wrdreg s0  }
0x19: {  	v5 =	vimm.f32 $1.000000000e+00;
	v2 =	vshrl.u32 v3, $0x3;
	v1 =	vand.u32 $0x7, v3;
	s5 =	simm.s32 $0x8400;
	[dreg:$0xa] =	wrdreg s23;
	s0 =	sadd.s32 $0x63F600, s25  }
0x1a: {  	v3 =	vor.u32 $0x8, v3;
	v2 =	vmul.u32 $0x8, v2;
	v4 =	vor.u32 $0x1, v0;
	s4 =	simm.s32 $0x7C00;
	[dreg:$0xc] =	wrdreg s0;
	s0 =	simm.s32 $0x6400  }
.LBB2_9:
0x1b: {  	s8 =	rddreg [dreg:$0x9];
	s11 =	simm.s32 $0x80;
	s12 =	simm.s32 $0x400  }
0x1c: {  	[hbm4b:s8+s11] =	stream.strided.scatter [tilespmem:s20], [sflag:$0x3], $0x2800, s12, s11, $0x38;
	[tilespmem:$0x1CB00] =	vst v63  }
0x1d: {  	_ =	swait.ge [sflag:s15], $0x2800  }
0x1e: {  	s24 =	rddreg [dreg:$0xe]  }
0x1f: {  	s25 =	rddreg [dreg:$0xa];
	s11 =	sadd.s32 $0x1, s24  }
0x20: {  	p0 =	sne.s32 s11, s25  }
.Ltmp1:
0x21: {  	_ = 	snop;
	(pc) =	sbr.rel @!p0 .LBB2_10-.Ltmp1, $3  }
0x22: {  	_ =	sdelay $0x1  }
0x23: {  	[sflag:s15] =	ssyncset.done $0x0  }
0x24: {  	[sflag:s15] =	ssyncadd.s32 $0xFFFFD800  }
.LBB2_1:
0x25: {  	[dreg:$0xe] =	wrdreg s11  }
0x26: {  	s8 =	rddreg [dreg:$0x7]  }
0x27: {  	[tilespmem:s3], [sflag:$0x3] =	stream.linear.gather [hbm4b:s8+s3], $0xA00, $0x38;
	[tilespmem:$0x1CB00] =	vst v63  }
0x28: {  	_ =	swait.ge [sflag:s15], $0xA00  }
0x29: {  	[sflag:s15] =	ssyncset.done $0x0  }
0x2a: {  	s25 =	simm.s32 $0xA00;
	s24 =	rddreg [dreg:$0x8];
	[sflag:s15] =	ssyncadd.s32 $0xFFFFF600  }
0x2b: {  	[tilespmem:s25], [sflag:$0x3] =	stream.linear.gather [hbm4b:s24+s3], $0xA00, $0x38;
	[tilespmem:$0x1CB00] =	vst v63  }
0x2c: {  	_ =	swait.ge [sflag:s15], $0xA00  }
0x2d: {  	[sflag:s15] =	ssyncset.done $0x0  }
0x2e: {  	s11 =	rddreg [dreg:$0x3];
	[sflag:s15] =	ssyncadd.s32 $0xFFFFF600  }
0x2f: {  	[tilespmem:s17], [sflag:$0x3] =	stream.linear.gather [hbm4b:s11+s3], $0x2780, $0x38;
	[tilespmem:$0x1CB00] =	vst v63  }
0x30: {  	_ =	swait.ge [sflag:s15], $0x2780  }
0x31: {  	[sflag:s15] =	ssyncset.done $0x0  }
0x32: {  	s12 =	rddreg [dreg:$0x4];
	[sflag:s15] =	ssyncadd.s32 $0xFFFFD880  }
0x33: {  	[tilespmem:s18], [sflag:$0x3] =	stream.linear.gather [hbm4b:s12+s3], $0x2780, $0x38;
	[tilespmem:$0x1CB00] =	vst v63  }
0x34: {  	_ =	swait.ge [sflag:s15], $0x2780  }
0x35: {  	[sflag:s15] =	ssyncset.done $0x0  }
0x36: {  	s13 =	rddreg [dreg:$0x5];
	[sflag:s15] =	ssyncadd.s32 $0xFFFFD880  }
0x37: {  	[tilespmem:s19], [sflag:$0x3] =	stream.linear.gather [hbm4b:s13+s3], $0x4000, $0x38;
	[tilespmem:$0x1CB00] =	vst v63  }
0x38: {  	_ =	swait.ge [sflag:s15], $0x4000  }
0x39: {  	[sflag:s15] =	ssyncset.done $0x0  }
0x3a: {  	s14 =	rddreg [dreg:$0x6];
	[sflag:s15] =	ssyncadd.s32 $0xFFFFC000  }
0x3b: {  	[tilespmem:s20], [sflag:$0x3] =	stream.linear.gather [hbm4b:s14+s3], $0x2800, $0x38;
	[tilespmem:$0x1CB00] =	vst v63  }
0x3c: {  	_ =	swait.ge [sflag:s15], $0x2800  }
0x3d: {  	[sflag:s15] =	ssyncset.done $0x0  }
0x3e: {  	[sflag:s15] =	ssyncadd.s32 $0xFFFFD800  }
0x3f: {  	v6 =	vld [tilespmem:$0x0];
	_ =	sdelay $0x4  }
0x40: {  	v7 =	vshll.u32 v6, $0x1  }
0x41: {  	v6 =	vand.u32 $0x7, v6;
	v7 =	vand.u32 $0xFFFFFFF0, v7  }
0x42: {  	v6 =	vor.u32 v6, v7  }
0x43: {  	v7 =	vperm.xlane v6, v1;
	_ =	sdelay $0x1  }
0x44: {  	v6 =	vperm.xlane v6, v3;
	v7 =	vadd.s32 v2, v7;
	_ =	sdelay $0x1  }
0x45: {  	v6 =	vadd.s32 v2, v6;
	_ =	sdelay $0x1  }
0x46: {  	s21 =	simm.s32 $0x1400  }
0x47: {  	[tilespmem:s21], [sflag:$0x1] =	stream.indirect_vreg.gather [hbm4b:s2+s3], $0x80, v7, vm0, $0xb8;
	[tilespmem:$0x1CB00] =	vst v63  }
0x48: {  	s22 =	simm.s32 $0x1C00  }
0x49: {  	[tilespmem:s22], [sflag:$0x1] =	stream.indirect_vreg.gather [hbm4b:s2+s3], $0x80, v6, vm0, $0xb8;
	[tilespmem:$0x1CB00] =	vst v63  }
0x4a: {  	v6 =	vld [tilespmem:$0x10];
	_ =	sdelay $0x4  }
0x4b: {  	v7 =	vshll.u32 v6, $0x1  }
0x4c: {  	v6 =	vand.u32 $0x7, v6;
	v7 =	vand.u32 $0xFFFFFFF0, v7  }
0x4d: {  	v6 =	vor.u32 v6, v7  }
0x4e: {  	v7 =	vperm.xlane v6, v1;
	_ =	sdelay $0x1  }
0x4f: {  	v6 =	vperm.xlane v6, v3;
	v7 =	vadd.s32 v2, v7;
	_ =	sdelay $0x1  }
0x50: {  	v6 =	vadd.s32 v2, v6;
	_ =	sdelay $0x1  }
0x51: {  	s23 =	simm.s32 $0x2400  }
0x52: {  	[tilespmem:s23], [sflag:$0x1] =	stream.indirect_vreg.gather [hbm4b:s2+s3], $0x80, v7, vm0, $0xb8;
	[tilespmem:$0x1CB00] =	vst v63  }
0x53: {  	s24 =	simm.s32 $0x2C00  }
0x54: {  	[tilespmem:s24], [sflag:$0x1] =	stream.indirect_vreg.gather [hbm4b:s2+s3], $0x80, v6, vm0, $0xb8;
	[tilespmem:$0x1CB00] =	vst v63  }
0x55: {  	v6 =	vld [tilespmem:$0x20];
	_ =	sdelay $0x4  }
0x56: {  	v7 =	vshll.u32 v6, $0x1  }
0x57: {  	v6 =	vand.u32 $0x7, v6;
	v7 =	vand.u32 $0xFFFFFFF0, v7  }
0x58: {  	v6 =	vor.u32 v6, v7  }
0x59: {  	v7 =	vperm.xlane v6, v1;
	_ =	sdelay $0x1  }
0x5a: {  	v6 =	vperm.xlane v6, v3;
	v7 =	vadd.s32 v2, v7;
	_ =	sdelay $0x1  }
0x5b: {  	v6 =	vadd.s32 v2, v6;
	_ =	sdelay $0x1  }
0x5c: {  	s25 =	simm.s32 $0x3400  }
0x5d: {  	[tilespmem:s25], [sflag:$0x1] =	stream.indirect_vreg.gather [hbm4b:s2+s3], $0x80, v7, vm0, $0xb8;
	[tilespmem:$0x1CB00] =	vst v63  }
0x5e: {  	_ = 	snop  }
0x5f: {  	[tilespmem:s26], [sflag:$0x1] =	stream.indirect_vreg.gather [hbm4b:s2+s3], $0x80, v6, vm0, $0xb8;
	[tilespmem:$0x1CB00] =	vst v63  }
0x60: {  	v6 =	vld [tilespmem:$0x30];
	_ =	sdelay $0x4  }
0x61: {  	v7 =	vshll.u32 v6, $0x1  }
0x62: {  	v6 =	vand.u32 $0x7, v6;
	v7 =	vand.u32 $0xFFFFFFF0, v7  }
0x63: {  	v6 =	vor.u32 v6, v7  }
0x64: {  	v7 =	vperm.xlane v6, v1;
	_ =	sdelay $0x1  }
0x65: {  	v6 =	vperm.xlane v6, v3;
	v7 =	vadd.s32 v2, v7;
	_ =	sdelay $0x1  }
0x66: {  	v6 =	vadd.s32 v2, v6;
	_ =	sdelay $0x2  }
0x67: {  	[tilespmem:s28], [sflag:$0x1] =	stream.indirect_vreg.gather [hbm4b:s2+s3], $0x80, v7, vm0, $0xb8;
	[tilespmem:$0x1CB00] =	vst v63  }
0x68: {  	_ = 	snop  }
0x69: {  	[tilespmem:s29], [sflag:$0x1] =	stream.indirect_vreg.gather [hbm4b:s2+s3], $0x80, v6, vm0, $0xb8;
	[tilespmem:$0x1CB00] =	vst v63  }
0x6a: {  	v6 =	vld [tilespmem:$0x40];
	_ =	sdelay $0x4  }
0x6b: {  	v7 =	vshll.u32 v6, $0x1  }
0x6c: {  	v6 =	vand.u32 $0x7, v6;
	v7 =	vand.u32 $0xFFFFFFF0, v7  }
0x6d: {  	v6 =	vor.u32 v6, v7  }
0x6e: {  	v7 =	vperm.xlane v6, v1;
	_ =	sdelay $0x1  }
0x6f: {  	v6 =	vperm.xlane v6, v3;
	v7 =	vadd.s32 v2, v7;
	_ =	sdelay $0x1  }
0x70: {  	v6 =	vadd.s32 v2, v6;
	_ =	sdelay $0x2  }
0x71: {  	[tilespmem:s30], [sflag:$0x1] =	stream.indirect_vreg.gather [hbm4b:s2+s3], $0x80, v7, vm0, $0xb8;
	[tilespmem:$0x1CB00] =	vst v63  }
0x72: {  	_ = 	snop  }
0x73: {  	[tilespmem:s31], [sflag:$0x1] =	stream.indirect_vreg.gather [hbm4b:s2+s3], $0x80, v6, vm0, $0xb8;
	[tilespmem:$0x1CB00] =	vst v63  }
0x74: {  	v6 =	vld [tilespmem:$0x50];
	_ =	sdelay $0x4  }
0x75: {  	v7 =	vshll.u32 v6, $0x1  }
0x76: {  	v6 =	vand.u32 $0x7, v6;
	v7 =	vand.u32 $0xFFFFFFF0, v7  }
0x77: {  	v6 =	vor.u32 v6, v7  }
0x78: {  	v7 =	vperm.xlane v6, v1;
	_ =	sdelay $0x1  }
0x79: {  	v6 =	vperm.xlane v6, v3;
	v7 =	vadd.s32 v2, v7;
	_ =	sdelay $0x1  }
0x7a: {  	v6 =	vadd.s32 v2, v6;
	_ =	sdelay $0x2  }
0x7b: {  	[tilespmem:s0], [sflag:$0x1] =	stream.indirect_vreg.gather [hbm4b:s2+s3], $0x80, v7, vm0, $0xb8;
	[tilespmem:$0x1CB00] =	vst v63  }
0x7c: {  	_ = 	snop  }
0x7d: {  	[tilespmem:s1], [sflag:$0x1] =	stream.indirect_vreg.gather [hbm4b:s2+s3], $0x80, v6, vm0, $0xb8;
	[tilespmem:$0x1CB00] =	vst v63  }
0x7e: {  	v6 =	vld [tilespmem:$0x60];
	_ =	sdelay $0x4  }
0x7f: {  	v7 =	vshll.u32 v6, $0x1  }
0x80: {  	v6 =	vand.u32 $0x7, v6;
	v7 =	vand.u32 $0xFFFFFFF0, v7  }
0x81: {  	v6 =	vor.u32 v6, v7  }
0x82: {  	v7 =	vperm.xlane v6, v1;
	_ =	sdelay $0x1  }
0x83: {  	v6 =	vperm.xlane v6, v3;
	v7 =	vadd.s32 v2, v7;
	_ =	sdelay $0x1  }
0x84: {  	v6 =	vadd.s32 v2, v6;
	_ =	sdelay $0x2  }
0x85: {  	[tilespmem:s16], [sflag:$0x1] =	stream.indirect_vreg.gather [hbm4b:s2+s3], $0x80, v7, vm0, $0xb8;
	[tilespmem:$0x1CB00] =	vst v63  }
0x86: {  	_ = 	snop  }
0x87: {  	[tilespmem:s4], [sflag:$0x1] =	stream.indirect_vreg.gather [hbm4b:s2+s3], $0x80, v6, vm0, $0xb8;
	[tilespmem:$0x1CB00] =	vst v63  }
0x88: {  	v6 =	vld [tilespmem:$0x70];
	_ =	sdelay $0x4  }
0x89: {  	v7 =	vshll.u32 v6, $0x1  }
0x8a: {  	v6 =	vand.u32 $0x7, v6;
	v7 =	vand.u32 $0xFFFFFFF0, v7  }
0x8b: {  	v6 =	vor.u32 v6, v7  }
0x8c: {  	v7 =	vperm.xlane v6, v1;
	_ =	sdelay $0x1  }
0x8d: {  	v6 =	vperm.xlane v6, v3;
	v7 =	vadd.s32 v2, v7;
	_ =	sdelay $0x1  }
0x8e: {  	v6 =	vadd.s32 v2, v6  }
.Ltmp2:
0x8f: {  	s11 =	rddreg [dreg:$0xd];
	(pc) =	sbr.rel .LBB2_2-.Ltmp2, $4  }
0x90: {  	s12 =	rddreg [dreg:$0xc]  }
0x91: {  	[tilespmem:s5], [sflag:$0x1] =	stream.indirect_vreg.gather [hbm4b:s2+s3], $0x80, v7, vm0, $0xb8;
	[tilespmem:$0x1CB00] =	vst v63  }
0x92: {  	s14 =	simm.s32 $0x0;
	s13 =	rddreg [dreg:$0xb]  }
0x93: {  	[tilespmem:s6], [sflag:$0x1] =	stream.indirect_vreg.gather [hbm4b:s2+s3], $0x80, v6, vm0, $0xb8;
	[tilespmem:$0x1CB00] =	vst v63  }
.LBB2_8:
0x94: {  	s14 =	sadd.s32 $0x400, s14  }
0x95: {  	p0 =	sne.s32 s14, $0x2800  }
.Ltmp3:
0x96: {  	_ = 	snop;
	(pc) =	sbr.rel @!p0 .LBB2_9-.Ltmp3, $2  }
0x97: {  	_ =	sdelay $0x2  }
0x98: {  	s13 =	sadd.s32 $0x2, s13;
	s12 =	sadd.s32 $0x1000, s12;
	s11 =	sadd.s32 $0x2000, s11  }
.LBB2_2:
0x99: {  	s8 =	sadd.s32 $0x1, s13  }
0x9a: {  	p0 =	sgt.u32 s8, $0x26F  }
.Ltmp4:
0x9b: {  	_ = 	snop;
	(pc) =	sbr.rel @p0 .LBB2_4-.Ltmp4, $2  }
0x9c: {  	_ =	sdelay $0x2  }
0x9d: {  	s8 =	sshra.s32 s14, $0x2  }
0x9e: {  	v6 =	vld [tilespmem:s8+$0x80];
	_ =	sdelay $0x4  }
0x9f: {  	v7 =	vshll.u32 v6, $0x1  }
0xa0: {  	v6 =	vand.u32 $0x7, v6;
	v7 =	vand.u32 $0xFFFFFFF0, v7  }
0xa1: {  	v6 =	vor.u32 v6, v7  }
0xa2: {  	v7 =	vperm.xlane v6, v1;
	_ =	sdelay $0x1  }
0xa3: {  	v6 =	vperm.xlane v6, v3;
	v7 =	vadd.s32 v2, v7;
	_ =	sdelay $0x1  }
0xa4: {  	v6 =	vadd.s32 v2, v6;
	_ =	sdelay $0x2  }
0xa5: {  	[tilespmem:s7], [sflag:$0x2] =	stream.indirect_vreg.gather [hbm4b:s2+s3], $0x80, v7, vm0, $0xb8;
	[tilespmem:$0x1CB00] =	vst v63  }
0xa6: {  	s21 =	simm.s32 $0x9C00  }
0xa7: {  	[tilespmem:s21], [sflag:$0x2] =	stream.indirect_vreg.gather [hbm4b:s2+s3], $0x80, v6, vm0, $0xb8;
	[tilespmem:$0x1CB00] =	vst v63  }
0xa8: {  	v6 =	vld [tilespmem:s8+$0x90];
	_ =	sdelay $0x4  }
0xa9: {  	v7 =	vshll.u32 v6, $0x1  }
0xaa: {  	v6 =	vand.u32 $0x7, v6;
	v7 =	vand.u32 $0xFFFFFFF0, v7  }
0xab: {  	v6 =	vor.u32 v6, v7  }
0xac: {  	v7 =	vperm.xlane v6, v1;
	_ =	sdelay $0x1  }
0xad: {  	v6 =	vperm.xlane v6, v3;
	v7 =	vadd.s32 v2, v7;
	_ =	sdelay $0x1  }
0xae: {  	v6 =	vadd.s32 v2, v6;
	_ =	sdelay $0x1  }
0xaf: {  	s24 =	simm.s32 $0xA400  }
0xb0: {  	[tilespmem:s24], [sflag:$0x2] =	stream.indirect_vreg.gather [hbm4b:s2+s3], $0x80, v7, vm0, $0xb8;
	[tilespmem:$0x1CB00] =	vst v63  }
0xb1: {  	s25 =	simm.s32 $0xAC00  }
0xb2: {  	[tilespmem:s25], [sflag:$0x2] =	stream.indirect_vreg.gather [hbm4b:s2+s3], $0x80, v6, vm0, $0xb8;
	[tilespmem:$0x1CB00] =	vst v63  }
0xb3: {  	v6 =	vld [tilespmem:s8+$0xA0];
	_ =	sdelay $0x4  }
0xb4: {  	v7 =	vshll.u32 v6, $0x1  }
0xb5: {  	v6 =	vand.u32 $0x7, v6;
	v7 =	vand.u32 $0xFFFFFFF0, v7  }
0xb6: {  	v6 =	vor.u32 v6, v7  }
0xb7: {  	v7 =	vperm.xlane v6, v1;
	_ =	sdelay $0x1  }
0xb8: {  	v6 =	vperm.xlane v6, v3;
	v7 =	vadd.s32 v2, v7;
	_ =	sdelay $0x1  }
0xb9: {  	v6 =	vadd.s32 v2, v6;
	_ =	sdelay $0x1  }
0xba: {  	s22 =	simm.s32 $0xB400  }
0xbb: {  	[tilespmem:s22], [sflag:$0x2] =	stream.indirect_vreg.gather [hbm4b:s2+s3], $0x80, v7, vm0, $0xb8;
	[tilespmem:$0x1CB00] =	vst v63  }
0xbc: {  	s23 =	simm.s32 $0xBC00  }
0xbd: {  	[tilespmem:s23], [sflag:$0x2] =	stream.indirect_vreg.gather [hbm4b:s2+s3], $0x80, v6, vm0, $0xb8;
	[tilespmem:$0x1CB00] =	vst v63  }
0xbe: {  	v6 =	vld [tilespmem:s8+$0xB0];
	_ =	sdelay $0x4  }
0xbf: {  	v7 =	vshll.u32 v6, $0x1  }
0xc0: {  	v6 =	vand.u32 $0x7, v6;
	v7 =	vand.u32 $0xFFFFFFF0, v7  }
0xc1: {  	v6 =	vor.u32 v6, v7  }
0xc2: {  	v7 =	vperm.xlane v6, v1;
	_ =	sdelay $0x1  }
0xc3: {  	v6 =	vperm.xlane v6, v3;
	v7 =	vadd.s32 v2, v7;
	_ =	sdelay $0x1  }
0xc4: {  	v6 =	vadd.s32 v2, v6;
	_ =	sdelay $0x1  }
0xc5: {  	s24 =	simm.s32 $0xC400  }
0xc6: {  	[tilespmem:s24], [sflag:$0x2] =	stream.indirect_vreg.gather [hbm4b:s2+s3], $0x80, v7, vm0, $0xb8;
	[tilespmem:$0x1CB00] =	vst v63  }
0xc7: {  	s25 =	simm.s32 $0xCC00  }
0xc8: {  	[tilespmem:s25], [sflag:$0x2] =	stream.indirect_vreg.gather [hbm4b:s2+s3], $0x80, v6, vm0, $0xb8;
	[tilespmem:$0x1CB00] =	vst v63  }
0xc9: {  	v6 =	vld [tilespmem:s8+$0xC0];
	_ =	sdelay $0x4  }
0xca: {  	v7 =	vshll.u32 v6, $0x1  }
0xcb: {  	v6 =	vand.u32 $0x7, v6;
	v7 =	vand.u32 $0xFFFFFFF0, v7  }
0xcc: {  	v6 =	vor.u32 v6, v7  }
0xcd: {  	v7 =	vperm.xlane v6, v1;
	_ =	sdelay $0x1  }
0xce: {  	v6 =	vperm.xlane v6, v3;
	v7 =	vadd.s32 v2, v7;
	_ =	sdelay $0x1  }
0xcf: {  	v6 =	vadd.s32 v2, v6;
	_ =	sdelay $0x1  }
0xd0: {  	s22 =	simm.s32 $0xD400  }
0xd1: {  	[tilespmem:s22], [sflag:$0x2] =	stream.indirect_vreg.gather [hbm4b:s2+s3], $0x80, v7, vm0, $0xb8;
	[tilespmem:$0x1CB00] =	vst v63  }
0xd2: {  	s23 =	simm.s32 $0xDC00  }
0xd3: {  	[tilespmem:s23], [sflag:$0x2] =	stream.indirect_vreg.gather [hbm4b:s2+s3], $0x80, v6, vm0, $0xb8;
	[tilespmem:$0x1CB00] =	vst v63  }
0xd4: {  	v6 =	vld [tilespmem:s8+$0xD0];
	_ =	sdelay $0x4  }
0xd5: {  	v7 =	vshll.u32 v6, $0x1  }
0xd6: {  	v6 =	vand.u32 $0x7, v6;
	v7 =	vand.u32 $0xFFFFFFF0, v7  }
0xd7: {  	v6 =	vor.u32 v6, v7  }
0xd8: {  	v7 =	vperm.xlane v6, v1;
	_ =	sdelay $0x1  }
0xd9: {  	v6 =	vperm.xlane v6, v3;
	v7 =	vadd.s32 v2, v7;
	_ =	sdelay $0x1  }
0xda: {  	v6 =	vadd.s32 v2, v6;
	_ =	sdelay $0x1  }
0xdb: {  	s24 =	simm.s32 $0xE400  }
0xdc: {  	[tilespmem:s24], [sflag:$0x2] =	stream.indirect_vreg.gather [hbm4b:s2+s3], $0x80, v7, vm0, $0xb8;
	[tilespmem:$0x1CB00] =	vst v63  }
0xdd: {  	s25 =	simm.s32 $0xEC00  }
0xde: {  	[tilespmem:s25], [sflag:$0x2] =	stream.indirect_vreg.gather [hbm4b:s2+s3], $0x80, v6, vm0, $0xb8;
	[tilespmem:$0x1CB00] =	vst v63  }
0xdf: {  	v6 =	vld [tilespmem:s8+$0xE0];
	_ =	sdelay $0x4  }
0xe0: {  	v7 =	vshll.u32 v6, $0x1  }
0xe1: {  	v6 =	vand.u32 $0x7, v6;
	v7 =	vand.u32 $0xFFFFFFF0, v7  }
0xe2: {  	v6 =	vor.u32 v6, v7  }
0xe3: {  	v7 =	vperm.xlane v6, v1;
	_ =	sdelay $0x1  }
0xe4: {  	v6 =	vperm.xlane v6, v3;
	v7 =	vadd.s32 v2, v7;
	_ =	sdelay $0x1  }
0xe5: {  	v6 =	vadd.s32 v2, v6;
	_ =	sdelay $0x1  }
0xe6: {  	s22 =	simm.s32 $0xF400  }
0xe7: {  	[tilespmem:s22], [sflag:$0x2] =	stream.indirect_vreg.gather [hbm4b:s2+s3], $0x80, v7, vm0, $0xb8;
	[tilespmem:$0x1CB00] =	vst v63  }
0xe8: {  	s23 =	simm.s32 $0xFC00  }
0xe9: {  	[tilespmem:s23], [sflag:$0x2] =	stream.indirect_vreg.gather [hbm4b:s2+s3], $0x80, v6, vm0, $0xb8;
	[tilespmem:$0x1CB00] =	vst v63  }
0xea: {  	v6 =	vld [tilespmem:s8+$0xF0];
	_ =	sdelay $0x4  }
0xeb: {  	v7 =	vshll.u32 v6, $0x1  }
0xec: {  	v6 =	vand.u32 $0x7, v6;
	v7 =	vand.u32 $0xFFFFFFF0, v7  }
0xed: {  	v6 =	vor.u32 v6, v7  }
0xee: {  	v7 =	vperm.xlane v6, v1;
	_ =	sdelay $0x1  }
0xef: {  	v6 =	vperm.xlane v6, v3;
	v7 =	vadd.s32 v2, v7;
	_ =	sdelay $0x1  }
0xf0: {  	v6 =	vadd.s32 v2, v6;
	_ =	sdelay $0x1  }
0xf1: {  	s24 =	simm.s32 $0x10400  }
0xf2: {  	[tilespmem:s24], [sflag:$0x2] =	stream.indirect_vreg.gather [hbm4b:s2+s3], $0x80, v7, vm0, $0xb8;
	[tilespmem:$0x1CB00] =	vst v63  }
0xf3: {  	s25 =	simm.s32 $0x10C00  }
0xf4: {  	[tilespmem:s25], [sflag:$0x2] =	stream.indirect_vreg.gather [hbm4b:s2+s3], $0x80, v6, vm0, $0xb8;
	[tilespmem:$0x1CB00] =	vst v63  }
.LBB2_4:
0xf5: {  	p1 =	sgt.u32 s13, $0x26F  }
0xf6: {  	s22 =	sshra.s32 @!p1 s14, $0x2  }
0xf7: {  	v6 =	vld @!p1 [tilespmem:s22+$0xA00];
	_ =	sdelay $0x5  }
0xf8: {  	v7 =	vlaneseq.u32 @!p1  }
0xf9: {  	s23 =	simm.s32 @!p1 $0x15400;
	v7 =	vmul.u32 @!p1 $0x80, v7  }
0xfa: {  	s24 =	simm.s32 @!p1 $0x17B80;
	v8 =	vld.idx.msk @!p1 [tilespmem:v6+s23+$0x0], $0xffff  }
0xfb: {  	v9 =	vor.u32 @!p1 $0x1, v7;
	v6 =	vld.idx.msk @!p1 [tilespmem:v6+s24+$0x0], $0xffff;
	_ =	sdelay $0x2  }
0xfc: {  	s21 =	simm.s32 @!p1 $0x11400  }
0xfd: {  	[tilespmem:v7+s21+$0x0] =	vst.idx.msk @!p1 $0xffff, v8  }
0xfe: {  	[tilespmem:v9+s21+$0x0] =	vst.idx.msk @!p1 $0xffff, v6  }
0xff: {  	v6 =	vld @!p1 [tilespmem:s22+$0x0];
	_ =	sdelay $0x6  }
0x100: {  	s25 =	simm.s32 @!p1 $0x1A300;
	v8 =	vimm.f32 @!p1 $1.000000000e+00  }
0x101: {  	[tilespmem:v6+s25+$0x0] =	vst.idx.add.f32.msk @!p1 $0xffff, v8  }
0x102: {  	v6 =	vld @!p1 [tilespmem:s22+$0xA10];
	_ =	sdelay $0x7  }
0x103: {  	v10 =	vor.u32 @!p1 $0x800, v7;
	v9 =	vld.idx.msk @!p1 [tilespmem:v6+s23+$0x0], $0xffff  }
0x104: {  	v11 =	vor.u32 @!p1 $0x801, v7;
	v6 =	vld.idx.msk @!p1 [tilespmem:v6+s24+$0x0], $0xffff;
	_ =	sdelay $0x3  }
0x105: {  	[tilespmem:v10+s21+$0x0] =	vst.idx.msk @!p1 $0xffff, v9  }
0x106: {  	[tilespmem:v11+s21+$0x0] =	vst.idx.msk @!p1 $0xffff, v6  }
0x107: {  	v6 =	vld @!p1 [tilespmem:s22+$0x10];
	_ =	sdelay $0x7  }
0x108: {  	[tilespmem:v6+s25+$0x0] =	vst.idx.add.f32.msk @!p1 $0xffff, v8  }
0x109: {  	v6 =	vld @!p1 [tilespmem:s22+$0xA20];
	_ =	sdelay $0x7  }
0x10a: {  	v10 =	vor.u32 @!p1 $0x1000, v7;
	v9 =	vld.idx.msk @!p1 [tilespmem:v6+s23+$0x0], $0xffff  }
0x10b: {  	v11 =	vor.u32 @!p1 $0x1001, v7;
	v6 =	vld.idx.msk @!p1 [tilespmem:v6+s24+$0x0], $0xffff;
	_ =	sdelay $0x3  }
0x10c: {  	[tilespmem:v10+s21+$0x0] =	vst.idx.msk @!p1 $0xffff, v9  }
0x10d: {  	[tilespmem:v11+s21+$0x0] =	vst.idx.msk @!p1 $0xffff, v6  }
0x10e: {  	v6 =	vld @!p1 [tilespmem:s22+$0x20];
	_ =	sdelay $0x7  }
0x10f: {  	[tilespmem:v6+s25+$0x0] =	vst.idx.add.f32.msk @!p1 $0xffff, v8  }
0x110: {  	v6 =	vld @!p1 [tilespmem:s22+$0xA30];
	_ =	sdelay $0x7  }
0x111: {  	v10 =	vor.u32 @!p1 $0x1800, v7;
	v9 =	vld.idx.msk @!p1 [tilespmem:v6+s23+$0x0], $0xffff  }
0x112: {  	v11 =	vor.u32 @!p1 $0x1801, v7;
	v6 =	vld.idx.msk @!p1 [tilespmem:v6+s24+$0x0], $0xffff;
	_ =	sdelay $0x3  }
0x113: {  	[tilespmem:v10+s21+$0x0] =	vst.idx.msk @!p1 $0xffff, v9  }
0x114: {  	[tilespmem:v11+s21+$0x0] =	vst.idx.msk @!p1 $0xffff, v6  }
0x115: {  	v6 =	vld @!p1 [tilespmem:s22+$0x30];
	_ =	sdelay $0x7  }
0x116: {  	[tilespmem:v6+s25+$0x0] =	vst.idx.add.f32.msk @!p1 $0xffff, v8  }
0x117: {  	v6 =	vld @!p1 [tilespmem:s22+$0xA40];
	_ =	sdelay $0x7  }
0x118: {  	v10 =	vor.u32 @!p1 $0x2000, v7;
	v9 =	vld.idx.msk @!p1 [tilespmem:v6+s23+$0x0], $0xffff  }
0x119: {  	v11 =	vor.u32 @!p1 $0x2001, v7;
	v6 =	vld.idx.msk @!p1 [tilespmem:v6+s24+$0x0], $0xffff;
	_ =	sdelay $0x3  }
0x11a: {  	[tilespmem:v10+s21+$0x0] =	vst.idx.msk @!p1 $0xffff, v9  }
0x11b: {  	[tilespmem:v11+s21+$0x0] =	vst.idx.msk @!p1 $0xffff, v6  }
0x11c: {  	v6 =	vld @!p1 [tilespmem:s22+$0x40];
	_ =	sdelay $0x7  }
0x11d: {  	[tilespmem:v6+s25+$0x0] =	vst.idx.add.f32.msk @!p1 $0xffff, v8  }
0x11e: {  	v6 =	vld @!p1 [tilespmem:s22+$0xA50];
	_ =	sdelay $0x7  }
0x11f: {  	v10 =	vor.u32 @!p1 $0x2800, v7;
	v9 =	vld.idx.msk @!p1 [tilespmem:v6+s23+$0x0], $0xffff  }
0x120: {  	v11 =	vor.u32 @!p1 $0x2801, v7;
	v6 =	vld.idx.msk @!p1 [tilespmem:v6+s24+$0x0], $0xffff;
	_ =	sdelay $0x3  }
0x121: {  	[tilespmem:v10+s21+$0x0] =	vst.idx.msk @!p1 $0xffff, v9  }
0x122: {  	[tilespmem:v11+s21+$0x0] =	vst.idx.msk @!p1 $0xffff, v6  }
0x123: {  	v6 =	vld @!p1 [tilespmem:s22+$0x50];
	_ =	sdelay $0x7  }
0x124: {  	[tilespmem:v6+s25+$0x0] =	vst.idx.add.f32.msk @!p1 $0xffff, v8  }
0x125: {  	v6 =	vld @!p1 [tilespmem:s22+$0xA60];
	_ =	sdelay $0x7  }
0x126: {  	v10 =	vor.u32 @!p1 $0x3000, v7;
	v9 =	vld.idx.msk @!p1 [tilespmem:v6+s23+$0x0], $0xffff  }
0x127: {  	v11 =	vor.u32 @!p1 $0x3001, v7;
	v6 =	vld.idx.msk @!p1 [tilespmem:v6+s24+$0x0], $0xffff;
	_ =	sdelay $0x3  }
0x128: {  	[tilespmem:v10+s21+$0x0] =	vst.idx.msk @!p1 $0xffff, v9  }
0x129: {  	[tilespmem:v11+s21+$0x0] =	vst.idx.msk @!p1 $0xffff, v6  }
0x12a: {  	v6 =	vld @!p1 [tilespmem:s22+$0x60];
	_ =	sdelay $0x7  }
0x12b: {  	[tilespmem:v6+s25+$0x0] =	vst.idx.add.f32.msk @!p1 $0xffff, v8  }
0x12c: {  	v6 =	vld @!p1 [tilespmem:s22+$0xA70];
	_ =	sdelay $0x7  }
0x12d: {  	v10 =	vor.u32 @!p1 $0x3800, v7;
	v9 =	vld.idx.msk @!p1 [tilespmem:v6+s23+$0x0], $0xffff  }
0x12e: {  	v7 =	vor.u32 @!p1 $0x3801, v7;
	v6 =	vld.idx.msk @!p1 [tilespmem:v6+s24+$0x0], $0xffff;
	_ =	sdelay $0x3  }
0x12f: {  	[tilespmem:v10+s21+$0x0] =	vst.idx.msk @!p1 $0xffff, v9  }
0x130: {  	[tilespmem:v7+s21+$0x0] =	vst.idx.msk @!p1 $0xffff, v6  }
0x131: {  	v6 =	vld @!p1 [tilespmem:s22+$0x70];
	_ =	sdelay $0x7  }
0x132: {  	s22 =	simm.s32 @!p1 $0x1;
	[tilespmem:v6+s25+$0x0] =	vst.idx.add.f32.msk @!p1 $0xffff, v8  }
0x133: {  	_ =	swait.ge @!p1 [sflag:s22], $0x8000  }
0x134: {  	p2 =	seq.s32 @!p1 s14, $0x2400;
	s23 =	simm.s32 @!p1 $0x0;
	[sflag:s22] =	ssyncset.done @!p1 $0x0  }
0x135: {  	s24 =	simm.s32 @!p1 $0x1400;
	[sflag:s22] =	ssyncadd.s32 @!p1 $0xFFFF8000;
	s22 =	sadd.s32 @!p1 $0xFFFFF000, s11  }
0x136: {  	[hbm4b:s22+s23] =	stream.linear.scatter @!p1 [tilespmem:s24], [sflag:$0x4], $0x8000, $0x38;
	[tilespmem:$0x1CB00] =	vst v63  }
0x137: {  	p2 =	por p1, p2;
	s22 =	simm.s32 @!p1 $0x4  }
0x138: {  	p3 =	sgt.u32 @!p2 s13, $0x26D;
	_ =	swait.ge @!p1 [sflag:s22], $0x8000  }
0x139: {  	p2 =	por p2, p3;
	[sflag:s22] =	ssyncset.done @!p1 $0x0  }
.Ltmp5:
0x13a: {  	[sflag:s22] =	ssyncadd.s32 @!p1 $0xFFFF8000;
	(pc) =	sbr.rel @p2 .LBB2_6-.Ltmp5, $4  }
0x13b: {  	[hbm4b:s12+s23] =	stream.linear.scatter @!p1 [tilespmem:s21], [sflag:$0x4], $0x4000, $0x38;
	[tilespmem:$0x1CB00] =	vst v63  }
0x13c: {  	_ =	swait.ge @!p1 [sflag:s22], $0x4000  }
0x13d: {  	[sflag:s22] =	ssyncset.done @!p1 $0x0  }
0x13e: {  	[sflag:s22] =	ssyncadd.s32 @!p1 $0xFFFFC000  }
0x13f: {  	v6 =	vld [tilespmem:s8+$0x100];
	_ =	sdelay $0x4  }
0x140: {  	v7 =	vshll.u32 v6, $0x1  }
0x141: {  	v6 =	vand.u32 $0x7, v6;
	v7 =	vand.u32 $0xFFFFFFF0, v7  }
0x142: {  	v6 =	vor.u32 v6, v7  }
0x143: {  	v7 =	vperm.xlane v6, v1;
	_ =	sdelay $0x1  }
0x144: {  	v6 =	vperm.xlane v6, v3;
	v7 =	vadd.s32 v2, v7;
	_ =	sdelay $0x1  }
0x145: {  	v6 =	vadd.s32 v2, v6;
	_ =	sdelay $0x1  }
0x146: {  	s21 =	simm.s32 $0x1400  }
0x147: {  	[tilespmem:s21], [sflag:$0x1] =	stream.indirect_vreg.gather [hbm4b:s2+s3], $0x80, v7, vm0, $0xb8;
	[tilespmem:$0x1CB00] =	vst v63  }
0x148: {  	s22 =	simm.s32 $0x1C00  }
0x149: {  	[tilespmem:s22], [sflag:$0x1] =	stream.indirect_vreg.gather [hbm4b:s2+s3], $0x80, v6, vm0, $0xb8;
	[tilespmem:$0x1CB00] =	vst v63  }
0x14a: {  	v6 =	vld [tilespmem:s8+$0x110];
	_ =	sdelay $0x4  }
0x14b: {  	v7 =	vshll.u32 v6, $0x1  }
0x14c: {  	v6 =	vand.u32 $0x7, v6;
	v7 =	vand.u32 $0xFFFFFFF0, v7  }
0x14d: {  	v6 =	vor.u32 v6, v7  }
0x14e: {  	v7 =	vperm.xlane v6, v1;
	_ =	sdelay $0x1  }
0x14f: {  	v6 =	vperm.xlane v6, v3;
	v7 =	vadd.s32 v2, v7;
	_ =	sdelay $0x1  }
0x150: {  	v6 =	vadd.s32 v2, v6;
	_ =	sdelay $0x1  }
0x151: {  	s23 =	simm.s32 $0x2400  }
0x152: {  	[tilespmem:s23], [sflag:$0x1] =	stream.indirect_vreg.gather [hbm4b:s2+s3], $0x80, v7, vm0, $0xb8;
	[tilespmem:$0x1CB00] =	vst v63  }
0x153: {  	s24 =	simm.s32 $0x2C00  }
0x154: {  	[tilespmem:s24], [sflag:$0x1] =	stream.indirect_vreg.gather [hbm4b:s2+s3], $0x80, v6, vm0, $0xb8;
	[tilespmem:$0x1CB00] =	vst v63  }
0x155: {  	v6 =	vld [tilespmem:s8+$0x120];
	_ =	sdelay $0x4  }
0x156: {  	v7 =	vshll.u32 v6, $0x1  }
0x157: {  	v6 =	vand.u32 $0x7, v6;
	v7 =	vand.u32 $0xFFFFFFF0, v7  }
0x158: {  	v6 =	vor.u32 v6, v7  }
0x159: {  	v7 =	vperm.xlane v6, v1;
	_ =	sdelay $0x1  }
0x15a: {  	v6 =	vperm.xlane v6, v3;
	v7 =	vadd.s32 v2, v7;
	_ =	sdelay $0x1  }
0x15b: {  	v6 =	vadd.s32 v2, v6;
	_ =	sdelay $0x1  }
0x15c: {  	s25 =	simm.s32 $0x3400  }
0x15d: {  	[tilespmem:s25], [sflag:$0x1] =	stream.indirect_vreg.gather [hbm4b:s2+s3], $0x80, v7, vm0, $0xb8;
	[tilespmem:$0x1CB00] =	vst v63  }
0x15e: {  	_ = 	snop  }
0x15f: {  	[tilespmem:s26], [sflag:$0x1] =	stream.indirect_vreg.gather [hbm4b:s2+s3], $0x80, v6, vm0, $0xb8;
	[tilespmem:$0x1CB00] =	vst v63  }
0x160: {  	v6 =	vld [tilespmem:s8+$0x130];
	_ =	sdelay $0x4  }
0x161: {  	v7 =	vshll.u32 v6, $0x1  }
0x162: {  	v6 =	vand.u32 $0x7, v6;
	v7 =	vand.u32 $0xFFFFFFF0, v7  }
0x163: {  	v6 =	vor.u32 v6, v7  }
0x164: {  	v7 =	vperm.xlane v6, v1;
	_ =	sdelay $0x1  }
0x165: {  	v6 =	vperm.xlane v6, v3;
	v7 =	vadd.s32 v2, v7;
	_ =	sdelay $0x1  }
0x166: {  	v6 =	vadd.s32 v2, v6;
	_ =	sdelay $0x2  }
0x167: {  	[tilespmem:s28], [sflag:$0x1] =	stream.indirect_vreg.gather [hbm4b:s2+s3], $0x80, v7, vm0, $0xb8;
	[tilespmem:$0x1CB00] =	vst v63  }
0x168: {  	_ = 	snop  }
0x169: {  	[tilespmem:s29], [sflag:$0x1] =	stream.indirect_vreg.gather [hbm4b:s2+s3], $0x80, v6, vm0, $0xb8;
	[tilespmem:$0x1CB00] =	vst v63  }
0x16a: {  	v6 =	vld [tilespmem:s8+$0x140];
	_ =	sdelay $0x4  }
0x16b: {  	v7 =	vshll.u32 v6, $0x1  }
0x16c: {  	v6 =	vand.u32 $0x7, v6;
	v7 =	vand.u32 $0xFFFFFFF0, v7  }
0x16d: {  	v6 =	vor.u32 v6, v7  }
0x16e: {  	v7 =	vperm.xlane v6, v1;
	_ =	sdelay $0x1  }
0x16f: {  	v6 =	vperm.xlane v6, v3;
	v7 =	vadd.s32 v2, v7;
	_ =	sdelay $0x1  }
0x170: {  	v6 =	vadd.s32 v2, v6;
	_ =	sdelay $0x2  }
0x171: {  	[tilespmem:s30], [sflag:$0x1] =	stream.indirect_vreg.gather [hbm4b:s2+s3], $0x80, v7, vm0, $0xb8;
	[tilespmem:$0x1CB00] =	vst v63  }
0x172: {  	_ = 	snop  }
0x173: {  	[tilespmem:s31], [sflag:$0x1] =	stream.indirect_vreg.gather [hbm4b:s2+s3], $0x80, v6, vm0, $0xb8;
	[tilespmem:$0x1CB00] =	vst v63  }
0x174: {  	v6 =	vld [tilespmem:s8+$0x150];
	_ =	sdelay $0x4  }
0x175: {  	v7 =	vshll.u32 v6, $0x1  }
0x176: {  	v6 =	vand.u32 $0x7, v6;
	v7 =	vand.u32 $0xFFFFFFF0, v7  }
0x177: {  	v6 =	vor.u32 v6, v7  }
0x178: {  	v7 =	vperm.xlane v6, v1;
	_ =	sdelay $0x1  }
0x179: {  	v6 =	vperm.xlane v6, v3;
	v7 =	vadd.s32 v2, v7;
	_ =	sdelay $0x1  }
0x17a: {  	v6 =	vadd.s32 v2, v6;
	_ =	sdelay $0x2  }
0x17b: {  	[tilespmem:s0], [sflag:$0x1] =	stream.indirect_vreg.gather [hbm4b:s2+s3], $0x80, v7, vm0, $0xb8;
	[tilespmem:$0x1CB00] =	vst v63  }
0x17c: {  	_ = 	snop  }
0x17d: {  	[tilespmem:s1], [sflag:$0x1] =	stream.indirect_vreg.gather [hbm4b:s2+s3], $0x80, v6, vm0, $0xb8;
	[tilespmem:$0x1CB00] =	vst v63  }
0x17e: {  	v6 =	vld [tilespmem:s8+$0x160];
	_ =	sdelay $0x4  }
0x17f: {  	v7 =	vshll.u32 v6, $0x1  }
0x180: {  	v6 =	vand.u32 $0x7, v6;
	v7 =	vand.u32 $0xFFFFFFF0, v7  }
0x181: {  	v6 =	vor.u32 v6, v7  }
0x182: {  	v7 =	vperm.xlane v6, v1;
	_ =	sdelay $0x1  }
0x183: {  	v6 =	vperm.xlane v6, v3;
	v7 =	vadd.s32 v2, v7;
	_ =	sdelay $0x1  }
0x184: {  	v6 =	vadd.s32 v2, v6;
	_ =	sdelay $0x2  }
0x185: {  	[tilespmem:s16], [sflag:$0x1] =	stream.indirect_vreg.gather [hbm4b:s2+s3], $0x80, v7, vm0, $0xb8;
	[tilespmem:$0x1CB00] =	vst v63  }
0x186: {  	_ = 	snop  }
0x187: {  	[tilespmem:s4], [sflag:$0x1] =	stream.indirect_vreg.gather [hbm4b:s2+s3], $0x80, v6, vm0, $0xb8;
	[tilespmem:$0x1CB00] =	vst v63  }
0x188: {  	v6 =	vld [tilespmem:s8+$0x170];
	_ =	sdelay $0x4  }
0x189: {  	v7 =	vshll.u32 v6, $0x1  }
0x18a: {  	v6 =	vand.u32 $0x7, v6;
	v7 =	vand.u32 $0xFFFFFFF0, v7  }
0x18b: {  	v6 =	vor.u32 v6, v7  }
0x18c: {  	v7 =	vperm.xlane v6, v1;
	_ =	sdelay $0x1  }
0x18d: {  	v6 =	vperm.xlane v6, v3;
	v7 =	vadd.s32 v2, v7;
	_ =	sdelay $0x1  }
0x18e: {  	v6 =	vadd.s32 v2, v6;
	_ =	sdelay $0x2  }
0x18f: {  	[tilespmem:s5], [sflag:$0x1] =	stream.indirect_vreg.gather [hbm4b:s2+s3], $0x80, v7, vm0, $0xb8;
	[tilespmem:$0x1CB00] =	vst v63  }
0x190: {  	_ = 	snop  }
0x191: {  	[tilespmem:s6], [sflag:$0x1] =	stream.indirect_vreg.gather [hbm4b:s2+s3], $0x80, v6, vm0, $0xb8;
	[tilespmem:$0x1CB00] =	vst v63  }
.LBB2_6:
.Ltmp6:
0x192: {  	(pc) =	sbr.rel @p0 .LBB2_8-.Ltmp6, $1  }
0x193: {  	_ =	sdelay $0x3  }
0x194: {  	v6 =	vld [tilespmem:s8+$0xA80];
	_ =	sdelay $0x7  }
0x195: {  	v7 =	vld.idx.msk [tilespmem:v6+s17+$0x0], $0xffff  }
0x196: {  	v6 =	vld.idx.msk [tilespmem:v6+s18+$0x0], $0xffff;
	_ =	sdelay $0x3  }
0x197: {  	[tilespmem:v0+s19+$0x0] =	vst.idx.msk $0xffff, v7  }
0x198: {  	[tilespmem:v4+s19+$0x0] =	vst.idx.msk $0xffff, v6  }
0x199: {  	v6 =	vld [tilespmem:s8+$0x80];
	_ =	sdelay $0x7  }
0x19a: {  	[tilespmem:v6+s20+$0x0] =	vst.idx.add.f32.msk $0xffff, v5  }
0x19b: {  	v6 =	vld [tilespmem:s8+$0xA90];
	_ =	sdelay $0x7  }
0x19c: {  	v8 =	vor.u32 $0x800, v0;
	v7 =	vld.idx.msk [tilespmem:v6+s17+$0x0], $0xffff  }
0x19d: {  	v9 =	vor.u32 $0x801, v0;
	v6 =	vld.idx.msk [tilespmem:v6+s18+$0x0], $0xffff;
	_ =	sdelay $0x3  }
0x19e: {  	[tilespmem:v8+s19+$0x0] =	vst.idx.msk $0xffff, v7  }
0x19f: {  	[tilespmem:v9+s19+$0x0] =	vst.idx.msk $0xffff, v6  }
0x1a0: {  	v6 =	vld [tilespmem:s8+$0x90];
	_ =	sdelay $0x7  }
0x1a1: {  	[tilespmem:v6+s20+$0x0] =	vst.idx.add.f32.msk $0xffff, v5  }
0x1a2: {  	v6 =	vld [tilespmem:s8+$0xAA0];
	_ =	sdelay $0x7  }
0x1a3: {  	v52 =	vor.u32 $0x1000, v0;
	v7 =	vld.idx.msk [tilespmem:v6+s17+$0x0], $0xffff  }
0x1a4: {  	v53 =	vor.u32 $0x1001, v0;
	v6 =	vld.idx.msk [tilespmem:v6+s18+$0x0], $0xffff;
	_ =	sdelay $0x3  }
0x1a5: {  	[tilespmem:v52+s19+$0x0] =	vst.idx.msk $0xffff, v7  }
0x1a6: {  	[tilespmem:v53+s19+$0x0] =	vst.idx.msk $0xffff, v6  }
0x1a7: {  	v6 =	vld [tilespmem:s8+$0xA0];
	_ =	sdelay $0x7  }
0x1a8: {  	[tilespmem:v6+s20+$0x0] =	vst.idx.add.f32.msk $0xffff, v5  }
0x1a9: {  	v6 =	vld [tilespmem:s8+$0xAB0];
	_ =	sdelay $0x7  }
0x1aa: {  	v54 =	vor.u32 $0x1800, v0;
	v7 =	vld.idx.msk [tilespmem:v6+s17+$0x0], $0xffff  }
0x1ab: {  	v55 =	vor.u32 $0x1801, v0;
	v6 =	vld.idx.msk [tilespmem:v6+s18+$0x0], $0xffff;
	_ =	sdelay $0x3  }
0x1ac: {  	[tilespmem:v54+s19+$0x0] =	vst.idx.msk $0xffff, v7  }
0x1ad: {  	[tilespmem:v55+s19+$0x0] =	vst.idx.msk $0xffff, v6  }
0x1ae: {  	v6 =	vld [tilespmem:s8+$0xB0];
	_ =	sdelay $0x7  }
0x1af: {  	[tilespmem:v6+s20+$0x0] =	vst.idx.add.f32.msk $0xffff, v5  }
0x1b0: {  	v6 =	vld [tilespmem:s8+$0xAC0];
	_ =	sdelay $0x7  }
0x1b1: {  	v56 =	vor.u32 $0x2000, v0;
	v7 =	vld.idx.msk [tilespmem:v6+s17+$0x0], $0xffff  }
0x1b2: {  	v57 =	vor.u32 $0x2001, v0;
	v6 =	vld.idx.msk [tilespmem:v6+s18+$0x0], $0xffff;
	_ =	sdelay $0x3  }
0x1b3: {  	[tilespmem:v56+s19+$0x0] =	vst.idx.msk $0xffff, v7  }
0x1b4: {  	[tilespmem:v57+s19+$0x0] =	vst.idx.msk $0xffff, v6  }
0x1b5: {  	v6 =	vld [tilespmem:s8+$0xC0];
	_ =	sdelay $0x7  }
0x1b6: {  	[tilespmem:v6+s20+$0x0] =	vst.idx.add.f32.msk $0xffff, v5  }
0x1b7: {  	v6 =	vld [tilespmem:s8+$0xAD0];
	_ =	sdelay $0x7  }
0x1b8: {  	v58 =	vor.u32 $0x2800, v0;
	v7 =	vld.idx.msk [tilespmem:v6+s17+$0x0], $0xffff  }
0x1b9: {  	v59 =	vor.u32 $0x2801, v0;
	v6 =	vld.idx.msk [tilespmem:v6+s18+$0x0], $0xffff;
	_ =	sdelay $0x3  }
0x1ba: {  	[tilespmem:v58+s19+$0x0] =	vst.idx.msk $0xffff, v7  }
0x1bb: {  	[tilespmem:v59+s19+$0x0] =	vst.idx.msk $0xffff, v6  }
0x1bc: {  	v6 =	vld [tilespmem:s8+$0xD0];
	_ =	sdelay $0x7  }
0x1bd: {  	[tilespmem:v6+s20+$0x0] =	vst.idx.add.f32.msk $0xffff, v5  }
0x1be: {  	v6 =	vld [tilespmem:s8+$0xAE0];
	_ =	sdelay $0x7  }
0x1bf: {  	v60 =	vor.u32 $0x3000, v0;
	v7 =	vld.idx.msk [tilespmem:v6+s17+$0x0], $0xffff  }
0x1c0: {  	v61 =	vor.u32 $0x3001, v0;
	v6 =	vld.idx.msk [tilespmem:v6+s18+$0x0], $0xffff;
	_ =	sdelay $0x3  }
0x1c1: {  	[tilespmem:v60+s19+$0x0] =	vst.idx.msk $0xffff, v7  }
0x1c2: {  	[tilespmem:v61+s19+$0x0] =	vst.idx.msk $0xffff, v6  }
0x1c3: {  	v6 =	vld [tilespmem:s8+$0xE0];
	_ =	sdelay $0x7  }
0x1c4: {  	[tilespmem:v6+s20+$0x0] =	vst.idx.add.f32.msk $0xffff, v5  }
0x1c5: {  	v6 =	vld [tilespmem:s8+$0xAF0];
	_ =	sdelay $0x7  }
0x1c6: {  	v62 =	vor.u32 $0x3800, v0;
	v7 =	vld.idx.msk [tilespmem:v6+s17+$0x0], $0xffff  }
0x1c7: {  	v63 =	vor.u32 $0x3801, v0;
	v6 =	vld.idx.msk [tilespmem:v6+s18+$0x0], $0xffff;
	_ =	sdelay $0x3  }
0x1c8: {  	[tilespmem:v62+s19+$0x0] =	vst.idx.msk $0xffff, v7  }
0x1c9: {  	[tilespmem:v63+s19+$0x0] =	vst.idx.msk $0xffff, v6  }
0x1ca: {  	v6 =	vld [tilespmem:s8+$0xF0];
	_ =	sdelay $0x7  }
0x1cb: {  	[tilespmem:v6+s20+$0x0] =	vst.idx.add.f32.msk $0xffff, v5  }
0x1cc: {  	_ =	swait.ge [sflag:s9], $0x8000  }
0x1cd: {  	[sflag:s9] =	ssyncset.done $0x0  }
0x1ce: {  	[sflag:s9] =	ssyncadd.s32 $0xFFFF8000  }
0x1cf: {  	[hbm4b:s11+s3] =	stream.linear.scatter [tilespmem:s7], [sflag:$0x4], $0x8000, $0x38;
	[tilespmem:$0x1CB00] =	vst v63  }
0x1d0: {  	_ =	swait.ge [sflag:s10], $0x8000  }
0x1d1: {  	[sflag:s10] =	ssyncset.done $0x0  }
.Ltmp7:
0x1d2: {  	s25 =	sadd.s32 $0x800, s12;
	[sflag:s10] =	ssyncadd.s32 $0xFFFF8000;
	(pc) =	sbr.rel .LBB2_8-.Ltmp7, $4  }
0x1d3: {  	[hbm4b:s25+s3] =	stream.linear.scatter [tilespmem:s19], [sflag:$0x3], $0x4000, $0x38;
	[tilespmem:$0x1CB00] =	vst v63  }
0x1d4: {  	_ =	swait.ge [sflag:s15], $0x4000  }
0x1d5: {  	[sflag:s15] =	ssyncset.done $0x0  }
0x1d6: {  	[sflag:s15] =	ssyncadd.s32 $0xFFFFC000  }
.LBB2_10:
0x1d7: {  	_ =	sfence.sel $0x180000  }
0x1d8: {  	[bflag:$0x0] =	sbarrier.arrive $0xFFFF  }
0x1d9: {  	_ =	strace $0x9000004A  }
0x1da: {  	s0 =	stileid.u32;
	[bflag:$0x2] =	sbarrier.arrive $0xFFFF  }
0x1db: {  	p0 =	sne.s32 s0, $0x0;
	s0 =	rddreg [dreg:$0x2]  }
0x1dc: {  	s0 =	sadd.s32 @!p0 $0x100000, s0  }
0x1dd: {  	[sflag:s0] =	ssyncadd.tile.s32 @!p0 $0x1;
	_ =	shalt  }
.Lfunc_end2:
_tile_overlayer_lowered:
.L_overlay_start_2:
0x1de: {  	(tag) =	ssettag $0x2  }
0x1df: {  	s0 =	rddreg [dreg:$0x0];
	s2 =	stileid.u32  }
0x1e0: {  	s1 =	rddreg [dreg:$0x1];
	p0 =	sne.s32 s2, $0x0  }
0x1e1: {  	s3 =	rddreg [dreg:$0x2];
	[bflag:$0x3] =	sbarrier.arrive $0xFFFF;
	s2 =	simm.s32 @!p0 $0x1C03  }
0x1e2: {  	[timem:s3], [sflag:s2] =	dma.local @!p0 [hbm:s0], s1  }
0x1e3: {  	s0 =	simm.s32 @!p0 $0x3  }
0x1e4: {  	_ =	swait.ge @!p0 [sflag:s0], s1  }
0x1e5: {  	s1 =	ssub.s32 @!p0 $0x0, s1;
	[sflag:s0] =	ssyncset.done @!p0 $0x0  }
0x1e6: {  	[sflag:s0] =	ssyncadd.s32 @!p0 s1  }
0x1e7: {  	[bflag:$0x3] =	sbarrier.arrive $0xFFFF  }
0x1e8: {  	_ =	shalt  }

// kernel: kernel.15.cloned.1.call-start
scs
__scs_entry_jumppad:
0x0: {  	(pc) =	sbr.rel $0x88, $3  }
0x1: {  	(tag) =	ssettag $0x0;
	lr =	simm.s32 $0x1  }
0x2: {  	[smem:$0x3F8E] =	sst lr;
	_ =	strace $0xD0000000  }
0x3: {  	_ = 	snop  }
0x4: {  	_ = 	snop  }
0x5: {  	_ = 	snop  }
0x6: {  	_ = 	snop  }
0x7: {  	_ = 	snop  }
__scs_overlays_trampoline_lowered:
0x8: {  	[smem:$0x3F9D] =	sst s0  }
0x9: {  	[smem:$0x3F9E] =	sst s1  }
0xa: {  	[smem:$0x3F9F] =	sst s2  }
0xb: {  	[smem:$0x3FA0] =	sst s3  }
0xc: {  	[smem:$0x3FA1] =	sst s4  }
0xd: {  	[smem:$0x3FA2] =	sst s5  }
0xe: {  	[smem:$0x3FA3] =	sst s6  }
0xf: {  	[smem:$0x3FA4] =	sst s7  }
0x10: {  	[smem:$0x3FA5] =	sst s8  }
0x11: {  	[smem:$0x3FA6] =	sst s9;
	s0 =	simm.s32 @!p0 $0x0  }
0x12: {  	s1 =	sld [smem:$0x3F8C];
	s0 =	simm.s32 @p0 $0x1  }
0x13: {  	[smem:$0x3FA7] =	sst s0;
	s0 =	simm.s32 @!p1 $0x0  }
0x14: {  	s2 =	sld [smem:$0x3F8B];
	s0 =	simm.s32 @p1 $0x1  }
0x15: {  	[smem:$0x3FA8] =	sst s0;
	s0 =	simm.s32 @!p2 $0x0  }
0x16: {  	s3 =	sld [smem:$0x3FDB];
	s0 =	simm.s32 @p2 $0x1  }
0x17: {  	s4 =	simm.s32 $0x1BF5;
	[smem:$0x3FAA] =	sst s0  }
0x18: {  	s0 =	sld [smem:$0x3F8D];
	_ =	swait.ge [sflag:s4], $0x0  }
0x19: {  	s7 =	sld [smem:$0x3F8E]  }
0x1a: {  	s8 =	sadd.s32 $0xFFFFE003, lr  }
0x1b: {  	s9 =	sadd.s32 $0xFFFFFEF7, lr;
	s5 =	simm.s32 $0xFFFFFFFF;
	p2 =	slt.u32 s8, $0xFFFFF086  }
0x1c: {  	p1 =	slt.u32 s9, $0xF7A;
	s5 =	simm.s32 @!p2 $0x0  }
0x1d: {  	s5 =	simm.s32 @p1 $0x1;
	p0 =	seq.s32 s7, s2  }
0x1e: {  	s7 =	smul.u32 @!p0 $0xF7A, s2;
	p2 =	seq.s32 @!p0 s5, $0x0  }
0x1f: {  	s9 =	smul.u32 $0xF7A, s1;
	s8 =	simm.s32 @!p0 $0x1BF5;
	p2 =	por !p2, p0  }
0x20: {  	[sflag:s8] =	ssyncset.s32 @!p0 $0xFFFFF086;
	s6 =	sadd.s32 @!p0 s3, s7;
	s7 =	simm.s32 @!p0 $0x108  }
0x21: {  	s3 =	sadd.s32 s3, s9;
	s6 =	sadd.s32 @!p0 $0x88, s6;
	s7 =	simm.s32 @p2 $0x1082  }
0x22: {  	[simem:s7], [sflag:s8] =	dma.local @!p0 [hbm:s6], $0xF7A  }
0x23: {  	s9 =	sor.u32 $0xD0000000, s2;
	s6 =	simm.s32 $0x108;
	_ =	swait.ge @!p0 [sflag:s8], $0x0  }
0x24: {  	s3 =	sadd.s32 $0x88, s3;
	s6 =	simm.s32 @!p1 $0x1082;
	[sflag:s4] =	ssyncset.s32 $0xFFFFF086  }
0x25: {  	[simem:s6], [sflag:s4] =	dma.local [hbm:s3], $0xF7A  }
0x26: {  	[smem:$0x3F8E] =	sst s1;
	(tag) =	ssettag s2;
	_ =	strace s9  }
0x27: {  	s1 =	sld [smem:$0x3F9E]  }
0x28: {  	s2 =	sld [smem:$0x3F9F]  }
0x29: {  	s4 =	sld [smem:$0x3FA1]  }
0x2a: {  	p0 =	seq.s32 s5, $0x0;
	s5 =	sld [smem:$0x3FA2]  }
0x2b: {  	s6 =	sld [smem:$0x3FA3]  }
0x2c: {  	s7 =	sld [smem:$0x3FA4]  }
0x2d: {  	s3 =	simm.s32 $0x108;
	s8 =	sld [smem:$0x3FA5]  }
0x2e: {  	s3 =	simm.s32 @!p0 $0x1082;
	s9 =	sld [smem:$0x3FA6]  }
0x2f: {  	lr =	sadd.s32 s0, s3;
	s0 =	sld [smem:$0x3F9D]  }
0x30: {  	s3 =	sld [smem:$0x3FA0]  }
0x31: {  	[smem:$0x3FA9] =	sst s10  }
0x32: {  	s10 =	sld [smem:$0x3FA7];
	_ =	sdelay $0x3  }
0x33: {  	p0 =	seq.s32 s10, $0x1;
	s10 =	sld [smem:$0x3FA9];
	_ =	sdelay $0x3  }
0x34: {  	[smem:$0x3FA9] =	sst s10  }
0x35: {  	s10 =	sld [smem:$0x3FA8];
	_ =	sdelay $0x3  }
0x36: {  	p1 =	seq.s32 s10, $0x1;
	s10 =	sld [smem:$0x3FA9];
	_ =	sdelay $0x3  }
0x37: {  	[smem:$0x3FA9] =	sst s10  }
0x38: {  	s10 =	sld [smem:$0x3FAA]  }
0x39: {  	_ = 	snop;
	(pc) =	sbr.ind lr, $3  }
0x3a: {  	_ = 	snop  }
0x3b: {  	_ = 	snop  }
0x3c: {  	p2 =	seq.s32 s10, $0x1;
	s10 =	sld [smem:$0x3FA9]  }
0x3d: {  	_ =	shalt  }
0x3e: {  	_ =	shalt  }
0x3f: {  	_ =	shalt  }
0x40: {  	_ =	shalt  }
0x41: {  	_ =	shalt  }
0x42: {  	_ =	shalt  }
0x43: {  	_ =	shalt  }
0x44: {  	_ =	shalt  }
0x45: {  	_ =	shalt  }
0x46: {  	_ =	shalt  }
0x47: {  	_ =	shalt  }
0x48: {  	_ =	shalt  }
0x49: {  	_ =	shalt  }
0x4a: {  	_ =	shalt  }
0x4b: {  	_ =	shalt  }
0x4c: {  	_ =	shalt  }
0x4d: {  	_ =	shalt  }
0x4e: {  	_ =	shalt  }
0x4f: {  	_ =	shalt  }
0x50: {  	_ =	shalt  }
0x51: {  	_ =	shalt  }
0x52: {  	_ =	shalt  }
0x53: {  	_ =	shalt  }
0x54: {  	_ =	shalt  }
0x55: {  	_ =	shalt  }
0x56: {  	_ =	shalt  }
0x57: {  	_ =	shalt  }
0x58: {  	_ =	shalt  }
0x59: {  	_ =	shalt  }
0x5a: {  	_ =	shalt  }
0x5b: {  	_ =	shalt  }
0x5c: {  	_ =	shalt  }
0x5d: {  	_ =	shalt  }
0x5e: {  	_ =	shalt  }
0x5f: {  	_ =	shalt  }
0x60: {  	_ =	shalt  }
0x61: {  	_ =	shalt  }
0x62: {  	_ =	shalt  }
0x63: {  	_ =	shalt  }
0x64: {  	_ =	shalt  }
0x65: {  	_ =	shalt  }
0x66: {  	_ =	shalt  }
0x67: {  	_ =	shalt  }
0x68: {  	_ =	shalt  }
0x69: {  	_ =	shalt  }
0x6a: {  	_ =	shalt  }
0x6b: {  	_ =	shalt  }
0x6c: {  	_ =	shalt  }
0x6d: {  	_ =	shalt  }
0x6e: {  	_ =	shalt  }
0x6f: {  	_ =	shalt  }
0x70: {  	_ =	shalt  }
0x71: {  	_ =	shalt  }
0x72: {  	_ =	shalt  }
0x73: {  	_ =	shalt  }
0x74: {  	_ =	shalt  }
0x75: {  	_ =	shalt  }
0x76: {  	_ =	shalt  }
0x77: {  	_ =	shalt  }
0x78: {  	_ =	shalt  }
0x79: {  	_ =	shalt  }
0x7a: {  	_ =	shalt  }
0x7b: {  	_ =	shalt  }
0x7c: {  	_ =	shalt  }
0x7d: {  	_ =	shalt  }
0x7e: {  	_ =	shalt  }
0x7f: {  	_ =	shalt  }
0x80: {  	_ =	shalt  }
0x81: {  	_ =	shalt  }
0x82: {  	_ =	shalt  }
0x83: {  	_ =	shalt  }
0x84: {  	_ =	shalt  }
0x85: {  	_ =	shalt  }
0x86: {  	_ =	shalt  }
0x87: {  	_ =	shalt  }
.Lfunc_end0:
.L_simem_size_0:
called_computation.1_lowered:
.L_overlay_start_0:
0x88: {  	s2 =	sld [smem:$0x3FD9]  }
0x89: {  	s3 =	sld [smem:$0x3FFE];
	_ =	sdelay $0x1  }
0x8a: {  	s1 =	srdreg.scid  }
0x8b: {  	s0 =	sand.u32 $0x1, s1  }
0x8c: {  	s17 =	sshll.u32 s0, $0xA;
	s2 =	sadd.s32 s3, s2  }
0x8d: {  	s2 =	sadd.s32 s2, s17  }
0x8e: {  	[smem:$0x3FB5] =	sst s2  }
0x8f: {  	_ = 	snop  }
0x90: {  	s2 =	sld [smem:$0x3FD0];
	(tm) =	ssettm $0x1  }
0x91: {  	s18 =	sld [smem:$0x3FFB];
	_ =	sdelay $0x3  }
0x92: {  	_ =	strace s18  }
0x93: {  	s3 =	sld [smem:$0x3FFC];
	_ =	sdelay $0x3  }
0x94: {  	_ =	strace s3  }
0x95: {  	s3 =	sld [smem:$0x3FFD];
	_ =	sdelay $0x3  }
0x96: {  	_ =	strace s3  }
0x97: {  	_ =	strace $0x8FFFFFFF  }
0x98: {  	s19 =	sld [smem:$0x3FDB];
	_ =	sdelay $0x1  }
0x99: {  	s4 =	simm.s32 $_scs_section_size  }
0x9a: {  	s5 =	simm.s32 $_size__tile_overlayer_lowered;
	s6 =	simm.s32 $_tile_overlayer_lowered  }
0x9b: {  	s22 =	simm.s32 $0x1BFF;
	s21 =	sshll.u32 s6, $0x1;
	s3 =	sadd.s32 s4, s19  }
0x9c: {  	s7 =	simm.s32 $0x0;
	s20 =	sshll.u32 s5, $0x1;
	s5 =	sadd.s32 s21, s3  }
0x9d: {  	[timem:s7], [sflag:s22] =	dma.local [hbm:s5], s20  }
0x9e: {  	_ =	swait.ge [sflag:s22], s20  }
0x9f: {  	s4 =	ssub.s32 $0x0, s20;
	[sflag:s22] =	ssyncset.done $0x0  }
0xa0: {  	[sflag:s22] =	ssyncadd.s32 s4;
	_ =	sdelay $0x1  }
0xa1: {  	s23 =	simm.s32 $0x1B8B  }
0xa2: {  	_ =	swait.ge [sflag:s23], $0x1  }
0xa3: {  	[sflag:s23] =	ssyncset.done $0x0  }
0xa4: {  	s25 =	simm.s32 $0x1B8E;
	s24 =	sld [smem:$0x3FFE];
	[sflag:s23] =	ssyncadd.s32 $0xFFFFFFFF  }
0xa5: {  	s26 =	simm.s32 $execute0_lowered;
	[smem:$0x3FD2] =	sst s25  }
0xa6: {  	s5 =	sshll.u32 s26, $0x1;
	_ =	strace $0x80000046;
	[dreg:$0x1] =	wrdreg $0xFFFFFFFF  }
0xa7: {  	s28 =	simm.s32 $_size_execute0_lowered;
	s3 =	sadd.s32 s3, s5;
	[dreg:$0x0] =	wrdreg $0x0  }
0xa8: {  	s5 =	sshll.u32 s28, $0x1;
	[dreg:$0x2] =	wrdreg s3  }
0xa9: {  	[dreg:$0x3] =	wrdreg s5  }
0xaa: {  	[dreg:$0x4] =	wrdreg $0xC0  }
0xab: {  	_ =	task [dreg:s7], $0x5FFFF  }
0xac: {  	[dreg:$0x1] =	wrdreg $0xFFFFFFFF  }
0xad: {  	[dreg:$0x0] =	wrdreg $0x60  }
0xae: {  	[dreg:$0x2] =	wrdreg s2  }
0xaf: {  	[dreg:$0x3] =	wrdreg s24  }
0xb0: {  	[dreg:$0x4] =	wrdreg $0xA  }
0xb1: {  	_ =	task.clear_ibuf [dreg:s7], $0x5FFFF;
	_ =	strace $0x90000046  }
0xb2: {  	s29 =	simm.s32 $0xA;
	_ =	strace $0x80000048  }
0xb3: {  	_ =	swait.ge [sflag:s29], $0x1  }
0xb4: {  	[sflag:s29] =	ssyncadd.s32 $0xFFFFFFFF  }
0xb5: {  	_ =	strace $0x90000048  }
0xb6: {  	_ =	sfence  }
0xb7: {  	s30 =	sld [smem:$0x0];
	_ =	sdelay $0x2  }
0xb8: {  	s31 =	sshll.u32 s1, $0xD;
	s1 =	sshrl.u32 s1, $0x2  }
0xb9: {  	s3 =	sand.u32 $0x4000, s31;
	s1 =	sadd.s32 s1, s30  }
0xba: {  	s0 =	sor.u32 s3, s0;
	s1 =	sshll.u32 s1, $0x11  }
0xbb: {  	s0 =	sor.u32 s1, s0  }
0xbc: {  	s0 =	sadd.s32 $0x8F2B, s0  }
0xbd: {  	[sflag:s0] =	ssyncadd.remote.s32 $0x1  }
0xbe: {  	_ =	sfence.sel $0xFFFF  }
0xbf: {  	[dreg:$0x0] =	wrdreg $0xFFFFFFFF;
	(pc) =	sbr.abs _section_cstart, $3  }
0xc0: {  	[dreg:$0x1] =	wrdreg $0xFFFFFFFF  }
0xc1: {  	_ =	task.clear_ibuf [dreg:s7], $0x2FFFF;
	_ =	strace $0x9FFFFFFF  }
0xc2: {  	(tm) =	ssettm $0x7FFFFFFF  }
0xc3: {  	_ =	shalt  }
tec
execute0_lowered:
.L_overlay_start_1:
0x0: {  	(tag) =	ssettag $0x1  }
0x1: {  	s1 =	rddreg [dreg:$0x0]  }
0x2: {  	s0 =	rddreg [dreg:$0x1]  }
0x3: {  	s3 =	simm.s32 $0x0;
	s2 =	srdreg.scid;
	s12 =	stileid.u32  }
0x4: {  	s28 =	simm.s32 $0xEC00;
	s29 =	simm.s32 $0xF400;
	s30 =	simm.s32 $0xFC00  }
0x5: {  	s31 =	simm.s32 $0x10400;
	[smem:$0x7FF] =	sst s3;
	s4 =	sadd.s32 $0x4A00, s0  }
0x6: {  	s2 =	sand.u32 $0x1, s2;
	s10 =	sshll.u32 s12, $0x1;
	s9 =	smul.u32 $0x28, s12  }
0x7: {  	s5 =	sadd.s32 $0x4400, s0;
	s11 =	sshrl.u32 s12, $0x2;
	s21 =	smul.u32 $0x28000, s12  }
0x8: {  	s6 =	sadd.s32 $0x19800, s0;
	s7 =	sadd.s32 $0x1A000, s0;
	s24 =	smul.u32 $0x14000, s12  }
0x9: {  	_ =	strace $0x80000047;
	[dreg:$0x4] =	wrdreg s5;
	s5 =	smul.u32 $0x14000, s11  }
0xa: {  	s14 =	sadd.s32 $0x1A600, s0;
	s8 =	sadd.s32 $0x28C600, s0;
	s11 =	smul.u32 $0x14, s2  }
0xb: {  	[dreg:$0x3] =	wrdreg s4;
	s4 =	sor.u32 s2, s10;
	s23 =	smul.u32 $0x14000, s2  }
0xc: {  	[dreg:$0x5] =	wrdreg s6;
	s15 =	ssub.s32 $0x2, s2;
	s2 =	smul.u32 $0xA000, s2  }
0xd: {  	[dreg:$0x6] =	wrdreg s7;
	s13 =	sshll.u32 s4, $0x7;
	s4 =	smul.u32 $0x140, s4  }
0xe: {  	s10 =	sshrl.u32 s15, $0x1;
	s26 =	sadd.s32 s24, s8;
	s24 =	simm.s32 $0xD400  }
0xf: {  	s6 =	sand.u32 $0x380, s13;
	s16 =	ssub.s32 s15, s10;
	s18 =	sadd.s32 s11, s9  }
0x10: {  	s9 =	simm.s32 $0x9400;
	s15 =	simm.s32 $0xC400;
	s5 =	sor.u32 s5, s6  }
0x11: {  	s4 =	sadd.s32 s0, s4;
	s19 =	smax.u32 s16, $0x1;
	s20 =	sshll.u32 s18, $0xC  }
0x12: {  	s22 =	sadd.s32 $0x270, s18;
	s16 =	simm.s32 $0xCC00;
	s6 =	simm.s32 $0x0  }
0x13: {  	s5 =	sshrl.u32 s5, $0x3;
	s17 =	sadd.s32 $0x7700, s4;
	[dreg:$0xa] =	wrdreg s19  }
0x14: {  	s4 =	sadd.s32 $0xC900, s4;
	[dreg:$0xb] =	wrdreg s22;
	s19 =	simm.s32 $0x15400  }
0x15: {  	s22 =	simm.s32 $0x1A300;
	s0 =	sadd.s32 s5, s0;
	[dreg:$0x7] =	wrdreg s17  }
0x16: {  	[dreg:$0x8] =	wrdreg s4;
	s4 =	sadd.s32 s20, s14;
	s5 =	sadd.s32 s21, s14  }
0x17: {  	v3 =	vlaneseq.u32;
	vm0 =	vmmov $0xffff;
	s17 =	simm.s32 $0x3;
	s20 =	simm.s32 $0x17B80;
	s21 =	simm.s32 $0x11400  }
0x18: {  	v5 =	vimm.f32 $1.000000000e+00;
	v2 =	vshrl.u32 v3, $0x3;
	v0 =	vmul.u32 $0x80, v3;
	s14 =	simm.s32 $0xBC00;
	s0 =	sadd.s32 $0x3C5600, s0;
	s4 =	sadd.s32 $0x1000, s4  }
0x19: {  	v1 =	vand.u32 $0x7, v3;
	v3 =	vor.u32 $0x8, v3;
	v2 =	vmul.u32 $0x8, v2;
	s25 =	sadd.s32 s23, s5;
	s23 =	simm.s32 $0x1400;
	[dreg:$0x9] =	wrdreg s0  }
.Ltmp0:
0x1a: {  	v4 =	vor.u32 $0x1, v0;
	v6 =	vor.u32 $0x800, v0;
	v7 =	vor.u32 $0x801, v0;
	[dreg:$0xc] =	wrdreg s4;
	s0 =	sshll.u32 s18, $0xB;
	(pc) =	sbr.rel .LBB2_1-.Ltmp0, $4  }
0x1b: {  	v8 =	vor.u32 $0x1000, v0;
	v9 =	vor.u32 $0x1001, v0;
	v10 =	vor.u32 $0x1800, v0;
	[dreg:$0xe] =	wrdreg s25;
	s25 =	simm.s32 $0xDC00;
	s0 =	sadd.s32 s0, s8  }
0x1c: {  	v11 =	vor.u32 $0x1801, v0;
	v12 =	vor.u32 $0x2000, v0;
	v13 =	vor.u32 $0x2001, v0;
	s18 =	simm.s32 $0x4;
	s4 =	simm.s32 $0x2;
	s0 =	sadd.s32 $0x800, s0  }
0x1d: {  	v14 =	vor.u32 $0x2800, v0;
	v15 =	vor.u32 $0x2801, v0;
	v16 =	vor.u32 $0x3000, v0;
	[dreg:$0xd] =	wrdreg s0;
	s0 =	sadd.s32 s2, s26;
	s26 =	simm.s32 $0xE400  }
0x1e: {  	v17 =	vor.u32 $0x3001, v0;
	v18 =	vor.u32 $0x3800, v0;
	v19 =	vor.u32 $0x3801, v0;
	s2 =	simm.s32 $0x1;
	[dreg:$0xf] =	wrdreg s0;
	s0 =	simm.s32 $0x10C00  }
.LBB2_7:
0x1f: {  	s5 =	rddreg [dreg:$0x9];
	s6 =	simm.s32 $0x80;
	s7 =	simm.s32 $0x400  }
0x20: {  	[hbm4b:s5+s6] =	stream.strided.scatter [tilespmem:s22], [sflag:$0x3], $0x2800, s7, s6, $0x38;
	[tilespmem:$0x1CB00] =	vst v63  }
0x21: {  	_ =	swait.ge [sflag:s17], $0x2800  }
0x22: {  	s12 =	rddreg [dreg:$0x10]  }
0x23: {  	s13 =	rddreg [dreg:$0xa];
	s6 =	sadd.s32 $0x1, s12  }
0x24: {  	p0 =	sne.s32 s6, s13  }
.Ltmp1:
0x25: {  	_ = 	snop;
	(pc) =	sbr.rel @!p0 .LBB2_8-.Ltmp1, $3  }
0x26: {  	_ =	sdelay $0x1  }
0x27: {  	[sflag:s17] =	ssyncset.done $0x0  }
0x28: {  	[sflag:s17] =	ssyncadd.s32 $0xFFFFD800  }
.LBB2_1:
0x29: {  	[dreg:$0x10] =	wrdreg s6  }
0x2a: {  	s5 =	rddreg [dreg:$0x7]  }
0x2b: {  	[tilespmem:s3], [sflag:$0x3] =	stream.linear.gather [hbm4b:s5+s3], $0xA00, $0x38;
	[tilespmem:$0x1CB00] =	vst v63  }
0x2c: {  	_ =	swait.ge [sflag:s17], $0xA00  }
0x2d: {  	[sflag:s17] =	ssyncset.done $0x0  }
0x2e: {  	s7 =	simm.s32 $0xA00;
	s6 =	rddreg [dreg:$0x8];
	[sflag:s17] =	ssyncadd.s32 $0xFFFFF600  }
0x2f: {  	[tilespmem:s7], [sflag:$0x3] =	stream.linear.gather [hbm4b:s6+s3], $0xA00, $0x38;
	[tilespmem:$0x1CB00] =	vst v63  }
0x30: {  	_ =	swait.ge [sflag:s17], $0xA00  }
0x31: {  	[sflag:s17] =	ssyncset.done $0x0  }
0x32: {  	s8 =	rddreg [dreg:$0x3];
	[sflag:s17] =	ssyncadd.s32 $0xFFFFF600  }
0x33: {  	[tilespmem:s19], [sflag:$0x3] =	stream.linear.gather [hbm4b:s8+s3], $0x2780, $0x38;
	[tilespmem:$0x1CB00] =	vst v63  }
0x34: {  	_ =	swait.ge [sflag:s17], $0x2780  }
0x35: {  	[sflag:s17] =	ssyncset.done $0x0  }
0x36: {  	s10 =	rddreg [dreg:$0x4];
	[sflag:s17] =	ssyncadd.s32 $0xFFFFD880  }
0x37: {  	[tilespmem:s20], [sflag:$0x3] =	stream.linear.gather [hbm4b:s10+s3], $0x2780, $0x38;
	[tilespmem:$0x1CB00] =	vst v63  }
0x38: {  	_ =	swait.ge [sflag:s17], $0x2780  }
0x39: {  	[sflag:s17] =	ssyncset.done $0x0  }
0x3a: {  	s11 =	rddreg [dreg:$0x5];
	[sflag:s17] =	ssyncadd.s32 $0xFFFFD880  }
0x3b: {  	[tilespmem:s21], [sflag:$0x3] =	stream.linear.gather [hbm4b:s11+s3], $0x4000, $0x38;
	[tilespmem:$0x1CB00] =	vst v63  }
0x3c: {  	_ =	swait.ge [sflag:s17], $0x4000  }
0x3d: {  	[sflag:s17] =	ssyncset.done $0x0  }
0x3e: {  	s12 =	rddreg [dreg:$0x6];
	[sflag:s17] =	ssyncadd.s32 $0xFFFFC000  }
0x3f: {  	[tilespmem:s22], [sflag:$0x3] =	stream.linear.gather [hbm4b:s12+s3], $0x2800, $0x38;
	[tilespmem:$0x1CB00] =	vst v63  }
0x40: {  	_ =	swait.ge [sflag:s17], $0x2800  }
0x41: {  	[sflag:s17] =	ssyncset.done $0x0  }
0x42: {  	[sflag:s17] =	ssyncadd.s32 $0xFFFFD800  }
0x43: {  	v20 =	vld [tilespmem:$0x0];
	_ =	sdelay $0x4  }
0x44: {  	v21 =	vshll.u32 v20, $0x1  }
0x45: {  	v20 =	vand.u32 $0x7, v20;
	v21 =	vand.u32 $0xFFFFFFF0, v21  }
0x46: {  	v20 =	vor.u32 v20, v21  }
0x47: {  	v21 =	vperm.xlane v20, v1;
	_ =	sdelay $0x1  }
0x48: {  	v20 =	vperm.xlane v20, v3;
	v21 =	vadd.s32 v2, v21;
	_ =	sdelay $0x1  }
0x49: {  	v20 =	vadd.s32 v2, v20;
	_ =	sdelay $0x2  }
0x4a: {  	[tilespmem:s23], [sflag:$0x1] =	stream.indirect_vreg.gather [hbm4b:s1+s3], $0x80, v21, vm0, $0xb8;
	[tilespmem:$0x1CB00] =	vst v63  }
0x4b: {  	s13 =	simm.s32 $0x1C00  }
0x4c: {  	[tilespmem:s13], [sflag:$0x1] =	stream.indirect_vreg.gather [hbm4b:s1+s3], $0x80, v20, vm0, $0xb8;
	[tilespmem:$0x1CB00] =	vst v63  }
0x4d: {  	v20 =	vld [tilespmem:$0x10];
	_ =	sdelay $0x4  }
0x4e: {  	v57 =	vshll.u32 v20, $0x1  }
0x4f: {  	v20 =	vand.u32 $0x7, v20;
	v21 =	vand.u32 $0xFFFFFFF0, v57  }
0x50: {  	v20 =	vor.u32 v20, v21  }
0x51: {  	v21 =	vperm.xlane v20, v1;
	_ =	sdelay $0x1  }
0x52: {  	v20 =	vperm.xlane v20, v3;
	v21 =	vadd.s32 v2, v21;
	_ =	sdelay $0x1  }
0x53: {  	v20 =	vadd.s32 v2, v20;
	_ =	sdelay $0x1  }
0x54: {  	s6 =	simm.s32 $0x2400  }
0x55: {  	[tilespmem:s6], [sflag:$0x1] =	stream.indirect_vreg.gather [hbm4b:s1+s3], $0x80, v21, vm0, $0xb8;
	[tilespmem:$0x1CB00] =	vst v63  }
0x56: {  	s7 =	simm.s32 $0x2C00  }
0x57: {  	[tilespmem:s7], [sflag:$0x1] =	stream.indirect_vreg.gather [hbm4b:s1+s3], $0x80, v20, vm0, $0xb8;
	[tilespmem:$0x1CB00] =	vst v63  }
0x58: {  	v20 =	vld [tilespmem:$0x20];
	_ =	sdelay $0x4  }
0x59: {  	v58 =	vshll.u32 v20, $0x1  }
0x5a: {  	v20 =	vand.u32 $0x7, v20;
	v21 =	vand.u32 $0xFFFFFFF0, v58  }
0x5b: {  	v20 =	vor.u32 v20, v21  }
0x5c: {  	v21 =	vperm.xlane v20, v1;
	_ =	sdelay $0x1  }
0x5d: {  	v20 =	vperm.xlane v20, v3;
	v21 =	vadd.s32 v2, v21;
	_ =	sdelay $0x1  }
0x5e: {  	v20 =	vadd.s32 v2, v20;
	_ =	sdelay $0x1  }
0x5f: {  	s8 =	simm.s32 $0x3400  }
0x60: {  	[tilespmem:s8], [sflag:$0x1] =	stream.indirect_vreg.gather [hbm4b:s1+s3], $0x80, v21, vm0, $0xb8;
	[tilespmem:$0x1CB00] =	vst v63  }
0x61: {  	s10 =	simm.s32 $0x3C00  }
0x62: {  	[tilespmem:s10], [sflag:$0x1] =	stream.indirect_vreg.gather [hbm4b:s1+s3], $0x80, v20, vm0, $0xb8;
	[tilespmem:$0x1CB00] =	vst v63  }
0x63: {  	v20 =	vld [tilespmem:$0x30];
	_ =	sdelay $0x4  }
0x64: {  	v59 =	vshll.u32 v20, $0x1  }
0x65: {  	v20 =	vand.u32 $0x7, v20;
	v21 =	vand.u32 $0xFFFFFFF0, v59  }
0x66: {  	v20 =	vor.u32 v20, v21  }
0x67: {  	v21 =	vperm.xlane v20, v1;
	_ =	sdelay $0x1  }
0x68: {  	v20 =	vperm.xlane v20, v3;
	v21 =	vadd.s32 v2, v21;
	_ =	sdelay $0x1  }
0x69: {  	v20 =	vadd.s32 v2, v20;
	_ =	sdelay $0x1  }
0x6a: {  	s11 =	simm.s32 $0x4400  }
0x6b: {  	[tilespmem:s11], [sflag:$0x1] =	stream.indirect_vreg.gather [hbm4b:s1+s3], $0x80, v21, vm0, $0xb8;
	[tilespmem:$0x1CB00] =	vst v63  }
0x6c: {  	s12 =	simm.s32 $0x4C00  }
0x6d: {  	[tilespmem:s12], [sflag:$0x1] =	stream.indirect_vreg.gather [hbm4b:s1+s3], $0x80, v20, vm0, $0xb8;
	[tilespmem:$0x1CB00] =	vst v63  }
0x6e: {  	v20 =	vld [tilespmem:$0x40];
	_ =	sdelay $0x4  }
0x6f: {  	v60 =	vshll.u32 v20, $0x1  }
0x70: {  	v20 =	vand.u32 $0x7, v20;
	v21 =	vand.u32 $0xFFFFFFF0, v60  }
0x71: {  	v20 =	vor.u32 v20, v21  }
0x72: {  	v21 =	vperm.xlane v20, v1;
	_ =	sdelay $0x1  }
0x73: {  	v20 =	vperm.xlane v20, v3;
	v21 =	vadd.s32 v2, v21;
	_ =	sdelay $0x1  }
0x74: {  	v20 =	vadd.s32 v2, v20;
	_ =	sdelay $0x1  }
0x75: {  	s13 =	simm.s32 $0x5400  }
0x76: {  	[tilespmem:s13], [sflag:$0x1] =	stream.indirect_vreg.gather [hbm4b:s1+s3], $0x80, v21, vm0, $0xb8;
	[tilespmem:$0x1CB00] =	vst v63  }
0x77: {  	s6 =	simm.s32 $0x5C00  }
0x78: {  	[tilespmem:s6], [sflag:$0x1] =	stream.indirect_vreg.gather [hbm4b:s1+s3], $0x80, v20, vm0, $0xb8;
	[tilespmem:$0x1CB00] =	vst v63  }
0x79: {  	v20 =	vld [tilespmem:$0x50];
	_ =	sdelay $0x4  }
0x7a: {  	v61 =	vshll.u32 v20, $0x1  }
0x7b: {  	v20 =	vand.u32 $0x7, v20;
	v21 =	vand.u32 $0xFFFFFFF0, v61  }
0x7c: {  	v20 =	vor.u32 v20, v21  }
0x7d: {  	v21 =	vperm.xlane v20, v1;
	_ =	sdelay $0x1  }
0x7e: {  	v20 =	vperm.xlane v20, v3;
	v21 =	vadd.s32 v2, v21;
	_ =	sdelay $0x1  }
0x7f: {  	v20 =	vadd.s32 v2, v20;
	_ =	sdelay $0x1  }
0x80: {  	s7 =	simm.s32 $0x6400  }
0x81: {  	[tilespmem:s7], [sflag:$0x1] =	stream.indirect_vreg.gather [hbm4b:s1+s3], $0x80, v21, vm0, $0xb8;
	[tilespmem:$0x1CB00] =	vst v63  }
0x82: {  	s8 =	simm.s32 $0x6C00  }
0x83: {  	[tilespmem:s8], [sflag:$0x1] =	stream.indirect_vreg.gather [hbm4b:s1+s3], $0x80, v20, vm0, $0xb8;
	[tilespmem:$0x1CB00] =	vst v63  }
0x84: {  	v20 =	vld [tilespmem:$0x60];
	_ =	sdelay $0x4  }
0x85: {  	v62 =	vshll.u32 v20, $0x1  }
0x86: {  	v20 =	vand.u32 $0x7, v20;
	v21 =	vand.u32 $0xFFFFFFF0, v62  }
0x87: {  	v20 =	vor.u32 v20, v21  }
0x88: {  	v21 =	vperm.xlane v20, v1;
	_ =	sdelay $0x1  }
0x89: {  	v20 =	vperm.xlane v20, v3;
	v21 =	vadd.s32 v2, v21;
	_ =	sdelay $0x1  }
0x8a: {  	v20 =	vadd.s32 v2, v20;
	_ =	sdelay $0x1  }
0x8b: {  	s10 =	simm.s32 $0x7400  }
0x8c: {  	[tilespmem:s10], [sflag:$0x1] =	stream.indirect_vreg.gather [hbm4b:s1+s3], $0x80, v21, vm0, $0xb8;
	[tilespmem:$0x1CB00] =	vst v63  }
0x8d: {  	s11 =	simm.s32 $0x7C00  }
0x8e: {  	[tilespmem:s11], [sflag:$0x1] =	stream.indirect_vreg.gather [hbm4b:s1+s3], $0x80, v20, vm0, $0xb8;
	[tilespmem:$0x1CB00] =	vst v63  }
0x8f: {  	v20 =	vld [tilespmem:$0x70];
	_ =	sdelay $0x4  }
0x90: {  	v63 =	vshll.u32 v20, $0x1  }
0x91: {  	v20 =	vand.u32 $0x7, v20;
	v21 =	vand.u32 $0xFFFFFFF0, v63  }
0x92: {  	v20 =	vor.u32 v20, v21  }
0x93: {  	v21 =	vperm.xlane v20, v1;
	_ =	sdelay $0x1  }
0x94: {  	v20 =	vperm.xlane v20, v3;
	v21 =	vadd.s32 v2, v21  }
0x95: {  	s5 =	rddreg [dreg:$0xc]  }
0x96: {  	s6 =	rddreg [dreg:$0xf];
	v20 =	vadd.s32 v2, v20  }
.Ltmp2:
0x97: {  	s7 =	rddreg [dreg:$0xe];
	(pc) =	sbr.rel .LBB2_2-.Ltmp2, $4  }
0x98: {  	s12 =	simm.s32 $0x8400;
	s8 =	rddreg [dreg:$0xd]  }
0x99: {  	[tilespmem:s12], [sflag:$0x1] =	stream.indirect_vreg.gather [hbm4b:s1+s3], $0x80, v21, vm0, $0xb8;
	[tilespmem:$0x1CB00] =	vst v63  }
0x9a: {  	s13 =	simm.s32 $0x8C00;
	s10 =	rddreg [dreg:$0xb];
	s11 =	simm.s32 $0x0  }
0x9b: {  	[tilespmem:s13], [sflag:$0x1] =	stream.indirect_vreg.gather [hbm4b:s1+s3], $0x80, v20, vm0, $0xb8;
	[tilespmem:$0x1CB00] =	vst v63  }
.LBB2_5:
0x9c: {  	v20 =	vld [tilespmem:s12+$0xA80];
	_ =	sdelay $0x7  }
0x9d: {  	v21 =	vld.idx.msk [tilespmem:v20+s19+$0x0], $0xffff  }
0x9e: {  	v20 =	vld.idx.msk [tilespmem:v20+s20+$0x0], $0xffff;
	_ =	sdelay $0x3  }
0x9f: {  	[tilespmem:v0+s21+$0x0] =	vst.idx.msk $0xffff, v21  }
0xa0: {  	[tilespmem:v4+s21+$0x0] =	vst.idx.msk $0xffff, v20  }
0xa1: {  	v20 =	vld [tilespmem:s12+$0x80];
	_ =	sdelay $0x7  }
0xa2: {  	[tilespmem:v20+s22+$0x0] =	vst.idx.add.f32.msk $0xffff, v5  }
0xa3: {  	v20 =	vld [tilespmem:s12+$0xA90];
	_ =	sdelay $0x7  }
0xa4: {  	v21 =	vld.idx.msk [tilespmem:v20+s19+$0x0], $0xffff  }
0xa5: {  	v20 =	vld.idx.msk [tilespmem:v20+s20+$0x0], $0xffff;
	_ =	sdelay $0x3  }
0xa6: {  	[tilespmem:v6+s21+$0x0] =	vst.idx.msk $0xffff, v21  }
0xa7: {  	[tilespmem:v7+s21+$0x0] =	vst.idx.msk $0xffff, v20  }
0xa8: {  	v20 =	vld [tilespmem:s12+$0x90];
	_ =	sdelay $0x7  }
0xa9: {  	[tilespmem:v20+s22+$0x0] =	vst.idx.add.f32.msk $0xffff, v5  }
0xaa: {  	v20 =	vld [tilespmem:s12+$0xAA0];
	_ =	sdelay $0x7  }
0xab: {  	v21 =	vld.idx.msk [tilespmem:v20+s19+$0x0], $0xffff  }
0xac: {  	v20 =	vld.idx.msk [tilespmem:v20+s20+$0x0], $0xffff;
	_ =	sdelay $0x3  }
0xad: {  	[tilespmem:v8+s21+$0x0] =	vst.idx.msk $0xffff, v21  }
0xae: {  	[tilespmem:v9+s21+$0x0] =	vst.idx.msk $0xffff, v20  }
0xaf: {  	v20 =	vld [tilespmem:s12+$0xA0];
	_ =	sdelay $0x7  }
0xb0: {  	[tilespmem:v20+s22+$0x0] =	vst.idx.add.f32.msk $0xffff, v5  }
0xb1: {  	v20 =	vld [tilespmem:s12+$0xAB0];
	_ =	sdelay $0x7  }
0xb2: {  	v21 =	vld.idx.msk [tilespmem:v20+s19+$0x0], $0xffff  }
0xb3: {  	v20 =	vld.idx.msk [tilespmem:v20+s20+$0x0], $0xffff;
	_ =	sdelay $0x3  }
0xb4: {  	[tilespmem:v10+s21+$0x0] =	vst.idx.msk $0xffff, v21  }
0xb5: {  	[tilespmem:v11+s21+$0x0] =	vst.idx.msk $0xffff, v20  }
0xb6: {  	v20 =	vld [tilespmem:s12+$0xB0];
	_ =	sdelay $0x7  }
0xb7: {  	[tilespmem:v20+s22+$0x0] =	vst.idx.add.f32.msk $0xffff, v5  }
0xb8: {  	v20 =	vld [tilespmem:s12+$0xAC0];
	_ =	sdelay $0x7  }
0xb9: {  	v21 =	vld.idx.msk [tilespmem:v20+s19+$0x0], $0xffff  }
0xba: {  	v20 =	vld.idx.msk [tilespmem:v20+s20+$0x0], $0xffff;
	_ =	sdelay $0x3  }
0xbb: {  	[tilespmem:v12+s21+$0x0] =	vst.idx.msk $0xffff, v21  }
0xbc: {  	[tilespmem:v13+s21+$0x0] =	vst.idx.msk $0xffff, v20  }
0xbd: {  	v20 =	vld [tilespmem:s12+$0xC0];
	_ =	sdelay $0x7  }
0xbe: {  	[tilespmem:v20+s22+$0x0] =	vst.idx.add.f32.msk $0xffff, v5  }
0xbf: {  	v20 =	vld [tilespmem:s12+$0xAD0];
	_ =	sdelay $0x7  }
0xc0: {  	v21 =	vld.idx.msk [tilespmem:v20+s19+$0x0], $0xffff  }
0xc1: {  	v20 =	vld.idx.msk [tilespmem:v20+s20+$0x0], $0xffff;
	_ =	sdelay $0x3  }
0xc2: {  	[tilespmem:v14+s21+$0x0] =	vst.idx.msk $0xffff, v21  }
0xc3: {  	[tilespmem:v15+s21+$0x0] =	vst.idx.msk $0xffff, v20  }
0xc4: {  	v20 =	vld [tilespmem:s12+$0xD0];
	_ =	sdelay $0x7  }
0xc5: {  	[tilespmem:v20+s22+$0x0] =	vst.idx.add.f32.msk $0xffff, v5  }
0xc6: {  	v20 =	vld [tilespmem:s12+$0xAE0];
	_ =	sdelay $0x7  }
0xc7: {  	v21 =	vld.idx.msk [tilespmem:v20+s19+$0x0], $0xffff  }
0xc8: {  	v20 =	vld.idx.msk [tilespmem:v20+s20+$0x0], $0xffff;
	_ =	sdelay $0x3  }
0xc9: {  	[tilespmem:v16+s21+$0x0] =	vst.idx.msk $0xffff, v21  }
0xca: {  	[tilespmem:v17+s21+$0x0] =	vst.idx.msk $0xffff, v20  }
0xcb: {  	v20 =	vld [tilespmem:s12+$0xE0];
	_ =	sdelay $0x7  }
0xcc: {  	[tilespmem:v20+s22+$0x0] =	vst.idx.add.f32.msk $0xffff, v5  }
0xcd: {  	v20 =	vld [tilespmem:s12+$0xAF0];
	_ =	sdelay $0x7  }
0xce: {  	v21 =	vld.idx.msk [tilespmem:v20+s19+$0x0], $0xffff  }
0xcf: {  	v20 =	vld.idx.msk [tilespmem:v20+s20+$0x0], $0xffff;
	_ =	sdelay $0x3  }
0xd0: {  	[tilespmem:v18+s21+$0x0] =	vst.idx.msk $0xffff, v21  }
0xd1: {  	[tilespmem:v19+s21+$0x0] =	vst.idx.msk $0xffff, v20  }
0xd2: {  	v20 =	vld [tilespmem:s12+$0xF0];
	_ =	sdelay $0x7  }
0xd3: {  	[tilespmem:v20+s22+$0x0] =	vst.idx.add.f32.msk $0xffff, v5  }
0xd4: {  	_ =	swait.ge [sflag:s4], $0x8000  }
0xd5: {  	[sflag:s4] =	ssyncset.done $0x0  }
0xd6: {  	[sflag:s4] =	ssyncadd.s32 $0xFFFF8000  }
0xd7: {  	[hbm4b:s5+s3] =	stream.linear.scatter [tilespmem:s9], [sflag:$0x4], $0x8000, $0x38;
	[tilespmem:$0x1CB00] =	vst v63  }
0xd8: {  	_ =	swait.ge [sflag:s18], $0x8000  }
0xd9: {  	[sflag:s18] =	ssyncset.done $0x0  }
0xda: {  	[sflag:s18] =	ssyncadd.s32 $0xFFFF8000  }
0xdb: {  	[hbm4b:s8+s3] =	stream.linear.scatter [tilespmem:s21], [sflag:$0x3], $0x4000, $0x38;
	[tilespmem:$0x1CB00] =	vst v63  }
0xdc: {  	_ =	swait.ge [sflag:s17], $0x4000  }
0xdd: {  	[sflag:s17] =	ssyncset.done $0x0  }
0xde: {  	[sflag:s17] =	ssyncadd.s32 $0xFFFFC000  }
.LBB2_6:
0xdf: {  	s11 =	sadd.s32 $0x400, s11  }
0xe0: {  	p0 =	sne.s32 s11, $0x2800  }
.Ltmp3:
0xe1: {  	_ = 	snop;
	(pc) =	sbr.rel @!p0 .LBB2_7-.Ltmp3, $3  }
0xe2: {  	_ =	sdelay $0x1  }
0xe3: {  	s10 =	sadd.s32 $0x2, s10;
	s5 =	sadd.s32 $0x2000, s5  }
0xe4: {  	s8 =	sadd.s32 $0x1000, s8;
	s7 =	sadd.s32 $0x2000, s7;
	s6 =	sadd.s32 $0x1000, s6  }
.LBB2_2:
0xe5: {  	p0 =	sgt.u32 s10, $0x4E1  }
.Ltmp4:
0xe6: {  	_ = 	snop;
	(pc) =	sbr.rel @p0 .LBB2_6-.Ltmp4, $1  }
0xe7: {  	_ =	sdelay $0x3  }
0xe8: {  	s12 =	sshra.s32 s11, $0x2  }
0xe9: {  	v20 =	vld [tilespmem:s12+$0x80];
	_ =	sdelay $0x4  }
0xea: {  	v21 =	vshll.u32 v20, $0x1  }
0xeb: {  	v20 =	vand.u32 $0x7, v20;
	v21 =	vand.u32 $0xFFFFFFF0, v21  }
0xec: {  	v20 =	vor.u32 v20, v21  }
0xed: {  	v21 =	vperm.xlane v20, v1;
	_ =	sdelay $0x1  }
0xee: {  	v20 =	vperm.xlane v20, v3;
	v21 =	vadd.s32 v2, v21;
	_ =	sdelay $0x1  }
0xef: {  	v20 =	vadd.s32 v2, v20;
	_ =	sdelay $0x2  }
0xf0: {  	[tilespmem:s9], [sflag:$0x2] =	stream.indirect_vreg.gather [hbm4b:s1+s3], $0x80, v21, vm0, $0xb8;
	[tilespmem:$0x1CB00] =	vst v63  }
0xf1: {  	s13 =	simm.s32 $0x9C00  }
0xf2: {  	[tilespmem:s13], [sflag:$0x2] =	stream.indirect_vreg.gather [hbm4b:s1+s3], $0x80, v20, vm0, $0xb8;
	[tilespmem:$0x1CB00] =	vst v63  }
0xf3: {  	v20 =	vld [tilespmem:s12+$0x90];
	_ =	sdelay $0x4  }
0xf4: {  	v57 =	vshll.u32 v20, $0x1  }
0xf5: {  	v20 =	vand.u32 $0x7, v20;
	v21 =	vand.u32 $0xFFFFFFF0, v57  }
0xf6: {  	v20 =	vor.u32 v20, v21  }
0xf7: {  	v21 =	vperm.xlane v20, v1;
	_ =	sdelay $0x1  }
0xf8: {  	v20 =	vperm.xlane v20, v3;
	v21 =	vadd.s32 v2, v21;
	_ =	sdelay $0x1  }
0xf9: {  	v20 =	vadd.s32 v2, v20;
	_ =	sdelay $0x1  }
0xfa: {  	s13 =	simm.s32 $0xA400  }
0xfb: {  	[tilespmem:s13], [sflag:$0x2] =	stream.indirect_vreg.gather [hbm4b:s1+s3], $0x80, v21, vm0, $0xb8;
	[tilespmem:$0x1CB00] =	vst v63  }
0xfc: {  	s13 =	simm.s32 $0xAC00  }
0xfd: {  	[tilespmem:s13], [sflag:$0x2] =	stream.indirect_vreg.gather [hbm4b:s1+s3], $0x80, v20, vm0, $0xb8;
	[tilespmem:$0x1CB00] =	vst v63  }
0xfe: {  	v20 =	vld [tilespmem:s12+$0xA0];
	_ =	sdelay $0x4  }
0xff: {  	v58 =	vshll.u32 v20, $0x1  }
0x100: {  	v20 =	vand.u32 $0x7, v20;
	v21 =	vand.u32 $0xFFFFFFF0, v58  }
0x101: {  	v20 =	vor.u32 v20, v21  }
0x102: {  	v21 =	vperm.xlane v20, v1;
	_ =	sdelay $0x1  }
0x103: {  	v20 =	vperm.xlane v20, v3;
	v21 =	vadd.s32 v2, v21;
	_ =	sdelay $0x1  }
0x104: {  	v20 =	vadd.s32 v2, v20;
	_ =	sdelay $0x1  }
0x105: {  	s13 =	simm.s32 $0xB400  }
0x106: {  	[tilespmem:s13], [sflag:$0x2] =	stream.indirect_vreg.gather [hbm4b:s1+s3], $0x80, v21, vm0, $0xb8;
	[tilespmem:$0x1CB00] =	vst v63  }
0x107: {  	_ = 	snop  }
0x108: {  	[tilespmem:s14], [sflag:$0x2] =	stream.indirect_vreg.gather [hbm4b:s1+s3], $0x80, v20, vm0, $0xb8;
	[tilespmem:$0x1CB00] =	vst v63  }
0x109: {  	v20 =	vld [tilespmem:s12+$0xB0];
	_ =	sdelay $0x4  }
0x10a: {  	v59 =	vshll.u32 v20, $0x1  }
0x10b: {  	v20 =	vand.u32 $0x7, v20;
	v21 =	vand.u32 $0xFFFFFFF0, v59  }
0x10c: {  	v20 =	vor.u32 v20, v21  }
0x10d: {  	v21 =	vperm.xlane v20, v1;
	_ =	sdelay $0x1  }
0x10e: {  	v20 =	vperm.xlane v20, v3;
	v21 =	vadd.s32 v2, v21;
	_ =	sdelay $0x1  }
0x10f: {  	v20 =	vadd.s32 v2, v20;
	_ =	sdelay $0x2  }
0x110: {  	[tilespmem:s15], [sflag:$0x2] =	stream.indirect_vreg.gather [hbm4b:s1+s3], $0x80, v21, vm0, $0xb8;
	[tilespmem:$0x1CB00] =	vst v63  }
0x111: {  	_ = 	snop  }
0x112: {  	[tilespmem:s16], [sflag:$0x2] =	stream.indirect_vreg.gather [hbm4b:s1+s3], $0x80, v20, vm0, $0xb8;
	[tilespmem:$0x1CB00] =	vst v63  }
0x113: {  	v20 =	vld [tilespmem:s12+$0xC0];
	_ =	sdelay $0x4  }
0x114: {  	v60 =	vshll.u32 v20, $0x1  }
0x115: {  	v20 =	vand.u32 $0x7, v20;
	v21 =	vand.u32 $0xFFFFFFF0, v60  }
0x116: {  	v20 =	vor.u32 v20, v21  }
0x117: {  	v21 =	vperm.xlane v20, v1;
	_ =	sdelay $0x1  }
0x118: {  	v20 =	vperm.xlane v20, v3;
	v21 =	vadd.s32 v2, v21;
	_ =	sdelay $0x1  }
0x119: {  	v20 =	vadd.s32 v2, v20;
	_ =	sdelay $0x2  }
0x11a: {  	[tilespmem:s24], [sflag:$0x2] =	stream.indirect_vreg.gather [hbm4b:s1+s3], $0x80, v21, vm0, $0xb8;
	[tilespmem:$0x1CB00] =	vst v63  }
0x11b: {  	_ = 	snop  }
0x11c: {  	[tilespmem:s25], [sflag:$0x2] =	stream.indirect_vreg.gather [hbm4b:s1+s3], $0x80, v20, vm0, $0xb8;
	[tilespmem:$0x1CB00] =	vst v63  }
0x11d: {  	v20 =	vld [tilespmem:s12+$0xD0];
	_ =	sdelay $0x4  }
0x11e: {  	v61 =	vshll.u32 v20, $0x1  }
0x11f: {  	v20 =	vand.u32 $0x7, v20;
	v21 =	vand.u32 $0xFFFFFFF0, v61  }
0x120: {  	v20 =	vor.u32 v20, v21  }
0x121: {  	v21 =	vperm.xlane v20, v1;
	_ =	sdelay $0x1  }
0x122: {  	v20 =	vperm.xlane v20, v3;
	v21 =	vadd.s32 v2, v21;
	_ =	sdelay $0x1  }
0x123: {  	v20 =	vadd.s32 v2, v20;
	_ =	sdelay $0x2  }
0x124: {  	[tilespmem:s26], [sflag:$0x2] =	stream.indirect_vreg.gather [hbm4b:s1+s3], $0x80, v21, vm0, $0xb8;
	[tilespmem:$0x1CB00] =	vst v63  }
0x125: {  	_ = 	snop  }
0x126: {  	[tilespmem:s28], [sflag:$0x2] =	stream.indirect_vreg.gather [hbm4b:s1+s3], $0x80, v20, vm0, $0xb8;
	[tilespmem:$0x1CB00] =	vst v63  }
0x127: {  	v20 =	vld [tilespmem:s12+$0xE0];
	_ =	sdelay $0x4  }
0x128: {  	v62 =	vshll.u32 v20, $0x1  }
0x129: {  	v20 =	vand.u32 $0x7, v20;
	v21 =	vand.u32 $0xFFFFFFF0, v62  }
0x12a: {  	v20 =	vor.u32 v20, v21  }
0x12b: {  	v21 =	vperm.xlane v20, v1;
	_ =	sdelay $0x1  }
0x12c: {  	v20 =	vperm.xlane v20, v3;
	v21 =	vadd.s32 v2, v21;
	_ =	sdelay $0x1  }
0x12d: {  	v20 =	vadd.s32 v2, v20;
	_ =	sdelay $0x2  }
0x12e: {  	[tilespmem:s29], [sflag:$0x2] =	stream.indirect_vreg.gather [hbm4b:s1+s3], $0x80, v21, vm0, $0xb8;
	[tilespmem:$0x1CB00] =	vst v63  }
0x12f: {  	_ = 	snop  }
0x130: {  	[tilespmem:s30], [sflag:$0x2] =	stream.indirect_vreg.gather [hbm4b:s1+s3], $0x80, v20, vm0, $0xb8;
	[tilespmem:$0x1CB00] =	vst v63  }
0x131: {  	v20 =	vld [tilespmem:s12+$0xF0];
	_ =	sdelay $0x4  }
0x132: {  	v63 =	vshll.u32 v20, $0x1  }
0x133: {  	v20 =	vand.u32 $0x7, v20;
	v21 =	vand.u32 $0xFFFFFFF0, v63  }
0x134: {  	v20 =	vor.u32 v20, v21  }
0x135: {  	v21 =	vperm.xlane v20, v1;
	_ =	sdelay $0x1  }
0x136: {  	v20 =	vperm.xlane v20, v3;
	v21 =	vadd.s32 v2, v21;
	_ =	sdelay $0x1  }
0x137: {  	v20 =	vadd.s32 v2, v20;
	_ =	sdelay $0x2  }
0x138: {  	[tilespmem:s31], [sflag:$0x2] =	stream.indirect_vreg.gather [hbm4b:s1+s3], $0x80, v21, vm0, $0xb8;
	[tilespmem:$0x1CB00] =	vst v63  }
0x139: {  	_ = 	snop  }
0x13a: {  	[tilespmem:s0], [sflag:$0x2] =	stream.indirect_vreg.gather [hbm4b:s1+s3], $0x80, v20, vm0, $0xb8;
	[tilespmem:$0x1CB00] =	vst v63  }
0x13b: {  	v20 =	vld [tilespmem:s12+$0xA00];
	_ =	sdelay $0x7  }
0x13c: {  	v21 =	vld.idx.msk [tilespmem:v20+s19+$0x0], $0xffff  }
0x13d: {  	v20 =	vld.idx.msk [tilespmem:v20+s20+$0x0], $0xffff;
	_ =	sdelay $0x3  }
0x13e: {  	[tilespmem:v0+s21+$0x0] =	vst.idx.msk $0xffff, v21  }
0x13f: {  	[tilespmem:v4+s21+$0x0] =	vst.idx.msk $0xffff, v20  }
0x140: {  	v20 =	vld [tilespmem:s12+$0x0];
	_ =	sdelay $0x7  }
0x141: {  	[tilespmem:v20+s22+$0x0] =	vst.idx.add.f32.msk $0xffff, v5  }
0x142: {  	v20 =	vld [tilespmem:s12+$0xA10];
	_ =	sdelay $0x7  }
0x143: {  	v21 =	vld.idx.msk [tilespmem:v20+s19+$0x0], $0xffff  }
0x144: {  	v20 =	vld.idx.msk [tilespmem:v20+s20+$0x0], $0xffff;
	_ =	sdelay $0x3  }
0x145: {  	[tilespmem:v6+s21+$0x0] =	vst.idx.msk $0xffff, v21  }
0x146: {  	[tilespmem:v7+s21+$0x0] =	vst.idx.msk $0xffff, v20  }
0x147: {  	v20 =	vld [tilespmem:s12+$0x10];
	_ =	sdelay $0x7  }
0x148: {  	[tilespmem:v20+s22+$0x0] =	vst.idx.add.f32.msk $0xffff, v5  }
0x149: {  	v20 =	vld [tilespmem:s12+$0xA20];
	_ =	sdelay $0x7  }
0x14a: {  	v21 =	vld.idx.msk [tilespmem:v20+s19+$0x0], $0xffff  }
0x14b: {  	v20 =	vld.idx.msk [tilespmem:v20+s20+$0x0], $0xffff;
	_ =	sdelay $0x3  }
0x14c: {  	[tilespmem:v8+s21+$0x0] =	vst.idx.msk $0xffff, v21  }
0x14d: {  	[tilespmem:v9+s21+$0x0] =	vst.idx.msk $0xffff, v20  }
0x14e: {  	v20 =	vld [tilespmem:s12+$0x20];
	_ =	sdelay $0x7  }
0x14f: {  	[tilespmem:v20+s22+$0x0] =	vst.idx.add.f32.msk $0xffff, v5  }
0x150: {  	v20 =	vld [tilespmem:s12+$0xA30];
	_ =	sdelay $0x7  }
0x151: {  	v21 =	vld.idx.msk [tilespmem:v20+s19+$0x0], $0xffff  }
0x152: {  	v20 =	vld.idx.msk [tilespmem:v20+s20+$0x0], $0xffff;
	_ =	sdelay $0x3  }
0x153: {  	[tilespmem:v10+s21+$0x0] =	vst.idx.msk $0xffff, v21  }
0x154: {  	[tilespmem:v11+s21+$0x0] =	vst.idx.msk $0xffff, v20  }
0x155: {  	v20 =	vld [tilespmem:s12+$0x30];
	_ =	sdelay $0x7  }
0x156: {  	[tilespmem:v20+s22+$0x0] =	vst.idx.add.f32.msk $0xffff, v5  }
0x157: {  	v20 =	vld [tilespmem:s12+$0xA40];
	_ =	sdelay $0x7  }
0x158: {  	v21 =	vld.idx.msk [tilespmem:v20+s19+$0x0], $0xffff  }
0x159: {  	v20 =	vld.idx.msk [tilespmem:v20+s20+$0x0], $0xffff;
	_ =	sdelay $0x3  }
0x15a: {  	[tilespmem:v12+s21+$0x0] =	vst.idx.msk $0xffff, v21  }
0x15b: {  	[tilespmem:v13+s21+$0x0] =	vst.idx.msk $0xffff, v20  }
0x15c: {  	v20 =	vld [tilespmem:s12+$0x40];
	_ =	sdelay $0x7  }
0x15d: {  	[tilespmem:v20+s22+$0x0] =	vst.idx.add.f32.msk $0xffff, v5  }
0x15e: {  	v20 =	vld [tilespmem:s12+$0xA50];
	_ =	sdelay $0x7  }
0x15f: {  	v21 =	vld.idx.msk [tilespmem:v20+s19+$0x0], $0xffff  }
0x160: {  	v20 =	vld.idx.msk [tilespmem:v20+s20+$0x0], $0xffff;
	_ =	sdelay $0x3  }
0x161: {  	[tilespmem:v14+s21+$0x0] =	vst.idx.msk $0xffff, v21  }
0x162: {  	[tilespmem:v15+s21+$0x0] =	vst.idx.msk $0xffff, v20  }
0x163: {  	v20 =	vld [tilespmem:s12+$0x50];
	_ =	sdelay $0x7  }
0x164: {  	[tilespmem:v20+s22+$0x0] =	vst.idx.add.f32.msk $0xffff, v5  }
0x165: {  	v20 =	vld [tilespmem:s12+$0xA60];
	_ =	sdelay $0x7  }
0x166: {  	v21 =	vld.idx.msk [tilespmem:v20+s19+$0x0], $0xffff  }
0x167: {  	v20 =	vld.idx.msk [tilespmem:v20+s20+$0x0], $0xffff;
	_ =	sdelay $0x3  }
0x168: {  	[tilespmem:v16+s21+$0x0] =	vst.idx.msk $0xffff, v21  }
0x169: {  	[tilespmem:v17+s21+$0x0] =	vst.idx.msk $0xffff, v20  }
0x16a: {  	v20 =	vld [tilespmem:s12+$0x60];
	_ =	sdelay $0x7  }
0x16b: {  	[tilespmem:v20+s22+$0x0] =	vst.idx.add.f32.msk $0xffff, v5  }
0x16c: {  	v20 =	vld [tilespmem:s12+$0xA70];
	_ =	sdelay $0x7  }
0x16d: {  	v21 =	vld.idx.msk [tilespmem:v20+s19+$0x0], $0xffff  }
0x16e: {  	v20 =	vld.idx.msk [tilespmem:v20+s20+$0x0], $0xffff;
	_ =	sdelay $0x3  }
0x16f: {  	[tilespmem:v18+s21+$0x0] =	vst.idx.msk $0xffff, v21  }
0x170: {  	[tilespmem:v19+s21+$0x0] =	vst.idx.msk $0xffff, v20  }
0x171: {  	v20 =	vld [tilespmem:s12+$0x70];
	_ =	sdelay $0x7  }
0x172: {  	[tilespmem:v20+s22+$0x0] =	vst.idx.add.f32.msk $0xffff, v5  }
0x173: {  	_ =	swait.ge [sflag:s2], $0x8000  }
0x174: {  	[sflag:s2] =	ssyncset.done $0x0  }
0x175: {  	p0 =	seq.s32 s11, $0x2400;
	[sflag:s2] =	ssyncadd.s32 $0xFFFF8000  }
0x176: {  	[hbm4b:s7+s3] =	stream.linear.scatter [tilespmem:s23], [sflag:$0x4], $0x8000, $0x38;
	[tilespmem:$0x1CB00] =	vst v63  }
0x177: {  	p1 =	sgt.u32 @!p0 s10, $0x4DF;
	_ =	swait.ge [sflag:s18], $0x8000  }
0x178: {  	p0 =	por p0, p1;
	[sflag:s18] =	ssyncset.done $0x0  }
.Ltmp5:
0x179: {  	[sflag:s18] =	ssyncadd.s32 $0xFFFF8000;
	(pc) =	sbr.rel @p0 .LBB2_5-.Ltmp5, $4  }
0x17a: {  	[hbm4b:s6+s3] =	stream.linear.scatter [tilespmem:s21], [sflag:$0x4], $0x4000, $0x38;
	[tilespmem:$0x1CB00] =	vst v63  }
0x17b: {  	_ =	swait.ge [sflag:s18], $0x4000  }
0x17c: {  	[sflag:s18] =	ssyncset.done $0x0  }
0x17d: {  	[sflag:s18] =	ssyncadd.s32 $0xFFFFC000  }
0x17e: {  	v20 =	vld [tilespmem:s12+$0x100];
	_ =	sdelay $0x4  }
0x17f: {  	v21 =	vshll.u32 v20, $0x1  }
0x180: {  	v20 =	vand.u32 $0x7, v20;
	v21 =	vand.u32 $0xFFFFFFF0, v21  }
0x181: {  	v20 =	vor.u32 v20, v21  }
0x182: {  	v21 =	vperm.xlane v20, v1;
	_ =	sdelay $0x1  }
0x183: {  	v20 =	vperm.xlane v20, v3;
	v21 =	vadd.s32 v2, v21;
	_ =	sdelay $0x1  }
0x184: {  	v20 =	vadd.s32 v2, v20;
	_ =	sdelay $0x2  }
0x185: {  	[tilespmem:s23], [sflag:$0x1] =	stream.indirect_vreg.gather [hbm4b:s1+s3], $0x80, v21, vm0, $0xb8;
	[tilespmem:$0x1CB00] =	vst v63  }
0x186: {  	s13 =	simm.s32 $0x1C00  }
0x187: {  	[tilespmem:s13], [sflag:$0x1] =	stream.indirect_vreg.gather [hbm4b:s1+s3], $0x80, v20, vm0, $0xb8;
	[tilespmem:$0x1CB00] =	vst v63  }
0x188: {  	v20 =	vld [tilespmem:s12+$0x110];
	_ =	sdelay $0x4  }
0x189: {  	v57 =	vshll.u32 v20, $0x1  }
0x18a: {  	v20 =	vand.u32 $0x7, v20;
	v21 =	vand.u32 $0xFFFFFFF0, v57  }
0x18b: {  	v20 =	vor.u32 v20, v21  }
0x18c: {  	v21 =	vperm.xlane v20, v1;
	_ =	sdelay $0x1  }
0x18d: {  	v20 =	vperm.xlane v20, v3;
	v21 =	vadd.s32 v2, v21;
	_ =	sdelay $0x1  }
0x18e: {  	v20 =	vadd.s32 v2, v20;
	_ =	sdelay $0x1  }
0x18f: {  	s13 =	simm.s32 $0x2400  }
0x190: {  	[tilespmem:s13], [sflag:$0x1] =	stream.indirect_vreg.gather [hbm4b:s1+s3], $0x80, v21, vm0, $0xb8;
	[tilespmem:$0x1CB00] =	vst v63  }
0x191: {  	s13 =	simm.s32 $0x2C00  }
0x192: {  	[tilespmem:s13], [sflag:$0x1] =	stream.indirect_vreg.gather [hbm4b:s1+s3], $0x80, v20, vm0, $0xb8;
	[tilespmem:$0x1CB00] =	vst v63  }
0x193: {  	v20 =	vld [tilespmem:s12+$0x120];
	_ =	sdelay $0x4  }
0x194: {  	v58 =	vshll.u32 v20, $0x1  }
0x195: {  	v20 =	vand.u32 $0x7, v20;
	v21 =	vand.u32 $0xFFFFFFF0, v58  }
0x196: {  	v20 =	vor.u32 v20, v21  }
0x197: {  	v21 =	vperm.xlane v20, v1;
	_ =	sdelay $0x1  }
0x198: {  	v20 =	vperm.xlane v20, v3;
	v21 =	vadd.s32 v2, v21;
	_ =	sdelay $0x1  }
0x199: {  	v20 =	vadd.s32 v2, v20;
	_ =	sdelay $0x1  }
0x19a: {  	s13 =	simm.s32 $0x3400  }
0x19b: {  	[tilespmem:s13], [sflag:$0x1] =	stream.indirect_vreg.gather [hbm4b:s1+s3], $0x80, v21, vm0, $0xb8;
	[tilespmem:$0x1CB00] =	vst v63  }
0x19c: {  	s13 =	simm.s32 $0x3C00  }
0x19d: {  	[tilespmem:s13], [sflag:$0x1] =	stream.indirect_vreg.gather [hbm4b:s1+s3], $0x80, v20, vm0, $0xb8;
	[tilespmem:$0x1CB00] =	vst v63  }
0x19e: {  	v20 =	vld [tilespmem:s12+$0x130];
	_ =	sdelay $0x4  }
0x19f: {  	v59 =	vshll.u32 v20, $0x1  }
0x1a0: {  	v20 =	vand.u32 $0x7, v20;
	v21 =	vand.u32 $0xFFFFFFF0, v59  }
0x1a1: {  	v20 =	vor.u32 v20, v21  }
0x1a2: {  	v21 =	vperm.xlane v20, v1;
	_ =	sdelay $0x1  }
0x1a3: {  	v20 =	vperm.xlane v20, v3;
	v21 =	vadd.s32 v2, v21;
	_ =	sdelay $0x1  }
0x1a4: {  	v20 =	vadd.s32 v2, v20;
	_ =	sdelay $0x1  }
0x1a5: {  	s13 =	simm.s32 $0x4400  }
0x1a6: {  	[tilespmem:s13], [sflag:$0x1] =	stream.indirect_vreg.gather [hbm4b:s1+s3], $0x80, v21, vm0, $0xb8;
	[tilespmem:$0x1CB00] =	vst v63  }
0x1a7: {  	s13 =	simm.s32 $0x4C00  }
0x1a8: {  	[tilespmem:s13], [sflag:$0x1] =	stream.indirect_vreg.gather [hbm4b:s1+s3], $0x80, v20, vm0, $0xb8;
	[tilespmem:$0x1CB00] =	vst v63  }
0x1a9: {  	v20 =	vld [tilespmem:s12+$0x140];
	_ =	sdelay $0x4  }
0x1aa: {  	v60 =	vshll.u32 v20, $0x1  }
0x1ab: {  	v20 =	vand.u32 $0x7, v20;
	v21 =	vand.u32 $0xFFFFFFF0, v60  }
0x1ac: {  	v20 =	vor.u32 v20, v21  }
0x1ad: {  	v21 =	vperm.xlane v20, v1;
	_ =	sdelay $0x1  }
0x1ae: {  	v20 =	vperm.xlane v20, v3;
	v21 =	vadd.s32 v2, v21;
	_ =	sdelay $0x1  }
0x1af: {  	v20 =	vadd.s32 v2, v20;
	_ =	sdelay $0x1  }
0x1b0: {  	s13 =	simm.s32 $0x5400  }
0x1b1: {  	[tilespmem:s13], [sflag:$0x1] =	stream.indirect_vreg.gather [hbm4b:s1+s3], $0x80, v21, vm0, $0xb8;
	[tilespmem:$0x1CB00] =	vst v63  }
0x1b2: {  	s13 =	simm.s32 $0x5C00  }
0x1b3: {  	[tilespmem:s13], [sflag:$0x1] =	stream.indirect_vreg.gather [hbm4b:s1+s3], $0x80, v20, vm0, $0xb8;
	[tilespmem:$0x1CB00] =	vst v63  }
0x1b4: {  	v20 =	vld [tilespmem:s12+$0x150];
	_ =	sdelay $0x4  }
0x1b5: {  	v61 =	vshll.u32 v20, $0x1  }
0x1b6: {  	v20 =	vand.u32 $0x7, v20;
	v21 =	vand.u32 $0xFFFFFFF0, v61  }
0x1b7: {  	v20 =	vor.u32 v20, v21  }
0x1b8: {  	v21 =	vperm.xlane v20, v1;
	_ =	sdelay $0x1  }
0x1b9: {  	v20 =	vperm.xlane v20, v3;
	v21 =	vadd.s32 v2, v21;
	_ =	sdelay $0x1  }
0x1ba: {  	v20 =	vadd.s32 v2, v20;
	_ =	sdelay $0x1  }
0x1bb: {  	s13 =	simm.s32 $0x6400  }
0x1bc: {  	[tilespmem:s13], [sflag:$0x1] =	stream.indirect_vreg.gather [hbm4b:s1+s3], $0x80, v21, vm0, $0xb8;
	[tilespmem:$0x1CB00] =	vst v63  }
0x1bd: {  	s13 =	simm.s32 $0x6C00  }
0x1be: {  	[tilespmem:s13], [sflag:$0x1] =	stream.indirect_vreg.gather [hbm4b:s1+s3], $0x80, v20, vm0, $0xb8;
	[tilespmem:$0x1CB00] =	vst v63  }
0x1bf: {  	v20 =	vld [tilespmem:s12+$0x160];
	_ =	sdelay $0x4  }
0x1c0: {  	v62 =	vshll.u32 v20, $0x1  }
0x1c1: {  	v20 =	vand.u32 $0x7, v20;
	v21 =	vand.u32 $0xFFFFFFF0, v62  }
0x1c2: {  	v20 =	vor.u32 v20, v21  }
0x1c3: {  	v21 =	vperm.xlane v20, v1;
	_ =	sdelay $0x1  }
0x1c4: {  	v20 =	vperm.xlane v20, v3;
	v21 =	vadd.s32 v2, v21;
	_ =	sdelay $0x1  }
0x1c5: {  	v20 =	vadd.s32 v2, v20;
	_ =	sdelay $0x1  }
0x1c6: {  	s13 =	simm.s32 $0x7400  }
0x1c7: {  	[tilespmem:s13], [sflag:$0x1] =	stream.indirect_vreg.gather [hbm4b:s1+s3], $0x80, v21, vm0, $0xb8;
	[tilespmem:$0x1CB00] =	vst v63  }
0x1c8: {  	s13 =	simm.s32 $0x7C00  }
0x1c9: {  	[tilespmem:s13], [sflag:$0x1] =	stream.indirect_vreg.gather [hbm4b:s1+s3], $0x80, v20, vm0, $0xb8;
	[tilespmem:$0x1CB00] =	vst v63  }
0x1ca: {  	v20 =	vld [tilespmem:s12+$0x170];
	_ =	sdelay $0x4  }
0x1cb: {  	v63 =	vshll.u32 v20, $0x1  }
0x1cc: {  	v20 =	vand.u32 $0x7, v20;
	v21 =	vand.u32 $0xFFFFFFF0, v63  }
0x1cd: {  	v20 =	vor.u32 v20, v21  }
0x1ce: {  	v21 =	vperm.xlane v20, v1;
	_ =	sdelay $0x1  }
0x1cf: {  	v20 =	vperm.xlane v20, v3;
	v21 =	vadd.s32 v2, v21;
	_ =	sdelay $0x1  }
0x1d0: {  	v20 =	vadd.s32 v2, v20  }
.Ltmp6:
0x1d1: {  	_ = 	snop;
	(pc) =	sbr.rel .LBB2_5-.Ltmp6, $4  }
0x1d2: {  	s13 =	simm.s32 $0x8400  }
0x1d3: {  	[tilespmem:s13], [sflag:$0x1] =	stream.indirect_vreg.gather [hbm4b:s1+s3], $0x80, v21, vm0, $0xb8;
	[tilespmem:$0x1CB00] =	vst v63  }
0x1d4: {  	s13 =	simm.s32 $0x8C00  }
0x1d5: {  	[tilespmem:s13], [sflag:$0x1] =	stream.indirect_vreg.gather [hbm4b:s1+s3], $0x80, v20, vm0, $0xb8;
	[tilespmem:$0x1CB00] =	vst v63  }
.LBB2_8:
0x1d6: {  	_ =	sfence.sel $0x180000  }
0x1d7: {  	[bflag:$0x0] =	sbarrier.arrive $0xFFFF  }
0x1d8: {  	_ =	strace $0x90000047  }
0x1d9: {  	s0 =	stileid.u32;
	[bflag:$0x2] =	sbarrier.arrive $0xFFFF  }
0x1da: {  	p0 =	sne.s32 s0, $0x0;
	s0 =	rddreg [dreg:$0x2]  }
0x1db: {  	s0 =	sadd.s32 @!p0 $0x100000, s0  }
0x1dc: {  	[sflag:s0] =	ssyncadd.tile.s32 @!p0 $0x1;
	_ =	shalt  }
.Lfunc_end2:
_tile_overlayer_lowered:
.L_overlay_start_2:
0x1dd: {  	(tag) =	ssettag $0x2  }
0x1de: {  	s0 =	rddreg [dreg:$0x0];
	s2 =	stileid.u32  }
0x1df: {  	s1 =	rddreg [dreg:$0x1];
	p0 =	sne.s32 s2, $0x0  }
0x1e0: {  	s3 =	rddreg [dreg:$0x2];
	[bflag:$0x3] =	sbarrier.arrive $0xFFFF;
	s2 =	simm.s32 @!p0 $0x1C03  }
0x1e1: {  	[timem:s3], [sflag:s2] =	dma.local @!p0 [hbm:s0], s1  }
0x1e2: {  	s0 =	simm.s32 @!p0 $0x3  }
0x1e3: {  	_ =	swait.ge @!p0 [sflag:s0], s1  }
0x1e4: {  	s1 =	ssub.s32 @!p0 $0x0, s1;
	[sflag:s0] =	ssyncset.done @!p0 $0x0  }
0x1e5: {  	[sflag:s0] =	ssyncadd.s32 @!p0 s1  }
0x1e6: {  	[bflag:$0x3] =	sbarrier.arrive $0xFFFF  }
0x1e7: {  	_ =	shalt  }

// kernel: kernel.18.cloned.1.call-start
scs
__scs_entry_jumppad:
0x0: {  	(pc) =	sbr.rel $0x88, $3  }
0x1: {  	(tag) =	ssettag $0x0;
	lr =	simm.s32 $0x1  }
0x2: {  	[smem:$0x3F8E] =	sst lr;
	_ =	strace $0xD0000000  }
0x3: {  	_ = 	snop  }
0x4: {  	_ = 	snop  }
0x5: {  	_ = 	snop  }
0x6: {  	_ = 	snop  }
0x7: {  	_ = 	snop  }
__scs_overlays_trampoline_lowered:
0x8: {  	[smem:$0x3F9D] =	sst s0  }
0x9: {  	[smem:$0x3F9E] =	sst s1  }
0xa: {  	[smem:$0x3F9F] =	sst s2  }
0xb: {  	[smem:$0x3FA0] =	sst s3  }
0xc: {  	[smem:$0x3FA1] =	sst s4  }
0xd: {  	[smem:$0x3FA2] =	sst s5  }
0xe: {  	[smem:$0x3FA3] =	sst s6  }
0xf: {  	[smem:$0x3FA4] =	sst s7  }
0x10: {  	[smem:$0x3FA5] =	sst s8  }
0x11: {  	[smem:$0x3FA6] =	sst s9;
	s0 =	simm.s32 @!p0 $0x0  }
0x12: {  	s1 =	sld [smem:$0x3F8C];
	s0 =	simm.s32 @p0 $0x1  }
0x13: {  	[smem:$0x3FA7] =	sst s0;
	s0 =	simm.s32 @!p1 $0x0  }
0x14: {  	s2 =	sld [smem:$0x3F8B];
	s0 =	simm.s32 @p1 $0x1  }
0x15: {  	[smem:$0x3FA8] =	sst s0;
	s0 =	simm.s32 @!p2 $0x0  }
0x16: {  	s3 =	sld [smem:$0x3FDB];
	s0 =	simm.s32 @p2 $0x1  }
0x17: {  	s4 =	simm.s32 $0x1BF5;
	[smem:$0x3FAA] =	sst s0  }
0x18: {  	s0 =	sld [smem:$0x3F8D];
	_ =	swait.ge [sflag:s4], $0x0  }
0x19: {  	s7 =	sld [smem:$0x3F8E]  }
0x1a: {  	s8 =	sadd.s32 $0xFFFFE003, lr  }
0x1b: {  	s9 =	sadd.s32 $0xFFFFFEF7, lr;
	s5 =	simm.s32 $0xFFFFFFFF;
	p2 =	slt.u32 s8, $0xFFFFF086  }
0x1c: {  	p1 =	slt.u32 s9, $0xF7A;
	s5 =	simm.s32 @!p2 $0x0  }
0x1d: {  	s5 =	simm.s32 @p1 $0x1;
	p0 =	seq.s32 s7, s2  }
0x1e: {  	s7 =	smul.u32 @!p0 $0xF7A, s2;
	p2 =	seq.s32 @!p0 s5, $0x0  }
0x1f: {  	s9 =	smul.u32 $0xF7A, s1;
	s8 =	simm.s32 @!p0 $0x1BF5;
	p2 =	por !p2, p0  }
0x20: {  	[sflag:s8] =	ssyncset.s32 @!p0 $0xFFFFF086;
	s6 =	sadd.s32 @!p0 s3, s7;
	s7 =	simm.s32 @!p0 $0x108  }
0x21: {  	s3 =	sadd.s32 s3, s9;
	s6 =	sadd.s32 @!p0 $0x88, s6;
	s7 =	simm.s32 @p2 $0x1082  }
0x22: {  	[simem:s7], [sflag:s8] =	dma.local @!p0 [hbm:s6], $0xF7A  }
0x23: {  	s9 =	sor.u32 $0xD0000000, s2;
	s6 =	simm.s32 $0x108;
	_ =	swait.ge @!p0 [sflag:s8], $0x0  }
0x24: {  	s3 =	sadd.s32 $0x88, s3;
	s6 =	simm.s32 @!p1 $0x1082;
	[sflag:s4] =	ssyncset.s32 $0xFFFFF086  }
0x25: {  	[simem:s6], [sflag:s4] =	dma.local [hbm:s3], $0xF7A  }
0x26: {  	[smem:$0x3F8E] =	sst s1;
	(tag) =	ssettag s2;
	_ =	strace s9  }
0x27: {  	s1 =	sld [smem:$0x3F9E]  }
0x28: {  	s2 =	sld [smem:$0x3F9F]  }
0x29: {  	s4 =	sld [smem:$0x3FA1]  }
0x2a: {  	p0 =	seq.s32 s5, $0x0;
	s5 =	sld [smem:$0x3FA2]  }
0x2b: {  	s6 =	sld [smem:$0x3FA3]  }
0x2c: {  	s7 =	sld [smem:$0x3FA4]  }
0x2d: {  	s3 =	simm.s32 $0x108;
	s8 =	sld [smem:$0x3FA5]  }
0x2e: {  	s3 =	simm.s32 @!p0 $0x1082;
	s9 =	sld [smem:$0x3FA6]  }
0x2f: {  	lr =	sadd.s32 s0, s3;
	s0 =	sld [smem:$0x3F9D]  }
0x30: {  	s3 =	sld [smem:$0x3FA0]  }
0x31: {  	[smem:$0x3FA9] =	sst s10  }
0x32: {  	s10 =	sld [smem:$0x3FA7];
	_ =	sdelay $0x3  }
0x33: {  	p0 =	seq.s32 s10, $0x1;
	s10 =	sld [smem:$0x3FA9];
	_ =	sdelay $0x3  }
0x34: {  	[smem:$0x3FA9] =	sst s10  }
0x35: {  	s10 =	sld [smem:$0x3FA8];
	_ =	sdelay $0x3  }
0x36: {  	p1 =	seq.s32 s10, $0x1;
	s10 =	sld [smem:$0x3FA9];
	_ =	sdelay $0x3  }
0x37: {  	[smem:$0x3FA9] =	sst s10  }
0x38: {  	s10 =	sld [smem:$0x3FAA]  }
0x39: {  	_ = 	snop;
	(pc) =	sbr.ind lr, $3  }
0x3a: {  	_ = 	snop  }
0x3b: {  	_ = 	snop  }
0x3c: {  	p2 =	seq.s32 s10, $0x1;
	s10 =	sld [smem:$0x3FA9]  }
0x3d: {  	_ =	shalt  }
0x3e: {  	_ =	shalt  }
0x3f: {  	_ =	shalt  }
0x40: {  	_ =	shalt  }
0x41: {  	_ =	shalt  }
0x42: {  	_ =	shalt  }
0x43: {  	_ =	shalt  }
0x44: {  	_ =	shalt  }
0x45: {  	_ =	shalt  }
0x46: {  	_ =	shalt  }
0x47: {  	_ =	shalt  }
0x48: {  	_ =	shalt  }
0x49: {  	_ =	shalt  }
0x4a: {  	_ =	shalt  }
0x4b: {  	_ =	shalt  }
0x4c: {  	_ =	shalt  }
0x4d: {  	_ =	shalt  }
0x4e: {  	_ =	shalt  }
0x4f: {  	_ =	shalt  }
0x50: {  	_ =	shalt  }
0x51: {  	_ =	shalt  }
0x52: {  	_ =	shalt  }
0x53: {  	_ =	shalt  }
0x54: {  	_ =	shalt  }
0x55: {  	_ =	shalt  }
0x56: {  	_ =	shalt  }
0x57: {  	_ =	shalt  }
0x58: {  	_ =	shalt  }
0x59: {  	_ =	shalt  }
0x5a: {  	_ =	shalt  }
0x5b: {  	_ =	shalt  }
0x5c: {  	_ =	shalt  }
0x5d: {  	_ =	shalt  }
0x5e: {  	_ =	shalt  }
0x5f: {  	_ =	shalt  }
0x60: {  	_ =	shalt  }
0x61: {  	_ =	shalt  }
0x62: {  	_ =	shalt  }
0x63: {  	_ =	shalt  }
0x64: {  	_ =	shalt  }
0x65: {  	_ =	shalt  }
0x66: {  	_ =	shalt  }
0x67: {  	_ =	shalt  }
0x68: {  	_ =	shalt  }
0x69: {  	_ =	shalt  }
0x6a: {  	_ =	shalt  }
0x6b: {  	_ =	shalt  }
0x6c: {  	_ =	shalt  }
0x6d: {  	_ =	shalt  }
0x6e: {  	_ =	shalt  }
0x6f: {  	_ =	shalt  }
0x70: {  	_ =	shalt  }
0x71: {  	_ =	shalt  }
0x72: {  	_ =	shalt  }
0x73: {  	_ =	shalt  }
0x74: {  	_ =	shalt  }
0x75: {  	_ =	shalt  }
0x76: {  	_ =	shalt  }
0x77: {  	_ =	shalt  }
0x78: {  	_ =	shalt  }
0x79: {  	_ =	shalt  }
0x7a: {  	_ =	shalt  }
0x7b: {  	_ =	shalt  }
0x7c: {  	_ =	shalt  }
0x7d: {  	_ =	shalt  }
0x7e: {  	_ =	shalt  }
0x7f: {  	_ =	shalt  }
0x80: {  	_ =	shalt  }
0x81: {  	_ =	shalt  }
0x82: {  	_ =	shalt  }
0x83: {  	_ =	shalt  }
0x84: {  	_ =	shalt  }
0x85: {  	_ =	shalt  }
0x86: {  	_ =	shalt  }
0x87: {  	_ =	shalt  }
.Lfunc_end0:
.L_simem_size_0:
called_computation.2_lowered:
.L_overlay_start_0:
0x88: {  	s2 =	sld [smem:$0x3FD9]  }
0x89: {  	s3 =	sld [smem:$0x3FFE];
	_ =	sdelay $0x1  }
0x8a: {  	s1 =	srdreg.scid  }
0x8b: {  	s0 =	sand.u32 $0x1, s1  }
0x8c: {  	s17 =	sshll.u32 s0, $0xA;
	s2 =	sadd.s32 s3, s2  }
0x8d: {  	s2 =	sadd.s32 s2, s17  }
0x8e: {  	[smem:$0x3FB5] =	sst s2  }
0x8f: {  	_ = 	snop  }
0x90: {  	(tm) =	ssettm $0x1  }
0x91: {  	s18 =	sld [smem:$0x3FFB];
	_ =	sdelay $0x3  }
0x92: {  	_ =	strace s18  }
0x93: {  	s2 =	sld [smem:$0x3FFC];
	_ =	sdelay $0x3  }
0x94: {  	_ =	strace s2  }
0x95: {  	s2 =	sld [smem:$0x3FFD];
	_ =	sdelay $0x3  }
0x96: {  	_ =	strace s2  }
0x97: {  	_ =	strace $0x8FFFFFFF  }
0x98: {  	s19 =	sld [smem:$0x3FDB];
	_ =	sdelay $0x1  }
0x99: {  	s20 =	simm.s32 $_scs_section_size  }
0x9a: {  	s4 =	simm.s32 $_size__tile_overlayer_lowered;
	s5 =	simm.s32 $_tile_overlayer_lowered  }
0x9b: {  	s6 =	simm.s32 $0x1BFF;
	s21 =	sshll.u32 s5, $0x1;
	s3 =	sadd.s32 s20, s19  }
0x9c: {  	s22 =	simm.s32 $0x0;
	s4 =	sshll.u32 s4, $0x1;
	s5 =	sadd.s32 s21, s3  }
0x9d: {  	[timem:s22], [sflag:s6] =	dma.local [hbm:s5], s4  }
0x9e: {  	_ =	swait.ge [sflag:s6], s4  }
0x9f: {  	s4 =	ssub.s32 $0x0, s4;
	[sflag:s6] =	ssyncset.done $0x0  }
0xa0: {  	[sflag:s6] =	ssyncadd.s32 s4;
	_ =	sdelay $0x1  }
0xa1: {  	s23 =	simm.s32 $0x1B8B  }
0xa2: {  	_ =	swait.ge [sflag:s23], $0x1  }
0xa3: {  	[sflag:s23] =	ssyncset.done $0x0  }
0xa4: {  	[sflag:s23] =	ssyncadd.s32 $0xFFFFFFFF  }
0xa5: {  	s4 =	sld [smem:$0x0]  }
0xa6: {  	s5 =	sand.u32 $0xFFFFFFFE, s1  }
0xa7: {  	p0 =	sne.s32 s1, s5  }
0xa8: {  	s5 =	sshll.u32 @p0 s5, $0xE  }
0xa9: {  	s5 =	sadd.s32 @p0 $0x11B8D, s5;
	s6 =	sshll.u32 @p0 s4, $0x11  }
0xaa: {  	s5 =	sor.u32 @p0 s6, s5  }
0xab: {  	[sflag:s5] =	ssyncadd.remote.s32 @p0 $0x1;
	_ =	sdelay $0x1  }
0xac: {  	s5 =	simm.s32 @p0 $0x1B8D  }
0xad: {  	_ =	swait.eq @p0 [sflag:s5], $0x1  }
0xae: {  	[sflag:s5] =	ssyncadd.s32 @p0 $0xFFFFFFFF  }
0xaf: {  	s6 =	sshll.u32 @!p0 s1, $0xE  }
0xb0: {  	s6 =	sor.u32 @!p0 $0x4000, s6;
	s5 =	simm.s32 @!p0 $0x1B8D  }
0xb1: {  	s4 =	sshll.u32 @!p0 s4, $0x11;
	s6 =	sadd.s32 @!p0 $0x11B8D, s6;
	_ =	swait.eq @!p0 [sflag:s5], $0x1  }
0xb2: {  	s4 =	sor.u32 @!p0 s4, s6;
	[sflag:s5] =	ssyncadd.s32 @!p0 $0xFFFFFFFF  }
0xb3: {  	s25 =	simm.s32 $0x1B8E;
	s24 =	sld [smem:$0x3FFE];
	[sflag:s4] =	ssyncadd.remote.s32 @!p0 $0x1  }
0xb4: {  	s26 =	simm.s32 $execute0_lowered;
	[smem:$0x3FD2] =	sst s25  }
0xb5: {  	s5 =	sshll.u32 s26, $0x1;
	_ =	strace $0x8000004F;
	[dreg:$0x1] =	wrdreg $0xFFFFFFFF  }
0xb6: {  	s28 =	simm.s32 $_size_execute0_lowered;
	s3 =	sadd.s32 s3, s5;
	[dreg:$0x0] =	wrdreg $0x0  }
0xb7: {  	s5 =	sshll.u32 s28, $0x1;
	[dreg:$0x2] =	wrdreg s3  }
0xb8: {  	[dreg:$0x3] =	wrdreg s5  }
0xb9: {  	[dreg:$0x4] =	wrdreg $0xC0  }
0xba: {  	_ =	task [dreg:s22], $0x5FFFF  }
0xbb: {  	[dreg:$0x1] =	wrdreg $0xFFFFFFFF  }
0xbc: {  	[dreg:$0x0] =	wrdreg $0x60  }
0xbd: {  	[dreg:$0x2] =	wrdreg s24  }
0xbe: {  	[dreg:$0x3] =	wrdreg $0x81000  }
0xbf: {  	[dreg:$0x4] =	wrdreg $0x9  }
0xc0: {  	_ =	task.clear_ibuf [dreg:s22], $0x5FFFF;
	_ =	strace $0x9000004F  }
0xc1: {  	s29 =	simm.s32 $0x9;
	_ =	strace $0x80000051  }
0xc2: {  	_ =	swait.ge [sflag:s29], $0x1  }
0xc3: {  	[sflag:s29] =	ssyncadd.s32 $0xFFFFFFFF  }
0xc4: {  	_ =	strace $0x90000051  }
0xc5: {  	_ =	sfence  }
0xc6: {  	s30 =	sld [smem:$0x0];
	_ =	sdelay $0x2  }
0xc7: {  	s31 =	sshll.u32 s1, $0xD;
	s1 =	sshrl.u32 s1, $0x2  }
0xc8: {  	s4 =	sand.u32 $0x4000, s31;
	s1 =	sadd.s32 s1, s30  }
0xc9: {  	s0 =	sor.u32 s4, s0;
	s1 =	sshll.u32 s1, $0x11  }
0xca: {  	s0 =	sor.u32 s1, s0  }
0xcb: {  	s0 =	sadd.s32 $0x8F2B, s0  }
0xcc: {  	[sflag:s0] =	ssyncadd.remote.s32 $0x1  }
0xcd: {  	_ =	sfence.sel $0xFFFF  }
0xce: {  	[dreg:$0x0] =	wrdreg $0xFFFFFFFF;
	(pc) =	sbr.abs _section_cstart, $3  }
0xcf: {  	[dreg:$0x1] =	wrdreg $0xFFFFFFFF  }
0xd0: {  	_ =	task.clear_ibuf [dreg:s22], $0x2FFFF;
	_ =	strace $0x9FFFFFFF  }
0xd1: {  	(tm) =	ssettm $0x7FFFFFFF  }
tec
execute0_lowered:
.L_overlay_start_1:
0x0: {  	(tag) =	ssettag $0x1  }
0x1: {  	s2 =	srdreg.scid  }
0x2: {  	s5 =	rddreg [dreg:$0x0];
	s6 =	sand.u32 $0x1, s2  }
0x3: {  	s2 =	stileid.u32;
	s4 =	smul.u32 $0x138000, s6  }
0x4: {  	s1 =	rddreg [dreg:$0x1];
	s3 =	simm.s32 $0x0;
	s18 =	smul.u32 $0x2800, s2  }
0x5: {  	[smem:$0x7FF] =	sst s3;
	s7 =	smul.u32 $0x28000, s6  }
0x6: {  	s0 =	rddreg [dreg:$0x2];
	_ =	strace $0x80000050;
	s9 =	smul.u32 $0x50000, s2  }
0x7: {  	s6 =	ssub.s32 $0x2, s6;
	s13 =	smul.u32 $0x28, s2;
	s30 =	sshll.u32 s2, $0x6  }
0x8: {  	s15 =	smul.u32 $0x14000, s2;
	p0 =	seq.s32 s2, $0xF;
	s28 =	sshrl.u32 s6, $0x1  }
0x9: {  	s8 =	sadd.s32 s4, s5;
	s4 =	sadd.s32 $0x14600, s5;
	s10 =	sadd.s32 s18, s5  }
0xa: {  	s11 =	sadd.s32 s7, s5;
	s12 =	ssub.s32 s6, s28;
	s29 =	sshrl.u32 s9, $0x2  }
0xb: {  	s5 =	smul.u32 $0x280, s2;
	s7 =	sor.u32 $0x1C03, s30;
	s20 =	sadd.s32 $0x13800, s15  }
0xc: {  	s16 =	sor.u32 $0x800, s15;
	s14 =	sadd.s32 s29, s1;
	s6 =	sadd.s32 $0x1A600, s10  }
0xd: {  	s17 =	sadd.s32 $0x92600, s8;
	s19 =	sadd.s32 $0x302600, s11;
	s8 =	smax.u32 s12, $0x1  }
0xe: {  	s10 =	sor.u32 $0x1, s13;
	s12 =	simm.s32 $0x3;
	s31 =	sadd.s32 s5, s4  }
0xf: {  	s11 =	sshrl.u32 s14, $0x3;
	s13 =	sadd.s32 s15, s17;
	s14 =	simm.s32 $0x100  }
0x10: {  	s15 =	sadd.s32 s17, s16;
	s16 =	simm.s32 $0x4;
	s17 =	sadd.s32 @!p0 s17, s20  }
0x11: {  	s18 =	sadd.s32 s18, s19;
	s19 =	simm.s32 $0x0;
	s9 =	sadd.s32 $0x260, s31  }
.LBB2_1:
0x12: {  	[spmem:s11], [sflag:s7] =	dma.local [hbm:s6], $0x2800  }
0x13: {  	_ =	swait.ge [sflag:s12], $0x2800  }
0x14: {  	[sflag:s12] =	ssyncset.done $0x0  }
0x15: {  	p1 =	sgt.u32 s10, $0x26F;
	s20 =	sand.u32 $0x60, s3;
	[sflag:s12] =	ssyncadd.s32 $0xFFFFD800  }
0x16: {  	s23 =	sadd.s32 $0x0, s5;
	s21 =	simm.s32 @!p1 $0x0;
	[bflag:$0x0] =	sbarrier.arrive $0xFFFF  }
0x17: {  	[tilespmem:s14], [sflag:$0x1] =	stream.linear.gather [hbm4b:s13+s3], $0x4000, $0x38;
	[tilespmem:$0x1C100] =	vst v63  }
0x18: {  	s22 =	simm.s32 @!p1 $0x4100;
	s31 =	sand.u32 $0x7F80, s23;
	s20 =	sadd.s32 s4, s20  }
0x19: {  	[tilespmem:s22], [sflag:$0x2] =	stream.linear.gather @!p1 [hbm4b:s15+s21], $0x4000, $0x38;
	[tilespmem:$0x1C100] =	vst v63  }
0x1a: {  	s20 =	sadd.s32 s31, s20  }
0x1b: {  	[tilespmem:s3], [sflag:$0x4] =	stream.linear.gather [hbm4b:s20+s3], $0x100, $0x38;
	[tilespmem:$0x1C100] =	vst v63  }
0x1c: {  	s20 =	sadd.s32 $0xFFFFFFFF, s10;
	_ =	swait.ge [sflag:s16], $0x100  }
0x1d: {  	p2 =	sgt.u32 s20, $0x26F;
	[sflag:s16] =	ssyncset.done $0x0  }
0x1e: {  	s21 =	simm.s32 @!p2 $0x1;
	[sflag:s16] =	ssyncadd.s32 $0xFFFFFF00  }
0x1f: {  	p3 =	sgt.u32 @!p2 s20, $0x26D;
	_ =	swait.ge @!p2 [sflag:s21], $0x4000  }
0x20: {  	s20 =	simm.s32 @!p2 $0x100;
	s23 =	simm.s32 @!p2 $0x4;
	[sflag:s21] =	ssyncset.done @!p2 $0x0  }
0x21: {  	s24 =	simm.s32 @!p2 $0x0;
	[sflag:s21] =	ssyncadd.s32 @!p2 $0xFFFFC000;
	s21 =	simm.s32 @!p2 $0x80  }
0x22: {  	[spmem:s1] =	stream.indirect.scatter.add.f32 @!p2 [tilespmem:s20], [sflag:$0x4], $0x80, s24, s21, $0xb8;
	[tilespmem:$0x1C100] =	vst v63  }
0x23: {  	p1 =	por p1, p1;
	p3 =	por p3, p2;
	_ =	swait.ge @!p2 [sflag:s23], $0x4000  }
0x24: {  	s20 =	simm.s32 @!p3 $0x100;
	s21 =	simm.s32 @!p1 $0x2;
	[sflag:s23] =	ssyncset.done @!p2 $0x0  }
0x25: {  	s24 =	simm.s32 @!p3 $0x0;
	[sflag:s23] =	ssyncadd.s32 @!p2 $0xFFFFC000;
	s23 =	sadd.s32 @!p3 $0x800, s15  }
0x26: {  	[tilespmem:s20], [sflag:$0x1] =	stream.linear.gather @!p3 [hbm4b:s23+s24], $0x4000, $0x38;
	[tilespmem:$0x1C100] =	vst v63  }
0x27: {  	_ =	swait.ge @!p1 [sflag:s21], $0x4000  }
0x28: {  	s25 =	simm.s32 @!p1 $0x3;
	[sflag:s21] =	ssyncset.done @!p1 $0x0  }
0x29: {  	s20 =	simm.s32 @!p1 $0x80;
	s23 =	simm.s32 $0x20;
	[sflag:s21] =	ssyncadd.s32 @!p1 $0xFFFFC000  }
0x2a: {  	[spmem:s1] =	stream.indirect.scatter.add.f32 @!p1 [tilespmem:s22], [sflag:$0x3], $0x80, s20, s20, $0xb8;
	[tilespmem:$0x1C100] =	vst v63  }
0x2b: {  	s21 =	sadd.s32 $0x2, s10;
	s22 =	simm.s32 $0x40;
	s20 =	sadd.s32 $0x1000, s15  }
.LBB2_2:
0x2c: {  	p3 =	sgt.u32 s21, $0x26F  }
0x2d: {  	s26 =	sand.u32 $0x60, s23;
	_ =	swait.ge @!p1 [sflag:s25], $0x4000;
	s28 =	smov.u32 s22  }
0x2e: {  	s29 =	simm.s32 @!p3 $0x0;
	s24 =	simm.s32 @!p3 $0x4100;
	[sflag:s25] =	ssyncset.done @!p1 $0x0  }
0x2f: {  	s22 =	sadd.s32 $0x20, s22;
	s23 =	sadd.s32 s23, s5;
	[sflag:s25] =	ssyncadd.s32 @!p1 $0xFFFFC000  }
0x30: {  	[tilespmem:s24], [sflag:$0x2] =	stream.linear.gather @!p3 [hbm4b:s20+s29], $0x4000, $0x38;
	[tilespmem:$0x1C100] =	vst v63  }
0x31: {  	p2 =	sne.s32 s22, $0x260;
	s23 =	sand.u32 $0x7F80, s23;
	s25 =	sadd.s32 s4, s26  }
0x32: {  	p1 =	por p3, p3;
	s25 =	sadd.s32 s23, s25;
	s23 =	smov.u32 s28  }
0x33: {  	[tilespmem:s3], [sflag:$0x4] =	stream.linear.gather [hbm4b:s25+s3], $0x100, $0x38;
	[tilespmem:$0x1C100] =	vst v63  }
0x34: {  	s25 =	sadd.s32 $0xFFFFFFFF, s21;
	_ =	swait.ge [sflag:s16], $0x100  }
0x35: {  	p3 =	sgt.u32 s25, $0x26F;
	[sflag:s16] =	ssyncset.done $0x0  }
0x36: {  	s26 =	simm.s32 @!p3 $0x1;
	p4 =	sgt.u32 @!p3 s25, $0x26D;
	[sflag:s16] =	ssyncadd.s32 $0xFFFFFF00  }
0x37: {  	p4 =	por p4, p3;
	_ =	swait.ge @!p3 [sflag:s26], $0x4000  }
0x38: {  	s25 =	simm.s32 @!p3 $0x100;
	s28 =	simm.s32 @!p3 $0x4;
	[sflag:s26] =	ssyncset.done @!p3 $0x0  }
0x39: {  	s29 =	simm.s32 @!p3 $0x0;
	[sflag:s26] =	ssyncadd.s32 @!p3 $0xFFFFC000;
	s26 =	simm.s32 @!p3 $0x80  }
0x3a: {  	[spmem:s1] =	stream.indirect.scatter.add.f32 @!p3 [tilespmem:s25], [sflag:$0x4], $0x80, s29, s26, $0xb8;
	[tilespmem:$0x1C100] =	vst v63  }
0x3b: {  	_ =	swait.ge @!p3 [sflag:s28], $0x4000  }
0x3c: {  	s25 =	simm.s32 @!p4 $0x100;
	s26 =	simm.s32 @!p1 $0x2;
	[sflag:s28] =	ssyncset.done @!p3 $0x0  }
0x3d: {  	s29 =	simm.s32 @!p4 $0x0;
	[sflag:s28] =	ssyncadd.s32 @!p3 $0xFFFFC000;
	s28 =	sadd.s32 @!p4 $0x800, s20  }
0x3e: {  	[tilespmem:s25], [sflag:$0x1] =	stream.linear.gather @!p4 [hbm4b:s28+s29], $0x4000, $0x38;
	[tilespmem:$0x1C100] =	vst v63  }
.Ltmp0:
0x3f: {  	_ = 	snop;
	(pc) =	sbr.rel @p2 .LBB2_2-.Ltmp0, $4  }
0x40: {  	s28 =	simm.s32 @!p1 $0x80;
	_ =	swait.ge @!p1 [sflag:s26], $0x4000  }
0x41: {  	s25 =	simm.s32 @!p1 $0x3;
	[sflag:s26] =	ssyncset.done @!p1 $0x0  }
0x42: {  	s21 =	sadd.s32 $0x2, s21;
	s20 =	sadd.s32 $0x1000, s20;
	[sflag:s26] =	ssyncadd.s32 @!p1 $0xFFFFC000  }
0x43: {  	[spmem:s1] =	stream.indirect.scatter.add.f32 @!p1 [tilespmem:s24], [sflag:$0x3], $0x80, s28, s28, $0xb8;
	[tilespmem:$0x1C100] =	vst v63  }
0x44: {  	p2 =	sgt.u32 s21, $0x26F  }
0x45: {  	_ =	swait.ge @!p1 [sflag:s25], $0x4000;
	s22 =	sand.u32 $0x60, s23;
	s31 =	sadd.s32 s23, s5  }
0x46: {  	s24 =	simm.s32 @!p2 $0x0;
	[sflag:s25] =	ssyncset.done @!p1 $0x0;
	s26 =	simm.s32 @!p2 $0x4100  }
0x47: {  	s23 =	sand.u32 $0x7F80, s31;
	s22 =	sadd.s32 s4, s22;
	[sflag:s25] =	ssyncadd.s32 @!p1 $0xFFFFC000  }
0x48: {  	[tilespmem:s26], [sflag:$0x2] =	stream.linear.gather @!p2 [hbm4b:s20+s24], $0x4000, $0x38;
	[tilespmem:$0x1C100] =	vst v63  }
0x49: {  	s22 =	sadd.s32 s23, s22  }
0x4a: {  	[tilespmem:s3], [sflag:$0x4] =	stream.linear.gather [hbm4b:s22+s3], $0x100, $0x38;
	[tilespmem:$0x1C100] =	vst v63  }
0x4b: {  	s21 =	sadd.s32 $0xFFFFFFFF, s21;
	_ =	swait.ge [sflag:s16], $0x100  }
0x4c: {  	p3 =	sgt.u32 s21, $0x26F;
	[sflag:s16] =	ssyncset.done $0x0  }
0x4d: {  	s22 =	simm.s32 @!p3 $0x1;
	[sflag:s16] =	ssyncadd.s32 $0xFFFFFF00  }
0x4e: {  	p4 =	sgt.u32 @!p3 s21, $0x26D;
	_ =	swait.ge @!p3 [sflag:s22], $0x4000  }
0x4f: {  	s21 =	simm.s32 @!p3 $0x100;
	s23 =	simm.s32 @!p3 $0x4;
	[sflag:s22] =	ssyncset.done @!p3 $0x0  }
0x50: {  	s24 =	simm.s32 @!p3 $0x0;
	[sflag:s22] =	ssyncadd.s32 @!p3 $0xFFFFC000;
	s22 =	simm.s32 @!p3 $0x80  }
0x51: {  	[spmem:s1] =	stream.indirect.scatter.add.f32 @!p3 [tilespmem:s21], [sflag:$0x4], $0x80, s24, s22, $0xb8;
	[tilespmem:$0x1C100] =	vst v63  }
0x52: {  	p1 =	por p2, p2;
	p2 =	por p4, p3;
	_ =	swait.ge @!p3 [sflag:s23], $0x4000  }
0x53: {  	s20 =	sadd.s32 @!p2 $0x800, s20;
	s21 =	simm.s32 @!p2 $0x100;
	[sflag:s23] =	ssyncset.done @!p3 $0x0  }
0x54: {  	s22 =	simm.s32 @!p1 $0x2;
	[sflag:s23] =	ssyncadd.s32 @!p3 $0xFFFFC000;
	s23 =	simm.s32 @!p2 $0x0  }
0x55: {  	[tilespmem:s21], [sflag:$0x1] =	stream.linear.gather @!p2 [hbm4b:s20+s23], $0x4000, $0x38;
	[tilespmem:$0x1C100] =	vst v63  }
0x56: {  	_ =	swait.ge @!p1 [sflag:s22], $0x4000  }
0x57: {  	[sflag:s22] =	ssyncset.done @!p1 $0x0  }
0x58: {  	s20 =	simm.s32 @!p1 $0x80;
	s21 =	simm.s32 @!p1 $0x3;
	[sflag:s22] =	ssyncadd.s32 @!p1 $0xFFFFC000  }
0x59: {  	[spmem:s1] =	stream.indirect.scatter.add.f32 @!p1 [tilespmem:s26], [sflag:$0x3], $0x80, s20, s20, $0xb8;
	[tilespmem:$0x1C100] =	vst v63  }
0x5a: {  	_ =	swait.ge @!p1 [sflag:s21], $0x4000  }
0x5b: {  	[sflag:s21] =	ssyncset.done @!p1 $0x0  }
0x5c: {  	s20 =	simm.s32 @!p0 $0x0;
	[sflag:s21] =	ssyncadd.s32 @!p1 $0xFFFFC000;
	s21 =	simm.s32 @!p0 $0x4100  }
0x5d: {  	[tilespmem:s21], [sflag:$0x2] =	stream.linear.gather @!p0 [hbm4b:s17+s20], $0x4000, $0x38;
	[tilespmem:$0x1C100] =	vst v63  }
0x5e: {  	_ = 	snop  }
0x5f: {  	[tilespmem:s3], [sflag:$0x4] =	stream.linear.gather [hbm4b:s9+s3], $0x100, $0x38;
	[tilespmem:$0x1C100] =	vst v63  }
0x60: {  	_ =	swait.ge [sflag:s16], $0x100  }
0x61: {  	[sflag:s16] =	ssyncset.done $0x0  }
0x62: {  	s22 =	simm.s32 @!p0 $0x1;
	[sflag:s16] =	ssyncadd.s32 $0xFFFFFF00  }
0x63: {  	_ =	swait.ge @!p0 [sflag:s22], $0x4000  }
0x64: {  	[sflag:s22] =	ssyncset.done @!p0 $0x0  }
0x65: {  	s23 =	simm.s32 @!p0 $0x100;
	[sflag:s22] =	ssyncadd.s32 @!p0 $0xFFFFC000;
	s22 =	simm.s32 @!p0 $0x80  }
0x66: {  	[spmem:s1] =	stream.indirect.scatter.add.f32 @!p0 [tilespmem:s23], [sflag:$0x4], $0x80, s20, s22, $0xb8;
	[tilespmem:$0x1C100] =	vst v63  }
0x67: {  	s20 =	simm.s32 @!p0 $0x4  }
0x68: {  	_ =	swait.ge @!p0 [sflag:s20], $0x4000  }
0x69: {  	[sflag:s20] =	ssyncset.done @!p0 $0x0  }
0x6a: {  	[sflag:s20] =	ssyncadd.s32 @!p0 $0xFFFFC000;
	s20 =	simm.s32 @!p0 $0x2  }
0x6b: {  	_ =	swait.ge @!p0 [sflag:s20], $0x4000  }
0x6c: {  	[sflag:s20] =	ssyncset.done @!p0 $0x0  }
0x6d: {  	[sflag:s20] =	ssyncadd.s32 @!p0 $0xFFFFC000;
	s20 =	simm.s32 @!p0 $0x3  }
0x6e: {  	[spmem:s1] =	stream.indirect.scatter.add.f32 @!p0 [tilespmem:s21], [sflag:$0x3], $0x80, s22, s22, $0xb8;
	[tilespmem:$0x1C100] =	vst v63  }
0x6f: {  	_ =	swait.ge @!p0 [sflag:s20], $0x4000  }
0x70: {  	s19 =	sadd.s32 $0x1, s19;
	[sflag:s20] =	ssyncset.done @!p0 $0x0  }
0x71: {  	p1 =	sne.s32 s19, s8;
	[sflag:s20] =	ssyncadd.s32 @!p0 $0xFFFFC000  }
.Ltmp1:
0x72: {  	[bflag:$0x0] =	sbarrier.arrive $0xFFFF;
	(pc) =	sbr.rel @p1 .LBB2_1-.Ltmp1, $4  }
0x73: {  	[hbm:s18], [sflag:s7] =	dma.local [spmem:s11], $0x2800  }
0x74: {  	_ =	swait.ge [sflag:s12], $0x2800  }
0x75: {  	[sflag:s12] =	ssyncset.done $0x0  }
0x76: {  	[sflag:s12] =	ssyncadd.s32 $0xFFFFD800  }
0x77: {  	_ =	sfence.sel $0x180000  }
0x78: {  	[bflag:$0x0] =	sbarrier.arrive $0xFFFF  }
0x79: {  	p0 =	sne.s32 s2, $0x0;
	_ =	strace $0x90000050  }
0x7a: {  	s0 =	sadd.s32 @!p0 $0x100000, s0;
	[bflag:$0x2] =	sbarrier.arrive $0xFFFF  }
0x7b: {  	[sflag:s0] =	ssyncadd.tile.s32 @!p0 $0x1;
	_ =	shalt  }
.Lfunc_end2:
_tile_overlayer_lowered:
.L_overlay_start_2:
0x7c: {  	(tag) =	ssettag $0x2  }
0x7d: {  	s0 =	rddreg [dreg:$0x0];
	s2 =	stileid.u32  }
0x7e: {  	s1 =	rddreg [dreg:$0x1];
	p0 =	sne.s32 s2, $0x0  }
0x7f: {  	s3 =	rddreg [dreg:$0x2];
	[bflag:$0x3] =	sbarrier.arrive $0xFFFF;
	s2 =	simm.s32 @!p0 $0x1C03  }
0x80: {  	[timem:s3], [sflag:s2] =	dma.local @!p0 [hbm:s0], s1  }
0x81: {  	s0 =	simm.s32 @!p0 $0x3  }
0x82: {  	_ =	swait.ge @!p0 [sflag:s0], s1  }
0x83: {  	s1 =	ssub.s32 @!p0 $0x0, s1;
	[sflag:s0] =	ssyncset.done @!p0 $0x0  }
0x84: {  	[sflag:s0] =	ssyncadd.s32 @!p0 s1  }
0x85: {  	[bflag:$0x3] =	sbarrier.arrive $0xFFFF  }
0x86: {  	_ =	shalt  }

// kernel: kernel.21.cloned.1.call-start
scs
__scs_entry_jumppad:
0x0: {  	(pc) =	sbr.rel $0x88, $3  }
0x1: {  	(tag) =	ssettag $0x0;
	lr =	simm.s32 $0x1  }
0x2: {  	[smem:$0x3F8E] =	sst lr;
	_ =	strace $0xD0000000  }
0x3: {  	_ = 	snop  }
0x4: {  	_ = 	snop  }
0x5: {  	_ = 	snop  }
0x6: {  	_ = 	snop  }
0x7: {  	_ = 	snop  }
__scs_overlays_trampoline_lowered:
0x8: {  	[smem:$0x3F9D] =	sst s0  }
0x9: {  	[smem:$0x3F9E] =	sst s1  }
0xa: {  	[smem:$0x3F9F] =	sst s2  }
0xb: {  	[smem:$0x3FA0] =	sst s3  }
0xc: {  	[smem:$0x3FA1] =	sst s4  }
0xd: {  	[smem:$0x3FA2] =	sst s5  }
0xe: {  	[smem:$0x3FA3] =	sst s6  }
0xf: {  	[smem:$0x3FA4] =	sst s7  }
0x10: {  	[smem:$0x3FA5] =	sst s8  }
0x11: {  	[smem:$0x3FA6] =	sst s9;
	s0 =	simm.s32 @!p0 $0x0  }
0x12: {  	s1 =	sld [smem:$0x3F8C];
	s0 =	simm.s32 @p0 $0x1  }
0x13: {  	[smem:$0x3FA7] =	sst s0;
	s0 =	simm.s32 @!p1 $0x0  }
0x14: {  	s2 =	sld [smem:$0x3F8B];
	s0 =	simm.s32 @p1 $0x1  }
0x15: {  	[smem:$0x3FA8] =	sst s0;
	s0 =	simm.s32 @!p2 $0x0  }
0x16: {  	s3 =	sld [smem:$0x3FDB];
	s0 =	simm.s32 @p2 $0x1  }
0x17: {  	s4 =	simm.s32 $0x1BF5;
	[smem:$0x3FAA] =	sst s0  }
0x18: {  	s0 =	sld [smem:$0x3F8D];
	_ =	swait.ge [sflag:s4], $0x0  }
0x19: {  	s7 =	sld [smem:$0x3F8E]  }
0x1a: {  	s8 =	sadd.s32 $0xFFFFE003, lr  }
0x1b: {  	s9 =	sadd.s32 $0xFFFFFEF7, lr;
	s5 =	simm.s32 $0xFFFFFFFF;
	p2 =	slt.u32 s8, $0xFFFFF086  }
0x1c: {  	p1 =	slt.u32 s9, $0xF7A;
	s5 =	simm.s32 @!p2 $0x0  }
0x1d: {  	s5 =	simm.s32 @p1 $0x1;
	p0 =	seq.s32 s7, s2  }
0x1e: {  	s7 =	smul.u32 @!p0 $0xF7A, s2;
	p2 =	seq.s32 @!p0 s5, $0x0  }
0x1f: {  	s9 =	smul.u32 $0xF7A, s1;
	s8 =	simm.s32 @!p0 $0x1BF5;
	p2 =	por !p2, p0  }
0x20: {  	[sflag:s8] =	ssyncset.s32 @!p0 $0xFFFFF086;
	s6 =	sadd.s32 @!p0 s3, s7;
	s7 =	simm.s32 @!p0 $0x108  }
0x21: {  	s3 =	sadd.s32 s3, s9;
	s6 =	sadd.s32 @!p0 $0x88, s6;
	s7 =	simm.s32 @p2 $0x1082  }
0x22: {  	[simem:s7], [sflag:s8] =	dma.local @!p0 [hbm:s6], $0xF7A  }
0x23: {  	s9 =	sor.u32 $0xD0000000, s2;
	s6 =	simm.s32 $0x108;
	_ =	swait.ge @!p0 [sflag:s8], $0x0  }
0x24: {  	s3 =	sadd.s32 $0x88, s3;
	s6 =	simm.s32 @!p1 $0x1082;
	[sflag:s4] =	ssyncset.s32 $0xFFFFF086  }
0x25: {  	[simem:s6], [sflag:s4] =	dma.local [hbm:s3], $0xF7A  }
0x26: {  	[smem:$0x3F8E] =	sst s1;
	(tag) =	ssettag s2;
	_ =	strace s9  }
0x27: {  	s1 =	sld [smem:$0x3F9E]  }
0x28: {  	s2 =	sld [smem:$0x3F9F]  }
0x29: {  	s4 =	sld [smem:$0x3FA1]  }
0x2a: {  	p0 =	seq.s32 s5, $0x0;
	s5 =	sld [smem:$0x3FA2]  }
0x2b: {  	s6 =	sld [smem:$0x3FA3]  }
0x2c: {  	s7 =	sld [smem:$0x3FA4]  }
0x2d: {  	s3 =	simm.s32 $0x108;
	s8 =	sld [smem:$0x3FA5]  }
0x2e: {  	s3 =	simm.s32 @!p0 $0x1082;
	s9 =	sld [smem:$0x3FA6]  }
0x2f: {  	lr =	sadd.s32 s0, s3;
	s0 =	sld [smem:$0x3F9D]  }
0x30: {  	s3 =	sld [smem:$0x3FA0]  }
0x31: {  	[smem:$0x3FA9] =	sst s10  }
0x32: {  	s10 =	sld [smem:$0x3FA7];
	_ =	sdelay $0x3  }
0x33: {  	p0 =	seq.s32 s10, $0x1;
	s10 =	sld [smem:$0x3FA9];
	_ =	sdelay $0x3  }
0x34: {  	[smem:$0x3FA9] =	sst s10  }
0x35: {  	s10 =	sld [smem:$0x3FA8];
	_ =	sdelay $0x3  }
0x36: {  	p1 =	seq.s32 s10, $0x1;
	s10 =	sld [smem:$0x3FA9];
	_ =	sdelay $0x3  }
0x37: {  	[smem:$0x3FA9] =	sst s10  }
0x38: {  	s10 =	sld [smem:$0x3FAA]  }
0x39: {  	_ = 	snop;
	(pc) =	sbr.ind lr, $3  }
0x3a: {  	_ = 	snop  }
0x3b: {  	_ = 	snop  }
0x3c: {  	p2 =	seq.s32 s10, $0x1;
	s10 =	sld [smem:$0x3FA9]  }
0x3d: {  	_ =	shalt  }
0x3e: {  	_ =	shalt  }
0x3f: {  	_ =	shalt  }
0x40: {  	_ =	shalt  }
0x41: {  	_ =	shalt  }
0x42: {  	_ =	shalt  }
0x43: {  	_ =	shalt  }
0x44: {  	_ =	shalt  }
0x45: {  	_ =	shalt  }
0x46: {  	_ =	shalt  }
0x47: {  	_ =	shalt  }
0x48: {  	_ =	shalt  }
0x49: {  	_ =	shalt  }
0x4a: {  	_ =	shalt  }
0x4b: {  	_ =	shalt  }
0x4c: {  	_ =	shalt  }
0x4d: {  	_ =	shalt  }
0x4e: {  	_ =	shalt  }
0x4f: {  	_ =	shalt  }
0x50: {  	_ =	shalt  }
0x51: {  	_ =	shalt  }
0x52: {  	_ =	shalt  }
0x53: {  	_ =	shalt  }
0x54: {  	_ =	shalt  }
0x55: {  	_ =	shalt  }
0x56: {  	_ =	shalt  }
0x57: {  	_ =	shalt  }
0x58: {  	_ =	shalt  }
0x59: {  	_ =	shalt  }
0x5a: {  	_ =	shalt  }
0x5b: {  	_ =	shalt  }
0x5c: {  	_ =	shalt  }
0x5d: {  	_ =	shalt  }
0x5e: {  	_ =	shalt  }
0x5f: {  	_ =	shalt  }
0x60: {  	_ =	shalt  }
0x61: {  	_ =	shalt  }
0x62: {  	_ =	shalt  }
0x63: {  	_ =	shalt  }
0x64: {  	_ =	shalt  }
0x65: {  	_ =	shalt  }
0x66: {  	_ =	shalt  }
0x67: {  	_ =	shalt  }
0x68: {  	_ =	shalt  }
0x69: {  	_ =	shalt  }
0x6a: {  	_ =	shalt  }
0x6b: {  	_ =	shalt  }
0x6c: {  	_ =	shalt  }
0x6d: {  	_ =	shalt  }
0x6e: {  	_ =	shalt  }
0x6f: {  	_ =	shalt  }
0x70: {  	_ =	shalt  }
0x71: {  	_ =	shalt  }
0x72: {  	_ =	shalt  }
0x73: {  	_ =	shalt  }
0x74: {  	_ =	shalt  }
0x75: {  	_ =	shalt  }
0x76: {  	_ =	shalt  }
0x77: {  	_ =	shalt  }
0x78: {  	_ =	shalt  }
0x79: {  	_ =	shalt  }
0x7a: {  	_ =	shalt  }
0x7b: {  	_ =	shalt  }
0x7c: {  	_ =	shalt  }
0x7d: {  	_ =	shalt  }
0x7e: {  	_ =	shalt  }
0x7f: {  	_ =	shalt  }
0x80: {  	_ =	shalt  }
0x81: {  	_ =	shalt  }
0x82: {  	_ =	shalt  }
0x83: {  	_ =	shalt  }
0x84: {  	_ =	shalt  }
0x85: {  	_ =	shalt  }
0x86: {  	_ =	shalt  }
0x87: {  	_ =	shalt  }
.Lfunc_end0:
.L_simem_size_0:
called_computation.3_lowered:
.L_overlay_start_0:
0x88: {  	s2 =	sld [smem:$0x3FD9]  }
0x89: {  	s3 =	sld [smem:$0x3FFE];
	_ =	sdelay $0x1  }
0x8a: {  	s1 =	srdreg.scid  }
0x8b: {  	s0 =	sand.u32 $0x1, s1  }
0x8c: {  	s17 =	sshll.u32 s0, $0xA;
	s2 =	sadd.s32 s3, s2  }
0x8d: {  	s2 =	sadd.s32 s2, s17  }
0x8e: {  	[smem:$0x3FB5] =	sst s2  }
0x8f: {  	_ = 	snop  }
0x90: {  	(tm) =	ssettm $0x1  }
0x91: {  	s18 =	sld [smem:$0x3FFB];
	_ =	sdelay $0x3  }
0x92: {  	_ =	strace s18  }
0x93: {  	s2 =	sld [smem:$0x3FFC];
	_ =	sdelay $0x3  }
0x94: {  	_ =	strace s2  }
0x95: {  	s2 =	sld [smem:$0x3FFD];
	_ =	sdelay $0x3  }
0x96: {  	_ =	strace s2  }
0x97: {  	_ =	strace $0x8FFFFFFF  }
0x98: {  	s19 =	sld [smem:$0x3FDB];
	_ =	sdelay $0x1  }
0x99: {  	s20 =	simm.s32 $_scs_section_size  }
0x9a: {  	s4 =	simm.s32 $_size__tile_overlayer_lowered;
	s5 =	simm.s32 $_tile_overlayer_lowered  }
0x9b: {  	s6 =	simm.s32 $0x1BFF;
	s21 =	sshll.u32 s5, $0x1;
	s3 =	sadd.s32 s20, s19  }
0x9c: {  	s22 =	simm.s32 $0x0;
	s4 =	sshll.u32 s4, $0x1;
	s5 =	sadd.s32 s21, s3  }
0x9d: {  	[timem:s22], [sflag:s6] =	dma.local [hbm:s5], s4  }
0x9e: {  	_ =	swait.ge [sflag:s6], s4  }
0x9f: {  	s4 =	ssub.s32 $0x0, s4;
	[sflag:s6] =	ssyncset.done $0x0  }
0xa0: {  	[sflag:s6] =	ssyncadd.s32 s4;
	_ =	sdelay $0x1  }
0xa1: {  	s23 =	simm.s32 $0x1B8B  }
0xa2: {  	_ =	swait.ge [sflag:s23], $0x1  }
0xa3: {  	[sflag:s23] =	ssyncset.done $0x0  }
0xa4: {  	[sflag:s23] =	ssyncadd.s32 $0xFFFFFFFF  }
0xa5: {  	s4 =	sld [smem:$0x0]  }
0xa6: {  	s5 =	sand.u32 $0xFFFFFFFE, s1  }
0xa7: {  	p0 =	sne.s32 s1, s5  }
0xa8: {  	s5 =	sshll.u32 @p0 s5, $0xE  }
0xa9: {  	s5 =	sadd.s32 @p0 $0x11B8D, s5;
	s6 =	sshll.u32 @p0 s4, $0x11  }
0xaa: {  	s5 =	sor.u32 @p0 s6, s5  }
0xab: {  	[sflag:s5] =	ssyncadd.remote.s32 @p0 $0x1;
	_ =	sdelay $0x1  }
0xac: {  	s5 =	simm.s32 @p0 $0x1B8D  }
0xad: {  	_ =	swait.eq @p0 [sflag:s5], $0x1  }
0xae: {  	[sflag:s5] =	ssyncadd.s32 @p0 $0xFFFFFFFF  }
0xaf: {  	s6 =	sshll.u32 @!p0 s1, $0xE  }
0xb0: {  	s6 =	sor.u32 @!p0 $0x4000, s6;
	s5 =	simm.s32 @!p0 $0x1B8D  }
0xb1: {  	s4 =	sshll.u32 @!p0 s4, $0x11;
	s6 =	sadd.s32 @!p0 $0x11B8D, s6;
	_ =	swait.eq @!p0 [sflag:s5], $0x1  }
0xb2: {  	s4 =	sor.u32 @!p0 s4, s6;
	[sflag:s5] =	ssyncadd.s32 @!p0 $0xFFFFFFFF  }
0xb3: {  	s25 =	simm.s32 $0x1B8E;
	s24 =	sld [smem:$0x3FFE];
	[sflag:s4] =	ssyncadd.remote.s32 @!p0 $0x1  }
0xb4: {  	s26 =	simm.s32 $execute0_lowered;
	[smem:$0x3FD2] =	sst s25  }
0xb5: {  	s5 =	sshll.u32 s26, $0x1;
	_ =	strace $0x8000004C;
	[dreg:$0x1] =	wrdreg $0xFFFFFFFF  }
0xb6: {  	s28 =	simm.s32 $_size_execute0_lowered;
	s3 =	sadd.s32 s3, s5;
	[dreg:$0x0] =	wrdreg $0x0  }
0xb7: {  	s5 =	sshll.u32 s28, $0x1;
	[dreg:$0x2] =	wrdreg s3  }
0xb8: {  	[dreg:$0x3] =	wrdreg s5  }
0xb9: {  	[dreg:$0x4] =	wrdreg $0xC0  }
0xba: {  	_ =	task [dreg:s22], $0x5FFFF  }
0xbb: {  	[dreg:$0x1] =	wrdreg $0xFFFFFFFF  }
0xbc: {  	[dreg:$0x0] =	wrdreg $0x60  }
0xbd: {  	[dreg:$0x2] =	wrdreg s24  }
0xbe: {  	[dreg:$0x3] =	wrdreg $0x81000  }
0xbf: {  	[dreg:$0x4] =	wrdreg $0xA  }
0xc0: {  	_ =	task.clear_ibuf [dreg:s22], $0x5FFFF;
	_ =	strace $0x9000004C  }
0xc1: {  	s29 =	simm.s32 $0xA;
	_ =	strace $0x8000004E  }
0xc2: {  	_ =	swait.ge [sflag:s29], $0x1  }
0xc3: {  	[sflag:s29] =	ssyncadd.s32 $0xFFFFFFFF  }
0xc4: {  	_ =	strace $0x9000004E  }
0xc5: {  	_ =	sfence  }
0xc6: {  	s30 =	sld [smem:$0x0];
	_ =	sdelay $0x2  }
0xc7: {  	s31 =	sshll.u32 s1, $0xD;
	s1 =	sshrl.u32 s1, $0x2  }
0xc8: {  	s4 =	sand.u32 $0x4000, s31;
	s1 =	sadd.s32 s1, s30  }
0xc9: {  	s0 =	sor.u32 s4, s0;
	s1 =	sshll.u32 s1, $0x11  }
0xca: {  	s0 =	sor.u32 s1, s0  }
0xcb: {  	s0 =	sadd.s32 $0x8F2B, s0  }
0xcc: {  	[sflag:s0] =	ssyncadd.remote.s32 $0x1  }
0xcd: {  	_ =	sfence.sel $0xFFFF  }
0xce: {  	[dreg:$0x0] =	wrdreg $0xFFFFFFFF;
	(pc) =	sbr.abs _section_cstart, $3  }
0xcf: {  	[dreg:$0x1] =	wrdreg $0xFFFFFFFF  }
0xd0: {  	_ =	task.clear_ibuf [dreg:s22], $0x2FFFF;
	_ =	strace $0x9FFFFFFF  }
0xd1: {  	(tm) =	ssettm $0x7FFFFFFF  }
tec
execute0_lowered:
.L_overlay_start_1:
0x0: {  	(tag) =	ssettag $0x1  }
0x1: {  	s25 =	stileid.u32  }
0x2: {  	s18 =	smul.u32 $0x2800, s25  }
0x3: {  	s5 =	rddreg [dreg:$0x0];
	s9 =	smul.u32 $0x28, s25  }
0x4: {  	s0 =	srdreg.scid;
	s10 =	smul.u32 $0x50000, s25  }
0x5: {  	s2 =	rddreg [dreg:$0x1];
	s3 =	simm.s32 $0x0;
	s30 =	smul.u32 $0x280, s25  }
0x6: {  	s6 =	sand.u32 $0x1, s0;
	[smem:$0x7FF] =	sst s3;
	s15 =	smul.u32 $0x14000, s25  }
0x7: {  	s29 =	sshll.u32 s25, $0x6;
	p0 =	seq.s32 s25, $0xF;
	s4 =	smul.u32 $0x139000, s6  }
0x8: {  	s7 =	smul.u32 $0x28000, s6;
	_ =	strace $0x8000004D;
	s6 =	ssub.s32 $0x2, s6  }
0x9: {  	s11 =	sadd.s32 s18, s5;
	s26 =	sshrl.u32 s6, $0x1;
	s28 =	sshrl.u32 s10, $0x2  }
0xa: {  	s20 =	sadd.s32 $0x13800, s15;
	s16 =	sor.u32 $0x800, s15;
	s10 =	sadd.s32 $0x2700, s30  }
0xb: {  	s8 =	sadd.s32 s4, s5;
	s4 =	sadd.s32 $0x14600, s5;
	s12 =	sadd.s32 s7, s5  }
0xc: {  	s13 =	ssub.s32 s6, s26;
	s5 =	sadd.s32 $0x270, s9;
	s14 =	sadd.s32 s28, s2  }
0xd: {  	s6 =	sadd.s32 $0x1A600, s11;
	s7 =	sor.u32 $0x1C03, s29;
	s17 =	sadd.s32 $0x781600, s8  }
0xe: {  	s19 =	sadd.s32 $0x42600, s12;
	s31 =	sadd.s32 s30, s4;
	s8 =	smax.u32 s13, $0x1  }
0xf: {  	s11 =	sshrl.u32 s14, $0x3;
	s12 =	simm.s32 $0x3;
	s9 =	sadd.s32 $0x2960, s31  }
0x10: {  	s13 =	sadd.s32 s15, s17;
	s15 =	sadd.s32 s17, s16;
	s16 =	simm.s32 $0x4  }
0x11: {  	s17 =	sadd.s32 @!p0 s17, s20;
	s18 =	sadd.s32 s18, s19;
	s19 =	simm.s32 $0x0  }
.LBB2_1:
0x12: {  	[spmem:s11], [sflag:s7] =	dma.local [hbm:s6], $0x2800  }
0x13: {  	_ =	swait.ge [sflag:s12], $0x2800  }
0x14: {  	s0 =	simm.s32 $0x100;
	p1 =	sgt.u32 s5, $0x4E1;
	[sflag:s12] =	ssyncset.done $0x0  }
0x15: {  	s20 =	sadd.s32 $0x0, s10;
	s22 =	sand.u32 $0x60, s3;
	[sflag:s12] =	ssyncadd.s32 $0xFFFFD800  }
0x16: {  	p2 =	por p1, p1;
	s20 =	sand.u32 $0xFF80, s20;
	[bflag:$0x0] =	sbarrier.arrive $0xFFFF  }
0x17: {  	[tilespmem:s0], [sflag:$0x1] =	stream.linear.gather [hbm4b:s13+s3], $0x4000, $0x38;
	[tilespmem:$0x1C100] =	vst v63  }
0x18: {  	s22 =	sadd.s32 s4, s22;
	s25 =	simm.s32 @!p2 $0x0;
	s21 =	simm.s32 @!p2 $0x4100  }
0x19: {  	[tilespmem:s21], [sflag:$0x2] =	stream.linear.gather @!p2 [hbm4b:s15+s25], $0x4000, $0x38;
	[tilespmem:$0x1C100] =	vst v63  }
0x1a: {  	s20 =	sadd.s32 s20, s22  }
0x1b: {  	[tilespmem:s3], [sflag:$0x4] =	stream.linear.gather [hbm4b:s20+s3], $0x100, $0x38;
	[tilespmem:$0x1C100] =	vst v63  }
0x1c: {  	_ =	swait.ge [sflag:s16], $0x100  }
0x1d: {  	s23 =	simm.s32 @!p1 $0x3;
	p1 =	por p2, p2;
	[sflag:s16] =	ssyncset.done $0x0  }
0x1e: {  	s28 =	simm.s32 $0x20;
	s20 =	simm.s32 @!p1 $0x1;
	[sflag:s16] =	ssyncadd.s32 $0xFFFFFF00  }
0x1f: {  	s24 =	sadd.s32 $0x2, s5;
	s31 =	sadd.s32 $0x20, s10;
	_ =	swait.ge @!p1 [sflag:s20], $0x4000  }
0x20: {  	p3 =	sgt.u32 @!p2 s5, $0x4DF;
	s22 =	simm.s32 @!p1 $0x4;
	[sflag:s20] =	ssyncset.done @!p1 $0x0  }
0x21: {  	s29 =	simm.s32 @!p1 $0x80;
	s26 =	simm.s32 @!p1 $0x100;
	[sflag:s20] =	ssyncadd.s32 @!p1 $0xFFFFC000  }
0x22: {  	[spmem:s2] =	stream.indirect.scatter.add.f32 @!p1 [tilespmem:s26], [sflag:$0x4], $0x80, s25, s29, $0xb8;
	[tilespmem:$0x1C100] =	vst v63  }
0x23: {  	p3 =	por p3, p1;
	s0 =	simm.s32 @!p1 $0x2;
	_ =	swait.ge @!p1 [sflag:s22], $0x4000  }
0x24: {  	p2 =	sgt.u32 s24, $0x4E1;
	s25 =	simm.s32 @!p3 $0x100;
	[sflag:s22] =	ssyncset.done @!p1 $0x0  }
0x25: {  	s26 =	simm.s32 @!p3 $0x0;
	[sflag:s22] =	ssyncadd.s32 @!p1 $0xFFFFC000;
	s22 =	sadd.s32 @!p3 $0x800, s15  }
0x26: {  	[tilespmem:s25], [sflag:$0x1] =	stream.linear.gather @!p3 [hbm4b:s22+s26], $0x4000, $0x38;
	[tilespmem:$0x1C100] =	vst v63  }
0x27: {  	s30 =	sand.u32 $0x60, s28;
	s20 =	simm.s32 @!p2 $0x3;
	_ =	swait.ge @!p1 [sflag:s0], $0x4000  }
0x28: {  	p2 =	por p2, p2;
	s25 =	simm.s32 $0x40;
	[sflag:s0] =	ssyncset.done @!p1 $0x0  }
0x29: {  	s26 =	sadd.s32 $0x2, s24;
	s22 =	sadd.s32 $0x1000, s15;
	[sflag:s0] =	ssyncadd.s32 @!p1 $0xFFFFC000  }
.LBB2_2:
0x2a: {  	[spmem:s2] =	stream.indirect.scatter.add.f32 @!p1 [tilespmem:s21], [sflag:$0x3], $0x80, s29, s29, $0xb8;
	[tilespmem:$0x1C100] =	vst v63  }
0x2b: {  	s28 =	smov.u32 s25  }
0x2c: {  	s0 =	simm.s32 @!p2 $0x0;
	s21 =	simm.s32 @!p2 $0x4100;
	_ =	swait.ge @!p1 [sflag:s23], $0x4000  }
0x2d: {  	s29 =	sand.u32 $0xFF80, s31;
	p4 =	sgt.u32 @!p2 s24, $0x4DF;
	[sflag:s23] =	ssyncset.done @!p1 $0x0  }
0x2e: {  	p5 =	sgt.u32 s26, $0x4E1;
	s24 =	sadd.s32 s4, s30;
	[sflag:s23] =	ssyncadd.s32 @!p1 $0xFFFFC000  }
0x2f: {  	s25 =	sadd.s32 $0x20, s25;
	s30 =	simm.s32 @!p5 $0x3;
	s24 =	sadd.s32 s29, s24  }
0x30: {  	[tilespmem:s21], [sflag:$0x2] =	stream.linear.gather @!p2 [hbm4b:s22+s0], $0x4000, $0x38;
	[tilespmem:$0x1C100] =	vst v63  }
0x31: {  	p3 =	sne.s32 s25, $0x260;
	s23 =	smov.u32 s20;
	s20 =	smov.u32 s30  }
0x32: {  	[tilespmem:s3], [sflag:$0x4] =	stream.linear.gather [hbm4b:s24+s3], $0x100, $0x38;
	[tilespmem:$0x1C100] =	vst v63  }
0x33: {  	p1 =	por p2, p2;
	s24 =	smov.u32 s26;
	_ =	swait.ge [sflag:s16], $0x100  }
0x34: {  	s30 =	simm.s32 @!p1 $0x1;
	s31 =	simm.s32 @!p1 $0x4;
	[sflag:s16] =	ssyncset.done $0x0  }
0x35: {  	s29 =	simm.s32 @!p1 $0x80;
	s1 =	simm.s32 @!p1 $0x100;
	[sflag:s16] =	ssyncadd.s32 $0xFFFFFF00  }
0x36: {  	p4 =	por p4, p1;
	p2 =	por p5, p5;
	_ =	swait.ge @!p1 [sflag:s30], $0x4000  }
0x37: {  	[sflag:s30] =	ssyncset.done @!p1 $0x0  }
0x38: {  	s14 =	simm.s32 @!p1 $0x2;
	[sflag:s30] =	ssyncadd.s32 @!p1 $0xFFFFC000;
	s30 =	simm.s32 @!p4 $0x100  }
0x39: {  	[spmem:s2] =	stream.indirect.scatter.add.f32 @!p1 [tilespmem:s1], [sflag:$0x4], $0x80, s0, s29, $0xb8;
	[tilespmem:$0x1C100] =	vst v63  }
0x3a: {  	_ =	swait.ge @!p1 [sflag:s31], $0x4000  }
0x3b: {  	s0 =	sadd.s32 @!p4 $0x800, s22;
	[sflag:s31] =	ssyncset.done @!p1 $0x0  }
.Ltmp0:
0x3c: {  	s1 =	simm.s32 @!p4 $0x0;
	[sflag:s31] =	ssyncadd.s32 @!p1 $0xFFFFC000;
	(pc) =	sbr.rel @p3 .LBB2_2-.Ltmp0, $4  }
0x3d: {  	[tilespmem:s30], [sflag:$0x1] =	stream.linear.gather @!p4 [hbm4b:s0+s1], $0x4000, $0x38;
	[tilespmem:$0x1C100] =	vst v63  }
0x3e: {  	_ =	swait.ge @!p1 [sflag:s14], $0x4000  }
0x3f: {  	s26 =	sadd.s32 $0x2, s26;
	s22 =	sadd.s32 $0x1000, s22;
	[sflag:s14] =	ssyncset.done @!p1 $0x0  }
0x40: {  	s31 =	sadd.s32 s28, s10;
	s30 =	sand.u32 $0x60, s28;
	[sflag:s14] =	ssyncadd.s32 @!p1 $0xFFFFC000  }
0x41: {  	[spmem:s2] =	stream.indirect.scatter.add.f32 @!p1 [tilespmem:s21], [sflag:$0x3], $0x80, s29, s29, $0xb8;
	[tilespmem:$0x1C100] =	vst v63  }
0x42: {  	_ =	swait.ge @!p1 [sflag:s23], $0x4000  }
0x43: {  	s0 =	simm.s32 @!p2 $0x0;
	s1 =	simm.s32 @!p2 $0x4100;
	[sflag:s23] =	ssyncset.done @!p1 $0x0  }
0x44: {  	s14 =	sand.u32 $0xFF80, s31;
	s31 =	sadd.s32 s4, s30;
	[sflag:s23] =	ssyncadd.s32 @!p1 $0xFFFFC000  }
0x45: {  	[tilespmem:s1], [sflag:$0x2] =	stream.linear.gather @!p2 [hbm4b:s22+s0], $0x4000, $0x38;
	[tilespmem:$0x1C100] =	vst v63  }
0x46: {  	s14 =	sadd.s32 s14, s31  }
0x47: {  	[tilespmem:s3], [sflag:$0x4] =	stream.linear.gather [hbm4b:s14+s3], $0x100, $0x38;
	[tilespmem:$0x1C100] =	vst v63  }
0x48: {  	_ =	swait.ge [sflag:s16], $0x100  }
0x49: {  	p1 =	por p2, p2;
	[sflag:s16] =	ssyncset.done $0x0  }
0x4a: {  	s14 =	simm.s32 @!p1 $0x1;
	[sflag:s16] =	ssyncadd.s32 $0xFFFFFF00  }
0x4b: {  	_ =	swait.ge @!p1 [sflag:s14], $0x4000  }
0x4c: {  	p2 =	sgt.u32 @!p2 s24, $0x4DF;
	s21 =	simm.s32 @!p1 $0x4;
	[sflag:s14] =	ssyncset.done @!p1 $0x0  }
0x4d: {  	s23 =	simm.s32 @!p1 $0x80;
	s24 =	simm.s32 @!p1 $0x100;
	[sflag:s14] =	ssyncadd.s32 @!p1 $0xFFFFC000  }
0x4e: {  	[spmem:s2] =	stream.indirect.scatter.add.f32 @!p1 [tilespmem:s24], [sflag:$0x4], $0x80, s0, s23, $0xb8;
	[tilespmem:$0x1C100] =	vst v63  }
0x4f: {  	p2 =	por p2, p1;
	_ =	swait.ge @!p1 [sflag:s21], $0x4000  }
0x50: {  	s14 =	simm.s32 @!p1 $0x2;
	s0 =	simm.s32 @!p2 $0x100;
	[sflag:s21] =	ssyncset.done @!p1 $0x0  }
0x51: {  	[sflag:s21] =	ssyncadd.s32 @!p1 $0xFFFFC000;
	s21 =	sadd.s32 @!p2 $0x800, s22;
	s22 =	simm.s32 @!p2 $0x0  }
0x52: {  	[tilespmem:s0], [sflag:$0x1] =	stream.linear.gather @!p2 [hbm4b:s21+s22], $0x4000, $0x38;
	[tilespmem:$0x1C100] =	vst v63  }
0x53: {  	_ =	swait.ge @!p1 [sflag:s14], $0x4000  }
0x54: {  	[sflag:s14] =	ssyncset.done @!p1 $0x0  }
0x55: {  	[sflag:s14] =	ssyncadd.s32 @!p1 $0xFFFFC000  }
0x56: {  	[spmem:s2] =	stream.indirect.scatter.add.f32 @!p1 [tilespmem:s1], [sflag:$0x3], $0x80, s23, s23, $0xb8;
	[tilespmem:$0x1C100] =	vst v63  }
0x57: {  	_ =	swait.ge @!p1 [sflag:s20], $0x4000  }
0x58: {  	[sflag:s20] =	ssyncset.done @!p1 $0x0  }
0x59: {  	s0 =	simm.s32 @p0 $0x0;
	[sflag:s20] =	ssyncadd.s32 @!p1 $0xFFFFC000  }
0x5a: {  	[tilespmem:s0], [sflag:$0x4] =	stream.linear.gather @p0 [hbm4b:s9+s0], $0x100, $0x38;
	[tilespmem:$0x1C100] =	vst v63  }
0x5b: {  	s0 =	simm.s32 @p0 $0x4  }
0x5c: {  	_ =	swait.ge @p0 [sflag:s0], $0x100  }
0x5d: {  	[sflag:s0] =	ssyncset.done @p0 $0x0  }
0x5e: {  	s1 =	simm.s32 @!p0 $0x4100;
	[sflag:s0] =	ssyncadd.s32 @p0 $0xFFFFFF00;
	s0 =	simm.s32 @!p0 $0x0  }
0x5f: {  	[tilespmem:s1], [sflag:$0x2] =	stream.linear.gather @!p0 [hbm4b:s17+s0], $0x4000, $0x38;
	[tilespmem:$0x1C100] =	vst v63  }
0x60: {  	s14 =	simm.s32 @!p0 $0x4  }
0x61: {  	[tilespmem:s0], [sflag:$0x4] =	stream.linear.gather @!p0 [hbm4b:s9+s0], $0x100, $0x38;
	[tilespmem:$0x1C100] =	vst v63  }
0x62: {  	_ =	swait.ge @!p0 [sflag:s14], $0x100  }
0x63: {  	[sflag:s14] =	ssyncset.done @!p0 $0x0  }
0x64: {  	s20 =	simm.s32 @!p0 $0x1;
	[sflag:s14] =	ssyncadd.s32 @!p0 $0xFFFFFF00  }
0x65: {  	_ =	swait.ge @!p0 [sflag:s20], $0x4000  }
0x66: {  	[sflag:s20] =	ssyncset.done @!p0 $0x0  }
0x67: {  	s21 =	simm.s32 @!p0 $0x100;
	[sflag:s20] =	ssyncadd.s32 @!p0 $0xFFFFC000;
	s20 =	simm.s32 @!p0 $0x80  }
0x68: {  	[spmem:s2] =	stream.indirect.scatter.add.f32 @!p0 [tilespmem:s21], [sflag:$0x4], $0x80, s0, s20, $0xb8;
	[tilespmem:$0x1C100] =	vst v63  }
0x69: {  	_ =	swait.ge @!p0 [sflag:s14], $0x4000  }
0x6a: {  	[sflag:s14] =	ssyncset.done @!p0 $0x0  }
0x6b: {  	s0 =	simm.s32 @!p0 $0x2;
	[sflag:s14] =	ssyncadd.s32 @!p0 $0xFFFFC000  }
0x6c: {  	_ =	swait.ge @!p0 [sflag:s0], $0x4000  }
0x6d: {  	[sflag:s0] =	ssyncset.done @!p0 $0x0  }
0x6e: {  	[sflag:s0] =	ssyncadd.s32 @!p0 $0xFFFFC000;
	s0 =	simm.s32 @!p0 $0x3  }
0x6f: {  	[spmem:s2] =	stream.indirect.scatter.add.f32 @!p0 [tilespmem:s1], [sflag:$0x3], $0x80, s20, s20, $0xb8;
	[tilespmem:$0x1C100] =	vst v63  }
0x70: {  	_ =	swait.ge @!p0 [sflag:s0], $0x4000  }
0x71: {  	s19 =	sadd.s32 $0x1, s19;
	[sflag:s0] =	ssyncset.done @!p0 $0x0  }
0x72: {  	p1 =	sne.s32 s19, s8;
	[sflag:s0] =	ssyncadd.s32 @!p0 $0xFFFFC000  }
.Ltmp1:
0x73: {  	[bflag:$0x0] =	sbarrier.arrive $0xFFFF;
	(pc) =	sbr.rel @p1 .LBB2_1-.Ltmp1, $4  }
0x74: {  	[hbm:s18], [sflag:s7] =	dma.local [spmem:s11], $0x2800  }
0x75: {  	_ =	swait.ge [sflag:s12], $0x2800  }
0x76: {  	[sflag:s12] =	ssyncset.done $0x0  }
0x77: {  	[sflag:s12] =	ssyncadd.s32 $0xFFFFD800  }
0x78: {  	_ =	sfence.sel $0x180000  }
0x79: {  	[bflag:$0x0] =	sbarrier.arrive $0xFFFF  }
0x7a: {  	_ =	strace $0x9000004D  }
0x7b: {  	s0 =	stileid.u32;
	[bflag:$0x2] =	sbarrier.arrive $0xFFFF  }
0x7c: {  	p0 =	sne.s32 s0, $0x0;
	s0 =	rddreg [dreg:$0x2]  }
0x7d: {  	s0 =	sadd.s32 @!p0 $0x100000, s0  }
0x7e: {  	[sflag:s0] =	ssyncadd.tile.s32 @!p0 $0x1;
	_ =	shalt  }
.Lfunc_end2:
_tile_overlayer_lowered:
.L_overlay_start_2:
0x7f: {  	(tag) =	ssettag $0x2  }
0x80: {  	s0 =	rddreg [dreg:$0x0];
	s2 =	stileid.u32  }
0x81: {  	s1 =	rddreg [dreg:$0x1];
	p0 =	sne.s32 s2, $0x0  }
0x82: {  	s3 =	rddreg [dreg:$0x2];
	[bflag:$0x3] =	sbarrier.arrive $0xFFFF;
	s2 =	simm.s32 @!p0 $0x1C03  }
0x83: {  	[timem:s3], [sflag:s2] =	dma.local @!p0 [hbm:s0], s1  }
0x84: {  	s0 =	simm.s32 @!p0 $0x3  }
0x85: {  	_ =	swait.ge @!p0 [sflag:s0], s1  }
0x86: {  	s1 =	ssub.s32 @!p0 $0x0, s1;
	[sflag:s0] =	ssyncset.done @!p0 $0x0  }
0x87: {  	[sflag:s0] =	ssyncadd.s32 @!p0 s1  }
0x88: {  	[bflag:$0x3] =	sbarrier.arrive $0xFFFF  }
0x89: {  	_ =	shalt  }

// kernel: kernel.24.cloned.1.call-start
scs
__scs_entry_jumppad:
0x0: {  	(pc) =	sbr.rel $0x88, $3  }
0x1: {  	(tag) =	ssettag $0x0;
	lr =	simm.s32 $0x1  }
0x2: {  	[smem:$0x3F8E] =	sst lr;
	_ =	strace $0xD0000000  }
0x3: {  	_ = 	snop  }
0x4: {  	_ = 	snop  }
0x5: {  	_ = 	snop  }
0x6: {  	_ = 	snop  }
0x7: {  	_ = 	snop  }
__scs_overlays_trampoline_lowered:
0x8: {  	[smem:$0x3F9D] =	sst s0  }
0x9: {  	[smem:$0x3F9E] =	sst s1  }
0xa: {  	[smem:$0x3F9F] =	sst s2  }
0xb: {  	[smem:$0x3FA0] =	sst s3  }
0xc: {  	[smem:$0x3FA1] =	sst s4  }
0xd: {  	[smem:$0x3FA2] =	sst s5  }
0xe: {  	[smem:$0x3FA3] =	sst s6  }
0xf: {  	[smem:$0x3FA4] =	sst s7  }
0x10: {  	[smem:$0x3FA5] =	sst s8  }
0x11: {  	[smem:$0x3FA6] =	sst s9;
	s0 =	simm.s32 @!p0 $0x0  }
0x12: {  	s1 =	sld [smem:$0x3F8C];
	s0 =	simm.s32 @p0 $0x1  }
0x13: {  	[smem:$0x3FA7] =	sst s0;
	s0 =	simm.s32 @!p1 $0x0  }
0x14: {  	s2 =	sld [smem:$0x3F8B];
	s0 =	simm.s32 @p1 $0x1  }
0x15: {  	[smem:$0x3FA8] =	sst s0;
	s0 =	simm.s32 @!p2 $0x0  }
0x16: {  	s3 =	sld [smem:$0x3FDB];
	s0 =	simm.s32 @p2 $0x1  }
0x17: {  	s4 =	simm.s32 $0x1BF5;
	[smem:$0x3FAA] =	sst s0  }
0x18: {  	s0 =	sld [smem:$0x3F8D];
	_ =	swait.ge [sflag:s4], $0x0  }
0x19: {  	s7 =	sld [smem:$0x3F8E]  }
0x1a: {  	s8 =	sadd.s32 $0xFFFFE003, lr  }
0x1b: {  	s9 =	sadd.s32 $0xFFFFFEF7, lr;
	s5 =	simm.s32 $0xFFFFFFFF;
	p2 =	slt.u32 s8, $0xFFFFF086  }
0x1c: {  	p1 =	slt.u32 s9, $0xF7A;
	s5 =	simm.s32 @!p2 $0x0  }
0x1d: {  	s5 =	simm.s32 @p1 $0x1;
	p0 =	seq.s32 s7, s2  }
0x1e: {  	s7 =	smul.u32 @!p0 $0xF7A, s2;
	p2 =	seq.s32 @!p0 s5, $0x0  }
0x1f: {  	s9 =	smul.u32 $0xF7A, s1;
	s8 =	simm.s32 @!p0 $0x1BF5;
	p2 =	por !p2, p0  }
0x20: {  	[sflag:s8] =	ssyncset.s32 @!p0 $0xFFFFF086;
	s6 =	sadd.s32 @!p0 s3, s7;
	s7 =	simm.s32 @!p0 $0x108  }
0x21: {  	s3 =	sadd.s32 s3, s9;
	s6 =	sadd.s32 @!p0 $0x88, s6;
	s7 =	simm.s32 @p2 $0x1082  }
0x22: {  	[simem:s7], [sflag:s8] =	dma.local @!p0 [hbm:s6], $0xF7A  }
0x23: {  	s9 =	sor.u32 $0xD0000000, s2;
	s6 =	simm.s32 $0x108;
	_ =	swait.ge @!p0 [sflag:s8], $0x0  }
0x24: {  	s3 =	sadd.s32 $0x88, s3;
	s6 =	simm.s32 @!p1 $0x1082;
	[sflag:s4] =	ssyncset.s32 $0xFFFFF086  }
0x25: {  	[simem:s6], [sflag:s4] =	dma.local [hbm:s3], $0xF7A  }
0x26: {  	[smem:$0x3F8E] =	sst s1;
	(tag) =	ssettag s2;
	_ =	strace s9  }
0x27: {  	s1 =	sld [smem:$0x3F9E]  }
0x28: {  	s2 =	sld [smem:$0x3F9F]  }
0x29: {  	s4 =	sld [smem:$0x3FA1]  }
0x2a: {  	p0 =	seq.s32 s5, $0x0;
	s5 =	sld [smem:$0x3FA2]  }
0x2b: {  	s6 =	sld [smem:$0x3FA3]  }
0x2c: {  	s7 =	sld [smem:$0x3FA4]  }
0x2d: {  	s3 =	simm.s32 $0x108;
	s8 =	sld [smem:$0x3FA5]  }
0x2e: {  	s3 =	simm.s32 @!p0 $0x1082;
	s9 =	sld [smem:$0x3FA6]  }
0x2f: {  	lr =	sadd.s32 s0, s3;
	s0 =	sld [smem:$0x3F9D]  }
0x30: {  	s3 =	sld [smem:$0x3FA0]  }
0x31: {  	[smem:$0x3FA9] =	sst s10  }
0x32: {  	s10 =	sld [smem:$0x3FA7];
	_ =	sdelay $0x3  }
0x33: {  	p0 =	seq.s32 s10, $0x1;
	s10 =	sld [smem:$0x3FA9];
	_ =	sdelay $0x3  }
0x34: {  	[smem:$0x3FA9] =	sst s10  }
0x35: {  	s10 =	sld [smem:$0x3FA8];
	_ =	sdelay $0x3  }
0x36: {  	p1 =	seq.s32 s10, $0x1;
	s10 =	sld [smem:$0x3FA9];
	_ =	sdelay $0x3  }
0x37: {  	[smem:$0x3FA9] =	sst s10  }
0x38: {  	s10 =	sld [smem:$0x3FAA]  }
0x39: {  	_ = 	snop;
	(pc) =	sbr.ind lr, $3  }
0x3a: {  	_ = 	snop  }
0x3b: {  	_ = 	snop  }
0x3c: {  	p2 =	seq.s32 s10, $0x1;
	s10 =	sld [smem:$0x3FA9]  }
0x3d: {  	_ =	shalt  }
0x3e: {  	_ =	shalt  }
0x3f: {  	_ =	shalt  }
0x40: {  	_ =	shalt  }
0x41: {  	_ =	shalt  }
0x42: {  	_ =	shalt  }
0x43: {  	_ =	shalt  }
0x44: {  	_ =	shalt  }
0x45: {  	_ =	shalt  }
0x46: {  	_ =	shalt  }
0x47: {  	_ =	shalt  }
0x48: {  	_ =	shalt  }
0x49: {  	_ =	shalt  }
0x4a: {  	_ =	shalt  }
0x4b: {  	_ =	shalt  }
0x4c: {  	_ =	shalt  }
0x4d: {  	_ =	shalt  }
0x4e: {  	_ =	shalt  }
0x4f: {  	_ =	shalt  }
0x50: {  	_ =	shalt  }
0x51: {  	_ =	shalt  }
0x52: {  	_ =	shalt  }
0x53: {  	_ =	shalt  }
0x54: {  	_ =	shalt  }
0x55: {  	_ =	shalt  }
0x56: {  	_ =	shalt  }
0x57: {  	_ =	shalt  }
0x58: {  	_ =	shalt  }
0x59: {  	_ =	shalt  }
0x5a: {  	_ =	shalt  }
0x5b: {  	_ =	shalt  }
0x5c: {  	_ =	shalt  }
0x5d: {  	_ =	shalt  }
0x5e: {  	_ =	shalt  }
0x5f: {  	_ =	shalt  }
0x60: {  	_ =	shalt  }
0x61: {  	_ =	shalt  }
0x62: {  	_ =	shalt  }
0x63: {  	_ =	shalt  }
0x64: {  	_ =	shalt  }
0x65: {  	_ =	shalt  }
0x66: {  	_ =	shalt  }
0x67: {  	_ =	shalt  }
0x68: {  	_ =	shalt  }
0x69: {  	_ =	shalt  }
0x6a: {  	_ =	shalt  }
0x6b: {  	_ =	shalt  }
0x6c: {  	_ =	shalt  }
0x6d: {  	_ =	shalt  }
0x6e: {  	_ =	shalt  }
0x6f: {  	_ =	shalt  }
0x70: {  	_ =	shalt  }
0x71: {  	_ =	shalt  }
0x72: {  	_ =	shalt  }
0x73: {  	_ =	shalt  }
0x74: {  	_ =	shalt  }
0x75: {  	_ =	shalt  }
0x76: {  	_ =	shalt  }
0x77: {  	_ =	shalt  }
0x78: {  	_ =	shalt  }
0x79: {  	_ =	shalt  }
0x7a: {  	_ =	shalt  }
0x7b: {  	_ =	shalt  }
0x7c: {  	_ =	shalt  }
0x7d: {  	_ =	shalt  }
0x7e: {  	_ =	shalt  }
0x7f: {  	_ =	shalt  }
0x80: {  	_ =	shalt  }
0x81: {  	_ =	shalt  }
0x82: {  	_ =	shalt  }
0x83: {  	_ =	shalt  }
0x84: {  	_ =	shalt  }
0x85: {  	_ =	shalt  }
0x86: {  	_ =	shalt  }
0x87: {  	_ =	shalt  }
.Lfunc_end0:
.L_simem_size_0:
called_computation.4_lowered:
.L_overlay_start_0:
0x88: {  	s2 =	sld [smem:$0x3FD9]  }
0x89: {  	s3 =	sld [smem:$0x3FFE];
	_ =	sdelay $0x1  }
0x8a: {  	s1 =	srdreg.scid  }
0x8b: {  	s0 =	sand.u32 $0x1, s1  }
0x8c: {  	s16 =	sshll.u32 s0, $0xA;
	s2 =	sadd.s32 s3, s2  }
0x8d: {  	s2 =	sadd.s32 s2, s16  }
0x8e: {  	[smem:$0x3FB5] =	sst s2  }
0x8f: {  	_ = 	snop  }
0x90: {  	(tm) =	ssettm $0x1  }
0x91: {  	s17 =	sld [smem:$0x3FFB];
	_ =	sdelay $0x3  }
0x92: {  	_ =	strace s17  }
0x93: {  	s2 =	sld [smem:$0x3FFC];
	_ =	sdelay $0x3  }
0x94: {  	_ =	strace s2  }
0x95: {  	s2 =	sld [smem:$0x3FFD];
	_ =	sdelay $0x3  }
0x96: {  	_ =	strace s2  }
0x97: {  	_ =	strace $0x8FFFFFFF  }
0x98: {  	s18 =	sld [smem:$0x3FDB];
	_ =	sdelay $0x1  }
0x99: {  	s19 =	simm.s32 $_scs_section_size  }
0x9a: {  	s4 =	simm.s32 $_size__tile_overlayer_lowered;
	s5 =	simm.s32 $_tile_overlayer_lowered  }
0x9b: {  	s22 =	simm.s32 $0x1BFF;
	s21 =	sshll.u32 s5, $0x1;
	s2 =	sadd.s32 s19, s18  }
0x9c: {  	s6 =	simm.s32 $0x0;
	s20 =	sshll.u32 s4, $0x1;
	s4 =	sadd.s32 s21, s2  }
0x9d: {  	[timem:s6], [sflag:s22] =	dma.local [hbm:s4], s20  }
0x9e: {  	_ =	swait.ge [sflag:s22], s20  }
0x9f: {  	s3 =	ssub.s32 $0x0, s20;
	[sflag:s22] =	ssyncset.done $0x0  }
0xa0: {  	[sflag:s22] =	ssyncadd.s32 s3;
	_ =	sdelay $0x1  }
0xa1: {  	s23 =	simm.s32 $0x1B8B  }
0xa2: {  	_ =	swait.ge [sflag:s23], $0x1  }
0xa3: {  	[sflag:s23] =	ssyncset.done $0x0  }
0xa4: {  	s25 =	simm.s32 $0x1B8E;
	s24 =	sld [smem:$0x3FFE];
	[sflag:s23] =	ssyncadd.s32 $0xFFFFFFFF  }
0xa5: {  	s26 =	simm.s32 $execute0_lowered;
	[smem:$0x3FD2] =	sst s25  }
0xa6: {  	s4 =	sshll.u32 s26, $0x1;
	_ =	strace $0x80000052;
	[dreg:$0x1] =	wrdreg $0xFFFFFFFF  }
0xa7: {  	s28 =	simm.s32 $_size_execute0_lowered;
	s2 =	sadd.s32 s2, s4;
	[dreg:$0x0] =	wrdreg $0x0  }
0xa8: {  	s4 =	sshll.u32 s28, $0x1;
	[dreg:$0x2] =	wrdreg s2  }
0xa9: {  	[dreg:$0x3] =	wrdreg s4  }
0xaa: {  	[dreg:$0x4] =	wrdreg $0xC0  }
0xab: {  	_ =	task [dreg:s6], $0x5FFFF  }
0xac: {  	[dreg:$0x1] =	wrdreg $0xFFFFFFFF  }
0xad: {  	[dreg:$0x0] =	wrdreg $0x60  }
0xae: {  	[dreg:$0x2] =	wrdreg s24  }
0xaf: {  	[dreg:$0x3] =	wrdreg $0x84000  }
0xb0: {  	[dreg:$0x4] =	wrdreg $0x9  }
0xb1: {  	_ =	task.clear_ibuf [dreg:s6], $0x5FFFF;
	_ =	strace $0x90000052  }
0xb2: {  	s29 =	simm.s32 $0x9;
	_ =	strace $0x80000054  }
0xb3: {  	_ =	swait.ge [sflag:s29], $0x1  }
0xb4: {  	[sflag:s29] =	ssyncadd.s32 $0xFFFFFFFF  }
0xb5: {  	_ =	strace $0x90000054  }
0xb6: {  	_ =	sfence  }
0xb7: {  	s30 =	sld [smem:$0x0];
	_ =	sdelay $0x2  }
0xb8: {  	s31 =	sshll.u32 s1, $0xD;
	s1 =	sshrl.u32 s1, $0x2  }
0xb9: {  	s3 =	sand.u32 $0x4000, s31;
	s1 =	sadd.s32 s1, s30  }
0xba: {  	s0 =	sor.u32 s3, s0;
	s1 =	sshll.u32 s1, $0x11  }
0xbb: {  	s0 =	sor.u32 s1, s0  }
0xbc: {  	s0 =	sadd.s32 $0x8F2B, s0  }
0xbd: {  	[sflag:s0] =	ssyncadd.remote.s32 $0x1  }
0xbe: {  	_ =	sfence.sel $0xFFFF  }
0xbf: {  	[dreg:$0x0] =	wrdreg $0xFFFFFFFF;
	(pc) =	sbr.abs _section_cstart, $3  }
0xc0: {  	[dreg:$0x1] =	wrdreg $0xFFFFFFFF  }
0xc1: {  	_ =	task.clear_ibuf [dreg:s6], $0x2FFFF;
	_ =	strace $0x9FFFFFFF  }
0xc2: {  	(tm) =	ssettm $0x7FFFFFFF  }
0xc3: {  	_ =	shalt  }
tec
execute0_lowered:
.L_overlay_start_1:
0x0: {  	(tag) =	ssettag $0x1  }
0x1: {  	s4 =	rddreg [dreg:$0x0]  }
0x2: {  	s2 =	rddreg [dreg:$0x1];
	s3 =	simm.s32 $0x0  }
0x3: {  	s0 =	stileid.u32;
	s5 =	srdreg.scid;
	s16 =	simm.s32 $0x3  }
0x4: {  	s17 =	simm.s32 $0x200;
	s20 =	simm.s32 $0x4;
	s21 =	smul.u32 $0x2800, s0  }
0x5: {  	[smem:$0x7FF] =	sst s3;
	s5 =	sand.u32 $0x1, s5;
	s7 =	smul.u32 $0x50000, s0  }
0x6: {  	s11 =	sadd.s32 $0x14600, s4;
	s12 =	sadd.s32 $0xF400, s4;
	s14 =	smul.u32 $0x500, s0  }
0x7: {  	s31 =	sshll.u32 s0, $0x6;
	p0 =	seq.s32 s0, $0xF;
	_ =	strace $0x80000053  }
0x8: {  	s6 =	smul.u32 $0x28000, s5;
	s5 =	ssub.s32 $0x2, s5;
	s8 =	sadd.s32 s21, s4  }
0x9: {  	s29 =	sshrl.u32 s5, $0x1;
	s30 =	sshrl.u32 s7, $0x2;
	s7 =	sadd.s32 s11, s14  }
0xa: {  	s10 =	sadd.s32 s6, s4;
	s13 =	ssub.s32 s5, s29;
	s4 =	smul.u32 $0x50, s0  }
0xb: {  	s15 =	sadd.s32 s30, s2;
	s5 =	sadd.s32 $0x1A600, s8;
	s6 =	sor.u32 $0x1C03, s31  }
0xc: {  	s8 =	sadd.s32 s12, s14;
	s14 =	sadd.s32 $0x500, s14;
	s9 =	sadd.s32 $0x42600, s10  }
0xd: {  	s22 =	sadd.s32 $0x92600, s10;
	s10 =	smax.u32 s13, $0x1;
	s11 =	sadd.s32 s11, s14  }
0xe: {  	s12 =	sadd.s32 s12, s14;
	s13 =	sadd.s32 $0x20, s7;
	s14 =	sadd.s32 $0x20, s8  }
0xf: {  	s15 =	sshrl.u32 s15, $0x3;
	s21 =	sadd.s32 s21, s22;
	s22 =	simm.s32 $0x0  }
.LBB2_1:
0x10: {  	[spmem:s15], [sflag:s6] =	dma.local [hbm:s5], $0x2800  }
0x11: {  	_ =	swait.ge [sflag:s16], $0x2800  }
0x12: {  	[sflag:s16] =	ssyncset.done $0x0  }
0x13: {  	[sflag:s16] =	ssyncadd.s32 $0xFFFFD800  }
0x14: {  	[bflag:$0x0] =	sbarrier.arrive $0xFFFF  }
0x15: {  	[tilespmem:s3], [sflag:$0x3] =	stream.linear.gather [hbm4b:s7+s3], $0x100, $0x38;
	[tilespmem:$0x1C400] =	vst v63  }
0x16: {  	_ =	swait.ge [sflag:s16], $0x100  }
0x17: {  	[sflag:s16] =	ssyncset.done $0x0  }
0x18: {  	s0 =	simm.s32 $0x80;
	s23 =	sadd.s32 $0x0, s4;
	[sflag:s16] =	ssyncadd.s32 $0xFFFFFF00  }
0x19: {  	[tilespmem:s17], [sflag:$0x3] =	stream.linear.gather [hbm4b:s8+s3], $0x100, $0x38;
	[tilespmem:$0x1C400] =	vst v63  }
0x1a: {  	s24 =	sand.u32 $0x2, s3;
	p1 =	sgt.u32 s23, $0x4E1;
	_ =	swait.ge [sflag:s16], $0x100  }
0x1b: {  	s1 =	simm.s32 $0x400;
	s26 =	sshll.u32 @!p1 s24, $0x7;
	[sflag:s16] =	ssyncset.done $0x0  }
0x1c: {  	s24 =	sshll.u32 s24, $0x7;
	p1 =	por p1, p1;
	[sflag:s16] =	ssyncadd.s32 $0xFFFFFF00  }
0x1d: {  	[tilespmem:s1], [sflag:$0x1] =	stream.indirect.gather [hbm4b:s9+s0], $0x80, s3, s0, $0xb8;
	[tilespmem:$0x1C400] =	vst v63  }
0x1e: {  	s25 =	sadd.s32 @!p1 $0x80, s26;
	s28 =	simm.s32 @!p1 $0x80;
	s30 =	simm.s32 @!p1 $0x4400  }
0x1f: {  	[tilespmem:s30], [sflag:$0x2] =	stream.indirect.gather @!p1 [hbm4b:s9+s28], $0x80, s25, s28, $0xb8;
	[tilespmem:$0x1C400] =	vst v63  }
0x20: {  	s25 =	ssub.s32 $0x100, s24  }
0x21: {  	[tilespmem:s25], [sflag:$0x4] =	stream.linear.gather [hbm4b:s13+s3], $0x100, $0x38;
	[tilespmem:$0x1C400] =	vst v63  }
0x22: {  	_ =	swait.ge [sflag:s20], $0x100  }
0x23: {  	[sflag:s20] =	ssyncset.done $0x0  }
0x24: {  	s24 =	ssub.s32 $0x300, s24;
	[sflag:s20] =	ssyncadd.s32 $0xFFFFFF00  }
0x25: {  	[tilespmem:s24], [sflag:$0x4] =	stream.linear.gather [hbm4b:s14+s3], $0x100, $0x38;
	[tilespmem:$0x1C400] =	vst v63  }
0x26: {  	_ =	swait.ge [sflag:s20], $0x100  }
0x27: {  	[sflag:s20] =	ssyncset.done $0x0  }
0x28: {  	s24 =	simm.s32 @!p1 $0x1;
	[sflag:s20] =	ssyncadd.s32 $0xFFFFFF00  }
0x29: {  	_ =	swait.ge @!p1 [sflag:s24], $0x4000  }
0x2a: {  	s29 =	simm.s32 @!p1 $0x4;
	[sflag:s24] =	ssyncset.done @!p1 $0x0  }
0x2b: {  	s31 =	simm.s32 @!p1 $0x400;
	[sflag:s24] =	ssyncadd.s32 @!p1 $0xFFFFC000;
	s24 =	sor.u32 @!p1 $0x200, s26  }
0x2c: {  	[spmem:s2] =	stream.indirect.scatter.add.f32 @!p1 [tilespmem:s31], [sflag:$0x4], $0x80, s24, s28, $0xb8;
	[tilespmem:$0x1C400] =	vst v63  }
0x2d: {  	p2 =	sgt.u32 @!p1 s23, $0x4DF;
	_ =	swait.ge @!p1 [sflag:s29], $0x4000  }
0x2e: {  	s23 =	simm.s32 @!p1 $0x2;
	p2 =	por p2, p1;
	[sflag:s29] =	ssyncset.done @!p1 $0x0  }
0x2f: {  	s24 =	simm.s32 @!p2 $0x80;
	[sflag:s29] =	ssyncadd.s32 @!p1 $0xFFFFC000;
	s29 =	simm.s32 @!p2 $0x400  }
0x30: {  	[tilespmem:s29], [sflag:$0x1] =	stream.indirect.gather @!p2 [hbm4b:s9+s24], $0x80, s25, s24, $0xb8;
	[tilespmem:$0x1C400] =	vst v63  }
0x31: {  	s19 =	simm.s32 $0x2;
	_ =	swait.ge @!p1 [sflag:s23], $0x4000  }
0x32: {  	s25 =	simm.s32 $0x4;
	s24 =	sadd.s32 @!p1 $0x280, s26;
	[sflag:s23] =	ssyncset.done @!p1 $0x0  }
0x33: {  	s29 =	simm.s32 @!p1 $0x3;
	s26 =	sadd.s32 $0x2, s4;
	[sflag:s23] =	ssyncadd.s32 @!p1 $0xFFFFC000  }
0x34: {  	[spmem:s2] =	stream.indirect.scatter.add.f32 @!p1 [tilespmem:s30], [sflag:$0x3], $0x80, s24, s28, $0xb8;
	[tilespmem:$0x1C400] =	vst v63  }
0x35: {  	p3 =	sgt.u32 s26, $0x4E1;
	s23 =	sadd.s32 $0x20, s14;
	_ =	swait.ge @!p1 [sflag:s29], $0x4000  }
0x36: {  	s24 =	sadd.s32 $0x20, s13;
	s28 =	sand.u32 $0x2, s19;
	[sflag:s29] =	ssyncset.done @!p1 $0x0  }
.LBB2_2:
0x37: {  	s30 =	sshll.u32 @!p3 s28, $0x7;
	s31 =	sshll.u32 s28, $0x7  }
0x38: {  	[sflag:s29] =	ssyncadd.s32 @!p1 $0xFFFFC000;
	s28 =	smov.u32 s25;
	p1 =	por p3, p3  }
0x39: {  	s29 =	sadd.s32 @!p1 $0x80, s30;
	s0 =	simm.s32 @!p1 $0x80;
	s1 =	simm.s32 @!p1 $0x4400  }
0x3a: {  	[tilespmem:s1], [sflag:$0x2] =	stream.indirect.gather @!p1 [hbm4b:s9+s0], $0x80, s29, s0, $0xb8;
	[tilespmem:$0x1C400] =	vst v63  }
0x3b: {  	s25 =	sadd.s32 $0x2, s25;
	s18 =	sadd.s32 @!p1 $0x280, s30;
	s29 =	ssub.s32 $0x100, s31  }
0x3c: {  	[tilespmem:s29], [sflag:$0x4] =	stream.linear.gather [hbm4b:s24+s3], $0x100, $0x38;
	[tilespmem:$0x1C400] =	vst v63  }
0x3d: {  	p2 =	sne.s32 s25, $0x4E;
	_ =	swait.ge [sflag:s20], $0x100  }
0x3e: {  	[sflag:s20] =	ssyncset.done $0x0  }
0x3f: {  	s31 =	ssub.s32 $0x300, s31;
	[sflag:s20] =	ssyncadd.s32 $0xFFFFFF00  }
0x40: {  	[tilespmem:s31], [sflag:$0x4] =	stream.linear.gather [hbm4b:s23+s3], $0x100, $0x38;
	[tilespmem:$0x1C400] =	vst v63  }
0x41: {  	_ =	swait.ge [sflag:s20], $0x100  }
0x42: {  	[sflag:s20] =	ssyncset.done $0x0  }
0x43: {  	s31 =	simm.s32 @!p1 $0x1;
	[sflag:s20] =	ssyncadd.s32 $0xFFFFFF00  }
0x44: {  	_ =	swait.ge @!p1 [sflag:s31], $0x4000  }
0x45: {  	s19 =	simm.s32 @!p1 $0x4;
	[sflag:s31] =	ssyncset.done @!p1 $0x0  }
0x46: {  	s30 =	sor.u32 @!p1 $0x200, s30;
	[sflag:s31] =	ssyncadd.s32 @!p1 $0xFFFFC000;
	s31 =	simm.s32 @!p1 $0x400  }
0x47: {  	[spmem:s2] =	stream.indirect.scatter.add.f32 @!p1 [tilespmem:s31], [sflag:$0x4], $0x80, s30, s0, $0xb8;
	[tilespmem:$0x1C400] =	vst v63  }
0x48: {  	p3 =	sgt.u32 @!p1 s26, $0x4DF;
	_ =	swait.ge @!p1 [sflag:s19], $0x4000  }
0x49: {  	s26 =	simm.s32 @!p1 $0x2;
	p3 =	por p3, p1;
	[sflag:s19] =	ssyncset.done @!p1 $0x0  }
0x4a: {  	s30 =	simm.s32 @!p3 $0x400;
	[sflag:s19] =	ssyncadd.s32 @!p1 $0xFFFFC000;
	s19 =	simm.s32 @!p3 $0x80  }
0x4b: {  	[tilespmem:s30], [sflag:$0x1] =	stream.indirect.gather @!p3 [hbm4b:s9+s19], $0x80, s29, s19, $0xb8;
	[tilespmem:$0x1C400] =	vst v63  }
0x4c: {  	_ =	swait.ge @!p1 [sflag:s26], $0x4000  }
.Ltmp0:
0x4d: {  	[sflag:s26] =	ssyncset.done @!p1 $0x0;
	(pc) =	sbr.rel @p2 .LBB2_2-.Ltmp0, $4  }
0x4e: {  	s23 =	sadd.s32 $0x20, s23;
	s29 =	simm.s32 @!p1 $0x3;
	[sflag:s26] =	ssyncadd.s32 @!p1 $0xFFFFC000  }
0x4f: {  	[spmem:s2] =	stream.indirect.scatter.add.f32 @!p1 [tilespmem:s1], [sflag:$0x3], $0x80, s18, s0, $0xb8;
	[tilespmem:$0x1C400] =	vst v63  }
0x50: {  	s24 =	sadd.s32 $0x20, s24;
	s26 =	sadd.s32 s28, s4;
	_ =	swait.ge @!p1 [sflag:s29], $0x4000  }
0x51: {  	s28 =	sand.u32 $0x2, s28;
	p3 =	sgt.u32 s26, $0x4E1;
	[sflag:s29] =	ssyncset.done @!p1 $0x0  }
0x52: {  	s0 =	sshll.u32 @!p3 s28, $0x7  }
0x53: {  	s1 =	sshll.u32 s28, $0x7;
	[sflag:s29] =	ssyncadd.s32 @!p1 $0xFFFFC000;
	p1 =	por p3, p3  }
0x54: {  	s18 =	sadd.s32 @!p1 $0x80, s0;
	s19 =	simm.s32 @!p1 $0x80;
	s25 =	simm.s32 @!p1 $0x4400  }
0x55: {  	[tilespmem:s25], [sflag:$0x2] =	stream.indirect.gather @!p1 [hbm4b:s9+s19], $0x80, s18, s19, $0xb8;
	[tilespmem:$0x1C400] =	vst v63  }
0x56: {  	s18 =	ssub.s32 $0x100, s1  }
0x57: {  	[tilespmem:s18], [sflag:$0x4] =	stream.linear.gather [hbm4b:s24+s3], $0x100, $0x38;
	[tilespmem:$0x1C400] =	vst v63  }
0x58: {  	_ =	swait.ge [sflag:s20], $0x100  }
0x59: {  	[sflag:s20] =	ssyncset.done $0x0  }
0x5a: {  	s1 =	ssub.s32 $0x300, s1;
	[sflag:s20] =	ssyncadd.s32 $0xFFFFFF00  }
0x5b: {  	[tilespmem:s1], [sflag:$0x4] =	stream.linear.gather [hbm4b:s23+s3], $0x100, $0x38;
	[tilespmem:$0x1C400] =	vst v63  }
0x5c: {  	_ =	swait.ge [sflag:s20], $0x100  }
0x5d: {  	[sflag:s20] =	ssyncset.done $0x0  }
0x5e: {  	s1 =	simm.s32 @!p1 $0x1;
	[sflag:s20] =	ssyncadd.s32 $0xFFFFFF00  }
0x5f: {  	_ =	swait.ge @!p1 [sflag:s1], $0x4000  }
0x60: {  	s24 =	simm.s32 @!p1 $0x400;
	[sflag:s1] =	ssyncset.done @!p1 $0x0  }
0x61: {  	s23 =	simm.s32 @!p1 $0x4;
	[sflag:s1] =	ssyncadd.s32 @!p1 $0xFFFFC000;
	s1 =	sor.u32 @!p1 $0x200, s0  }
0x62: {  	[spmem:s2] =	stream.indirect.scatter.add.f32 @!p1 [tilespmem:s24], [sflag:$0x4], $0x80, s1, s19, $0xb8;
	[tilespmem:$0x1C400] =	vst v63  }
0x63: {  	p2 =	sgt.u32 @!p1 s26, $0x4DF;
	_ =	swait.ge @!p1 [sflag:s23], $0x4000  }
0x64: {  	p2 =	por p2, p1;
	s1 =	simm.s32 @!p1 $0x2;
	[sflag:s23] =	ssyncset.done @!p1 $0x0  }
0x65: {  	s24 =	simm.s32 @!p2 $0x400;
	[sflag:s23] =	ssyncadd.s32 @!p1 $0xFFFFC000;
	s23 =	simm.s32 @!p2 $0x80  }
0x66: {  	[tilespmem:s24], [sflag:$0x1] =	stream.indirect.gather @!p2 [hbm4b:s9+s23], $0x80, s18, s23, $0xb8;
	[tilespmem:$0x1C400] =	vst v63  }
0x67: {  	_ =	swait.ge @!p1 [sflag:s1], $0x4000  }
0x68: {  	[sflag:s1] =	ssyncset.done @!p1 $0x0  }
0x69: {  	s0 =	sadd.s32 @!p1 $0x280, s0;
	[sflag:s1] =	ssyncadd.s32 @!p1 $0xFFFFC000;
	s1 =	simm.s32 @!p1 $0x3  }
0x6a: {  	[spmem:s2] =	stream.indirect.scatter.add.f32 @!p1 [tilespmem:s25], [sflag:$0x3], $0x80, s0, s19, $0xb8;
	[tilespmem:$0x1C400] =	vst v63  }
0x6b: {  	_ =	swait.ge @!p1 [sflag:s1], $0x4000  }
0x6c: {  	s18 =	simm.s32 @!p0 $0x4400;
	[sflag:s1] =	ssyncset.done @!p1 $0x0  }
0x6d: {  	s0 =	simm.s32 @!p0 $0x80;
	[sflag:s1] =	ssyncadd.s32 @!p1 $0xFFFFC000;
	s1 =	simm.s32 @!p0 $0x180  }
0x6e: {  	[tilespmem:s18], [sflag:$0x2] =	stream.indirect.gather @!p0 [hbm4b:s9+s0], $0x80, s1, s0, $0xb8;
	[tilespmem:$0x1C400] =	vst v63  }
0x6f: {  	_ = 	snop  }
0x70: {  	[tilespmem:s3], [sflag:$0x4] =	stream.linear.gather [hbm4b:s11+s3], $0x100, $0x38;
	[tilespmem:$0x1C400] =	vst v63  }
0x71: {  	_ =	swait.ge [sflag:s20], $0x100  }
0x72: {  	[sflag:s20] =	ssyncset.done $0x0  }
0x73: {  	[sflag:s20] =	ssyncadd.s32 $0xFFFFFF00  }
0x74: {  	[tilespmem:s17], [sflag:$0x4] =	stream.linear.gather [hbm4b:s12+s3], $0x100, $0x38;
	[tilespmem:$0x1C400] =	vst v63  }
0x75: {  	_ =	swait.ge [sflag:s20], $0x100  }
0x76: {  	[sflag:s20] =	ssyncset.done $0x0  }
0x77: {  	s1 =	simm.s32 @!p0 $0x1;
	[sflag:s20] =	ssyncadd.s32 $0xFFFFFF00  }
0x78: {  	_ =	swait.ge @!p0 [sflag:s1], $0x4000  }
0x79: {  	[sflag:s1] =	ssyncset.done @!p0 $0x0  }
0x7a: {  	s19 =	simm.s32 @!p0 $0x400;
	[sflag:s1] =	ssyncadd.s32 @!p0 $0xFFFFC000;
	s1 =	simm.s32 @!p0 $0x300  }
0x7b: {  	[spmem:s2] =	stream.indirect.scatter.add.f32 @!p0 [tilespmem:s19], [sflag:$0x4], $0x80, s1, s0, $0xb8;
	[tilespmem:$0x1C400] =	vst v63  }
0x7c: {  	s1 =	simm.s32 @!p0 $0x4  }
0x7d: {  	_ =	swait.ge @!p0 [sflag:s1], $0x4000  }
0x7e: {  	[sflag:s1] =	ssyncset.done @!p0 $0x0  }
0x7f: {  	[sflag:s1] =	ssyncadd.s32 @!p0 $0xFFFFC000;
	s1 =	simm.s32 @!p0 $0x2  }
0x80: {  	_ =	swait.ge @!p0 [sflag:s1], $0x4000  }
0x81: {  	[sflag:s1] =	ssyncset.done @!p0 $0x0  }
0x82: {  	[sflag:s1] =	ssyncadd.s32 @!p0 $0xFFFFC000;
	s1 =	simm.s32 @!p0 $0x380  }
0x83: {  	[spmem:s2] =	stream.indirect.scatter.add.f32 @!p0 [tilespmem:s18], [sflag:$0x3], $0x80, s1, s0, $0xb8;
	[tilespmem:$0x1C400] =	vst v63  }
0x84: {  	s0 =	simm.s32 @!p0 $0x3  }
0x85: {  	_ =	swait.ge @!p0 [sflag:s0], $0x4000  }
0x86: {  	s22 =	sadd.s32 $0x1, s22;
	[sflag:s0] =	ssyncset.done @!p0 $0x0  }
0x87: {  	p1 =	sne.s32 s22, s10;
	[sflag:s0] =	ssyncadd.s32 @!p0 $0xFFFFC000  }
.Ltmp1:
0x88: {  	[bflag:$0x0] =	sbarrier.arrive $0xFFFF;
	(pc) =	sbr.rel @p1 .LBB2_1-.Ltmp1, $4  }
0x89: {  	[hbm:s21], [sflag:s6] =	dma.local [spmem:s15], $0x2800  }
0x8a: {  	_ =	swait.ge [sflag:s16], $0x2800  }
0x8b: {  	[sflag:s16] =	ssyncset.done $0x0  }
0x8c: {  	[sflag:s16] =	ssyncadd.s32 $0xFFFFD800  }
0x8d: {  	_ =	sfence.sel $0x180000  }
0x8e: {  	[bflag:$0x0] =	sbarrier.arrive $0xFFFF  }
0x8f: {  	_ =	strace $0x90000053  }
0x90: {  	s0 =	stileid.u32;
	[bflag:$0x2] =	sbarrier.arrive $0xFFFF  }
0x91: {  	p0 =	sne.s32 s0, $0x0;
	s0 =	rddreg [dreg:$0x2]  }
0x92: {  	s0 =	sadd.s32 @!p0 $0x100000, s0  }
0x93: {  	[sflag:s0] =	ssyncadd.tile.s32 @!p0 $0x1;
	_ =	shalt  }
.Lfunc_end2:
_tile_overlayer_lowered:
.L_overlay_start_2:
0x94: {  	(tag) =	ssettag $0x2  }
0x95: {  	s0 =	rddreg [dreg:$0x0];
	s2 =	stileid.u32  }
0x96: {  	s1 =	rddreg [dreg:$0x1];
	p0 =	sne.s32 s2, $0x0  }
0x97: {  	s3 =	rddreg [dreg:$0x2];
	[bflag:$0x3] =	sbarrier.arrive $0xFFFF;
	s2 =	simm.s32 @!p0 $0x1C03  }
0x98: {  	[timem:s3], [sflag:s2] =	dma.local @!p0 [hbm:s0], s1  }
0x99: {  	s0 =	simm.s32 @!p0 $0x3  }
0x9a: {  	_ =	swait.ge @!p0 [sflag:s0], s1  }
0x9b: {  	s1 =	ssub.s32 @!p0 $0x0, s1;
	[sflag:s0] =	ssyncset.done @!p0 $0x0  }
0x9c: {  	[sflag:s0] =	ssyncadd.s32 @!p0 s1  }
0x9d: {  	[bflag:$0x3] =	sbarrier.arrive $0xFFFF  }
0x9e: {  	_ =	shalt  }

</sc_bundles>
